<compile_context>
chip_gen: v7x
topology: tpu7x:2x2x1
jax: 0.10.2.dev20260603
libtpu: 0.0.44.dev20260713+nightly
codegen_flags: <defaults>
</compile_context>

<pallas_src>
import functools

import jax
import jax.numpy as jnp
from jax import lax
from jax.experimental import pallas as pl
from jax.experimental.pallas import tpu as pltpu
from jax.experimental.pallas import tpu_sc as plsc

N = 10000
E = 320000
D = 128
N_PAD = 10240
NC, NS, L = 2, 16, 16
NW = NC * NS
K = 96
E_TOT = E + N
N_CHUNKS = -(-E_TOT // (NW * K))
N_CHUNKS += N_CHUNKS % 2
T_PER_TILE = N_CHUNKS * K
E_PAD = T_PER_TILE * NW
E_HBM = E_PAD + K
ROWS_PER_TILE = N_PAD // NS



_BLK = 1024
_GRID = N_PAD // _BLK


def _tc_prep_body(x_ref, w_ref, asr_ref, adr_ref, h_ref, aa_ref):
    h = jnp.dot(x_ref[...], w_ref[...], preferred_element_type=jnp.float32)
    h_ref[...] = h
    av = jnp.sum(h * asr_ref[...][None, :], axis=1)
    dv = jnp.sum(h * adr_ref[...][None, :], axis=1)
    aa_ref[...] = jnp.concatenate(
        [av[None], dv[None], jnp.zeros((6, av.shape[0]), jnp.float32)], axis=0)


def _tc_prep(x, W, a_s, a_d):
    return pl.pallas_call(
        _tc_prep_body,
        grid=(_GRID,),
        in_specs=[
            pl.BlockSpec((_BLK, D), lambda i: (i, 0)),
            pl.BlockSpec((D, D), lambda i: (0, 0)),
            pl.BlockSpec((D,), lambda i: (0,)),
            pl.BlockSpec((D,), lambda i: (0,)),
        ],
        out_specs=[
            pl.BlockSpec((_BLK, D), lambda i: (i, 0)),
            pl.BlockSpec((8, _BLK), lambda i: (0, i)),
        ],
        out_shape=[
            jax.ShapeDtypeStruct((N_PAD, D), jnp.float32),
            jax.ShapeDtypeStruct((8, N_PAD), jnp.float32),
        ],
    )(x, W, a_s, a_d)


def _combine(acc_ref, den_ref, b_ref):
    accsum = acc_ref[0] + acc_ref[1]
    den = jnp.sum(den_ref[...], axis=0)
    return accsum / (den[:, None] + 1e-16) + b_ref[...][None, :]


def _tc_mid_body(acc_ref, den_ref, b_ref, w_ref, asr_ref, adr_ref,
                 h_ref, aa_ref):
    out1 = _combine(acc_ref, den_ref, b_ref)
    nrm = jnp.sqrt(jnp.sum(out1 * out1, axis=1, keepdims=True))
    out1 = out1 / jnp.maximum(nrm, 1e-12)
    out1 = jnp.maximum(out1, 0.0)
    h2 = jnp.dot(out1, w_ref[...], preferred_element_type=jnp.float32)
    h_ref[...] = h2
    av = jnp.sum(h2 * asr_ref[...][None, :], axis=1)
    dv = jnp.sum(h2 * adr_ref[...][None, :], axis=1)
    aa_ref[...] = jnp.concatenate(
        [av[None], dv[None], jnp.zeros((6, av.shape[0]), jnp.float32)], axis=0)


def _tc_mid(acc, den, b, W, a_s, a_d):
    return pl.pallas_call(
        _tc_mid_body,
        grid=(_GRID,),
        in_specs=[
            pl.BlockSpec((NC, _BLK, D), lambda i: (0, i, 0)),
            pl.BlockSpec((NC, _BLK), lambda i: (0, i)),
            pl.BlockSpec((D,), lambda i: (0,)),
            pl.BlockSpec((D, D), lambda i: (0, 0)),
            pl.BlockSpec((D,), lambda i: (0,)),
            pl.BlockSpec((D,), lambda i: (0,)),
        ],
        out_specs=[
            pl.BlockSpec((_BLK, D), lambda i: (i, 0)),
            pl.BlockSpec((8, _BLK), lambda i: (0, i)),
        ],
        out_shape=[
            jax.ShapeDtypeStruct((N_PAD, D), jnp.float32),
            jax.ShapeDtypeStruct((8, N_PAD), jnp.float32),
        ],
    )(acc, den, b, W, a_s, a_d)


def _tc_final_body(acc_ref, den_ref, b_ref, o_ref):
    o_ref[...] = _combine(acc_ref, den_ref, b_ref)


def _tc_final(acc, den, b):
    return pl.pallas_call(
        _tc_final_body,
        grid=(_GRID,),
        in_specs=[
            pl.BlockSpec((NC, _BLK, D), lambda i: (0, i, 0)),
            pl.BlockSpec((NC, _BLK), lambda i: (0, i)),
            pl.BlockSpec((D,), lambda i: (0,)),
        ],
        out_specs=pl.BlockSpec((_BLK, D), lambda i: (i, 0)),
        out_shape=jax.ShapeDtypeStruct((N_PAD, D), jnp.float32),
    )(acc, den, b)



def _edge_pass_kernel(h_hbm, aa_hbm, src_hbm, dst_hbm,
                      acc_hbm, den_hbm,
                      acc_sh, den_sh, as_tab, ad_tab,
                      si_0, si_1, di_0, di_1, sdi_0, sdi_1,
                      rows_0, rows_1, w_0, w_1,
                      sem_g0, sem_g1, sem_s0, sem_s1, sem_d0, sem_d1,
                      sem_a0, sem_a1, sem_w0, sem_w1):
    cid = lax.axis_index("c")
    sid = lax.axis_index("s")
    wid = sid * NC + cid
    base = wid * T_PER_TILE

    zero16 = jnp.zeros((L,), jnp.float32)
    rows = (rows_0, rows_1)
    sis = (si_0, si_1)
    dis = (di_0, di_1)
    sdis = (sdi_0, sdi_1)
    w_v = (w_0, w_1)
    sems_g = (sem_g0, sem_g1)
    sems_s = (sem_s0, sem_s1)
    sems_d = (sem_d0, sem_d1)
    sems_a = (sem_a0, sem_a1)
    sems_w = (sem_w0, sem_w1)

    def _zrow(j, _):
        for c in range(D // L):
            rows_0[j, pl.ds(c * L, L)] = zero16
        return 0
    lax.fori_loop(0, K, _zrow, 0)
    for g in range(K // L):
        w_0[pl.ds(g * L, L)] = zero16

    ZB = 64
    zrow_src = rows_0.at[pl.ds(0, ZB)]
    zden_src = w_0.at[pl.ds(0, ZB)]
    for kk in range(ROWS_PER_TILE // ZB):
        off = sid * ROWS_PER_TILE + kk * ZB
        pltpu.async_copy(zrow_src, acc_sh.at[pl.ds(off, ZB)], sem_a0)
        pltpu.async_copy(zden_src, den_sh.at[pl.ds(off, ZB)], sem_w0)
    pltpu.async_copy(aa_hbm.at[0], as_tab, sem_g0)
    pltpu.async_copy(aa_hbm.at[1], ad_tab, sem_g1)
    for kk in range(ROWS_PER_TILE // ZB):
        off = sid * ROWS_PER_TILE + kk * ZB
        pltpu.make_async_copy(zrow_src, acc_sh.at[pl.ds(off, ZB)], sem_a0).wait()
        pltpu.make_async_copy(zden_src, den_sh.at[pl.ds(off, ZB)], sem_w0).wait()
    pltpu.make_async_copy(aa_hbm.at[0], as_tab, sem_g0).wait()
    pltpu.make_async_copy(aa_hbm.at[1], ad_tab, sem_g1).wait()

    plsc.subcore_barrier()

    def _issue_idx(c, b):
        sl = pl.ds(base + c * K, K)
        pltpu.async_copy(src_hbm.at[sl], sis[b], sems_s[b])
        pltpu.async_copy(dst_hbm.at[sl], dis[b], sems_d[b])

    def _wait_idx(c, b):
        sl = pl.ds(base + c * K, K)
        pltpu.make_async_copy(src_hbm.at[sl], sis[b], sems_s[b]).wait()
        pltpu.make_async_copy(dst_hbm.at[sl], dis[b], sems_d[b]).wait()

    def _issue_gather(c, b):
        pltpu.async_copy(h_hbm.at[sis[b]], rows[b], sems_g[b])

    def _wait_gather(c, b):
        pltpu.make_async_copy(h_hbm.at[sis[b]], rows[b], sems_g[b]).wait()

    def _process(c, b):
        wvb, sdb, sib, dib = w_v[b], sdis[b], sis[b], dis[b]

        @plsc.parallel_loop(0, K // L, 1, unroll=4)
        def _weights(g):
            s16 = sib[pl.ds(g * L, L)]
            d16 = dib[pl.ds(g * L, L)]
            e = plsc.load_gather(as_tab, [s16]) + plsc.load_gather(ad_tab, [d16])
            e = jnp.maximum(e, 0.2 * e)
            w = jnp.exp(e)
            wvb[pl.ds(g * L, L)] = w
            sdb[pl.ds(g * L, L)] = d16

        pltpu.async_copy(w_v[b], den_sh.at[sdis[b]], sems_w[b], add=True)

        rv = rows[b]
        wv = w_v[b]

        @plsc.parallel_loop(0, K, 1, unroll=4)
        def _scale(jj):
            j16 = jnp.full((L,), 0, jnp.int32) + jj
            wj = plsc.load_gather(wv, [j16])
            for c_ in range(D // L):
                rv[jj, pl.ds(c_ * L, L)] = rv[jj, pl.ds(c_ * L, L)] * wj

        pltpu.async_copy(rv, acc_sh.at[sdis[b]], sems_a[b], add=True)

    def _wait_scatters(c, b):
        pltpu.make_async_copy(w_v[b], den_sh.at[sdis[b]], sems_w[b]).wait()
        pltpu.make_async_copy(rows[b], acc_sh.at[sdis[b]], sems_a[b]).wait()

    _issue_idx(0, 0)
    _issue_idx(1, 1)
    _wait_idx(0, 0)
    _issue_gather(0, 0)
    _wait_idx(1, 1)
    _issue_gather(1, 1)
    _wait_gather(0, 0)
    _process(0, 0)
    _issue_idx(2, 0)

    def _step(c, b):
        nb = 1 - b
        _wait_scatters(c - 1, nb)
        _wait_idx(c + 1, nb)
        _issue_gather(c + 1, nb)
        _wait_gather(c, b)
        _process(c, b)
        _issue_idx(c + 2, b)

    def _pair(k, _):
        _step(2 * k + 1, 1)
        _step(2 * k + 2, 0)
        return 0

    lax.fori_loop(0, (N_CHUNKS - 2) // 2, _pair, 0)

    c_last = N_CHUNKS - 1
    _wait_scatters(c_last - 1, 0)
    _wait_gather(c_last, 1)
    _process(c_last, 1)
    _wait_scatters(c_last, 1)
    _wait_idx(N_CHUNKS, 0)

    plsc.subcore_barrier()

    stripe = pl.ds(sid * ROWS_PER_TILE, ROWS_PER_TILE)
    pltpu.sync_copy(acc_sh.at[stripe], acc_hbm.at[cid, stripe])
    pltpu.sync_copy(den_sh.at[stripe], den_hbm.at[cid, stripe])


def _edge_pass(h, aa, src, dst):
    mesh = plsc.VectorSubcoreMesh(core_axis_name="c", subcore_axis_name="s",
                                  num_cores=NC, num_subcores=NS)
    kern = pl.kernel(
        _edge_pass_kernel,
        out_type=(
            jax.ShapeDtypeStruct((NC, N_PAD, D), jnp.float32),
            jax.ShapeDtypeStruct((NC, N_PAD), jnp.float32),
        ),
        mesh=mesh,
        compiler_params=pltpu.CompilerParams(needs_layout_passes=False),
        scratch_types=(
            pltpu.VMEM_SHARED((N_PAD, D), jnp.float32),
            pltpu.VMEM_SHARED((N_PAD,), jnp.float32),
            pltpu.VMEM((N_PAD,), jnp.float32),
            pltpu.VMEM((N_PAD,), jnp.float32),
            pltpu.VMEM((K,), jnp.int32),
            pltpu.VMEM((K,), jnp.int32),
            pltpu.VMEM((K,), jnp.int32),
            pltpu.VMEM((K,), jnp.int32),
            pltpu.VMEM((K,), jnp.int32),
            pltpu.VMEM((K,), jnp.int32),
            pltpu.VMEM((K, D), jnp.float32),
            pltpu.VMEM((K, D), jnp.float32),
            pltpu.VMEM((K,), jnp.float32),
            pltpu.VMEM((K,), jnp.float32),
            pltpu.SemaphoreType.DMA,
            pltpu.SemaphoreType.DMA,
            pltpu.SemaphoreType.DMA,
            pltpu.SemaphoreType.DMA,
            pltpu.SemaphoreType.DMA,
            pltpu.SemaphoreType.DMA,
            pltpu.SemaphoreType.DMA,
            pltpu.SemaphoreType.DMA,
            pltpu.SemaphoreType.DMA,
            pltpu.SemaphoreType.DMA,
        ),
    )
    return kern(h, aa, src, dst)



def kernel(x_note, edge_index, edge_attr, W1, a_src1, a_dst1, b1,
           W2, a_src2, a_dst2, b2):
    del edge_attr
    x_pad = jnp.zeros((N_PAD, D), jnp.float32).at[:N].set(x_note)

    loops = jnp.arange(N, dtype=jnp.int32)
    pad = jnp.full((E_HBM - E_TOT,), N_PAD - 1, jnp.int32)
    src = jnp.concatenate([edge_index[0].astype(jnp.int32), loops, pad])
    dst = jnp.concatenate([edge_index[1].astype(jnp.int32), loops, pad])

    h1, aa1 = _tc_prep(x_pad, W1, a_src1, a_dst1)
    acc1, den1 = _edge_pass(h1, aa1, src, dst)
    h2, aa2 = _tc_mid(acc1, den1, b1, W2, a_src2, a_dst2)
    acc2, den2 = _edge_pass(h2, aa2, src, dst)
    out = _tc_final(acc2, den2, b2)
    return out[:N]

# --- scband reference (transcript-rebuilt; emitter-appended) ---
"""Pipeline reference for scband-hetero-gatencoder-8083128451629 (READ-ONLY COPY).

The authoritative reference and input builder live on the scoring server;
editing this copy changes nothing except your own understanding.
"""

import jax, jax.numpy as jnp
import numpy as np

N_NODES = 10000
N_EDGES = 320000
D = 128


def _gat_layer(x, src, dst, W, a_src, a_dst, b, n):
    # PyG GATConv, heads=1, concat=True, negative_slope=0.2, add_self_loops=True, aggr='sum'
    h = x @ W
    alpha_src = (h * a_src).sum(-1)
    alpha_dst = (h * a_dst).sum(-1)
    e = alpha_src[src] + alpha_dst[dst]
    e = jax.nn.leaky_relu(e, 0.2)
    m = jax.ops.segment_max(e, dst, num_segments=n)
    e = jnp.exp(e - m[dst])
    denom = jax.ops.segment_sum(e, dst, num_segments=n)
    alpha = e / (denom[dst] + 1e-16)
    out = jax.ops.segment_sum(h[src] * alpha[:, None], dst, num_segments=n)
    return out + b


def setup_inputs(seed: int = 0) -> dict:
    key = jax.random.key(seed)
    ks = jax.random.split(key, 12)
    glorot = float(np.sqrt(6.0 / (D + D)))
    inp = {}
    inp['x_note'] = jax.random.normal(ks[0], (N_NODES, D), dtype=jnp.float32)
    inp['edge_index'] = jax.random.randint(ks[1], (2, N_EDGES), 0, N_NODES, dtype=jnp.int64)
    inp['edge_attr'] = jax.random.normal(ks[2], (N_EDGES, 16), dtype=jnp.float32)
    # layer 1 params (GATConv 128->128, heads=1)
    inp['W1'] = jax.random.uniform(ks[3], (D, D), jnp.float32, -glorot, glorot)
    inp['a_src1'] = jax.random.uniform(ks[4], (D,), jnp.float32, -glorot, glorot)
    inp['a_dst1'] = jax.random.uniform(ks[5], (D,), jnp.float32, -glorot, glorot)
    inp['b1'] = jnp.zeros((D,), jnp.float32)
    # layer 2 params
    inp['W2'] = jax.random.uniform(ks[6], (D, D), jnp.float32, -glorot, glorot)
    inp['a_src2'] = jax.random.uniform(ks[7], (D,), jnp.float32, -glorot, glorot)
    inp['a_dst2'] = jax.random.uniform(ks[8], (D,), jnp.float32, -glorot, glorot)
    inp['b2'] = jnp.zeros((D,), jnp.float32)
    return inp


def reference(x_note, edge_index, edge_attr, W1, a_src1, a_dst1, b1, W2, a_src2, a_dst2, b2):
    n = x_note.shape[0]
    # GATConv default add_self_loops=True
    loops = jnp.arange(n, dtype=edge_index.dtype)
    src = jnp.concatenate([edge_index[0], loops])
    dst = jnp.concatenate([edge_index[1], loops])
    # edge_attr is ignored: GATConv was built without edge_dim, so lin_edge is None
    # layer 1 (hetero mean-aggr over a single edge type == identity)
    h = _gat_layer(x_note, src, dst, W1, a_src1, a_dst1, b1, n)
    # F.normalize(dim=-1), p=2, eps=1e-12
    norm = jnp.linalg.norm(h, axis=-1, keepdims=True)
    h = h / jnp.maximum(norm, 1e-12)
    h = jax.nn.relu(h)
    # dropout: eval mode (identity)
    # layer 2
    out = _gat_layer(h, src, dst, W2, a_src2, a_dst2, b2, n)
    return out

if __name__ == "__main__":
    import jax
    _d = setup_inputs()
    print(jax.jit(kernel)(*tuple(_d.values())))

</pallas_src>

<mosaic_0001>
#map = affine_map<(d0, d1) -> (0, 0)>
#map1 = affine_map<(d0, d1) -> (0)>
#map2 = affine_map<(d0, d1) -> (0, 0, 0)>
module attributes {stable_mosaic.version = 14 : i64} {
  func.func @_edge_pass_kernel(%arg0: i32, %arg1: i32, %arg2: memref<10240x128xf32, #tpu.memory_space<hbm>>, %arg3: memref<8x10240xf32, #tpu.memory_space<hbm>>, %arg4: memref<331872xi32, #tpu.memory_space<hbm>>, %arg5: memref<331872xi32, #tpu.memory_space<hbm>>, %arg6: memref<2x10240x128xf32, #tpu.memory_space<hbm>>, %arg7: memref<2x10240xf32, #tpu.memory_space<hbm>>, %arg8: memref<10240x128xf32, #tpu.memory_space<vmem_shared>>, %arg9: memref<10240xf32, #tpu.memory_space<vmem_shared>>, %arg10: memref<10240xf32, #tpu.memory_space<vmem>>, %arg11: memref<10240xf32, #tpu.memory_space<vmem>>, %arg12: memref<96xi32, #tpu.memory_space<vmem>>, %arg13: memref<96xi32, #tpu.memory_space<vmem>>, %arg14: memref<96xi32, #tpu.memory_space<vmem>>, %arg15: memref<96xi32, #tpu.memory_space<vmem>>, %arg16: memref<96xi32, #tpu.memory_space<vmem>>, %arg17: memref<96xi32, #tpu.memory_space<vmem>>, %arg18: memref<96x128xf32, #tpu.memory_space<vmem>>, %arg19: memref<96x128xf32, #tpu.memory_space<vmem>>, %arg20: memref<96xf32, #tpu.memory_space<vmem>>, %arg21: memref<96xf32, #tpu.memory_space<vmem>>, %arg22: memref<!tpu.dma_semaphore, #tpu.memory_space<semaphore_mem>>, %arg23: memref<!tpu.dma_semaphore, #tpu.memory_space<semaphore_mem>>, %arg24: memref<!tpu.dma_semaphore, #tpu.memory_space<semaphore_mem>>, %arg25: memref<!tpu.dma_semaphore, #tpu.memory_space<semaphore_mem>>, %arg26: memref<!tpu.dma_semaphore, #tpu.memory_space<semaphore_mem>>, %arg27: memref<!tpu.dma_semaphore, #tpu.memory_space<semaphore_mem>>, %arg28: memref<!tpu.dma_semaphore, #tpu.memory_space<semaphore_mem>>, %arg29: memref<!tpu.dma_semaphore, #tpu.memory_space<semaphore_mem>>, %arg30: memref<!tpu.dma_semaphore, #tpu.memory_space<semaphore_mem>>, %arg31: memref<!tpu.dma_semaphore, #tpu.memory_space<semaphore_mem>>) attributes {dimension_semantics = [#tpu.dimension_semantics<core_parallel>, #tpu.dimension_semantics<subcore_parallel>], iteration_bounds = array<i64: 2, 16>, scalar_prefetch = 0 : i64, scratch_operands = 24 : i64, tpu.core_type = #tpu.core_type<sc_vector_subcore>, window_params = [{transform_indices = #map}, {transform_indices = #map}, {transform_indices = #map1}, {transform_indices = #map1}, {transform_indices = #map2}, {transform_indices = #map}]} {
    %mul3A = arith.constant 2 : i32
    %mul3A_0 = arith.muli %arg1, %mul3A : i32
    %add3A = arith.addi %mul3A_0, %arg0 : i32
    %mul3A_1 = arith.constant 10368 : i32
    %mul3A_2 = arith.muli %add3A, %mul3A_1 : i32
    %broadcast_in_dim3A = arith.constant 0.000000e+00 : f32
    %broadcast_in_dim3A_3 = vector.broadcast %broadcast_in_dim3A : f32 to vector<16xf32>
    %scan3A = arith.constant 0 : i32
    %scan3A_4 = arith.constant 0 : i32
    %scan3A_5 = arith.constant 96 : i32
    %scan3A_6 = arith.addi %scan3A_4, %scan3A_5 : i32
    %scan3A_7 = arith.constant 1 : i32
    %scan3A_8 = scf.for %scan3A_536 = %scan3A_4 to %scan3A_6 step %scan3A_7 iter_args(%scan3A_537 = %scan3A) -> (i32)  : i32 {
      %swap3A_538 = arith.index_cast %scan3A_536 : i32 to index
      %swap3A_539 = arith.constant 0 : index
      %swap3A_540 = tpu.vector_load %arg18[%swap3A_538, %swap3A_539] {strides = array<i32>} : memref<96x128xf32, #tpu.memory_space<vmem>>, vector<16xf32>,
      tpu.vector_store %arg18[%swap3A_538, %swap3A_539], %broadcast_in_dim3A_3 {strides = array<i32>} : memref<96x128xf32, #tpu.memory_space<vmem>>, vector<16xf32>,
      %swap3A_541 = arith.index_cast %scan3A_536 : i32 to index
      %swap3A_542 = arith.constant 16 : index
      %swap3A_543 = tpu.vector_load %arg18[%swap3A_541, %swap3A_542] {strides = array<i32>} : memref<96x128xf32, #tpu.memory_space<vmem>>, vector<16xf32>,
      tpu.vector_store %arg18[%swap3A_541, %swap3A_542], %broadcast_in_dim3A_3 {strides = array<i32>} : memref<96x128xf32, #tpu.memory_space<vmem>>, vector<16xf32>,
      %swap3A_544 = arith.index_cast %scan3A_536 : i32 to index
      %swap3A_545 = arith.constant 32 : index
      %swap3A_546 = tpu.vector_load %arg18[%swap3A_544, %swap3A_545] {strides = array<i32>} : memref<96x128xf32, #tpu.memory_space<vmem>>, vector<16xf32>,
      tpu.vector_store %arg18[%swap3A_544, %swap3A_545], %broadcast_in_dim3A_3 {strides = array<i32>} : memref<96x128xf32, #tpu.memory_space<vmem>>, vector<16xf32>,
      %swap3A_547 = arith.index_cast %scan3A_536 : i32 to index
      %swap3A_548 = arith.constant 48 : index
      %swap3A_549 = tpu.vector_load %arg18[%swap3A_547, %swap3A_548] {strides = array<i32>} : memref<96x128xf32, #tpu.memory_space<vmem>>, vector<16xf32>,
      tpu.vector_store %arg18[%swap3A_547, %swap3A_548], %broadcast_in_dim3A_3 {strides = array<i32>} : memref<96x128xf32, #tpu.memory_space<vmem>>, vector<16xf32>,
      %swap3A_550 = arith.index_cast %scan3A_536 : i32 to index
      %swap3A_551 = arith.constant 64 : index
      %swap3A_552 = tpu.vector_load %arg18[%swap3A_550, %swap3A_551] {strides = array<i32>} : memref<96x128xf32, #tpu.memory_space<vmem>>, vector<16xf32>,
      tpu.vector_store %arg18[%swap3A_550, %swap3A_551], %broadcast_in_dim3A_3 {strides = array<i32>} : memref<96x128xf32, #tpu.memory_space<vmem>>, vector<16xf32>,
      %swap3A_553 = arith.index_cast %scan3A_536 : i32 to index
      %swap3A_554 = arith.constant 80 : index
      %swap3A_555 = tpu.vector_load %arg18[%swap3A_553, %swap3A_554] {strides = array<i32>} : memref<96x128xf32, #tpu.memory_space<vmem>>, vector<16xf32>,
      tpu.vector_store %arg18[%swap3A_553, %swap3A_554], %broadcast_in_dim3A_3 {strides = array<i32>} : memref<96x128xf32, #tpu.memory_space<vmem>>, vector<16xf32>,
      %swap3A_556 = arith.index_cast %scan3A_536 : i32 to index
      %swap3A_557 = arith.constant 96 : index
      %swap3A_558 = tpu.vector_load %arg18[%swap3A_556, %swap3A_557] {strides = array<i32>} : memref<96x128xf32, #tpu.memory_space<vmem>>, vector<16xf32>,
      tpu.vector_store %arg18[%swap3A_556, %swap3A_557], %broadcast_in_dim3A_3 {strides = array<i32>} : memref<96x128xf32, #tpu.memory_space<vmem>>, vector<16xf32>,
      %swap3A_559 = arith.index_cast %scan3A_536 : i32 to index
      %swap3A_560 = arith.constant 112 : index
      %swap3A_561 = tpu.vector_load %arg18[%swap3A_559, %swap3A_560] {strides = array<i32>} : memref<96x128xf32, #tpu.memory_space<vmem>>, vector<16xf32>,
      tpu.vector_store %arg18[%swap3A_559, %swap3A_560], %broadcast_in_dim3A_3 {strides = array<i32>} : memref<96x128xf32, #tpu.memory_space<vmem>>, vector<16xf32>,
      %scan3A_562 = arith.constant 0 : i32
      scf.yield %scan3A_562 : i32
    }
    %scan3A_9 = arith.constant 96 : i32
    %swap3A = arith.constant 0 : index
    %swap3A_10 = tpu.vector_load %arg20[%swap3A] {strides = array<i32>} : memref<96xf32, #tpu.memory_space<vmem>>, vector<16xf32>,
    tpu.vector_store %arg20[%swap3A], %broadcast_in_dim3A_3 {strides = array<i32>} : memref<96xf32, #tpu.memory_space<vmem>>, vector<16xf32>,
    %swap3A_11 = arith.constant 16 : index
    %swap3A_12 = tpu.vector_load %arg20[%swap3A_11] {strides = array<i32>} : memref<96xf32, #tpu.memory_space<vmem>>, vector<16xf32>,
    tpu.vector_store %arg20[%swap3A_11], %broadcast_in_dim3A_3 {strides = array<i32>} : memref<96xf32, #tpu.memory_space<vmem>>, vector<16xf32>,
    %swap3A_13 = arith.constant 32 : index
    %swap3A_14 = tpu.vector_load %arg20[%swap3A_13] {strides = array<i32>} : memref<96xf32, #tpu.memory_space<vmem>>, vector<16xf32>,
    tpu.vector_store %arg20[%swap3A_13], %broadcast_in_dim3A_3 {strides = array<i32>} : memref<96xf32, #tpu.memory_space<vmem>>, vector<16xf32>,
    %swap3A_15 = arith.constant 48 : index
    %swap3A_16 = tpu.vector_load %arg20[%swap3A_15] {strides = array<i32>} : memref<96xf32, #tpu.memory_space<vmem>>, vector<16xf32>,
    tpu.vector_store %arg20[%swap3A_15], %broadcast_in_dim3A_3 {strides = array<i32>} : memref<96xf32, #tpu.memory_space<vmem>>, vector<16xf32>,
    %swap3A_17 = arith.constant 64 : index
    %swap3A_18 = tpu.vector_load %arg20[%swap3A_17] {strides = array<i32>} : memref<96xf32, #tpu.memory_space<vmem>>, vector<16xf32>,
    tpu.vector_store %arg20[%swap3A_17], %broadcast_in_dim3A_3 {strides = array<i32>} : memref<96xf32, #tpu.memory_space<vmem>>, vector<16xf32>,
    %swap3A_19 = arith.constant 80 : index
    %swap3A_20 = tpu.vector_load %arg20[%swap3A_19] {strides = array<i32>} : memref<96xf32, #tpu.memory_space<vmem>>, vector<16xf32>,
    tpu.vector_store %arg20[%swap3A_19], %broadcast_in_dim3A_3 {strides = array<i32>} : memref<96xf32, #tpu.memory_space<vmem>>, vector<16xf32>,
    %mul3A_21 = arith.constant 640 : i32
    %mul3A_22 = arith.muli %arg1, %mul3A_21 : i32
    %add3A_23 = arith.constant 0 : i32
    %add3A_24 = arith.addi %mul3A_22, %add3A_23 : i32
    %dma_start3A = arith.constant 0 : i32
    %dma_start3A_25 = arith.constant 0 : i32
    %dma_start3A_26 = tpu.memref_slice %arg18[%dma_start3A, %dma_start3A_25] : memref<96x128xf32, #tpu.memory_space<vmem>> -> memref<64x128xf32, #tpu.memory_space<vmem>>
    %dma_start3A_27 = arith.constant 0 : i32
    %dma_start3A_28 = tpu.memref_slice %arg8[%add3A_24, %dma_start3A_27] : memref<10240x128xf32, #tpu.memory_space<vmem_shared>> -> memref<64x128xf32, #tpu.memory_space<vmem_shared>>
    %dma_start3A_29 = arith.constant 0 : i32
    %dma_start3A_30 = tpu.memref_slice %arg8[%add3A_24, %dma_start3A_29] : memref<10240x128xf32, #tpu.memory_space<vmem_shared>> -> memref<64x128xf32, #tpu.memory_space<vmem_shared>>
    %dma_start3A_31 = arith.constant 0 : i32
    %dma_start3A_32 = arith.constant 0 : i32
    %dma_start3A_33 = tpu.memref_slice %arg18[%dma_start3A_31, %dma_start3A_32] : memref<96x128xf32, #tpu.memory_space<vmem>> -> memref<64x128xf32, #tpu.memory_space<vmem>>
    tpu.enqueue_dma source(%dma_start3A_33 : memref<64x128xf32, #tpu.memory_space<vmem>>) target(%dma_start3A_30 : memref<64x128xf32, #tpu.memory_space<vmem_shared>>) target_semaphore(%arg28 : memref<!tpu.dma_semaphore, #tpu.memory_space<semaphore_mem>>)
    %dma_start3A_34 = arith.constant 0 : i32
    %dma_start3A_35 = tpu.memref_slice %arg20[%dma_start3A_34] : memref<96xf32, #tpu.memory_space<vmem>> -> memref<64xf32, #tpu.memory_space<vmem>>
    %dma_start3A_36 = tpu.memref_slice %arg9[%add3A_24] : memref<10240xf32, #tpu.memory_space<vmem_shared>> -> memref<64xf32, #tpu.memory_space<vmem_shared>>
    %dma_start3A_37 = tpu.memref_slice %arg9[%add3A_24] : memref<10240xf32, #tpu.memory_space<vmem_shared>> -> memref<64xf32, #tpu.memory_space<vmem_shared>>
    %dma_start3A_38 = arith.constant 0 : i32
    %dma_start3A_39 = tpu.memref_slice %arg20[%dma_start3A_38] : memref<96xf32, #tpu.memory_space<vmem>> -> memref<64xf32, #tpu.memory_space<vmem>>
    tpu.enqueue_dma source(%dma_start3A_39 : memref<64xf32, #tpu.memory_space<vmem>>) target(%dma_start3A_37 : memref<64xf32, #tpu.memory_space<vmem_shared>>) target_semaphore(%arg30 : memref<!tpu.dma_semaphore, #tpu.memory_space<semaphore_mem>>)
    %mul3A_40 = arith.constant 640 : i32
    %mul3A_41 = arith.muli %arg1, %mul3A_40 : i32
    %add3A_42 = arith.constant 64 : i32
    %add3A_43 = arith.addi %mul3A_41, %add3A_42 : i32
    %dma_start3A_44 = arith.constant 0 : i32
    %dma_start3A_45 = arith.constant 0 : i32
    %dma_start3A_46 = tpu.memref_slice %arg18[%dma_start3A_44, %dma_start3A_45] : memref<96x128xf32, #tpu.memory_space<vmem>> -> memref<64x128xf32, #tpu.memory_space<vmem>>
    %dma_start3A_47 = arith.constant 0 : i32
    %dma_start3A_48 = tpu.memref_slice %arg8[%add3A_43, %dma_start3A_47] : memref<10240x128xf32, #tpu.memory_space<vmem_shared>> -> memref<64x128xf32, #tpu.memory_space<vmem_shared>>
    %dma_start3A_49 = arith.constant 0 : i32
    %dma_start3A_50 = tpu.memref_slice %arg8[%add3A_43, %dma_start3A_49] : memref<10240x128xf32, #tpu.memory_space<vmem_shared>> -> memref<64x128xf32, #tpu.memory_space<vmem_shared>>
    %dma_start3A_51 = arith.constant 0 : i32
    %dma_start3A_52 = arith.constant 0 : i32
    %dma_start3A_53 = tpu.memref_slice %arg18[%dma_start3A_51, %dma_start3A_52] : memref<96x128xf32, #tpu.memory_space<vmem>> -> memref<64x128xf32, #tpu.memory_space<vmem>>
    tpu.enqueue_dma source(%dma_start3A_53 : memref<64x128xf32, #tpu.memory_space<vmem>>) target(%dma_start3A_50 : memref<64x128xf32, #tpu.memory_space<vmem_shared>>) target_semaphore(%arg28 : memref<!tpu.dma_semaphore, #tpu.memory_space<semaphore_mem>>)
    %dma_start3A_54 = arith.constant 0 : i32
    %dma_start3A_55 = tpu.memref_slice %arg20[%dma_start3A_54] : memref<96xf32, #tpu.memory_space<vmem>> -> memref<64xf32, #tpu.memory_space<vmem>>
    %dma_start3A_56 = tpu.memref_slice %arg9[%add3A_43] : memref<10240xf32, #tpu.memory_space<vmem_shared>> -> memref<64xf32, #tpu.memory_space<vmem_shared>>
    %dma_start3A_57 = tpu.memref_slice %arg9[%add3A_43] : memref<10240xf32, #tpu.memory_space<vmem_shared>> -> memref<64xf32, #tpu.memory_space<vmem_shared>>
    %dma_start3A_58 = arith.constant 0 : i32
    %dma_start3A_59 = tpu.memref_slice %arg20[%dma_start3A_58] : memref<96xf32, #tpu.memory_space<vmem>> -> memref<64xf32, #tpu.memory_space<vmem>>
    tpu.enqueue_dma source(%dma_start3A_59 : memref<64xf32, #tpu.memory_space<vmem>>) target(%dma_start3A_57 : memref<64xf32, #tpu.memory_space<vmem_shared>>) target_semaphore(%arg30 : memref<!tpu.dma_semaphore, #tpu.memory_space<semaphore_mem>>)
    %mul3A_60 = arith.constant 640 : i32
    %mul3A_61 = arith.muli %arg1, %mul3A_60 : i32
    %add3A_62 = arith.constant 128 : i32
    %add3A_63 = arith.addi %mul3A_61, %add3A_62 : i32
    %dma_start3A_64 = arith.constant 0 : i32
    %dma_start3A_65 = arith.constant 0 : i32
    %dma_start3A_66 = tpu.memref_slice %arg18[%dma_start3A_64, %dma_start3A_65] : memref<96x128xf32, #tpu.memory_space<vmem>> -> memref<64x128xf32, #tpu.memory_space<vmem>>
    %dma_start3A_67 = arith.constant 0 : i32
    %dma_start3A_68 = tpu.memref_slice %arg8[%add3A_63, %dma_start3A_67] : memref<10240x128xf32, #tpu.memory_space<vmem_shared>> -> memref<64x128xf32, #tpu.memory_space<vmem_shared>>
    %dma_start3A_69 = arith.constant 0 : i32
    %dma_start3A_70 = tpu.memref_slice %arg8[%add3A_63, %dma_start3A_69] : memref<10240x128xf32, #tpu.memory_space<vmem_shared>> -> memref<64x128xf32, #tpu.memory_space<vmem_shared>>
    %dma_start3A_71 = arith.constant 0 : i32
    %dma_start3A_72 = arith.constant 0 : i32
    %dma_start3A_73 = tpu.memref_slice %arg18[%dma_start3A_71, %dma_start3A_72] : memref<96x128xf32, #tpu.memory_space<vmem>> -> memref<64x128xf32, #tpu.memory_space<vmem>>
    tpu.enqueue_dma source(%dma_start3A_73 : memref<64x128xf32, #tpu.memory_space<vmem>>) target(%dma_start3A_70 : memref<64x128xf32, #tpu.memory_space<vmem_shared>>) target_semaphore(%arg28 : memref<!tpu.dma_semaphore, #tpu.memory_space<semaphore_mem>>)
    %dma_start3A_74 = arith.constant 0 : i32
    %dma_start3A_75 = tpu.memref_slice %arg20[%dma_start3A_74] : memref<96xf32, #tpu.memory_space<vmem>> -> memref<64xf32, #tpu.memory_space<vmem>>
    %dma_start3A_76 = tpu.memref_slice %arg9[%add3A_63] : memref<10240xf32, #tpu.memory_space<vmem_shared>> -> memref<64xf32, #tpu.memory_space<vmem_shared>>
    %dma_start3A_77 = tpu.memref_slice %arg9[%add3A_63] : memref<10240xf32, #tpu.memory_space<vmem_shared>> -> memref<64xf32, #tpu.memory_space<vmem_shared>>
    %dma_start3A_78 = arith.constant 0 : i32
    %dma_start3A_79 = tpu.memref_slice %arg20[%dma_start3A_78] : memref<96xf32, #tpu.memory_space<vmem>> -> memref<64xf32, #tpu.memory_space<vmem>>
    tpu.enqueue_dma source(%dma_start3A_79 : memref<64xf32, #tpu.memory_space<vmem>>) target(%dma_start3A_77 : memref<64xf32, #tpu.memory_space<vmem_shared>>) target_semaphore(%arg30 : memref<!tpu.dma_semaphore, #tpu.memory_space<semaphore_mem>>)
    %mul3A_80 = arith.constant 640 : i32
    %mul3A_81 = arith.muli %arg1, %mul3A_80 : i32
    %add3A_82 = arith.constant 192 : i32
    %add3A_83 = arith.addi %mul3A_81, %add3A_82 : i32
    %dma_start3A_84 = arith.constant 0 : i32
    %dma_start3A_85 = arith.constant 0 : i32
    %dma_start3A_86 = tpu.memref_slice %arg18[%dma_start3A_84, %dma_start3A_85] : memref<96x128xf32, #tpu.memory_space<vmem>> -> memref<64x128xf32, #tpu.memory_space<vmem>>
    %dma_start3A_87 = arith.constant 0 : i32
    %dma_start3A_88 = tpu.memref_slice %arg8[%add3A_83, %dma_start3A_87] : memref<10240x128xf32, #tpu.memory_space<vmem_shared>> -> memref<64x128xf32, #tpu.memory_space<vmem_shared>>
    %dma_start3A_89 = arith.constant 0 : i32
    %dma_start3A_90 = tpu.memref_slice %arg8[%add3A_83, %dma_start3A_89] : memref<10240x128xf32, #tpu.memory_space<vmem_shared>> -> memref<64x128xf32, #tpu.memory_space<vmem_shared>>
    %dma_start3A_91 = arith.constant 0 : i32
    %dma_start3A_92 = arith.constant 0 : i32
    %dma_start3A_93 = tpu.memref_slice %arg18[%dma_start3A_91, %dma_start3A_92] : memref<96x128xf32, #tpu.memory_space<vmem>> -> memref<64x128xf32, #tpu.memory_space<vmem>>
    tpu.enqueue_dma source(%dma_start3A_93 : memref<64x128xf32, #tpu.memory_space<vmem>>) target(%dma_start3A_90 : memref<64x128xf32, #tpu.memory_space<vmem_shared>>) target_semaphore(%arg28 : memref<!tpu.dma_semaphore, #tpu.memory_space<semaphore_mem>>)
    %dma_start3A_94 = arith.constant 0 : i32
    %dma_start3A_95 = tpu.memref_slice %arg20[%dma_start3A_94] : memref<96xf32, #tpu.memory_space<vmem>> -> memref<64xf32, #tpu.memory_space<vmem>>
    %dma_start3A_96 = tpu.memref_slice %arg9[%add3A_83] : memref<10240xf32, #tpu.memory_space<vmem_shared>> -> memref<64xf32, #tpu.memory_space<vmem_shared>>
    %dma_start3A_97 = tpu.memref_slice %arg9[%add3A_83] : memref<10240xf32, #tpu.memory_space<vmem_shared>> -> memref<64xf32, #tpu.memory_space<vmem_shared>>
    %dma_start3A_98 = arith.constant 0 : i32
    %dma_start3A_99 = tpu.memref_slice %arg20[%dma_start3A_98] : memref<96xf32, #tpu.memory_space<vmem>> -> memref<64xf32, #tpu.memory_space<vmem>>
    tpu.enqueue_dma source(%dma_start3A_99 : memref<64xf32, #tpu.memory_space<vmem>>) target(%dma_start3A_97 : memref<64xf32, #tpu.memory_space<vmem_shared>>) target_semaphore(%arg30 : memref<!tpu.dma_semaphore, #tpu.memory_space<semaphore_mem>>)
    %mul3A_100 = arith.constant 640 : i32
    %mul3A_101 = arith.muli %arg1, %mul3A_100 : i32
    %add3A_102 = arith.constant 256 : i32
    %add3A_103 = arith.addi %mul3A_101, %add3A_102 : i32
    %dma_start3A_104 = arith.constant 0 : i32
    %dma_start3A_105 = arith.constant 0 : i32
    %dma_start3A_106 = tpu.memref_slice %arg18[%dma_start3A_104, %dma_start3A_105] : memref<96x128xf32, #tpu.memory_space<vmem>> -> memref<64x128xf32, #tpu.memory_space<vmem>>
    %dma_start3A_107 = arith.constant 0 : i32
    %dma_start3A_108 = tpu.memref_slice %arg8[%add3A_103, %dma_start3A_107] : memref<10240x128xf32, #tpu.memory_space<vmem_shared>> -> memref<64x128xf32, #tpu.memory_space<vmem_shared>>
    %dma_start3A_109 = arith.constant 0 : i32
    %dma_start3A_110 = tpu.memref_slice %arg8[%add3A_103, %dma_start3A_109] : memref<10240x128xf32, #tpu.memory_space<vmem_shared>> -> memref<64x128xf32, #tpu.memory_space<vmem_shared>>
    %dma_start3A_111 = arith.constant 0 : i32
    %dma_start3A_112 = arith.constant 0 : i32
    %dma_start3A_113 = tpu.memref_slice %arg18[%dma_start3A_111, %dma_start3A_112] : memref<96x128xf32, #tpu.memory_space<vmem>> -> memref<64x128xf32, #tpu.memory_space<vmem>>
    tpu.enqueue_dma source(%dma_start3A_113 : memref<64x128xf32, #tpu.memory_space<vmem>>) target(%dma_start3A_110 : memref<64x128xf32, #tpu.memory_space<vmem_shared>>) target_semaphore(%arg28 : memref<!tpu.dma_semaphore, #tpu.memory_space<semaphore_mem>>)
    %dma_start3A_114 = arith.constant 0 : i32
    %dma_start3A_115 = tpu.memref_slice %arg20[%dma_start3A_114] : memref<96xf32, #tpu.memory_space<vmem>> -> memref<64xf32, #tpu.memory_space<vmem>>
    %dma_start3A_116 = tpu.memref_slice %arg9[%add3A_103] : memref<10240xf32, #tpu.memory_space<vmem_shared>> -> memref<64xf32, #tpu.memory_space<vmem_shared>>
    %dma_start3A_117 = tpu.memref_slice %arg9[%add3A_103] : memref<10240xf32, #tpu.memory_space<vmem_shared>> -> memref<64xf32, #tpu.memory_space<vmem_shared>>
    %dma_start3A_118 = arith.constant 0 : i32
    %dma_start3A_119 = tpu.memref_slice %arg20[%dma_start3A_118] : memref<96xf32, #tpu.memory_space<vmem>> -> memref<64xf32, #tpu.memory_space<vmem>>
    tpu.enqueue_dma source(%dma_start3A_119 : memref<64xf32, #tpu.memory_space<vmem>>) target(%dma_start3A_117 : memref<64xf32, #tpu.memory_space<vmem_shared>>) target_semaphore(%arg30 : memref<!tpu.dma_semaphore, #tpu.memory_space<semaphore_mem>>)
    %mul3A_120 = arith.constant 640 : i32
    %mul3A_121 = arith.muli %arg1, %mul3A_120 : i32
    %add3A_122 = arith.constant 320 : i32
    %add3A_123 = arith.addi %mul3A_121, %add3A_122 : i32
    %dma_start3A_124 = arith.constant 0 : i32
    %dma_start3A_125 = arith.constant 0 : i32
    %dma_start3A_126 = tpu.memref_slice %arg18[%dma_start3A_124, %dma_start3A_125] : memref<96x128xf32, #tpu.memory_space<vmem>> -> memref<64x128xf32, #tpu.memory_space<vmem>>
    %dma_start3A_127 = arith.constant 0 : i32
    %dma_start3A_128 = tpu.memref_slice %arg8[%add3A_123, %dma_start3A_127] : memref<10240x128xf32, #tpu.memory_space<vmem_shared>> -> memref<64x128xf32, #tpu.memory_space<vmem_shared>>
    %dma_start3A_129 = arith.constant 0 : i32
    %dma_start3A_130 = tpu.memref_slice %arg8[%add3A_123, %dma_start3A_129] : memref<10240x128xf32, #tpu.memory_space<vmem_shared>> -> memref<64x128xf32, #tpu.memory_space<vmem_shared>>
    %dma_start3A_131 = arith.constant 0 : i32
    %dma_start3A_132 = arith.constant 0 : i32
    %dma_start3A_133 = tpu.memref_slice %arg18[%dma_start3A_131, %dma_start3A_132] : memref<96x128xf32, #tpu.memory_space<vmem>> -> memref<64x128xf32, #tpu.memory_space<vmem>>
    tpu.enqueue_dma source(%dma_start3A_133 : memref<64x128xf32, #tpu.memory_space<vmem>>) target(%dma_start3A_130 : memref<64x128xf32, #tpu.memory_space<vmem_shared>>) target_semaphore(%arg28 : memref<!tpu.dma_semaphore, #tpu.memory_space<semaphore_mem>>)
    %dma_start3A_134 = arith.constant 0 : i32
    %dma_start3A_135 = tpu.memref_slice %arg20[%dma_start3A_134] : memref<96xf32, #tpu.memory_space<vmem>> -> memref<64xf32, #tpu.memory_space<vmem>>
    %dma_start3A_136 = tpu.memref_slice %arg9[%add3A_123] : memref<10240xf32, #tpu.memory_space<vmem_shared>> -> memref<64xf32, #tpu.memory_space<vmem_shared>>
    %dma_start3A_137 = tpu.memref_slice %arg9[%add3A_123] : memref<10240xf32, #tpu.memory_space<vmem_shared>> -> memref<64xf32, #tpu.memory_space<vmem_shared>>
    %dma_start3A_138 = arith.constant 0 : i32
    %dma_start3A_139 = tpu.memref_slice %arg20[%dma_start3A_138] : memref<96xf32, #tpu.memory_space<vmem>> -> memref<64xf32, #tpu.memory_space<vmem>>
    tpu.enqueue_dma source(%dma_start3A_139 : memref<64xf32, #tpu.memory_space<vmem>>) target(%dma_start3A_137 : memref<64xf32, #tpu.memory_space<vmem_shared>>) target_semaphore(%arg30 : memref<!tpu.dma_semaphore, #tpu.memory_space<semaphore_mem>>)
    %mul3A_140 = arith.constant 640 : i32
    %mul3A_141 = arith.muli %arg1, %mul3A_140 : i32
    %add3A_142 = arith.constant 384 : i32
    %add3A_143 = arith.addi %mul3A_141, %add3A_142 : i32
    %dma_start3A_144 = arith.constant 0 : i32
    %dma_start3A_145 = arith.constant 0 : i32
    %dma_start3A_146 = tpu.memref_slice %arg18[%dma_start3A_144, %dma_start3A_145] : memref<96x128xf32, #tpu.memory_space<vmem>> -> memref<64x128xf32, #tpu.memory_space<vmem>>
    %dma_start3A_147 = arith.constant 0 : i32
    %dma_start3A_148 = tpu.memref_slice %arg8[%add3A_143, %dma_start3A_147] : memref<10240x128xf32, #tpu.memory_space<vmem_shared>> -> memref<64x128xf32, #tpu.memory_space<vmem_shared>>
    %dma_start3A_149 = arith.constant 0 : i32
    %dma_start3A_150 = tpu.memref_slice %arg8[%add3A_143, %dma_start3A_149] : memref<10240x128xf32, #tpu.memory_space<vmem_shared>> -> memref<64x128xf32, #tpu.memory_space<vmem_shared>>
    %dma_start3A_151 = arith.constant 0 : i32
    %dma_start3A_152 = arith.constant 0 : i32
    %dma_start3A_153 = tpu.memref_slice %arg18[%dma_start3A_151, %dma_start3A_152] : memref<96x128xf32, #tpu.memory_space<vmem>> -> memref<64x128xf32, #tpu.memory_space<vmem>>
    tpu.enqueue_dma source(%dma_start3A_153 : memref<64x128xf32, #tpu.memory_space<vmem>>) target(%dma_start3A_150 : memref<64x128xf32, #tpu.memory_space<vmem_shared>>) target_semaphore(%arg28 : memref<!tpu.dma_semaphore, #tpu.memory_space<semaphore_mem>>)
    %dma_start3A_154 = arith.constant 0 : i32
    %dma_start3A_155 = tpu.memref_slice %arg20[%dma_start3A_154] : memref<96xf32, #tpu.memory_space<vmem>> -> memref<64xf32, #tpu.memory_space<vmem>>
    %dma_start3A_156 = tpu.memref_slice %arg9[%add3A_143] : memref<10240xf32, #tpu.memory_space<vmem_shared>> -> memref<64xf32, #tpu.memory_space<vmem_shared>>
    %dma_start3A_157 = tpu.memref_slice %arg9[%add3A_143] : memref<10240xf32, #tpu.memory_space<vmem_shared>> -> memref<64xf32, #tpu.memory_space<vmem_shared>>
    %dma_start3A_158 = arith.constant 0 : i32
    %dma_start3A_159 = tpu.memref_slice %arg20[%dma_start3A_158] : memref<96xf32, #tpu.memory_space<vmem>> -> memref<64xf32, #tpu.memory_space<vmem>>
    tpu.enqueue_dma source(%dma_start3A_159 : memref<64xf32, #tpu.memory_space<vmem>>) target(%dma_start3A_157 : memref<64xf32, #tpu.memory_space<vmem_shared>>) target_semaphore(%arg30 : memref<!tpu.dma_semaphore, #tpu.memory_space<semaphore_mem>>)
    %mul3A_160 = arith.constant 640 : i32
    %mul3A_161 = arith.muli %arg1, %mul3A_160 : i32
    %add3A_162 = arith.constant 448 : i32
    %add3A_163 = arith.addi %mul3A_161, %add3A_162 : i32
    %dma_start3A_164 = arith.constant 0 : i32
    %dma_start3A_165 = arith.constant 0 : i32
    %dma_start3A_166 = tpu.memref_slice %arg18[%dma_start3A_164, %dma_start3A_165] : memref<96x128xf32, #tpu.memory_space<vmem>> -> memref<64x128xf32, #tpu.memory_space<vmem>>
    %dma_start3A_167 = arith.constant 0 : i32
    %dma_start3A_168 = tpu.memref_slice %arg8[%add3A_163, %dma_start3A_167] : memref<10240x128xf32, #tpu.memory_space<vmem_shared>> -> memref<64x128xf32, #tpu.memory_space<vmem_shared>>
    %dma_start3A_169 = arith.constant 0 : i32
    %dma_start3A_170 = tpu.memref_slice %arg8[%add3A_163, %dma_start3A_169] : memref<10240x128xf32, #tpu.memory_space<vmem_shared>> -> memref<64x128xf32, #tpu.memory_space<vmem_shared>>
    %dma_start3A_171 = arith.constant 0 : i32
    %dma_start3A_172 = arith.constant 0 : i32
    %dma_start3A_173 = tpu.memref_slice %arg18[%dma_start3A_171, %dma_start3A_172] : memref<96x128xf32, #tpu.memory_space<vmem>> -> memref<64x128xf32, #tpu.memory_space<vmem>>
    tpu.enqueue_dma source(%dma_start3A_173 : memref<64x128xf32, #tpu.memory_space<vmem>>) target(%dma_start3A_170 : memref<64x128xf32, #tpu.memory_space<vmem_shared>>) target_semaphore(%arg28 : memref<!tpu.dma_semaphore, #tpu.memory_space<semaphore_mem>>)
    %dma_start3A_174 = arith.constant 0 : i32
    %dma_start3A_175 = tpu.memref_slice %arg20[%dma_start3A_174] : memref<96xf32, #tpu.memory_space<vmem>> -> memref<64xf32, #tpu.memory_space<vmem>>
    %dma_start3A_176 = tpu.memref_slice %arg9[%add3A_163] : memref<10240xf32, #tpu.memory_space<vmem_shared>> -> memref<64xf32, #tpu.memory_space<vmem_shared>>
    %dma_start3A_177 = tpu.memref_slice %arg9[%add3A_163] : memref<10240xf32, #tpu.memory_space<vmem_shared>> -> memref<64xf32, #tpu.memory_space<vmem_shared>>
    %dma_start3A_178 = arith.constant 0 : i32
    %dma_start3A_179 = tpu.memref_slice %arg20[%dma_start3A_178] : memref<96xf32, #tpu.memory_space<vmem>> -> memref<64xf32, #tpu.memory_space<vmem>>
    tpu.enqueue_dma source(%dma_start3A_179 : memref<64xf32, #tpu.memory_space<vmem>>) target(%dma_start3A_177 : memref<64xf32, #tpu.memory_space<vmem_shared>>) target_semaphore(%arg30 : memref<!tpu.dma_semaphore, #tpu.memory_space<semaphore_mem>>)
    %mul3A_180 = arith.constant 640 : i32
    %mul3A_181 = arith.muli %arg1, %mul3A_180 : i32
    %add3A_182 = arith.constant 512 : i32
    %add3A_183 = arith.addi %mul3A_181, %add3A_182 : i32
    %dma_start3A_184 = arith.constant 0 : i32
    %dma_start3A_185 = arith.constant 0 : i32
    %dma_start3A_186 = tpu.memref_slice %arg18[%dma_start3A_184, %dma_start3A_185] : memref<96x128xf32, #tpu.memory_space<vmem>> -> memref<64x128xf32, #tpu.memory_space<vmem>>
    %dma_start3A_187 = arith.constant 0 : i32
    %dma_start3A_188 = tpu.memref_slice %arg8[%add3A_183, %dma_start3A_187] : memref<10240x128xf32, #tpu.memory_space<vmem_shared>> -> memref<64x128xf32, #tpu.memory_space<vmem_shared>>
    %dma_start3A_189 = arith.constant 0 : i32
    %dma_start3A_190 = tpu.memref_slice %arg8[%add3A_183, %dma_start3A_189] : memref<10240x128xf32, #tpu.memory_space<vmem_shared>> -> memref<64x128xf32, #tpu.memory_space<vmem_shared>>
    %dma_start3A_191 = arith.constant 0 : i32
    %dma_start3A_192 = arith.constant 0 : i32
    %dma_start3A_193 = tpu.memref_slice %arg18[%dma_start3A_191, %dma_start3A_192] : memref<96x128xf32, #tpu.memory_space<vmem>> -> memref<64x128xf32, #tpu.memory_space<vmem>>
    tpu.enqueue_dma source(%dma_start3A_193 : memref<64x128xf32, #tpu.memory_space<vmem>>) target(%dma_start3A_190 : memref<64x128xf32, #tpu.memory_space<vmem_shared>>) target_semaphore(%arg28 : memref<!tpu.dma_semaphore, #tpu.memory_space<semaphore_mem>>)
    %dma_start3A_194 = arith.constant 0 : i32
    %dma_start3A_195 = tpu.memref_slice %arg20[%dma_start3A_194] : memref<96xf32, #tpu.memory_space<vmem>> -> memref<64xf32, #tpu.memory_space<vmem>>
    %dma_start3A_196 = tpu.memref_slice %arg9[%add3A_183] : memref<10240xf32, #tpu.memory_space<vmem_shared>> -> memref<64xf32, #tpu.memory_space<vmem_shared>>
    %dma_start3A_197 = tpu.memref_slice %arg9[%add3A_183] : memref<10240xf32, #tpu.memory_space<vmem_shared>> -> memref<64xf32, #tpu.memory_space<vmem_shared>>
    %dma_start3A_198 = arith.constant 0 : i32
    %dma_start3A_199 = tpu.memref_slice %arg20[%dma_start3A_198] : memref<96xf32, #tpu.memory_space<vmem>> -> memref<64xf32, #tpu.memory_space<vmem>>
    tpu.enqueue_dma source(%dma_start3A_199 : memref<64xf32, #tpu.memory_space<vmem>>) target(%dma_start3A_197 : memref<64xf32, #tpu.memory_space<vmem_shared>>) target_semaphore(%arg30 : memref<!tpu.dma_semaphore, #tpu.memory_space<semaphore_mem>>)
    %mul3A_200 = arith.constant 640 : i32
    %mul3A_201 = arith.muli %arg1, %mul3A_200 : i32
    %add3A_202 = arith.constant 576 : i32
    %add3A_203 = arith.addi %mul3A_201, %add3A_202 : i32
    %dma_start3A_204 = arith.constant 0 : i32
    %dma_start3A_205 = arith.constant 0 : i32
    %dma_start3A_206 = tpu.memref_slice %arg18[%dma_start3A_204, %dma_start3A_205] : memref<96x128xf32, #tpu.memory_space<vmem>> -> memref<64x128xf32, #tpu.memory_space<vmem>>
    %dma_start3A_207 = arith.constant 0 : i32
    %dma_start3A_208 = tpu.memref_slice %arg8[%add3A_203, %dma_start3A_207] : memref<10240x128xf32, #tpu.memory_space<vmem_shared>> -> memref<64x128xf32, #tpu.memory_space<vmem_shared>>
    %dma_start3A_209 = arith.constant 0 : i32
    %dma_start3A_210 = tpu.memref_slice %arg8[%add3A_203, %dma_start3A_209] : memref<10240x128xf32, #tpu.memory_space<vmem_shared>> -> memref<64x128xf32, #tpu.memory_space<vmem_shared>>
    %dma_start3A_211 = arith.constant 0 : i32
    %dma_start3A_212 = arith.constant 0 : i32
    %dma_start3A_213 = tpu.memref_slice %arg18[%dma_start3A_211, %dma_start3A_212] : memref<96x128xf32, #tpu.memory_space<vmem>> -> memref<64x128xf32, #tpu.memory_space<vmem>>
    tpu.enqueue_dma source(%dma_start3A_213 : memref<64x128xf32, #tpu.memory_space<vmem>>) target(%dma_start3A_210 : memref<64x128xf32, #tpu.memory_space<vmem_shared>>) target_semaphore(%arg28 : memref<!tpu.dma_semaphore, #tpu.memory_space<semaphore_mem>>)
    %dma_start3A_214 = arith.constant 0 : i32
    %dma_start3A_215 = tpu.memref_slice %arg20[%dma_start3A_214] : memref<96xf32, #tpu.memory_space<vmem>> -> memref<64xf32, #tpu.memory_space<vmem>>
    %dma_start3A_216 = tpu.memref_slice %arg9[%add3A_203] : memref<10240xf32, #tpu.memory_space<vmem_shared>> -> memref<64xf32, #tpu.memory_space<vmem_shared>>
    %dma_start3A_217 = tpu.memref_slice %arg9[%add3A_203] : memref<10240xf32, #tpu.memory_space<vmem_shared>> -> memref<64xf32, #tpu.memory_space<vmem_shared>>
    %dma_start3A_218 = arith.constant 0 : i32
    %dma_start3A_219 = tpu.memref_slice %arg20[%dma_start3A_218] : memref<96xf32, #tpu.memory_space<vmem>> -> memref<64xf32, #tpu.memory_space<vmem>>
    tpu.enqueue_dma source(%dma_start3A_219 : memref<64xf32, #tpu.memory_space<vmem>>) target(%dma_start3A_217 : memref<64xf32, #tpu.memory_space<vmem_shared>>) target_semaphore(%arg30 : memref<!tpu.dma_semaphore, #tpu.memory_space<semaphore_mem>>)
    %dma_start3A_220 = arith.constant 0 : i32
    %dma_start3A_221 = arith.constant 0 : i32
    %dma_start3A_222 = tpu.memref_slice %arg3[%dma_start3A_220, %dma_start3A_221] : memref<8x10240xf32, #tpu.memory_space<hbm>> -> memref<1x10240xf32, #tpu.memory_space<hbm>>
    %dma_start3A_223 = tpu.memref_squeeze %dma_start3A_222 : memref<1x10240xf32, #tpu.memory_space<hbm>> -> memref<10240xf32, #tpu.memory_space<hbm>>
    %dma_start3A_224 = arith.constant 0 : i32
    %dma_start3A_225 = tpu.memref_slice %arg3[%dma_start3A_220, %dma_start3A_224] : memref<8x10240xf32, #tpu.memory_space<hbm>> -> memref<1x10240xf32, #tpu.memory_space<hbm>>
    %dma_start3A_226 = tpu.memref_squeeze %dma_start3A_225 : memref<1x10240xf32, #tpu.memory_space<hbm>> -> memref<10240xf32, #tpu.memory_space<hbm>>
    tpu.enqueue_dma source(%dma_start3A_226 : memref<10240xf32, #tpu.memory_space<hbm>>) target(%arg10 : memref<10240xf32, #tpu.memory_space<vmem>>) target_semaphore(%arg22 : memref<!tpu.dma_semaphore, #tpu.memory_space<semaphore_mem>>)
    %dma_start3A_227 = arith.constant 1 : i32
    %dma_start3A_228 = arith.constant 0 : i32
    %dma_start3A_229 = tpu.memref_slice %arg3[%dma_start3A_227, %dma_start3A_228] : memref<8x10240xf32, #tpu.memory_space<hbm>> -> memref<1x10240xf32, #tpu.memory_space<hbm>>
    %dma_start3A_230 = tpu.memref_squeeze %dma_start3A_229 : memref<1x10240xf32, #tpu.memory_space<hbm>> -> memref<10240xf32, #tpu.memory_space<hbm>>
    %dma_start3A_231 = arith.constant 0 : i32
    %dma_start3A_232 = tpu.memref_slice %arg3[%dma_start3A_227, %dma_start3A_231] : memref<8x10240xf32, #tpu.memory_space<hbm>> -> memref<1x10240xf32, #tpu.memory_space<hbm>>
    %dma_start3A_233 = tpu.memref_squeeze %dma_start3A_232 : memref<1x10240xf32, #tpu.memory_space<hbm>> -> memref<10240xf32, #tpu.memory_space<hbm>>
    tpu.enqueue_dma source(%dma_start3A_233 : memref<10240xf32, #tpu.memory_space<hbm>>) target(%arg11 : memref<10240xf32, #tpu.memory_space<vmem>>) target_semaphore(%arg23 : memref<!tpu.dma_semaphore, #tpu.memory_space<semaphore_mem>>)
    %mul3A_234 = arith.constant 640 : i32
    %mul3A_235 = arith.muli %arg1, %mul3A_234 : i32
    %add3A_236 = arith.constant 0 : i32
    %add3A_237 = arith.addi %mul3A_235, %add3A_236 : i32
    %dma_wait3A = arith.constant 0 : i32
    %dma_wait3A_238 = arith.constant 0 : i32
    %dma_wait3A_239 = tpu.memref_slice %arg18[%dma_wait3A, %dma_wait3A_238] : memref<96x128xf32, #tpu.memory_space<vmem>> -> memref<64x128xf32, #tpu.memory_space<vmem>>
    %dma_wait3A_240 = arith.constant 0 : i32
    %dma_wait3A_241 = tpu.memref_slice %arg8[%add3A_237, %dma_wait3A_240] : memref<10240x128xf32, #tpu.memory_space<vmem_shared>> -> memref<64x128xf32, #tpu.memory_space<vmem_shared>>
    %dma_wait3A_242 = arith.constant 0 : i32
    %dma_wait3A_243 = tpu.memref_slice %arg8[%add3A_237, %dma_wait3A_242] : memref<10240x128xf32, #tpu.memory_space<vmem_shared>> -> memref<64x128xf32, #tpu.memory_space<vmem_shared>>
    %dma_wait3A_244 = arith.constant 0 : i32
    %dma_wait3A_245 = arith.constant 0 : i32
    %dma_wait3A_246 = tpu.memref_slice %arg18[%dma_wait3A_244, %dma_wait3A_245] : memref<96x128xf32, #tpu.memory_space<vmem>> -> memref<64x128xf32, #tpu.memory_space<vmem>>
    tpu.wait_dma2 semaphore(%arg28 : memref<!tpu.dma_semaphore, #tpu.memory_space<semaphore_mem>>) src(%dma_wait3A_246 : memref<64x128xf32, #tpu.memory_space<vmem>>) dst(%dma_wait3A_243 : memref<64x128xf32, #tpu.memory_space<vmem_shared>>)
    %dma_wait3A_247 = arith.constant 0 : i32
    %dma_wait3A_248 = tpu.memref_slice %arg20[%dma_wait3A_247] : memref<96xf32, #tpu.memory_space<vmem>> -> memref<64xf32, #tpu.memory_space<vmem>>
    %dma_wait3A_249 = tpu.memref_slice %arg9[%add3A_237] : memref<10240xf32, #tpu.memory_space<vmem_shared>> -> memref<64xf32, #tpu.memory_space<vmem_shared>>
    %dma_wait3A_250 = tpu.memref_slice %arg9[%add3A_237] : memref<10240xf32, #tpu.memory_space<vmem_shared>> -> memref<64xf32, #tpu.memory_space<vmem_shared>>
    %dma_wait3A_251 = arith.constant 0 : i32
    %dma_wait3A_252 = tpu.memref_slice %arg20[%dma_wait3A_251] : memref<96xf32, #tpu.memory_space<vmem>> -> memref<64xf32, #tpu.memory_space<vmem>>
    tpu.wait_dma2 semaphore(%arg30 : memref<!tpu.dma_semaphore, #tpu.memory_space<semaphore_mem>>) src(%dma_wait3A_252 : memref<64xf32, #tpu.memory_space<vmem>>) dst(%dma_wait3A_250 : memref<64xf32, #tpu.memory_space<vmem_shared>>)
    %mul3A_253 = arith.constant 640 : i32
    %mul3A_254 = arith.muli %arg1, %mul3A_253 : i32
    %add3A_255 = arith.constant 64 : i32
    %add3A_256 = arith.addi %mul3A_254, %add3A_255 : i32
    %dma_wait3A_257 = arith.constant 0 : i32
    %dma_wait3A_258 = arith.constant 0 : i32
    %dma_wait3A_259 = tpu.memref_slice %arg18[%dma_wait3A_257, %dma_wait3A_258] : memref<96x128xf32, #tpu.memory_space<vmem>> -> memref<64x128xf32, #tpu.memory_space<vmem>>
    %dma_wait3A_260 = arith.constant 0 : i32
    %dma_wait3A_261 = tpu.memref_slice %arg8[%add3A_256, %dma_wait3A_260] : memref<10240x128xf32, #tpu.memory_space<vmem_shared>> -> memref<64x128xf32, #tpu.memory_space<vmem_shared>>
    %dma_wait3A_262 = arith.constant 0 : i32
    %dma_wait3A_263 = tpu.memref_slice %arg8[%add3A_256, %dma_wait3A_262] : memref<10240x128xf32, #tpu.memory_space<vmem_shared>> -> memref<64x128xf32, #tpu.memory_space<vmem_shared>>
    %dma_wait3A_264 = arith.constant 0 : i32
    %dma_wait3A_265 = arith.constant 0 : i32
    %dma_wait3A_266 = tpu.memref_slice %arg18[%dma_wait3A_264, %dma_wait3A_265] : memref<96x128xf32, #tpu.memory_space<vmem>> -> memref<64x128xf32, #tpu.memory_space<vmem>>
    tpu.wait_dma2 semaphore(%arg28 : memref<!tpu.dma_semaphore, #tpu.memory_space<semaphore_mem>>) src(%dma_wait3A_266 : memref<64x128xf32, #tpu.memory_space<vmem>>) dst(%dma_wait3A_263 : memref<64x128xf32, #tpu.memory_space<vmem_shared>>)
    %dma_wait3A_267 = arith.constant 0 : i32
    %dma_wait3A_268 = tpu.memref_slice %arg20[%dma_wait3A_267] : memref<96xf32, #tpu.memory_space<vmem>> -> memref<64xf32, #tpu.memory_space<vmem>>
    %dma_wait3A_269 = tpu.memref_slice %arg9[%add3A_256] : memref<10240xf32, #tpu.memory_space<vmem_shared>> -> memref<64xf32, #tpu.memory_space<vmem_shared>>
    %dma_wait3A_270 = tpu.memref_slice %arg9[%add3A_256] : memref<10240xf32, #tpu.memory_space<vmem_shared>> -> memref<64xf32, #tpu.memory_space<vmem_shared>>
    %dma_wait3A_271 = arith.constant 0 : i32
    %dma_wait3A_272 = tpu.memref_slice %arg20[%dma_wait3A_271] : memref<96xf32, #tpu.memory_space<vmem>> -> memref<64xf32, #tpu.memory_space<vmem>>
    tpu.wait_dma2 semaphore(%arg30 : memref<!tpu.dma_semaphore, #tpu.memory_space<semaphore_mem>>) src(%dma_wait3A_272 : memref<64xf32, #tpu.memory_space<vmem>>) dst(%dma_wait3A_270 : memref<64xf32, #tpu.memory_space<vmem_shared>>)
    %mul3A_273 = arith.constant 640 : i32
    %mul3A_274 = arith.muli %arg1, %mul3A_273 : i32
    %add3A_275 = arith.constant 128 : i32
    %add3A_276 = arith.addi %mul3A_274, %add3A_275 : i32
    %dma_wait3A_277 = arith.constant 0 : i32
    %dma_wait3A_278 = arith.constant 0 : i32
    %dma_wait3A_279 = tpu.memref_slice %arg18[%dma_wait3A_277, %dma_wait3A_278] : memref<96x128xf32, #tpu.memory_space<vmem>> -> memref<64x128xf32, #tpu.memory_space<vmem>>
    %dma_wait3A_280 = arith.constant 0 : i32
    %dma_wait3A_281 = tpu.memref_slice %arg8[%add3A_276, %dma_wait3A_280] : memref<10240x128xf32, #tpu.memory_space<vmem_shared>> -> memref<64x128xf32, #tpu.memory_space<vmem_shared>>
    %dma_wait3A_282 = arith.constant 0 : i32
    %dma_wait3A_283 = tpu.memref_slice %arg8[%add3A_276, %dma_wait3A_282] : memref<10240x128xf32, #tpu.memory_space<vmem_shared>> -> memref<64x128xf32, #tpu.memory_space<vmem_shared>>
    %dma_wait3A_284 = arith.constant 0 : i32
    %dma_wait3A_285 = arith.constant 0 : i32
    %dma_wait3A_286 = tpu.memref_slice %arg18[%dma_wait3A_284, %dma_wait3A_285] : memref<96x128xf32, #tpu.memory_space<vmem>> -> memref<64x128xf32, #tpu.memory_space<vmem>>
    tpu.wait_dma2 semaphore(%arg28 : memref<!tpu.dma_semaphore, #tpu.memory_space<semaphore_mem>>) src(%dma_wait3A_286 : memref<64x128xf32, #tpu.memory_space<vmem>>) dst(%dma_wait3A_283 : memref<64x128xf32, #tpu.memory_space<vmem_shared>>)
    %dma_wait3A_287 = arith.constant 0 : i32
    %dma_wait3A_288 = tpu.memref_slice %arg20[%dma_wait3A_287] : memref<96xf32, #tpu.memory_space<vmem>> -> memref<64xf32, #tpu.memory_space<vmem>>
    %dma_wait3A_289 = tpu.memref_slice %arg9[%add3A_276] : memref<10240xf32, #tpu.memory_space<vmem_shared>> -> memref<64xf32, #tpu.memory_space<vmem_shared>>
    %dma_wait3A_290 = tpu.memref_slice %arg9[%add3A_276] : memref<10240xf32, #tpu.memory_space<vmem_shared>> -> memref<64xf32, #tpu.memory_space<vmem_shared>>
    %dma_wait3A_291 = arith.constant 0 : i32
    %dma_wait3A_292 = tpu.memref_slice %arg20[%dma_wait3A_291] : memref<96xf32, #tpu.memory_space<vmem>> -> memref<64xf32, #tpu.memory_space<vmem>>
    tpu.wait_dma2 semaphore(%arg30 : memref<!tpu.dma_semaphore, #tpu.memory_space<semaphore_mem>>) src(%dma_wait3A_292 : memref<64xf32, #tpu.memory_space<vmem>>) dst(%dma_wait3A_290 : memref<64xf32, #tpu.memory_space<vmem_shared>>)
    %mul3A_293 = arith.constant 640 : i32
    %mul3A_294 = arith.muli %arg1, %mul3A_293 : i32
    %add3A_295 = arith.constant 192 : i32
    %add3A_296 = arith.addi %mul3A_294, %add3A_295 : i32
    %dma_wait3A_297 = arith.constant 0 : i32
    %dma_wait3A_298 = arith.constant 0 : i32
    %dma_wait3A_299 = tpu.memref_slice %arg18[%dma_wait3A_297, %dma_wait3A_298] : memref<96x128xf32, #tpu.memory_space<vmem>> -> memref<64x128xf32, #tpu.memory_space<vmem>>
    %dma_wait3A_300 = arith.constant 0 : i32
    %dma_wait3A_301 = tpu.memref_slice %arg8[%add3A_296, %dma_wait3A_300] : memref<10240x128xf32, #tpu.memory_space<vmem_shared>> -> memref<64x128xf32, #tpu.memory_space<vmem_shared>>
    %dma_wait3A_302 = arith.constant 0 : i32
    %dma_wait3A_303 = tpu.memref_slice %arg8[%add3A_296, %dma_wait3A_302] : memref<10240x128xf32, #tpu.memory_space<vmem_shared>> -> memref<64x128xf32, #tpu.memory_space<vmem_shared>>
    %dma_wait3A_304 = arith.constant 0 : i32
    %dma_wait3A_305 = arith.constant 0 : i32
    %dma_wait3A_306 = tpu.memref_slice %arg18[%dma_wait3A_304, %dma_wait3A_305] : memref<96x128xf32, #tpu.memory_space<vmem>> -> memref<64x128xf32, #tpu.memory_space<vmem>>
    tpu.wait_dma2 semaphore(%arg28 : memref<!tpu.dma_semaphore, #tpu.memory_space<semaphore_mem>>) src(%dma_wait3A_306 : memref<64x128xf32, #tpu.memory_space<vmem>>) dst(%dma_wait3A_303 : memref<64x128xf32, #tpu.memory_space<vmem_shared>>)
    %dma_wait3A_307 = arith.constant 0 : i32
    %dma_wait3A_308 = tpu.memref_slice %arg20[%dma_wait3A_307] : memref<96xf32, #tpu.memory_space<vmem>> -> memref<64xf32, #tpu.memory_space<vmem>>
    %dma_wait3A_309 = tpu.memref_slice %arg9[%add3A_296] : memref<10240xf32, #tpu.memory_space<vmem_shared>> -> memref<64xf32, #tpu.memory_space<vmem_shared>>
    %dma_wait3A_310 = tpu.memref_slice %arg9[%add3A_296] : memref<10240xf32, #tpu.memory_space<vmem_shared>> -> memref<64xf32, #tpu.memory_space<vmem_shared>>
    %dma_wait3A_311 = arith.constant 0 : i32
    %dma_wait3A_312 = tpu.memref_slice %arg20[%dma_wait3A_311] : memref<96xf32, #tpu.memory_space<vmem>> -> memref<64xf32, #tpu.memory_space<vmem>>
    tpu.wait_dma2 semaphore(%arg30 : memref<!tpu.dma_semaphore, #tpu.memory_space<semaphore_mem>>) src(%dma_wait3A_312 : memref<64xf32, #tpu.memory_space<vmem>>) dst(%dma_wait3A_310 : memref<64xf32, #tpu.memory_space<vmem_shared>>)
    %mul3A_313 = arith.constant 640 : i32
    %mul3A_314 = arith.muli %arg1, %mul3A_313 : i32
    %add3A_315 = arith.constant 256 : i32
    %add3A_316 = arith.addi %mul3A_314, %add3A_315 : i32
    %dma_wait3A_317 = arith.constant 0 : i32
    %dma_wait3A_318 = arith.constant 0 : i32
    %dma_wait3A_319 = tpu.memref_slice %arg18[%dma_wait3A_317, %dma_wait3A_318] : memref<96x128xf32, #tpu.memory_space<vmem>> -> memref<64x128xf32, #tpu.memory_space<vmem>>
    %dma_wait3A_320 = arith.constant 0 : i32
    %dma_wait3A_321 = tpu.memref_slice %arg8[%add3A_316, %dma_wait3A_320] : memref<10240x128xf32, #tpu.memory_space<vmem_shared>> -> memref<64x128xf32, #tpu.memory_space<vmem_shared>>
    %dma_wait3A_322 = arith.constant 0 : i32
    %dma_wait3A_323 = tpu.memref_slice %arg8[%add3A_316, %dma_wait3A_322] : memref<10240x128xf32, #tpu.memory_space<vmem_shared>> -> memref<64x128xf32, #tpu.memory_space<vmem_shared>>
    %dma_wait3A_324 = arith.constant 0 : i32
    %dma_wait3A_325 = arith.constant 0 : i32
    %dma_wait3A_326 = tpu.memref_slice %arg18[%dma_wait3A_324, %dma_wait3A_325] : memref<96x128xf32, #tpu.memory_space<vmem>> -> memref<64x128xf32, #tpu.memory_space<vmem>>
    tpu.wait_dma2 semaphore(%arg28 : memref<!tpu.dma_semaphore, #tpu.memory_space<semaphore_mem>>) src(%dma_wait3A_326 : memref<64x128xf32, #tpu.memory_space<vmem>>) dst(%dma_wait3A_323 : memref<64x128xf32, #tpu.memory_space<vmem_shared>>)
    %dma_wait3A_327 = arith.constant 0 : i32
    %dma_wait3A_328 = tpu.memref_slice %arg20[%dma_wait3A_327] : memref<96xf32, #tpu.memory_space<vmem>> -> memref<64xf32, #tpu.memory_space<vmem>>
    %dma_wait3A_329 = tpu.memref_slice %arg9[%add3A_316] : memref<10240xf32, #tpu.memory_space<vmem_shared>> -> memref<64xf32, #tpu.memory_space<vmem_shared>>
    %dma_wait3A_330 = tpu.memref_slice %arg9[%add3A_316] : memref<10240xf32, #tpu.memory_space<vmem_shared>> -> memref<64xf32, #tpu.memory_space<vmem_shared>>
    %dma_wait3A_331 = arith.constant 0 : i32
    %dma_wait3A_332 = tpu.memref_slice %arg20[%dma_wait3A_331] : memref<96xf32, #tpu.memory_space<vmem>> -> memref<64xf32, #tpu.memory_space<vmem>>
    tpu.wait_dma2 semaphore(%arg30 : memref<!tpu.dma_semaphore, #tpu.memory_space<semaphore_mem>>) src(%dma_wait3A_332 : memref<64xf32, #tpu.memory_space<vmem>>) dst(%dma_wait3A_330 : memref<64xf32, #tpu.memory_space<vmem_shared>>)
    %mul3A_333 = arith.constant 640 : i32
    %mul3A_334 = arith.muli %arg1, %mul3A_333 : i32
    %add3A_335 = arith.constant 320 : i32
    %add3A_336 = arith.addi %mul3A_334, %add3A_335 : i32
    %dma_wait3A_337 = arith.constant 0 : i32
    %dma_wait3A_338 = arith.constant 0 : i32
    %dma_wait3A_339 = tpu.memref_slice %arg18[%dma_wait3A_337, %dma_wait3A_338] : memref<96x128xf32, #tpu.memory_space<vmem>> -> memref<64x128xf32, #tpu.memory_space<vmem>>
    %dma_wait3A_340 = arith.constant 0 : i32
    %dma_wait3A_341 = tpu.memref_slice %arg8[%add3A_336, %dma_wait3A_340] : memref<10240x128xf32, #tpu.memory_space<vmem_shared>> -> memref<64x128xf32, #tpu.memory_space<vmem_shared>>
    %dma_wait3A_342 = arith.constant 0 : i32
    %dma_wait3A_343 = tpu.memref_slice %arg8[%add3A_336, %dma_wait3A_342] : memref<10240x128xf32, #tpu.memory_space<vmem_shared>> -> memref<64x128xf32, #tpu.memory_space<vmem_shared>>
    %dma_wait3A_344 = arith.constant 0 : i32
    %dma_wait3A_345 = arith.constant 0 : i32
    %dma_wait3A_346 = tpu.memref_slice %arg18[%dma_wait3A_344, %dma_wait3A_345] : memref<96x128xf32, #tpu.memory_space<vmem>> -> memref<64x128xf32, #tpu.memory_space<vmem>>
    tpu.wait_dma2 semaphore(%arg28 : memref<!tpu.dma_semaphore, #tpu.memory_space<semaphore_mem>>) src(%dma_wait3A_346 : memref<64x128xf32, #tpu.memory_space<vmem>>) dst(%dma_wait3A_343 : memref<64x128xf32, #tpu.memory_space<vmem_shared>>)
    %dma_wait3A_347 = arith.constant 0 : i32
    %dma_wait3A_348 = tpu.memref_slice %arg20[%dma_wait3A_347] : memref<96xf32, #tpu.memory_space<vmem>> -> memref<64xf32, #tpu.memory_space<vmem>>
    %dma_wait3A_349 = tpu.memref_slice %arg9[%add3A_336] : memref<10240xf32, #tpu.memory_space<vmem_shared>> -> memref<64xf32, #tpu.memory_space<vmem_shared>>
    %dma_wait3A_350 = tpu.memref_slice %arg9[%add3A_336] : memref<10240xf32, #tpu.memory_space<vmem_shared>> -> memref<64xf32, #tpu.memory_space<vmem_shared>>
    %dma_wait3A_351 = arith.constant 0 : i32
    %dma_wait3A_352 = tpu.memref_slice %arg20[%dma_wait3A_351] : memref<96xf32, #tpu.memory_space<vmem>> -> memref<64xf32, #tpu.memory_space<vmem>>
    tpu.wait_dma2 semaphore(%arg30 : memref<!tpu.dma_semaphore, #tpu.memory_space<semaphore_mem>>) src(%dma_wait3A_352 : memref<64xf32, #tpu.memory_space<vmem>>) dst(%dma_wait3A_350 : memref<64xf32, #tpu.memory_space<vmem_shared>>)
    %mul3A_353 = arith.constant 640 : i32
    %mul3A_354 = arith.muli %arg1, %mul3A_353 : i32
    %add3A_355 = arith.constant 384 : i32
    %add3A_356 = arith.addi %mul3A_354, %add3A_355 : i32
    %dma_wait3A_357 = arith.constant 0 : i32
    %dma_wait3A_358 = arith.constant 0 : i32
    %dma_wait3A_359 = tpu.memref_slice %arg18[%dma_wait3A_357, %dma_wait3A_358] : memref<96x128xf32, #tpu.memory_space<vmem>> -> memref<64x128xf32, #tpu.memory_space<vmem>>
    %dma_wait3A_360 = arith.constant 0 : i32
    %dma_wait3A_361 = tpu.memref_slice %arg8[%add3A_356, %dma_wait3A_360] : memref<10240x128xf32, #tpu.memory_space<vmem_shared>> -> memref<64x128xf32, #tpu.memory_space<vmem_shared>>
    %dma_wait3A_362 = arith.constant 0 : i32
    %dma_wait3A_363 = tpu.memref_slice %arg8[%add3A_356, %dma_wait3A_362] : memref<10240x128xf32, #tpu.memory_space<vmem_shared>> -> memref<64x128xf32, #tpu.memory_space<vmem_shared>>
    %dma_wait3A_364 = arith.constant 0 : i32
    %dma_wait3A_365 = arith.constant 0 : i32
    %dma_wait3A_366 = tpu.memref_slice %arg18[%dma_wait3A_364, %dma_wait3A_365] : memref<96x128xf32, #tpu.memory_space<vmem>> -> memref<64x128xf32, #tpu.memory_space<vmem>>
    tpu.wait_dma2 semaphore(%arg28 : memref<!tpu.dma_semaphore, #tpu.memory_space<semaphore_mem>>) src(%dma_wait3A_366 : memref<64x128xf32, #tpu.memory_space<vmem>>) dst(%dma_wait3A_363 : memref<64x128xf32, #tpu.memory_space<vmem_shared>>)
    %dma_wait3A_367 = arith.constant 0 : i32
    %dma_wait3A_368 = tpu.memref_slice %arg20[%dma_wait3A_367] : memref<96xf32, #tpu.memory_space<vmem>> -> memref<64xf32, #tpu.memory_space<vmem>>
    %dma_wait3A_369 = tpu.memref_slice %arg9[%add3A_356] : memref<10240xf32, #tpu.memory_space<vmem_shared>> -> memref<64xf32, #tpu.memory_space<vmem_shared>>
    %dma_wait3A_370 = tpu.memref_slice %arg9[%add3A_356] : memref<10240xf32, #tpu.memory_space<vmem_shared>> -> memref<64xf32, #tpu.memory_space<vmem_shared>>
    %dma_wait3A_371 = arith.constant 0 : i32
    %dma_wait3A_372 = tpu.memref_slice %arg20[%dma_wait3A_371] : memref<96xf32, #tpu.memory_space<vmem>> -> memref<64xf32, #tpu.memory_space<vmem>>
    tpu.wait_dma2 semaphore(%arg30 : memref<!tpu.dma_semaphore, #tpu.memory_space<semaphore_mem>>) src(%dma_wait3A_372 : memref<64xf32, #tpu.memory_space<vmem>>) dst(%dma_wait3A_370 : memref<64xf32, #tpu.memory_space<vmem_shared>>)
    %mul3A_373 = arith.constant 640 : i32
    %mul3A_374 = arith.muli %arg1, %mul3A_373 : i32
    %add3A_375 = arith.constant 448 : i32
    %add3A_376 = arith.addi %mul3A_374, %add3A_375 : i32
    %dma_wait3A_377 = arith.constant 0 : i32
    %dma_wait3A_378 = arith.constant 0 : i32
    %dma_wait3A_379 = tpu.memref_slice %arg18[%dma_wait3A_377, %dma_wait3A_378] : memref<96x128xf32, #tpu.memory_space<vmem>> -> memref<64x128xf32, #tpu.memory_space<vmem>>
    %dma_wait3A_380 = arith.constant 0 : i32
    %dma_wait3A_381 = tpu.memref_slice %arg8[%add3A_376, %dma_wait3A_380] : memref<10240x128xf32, #tpu.memory_space<vmem_shared>> -> memref<64x128xf32, #tpu.memory_space<vmem_shared>>
    %dma_wait3A_382 = arith.constant 0 : i32
    %dma_wait3A_383 = tpu.memref_slice %arg8[%add3A_376, %dma_wait3A_382] : memref<10240x128xf32, #tpu.memory_space<vmem_shared>> -> memref<64x128xf32, #tpu.memory_space<vmem_shared>>
    %dma_wait3A_384 = arith.constant 0 : i32
    %dma_wait3A_385 = arith.constant 0 : i32
    %dma_wait3A_386 = tpu.memref_slice %arg18[%dma_wait3A_384, %dma_wait3A_385] : memref<96x128xf32, #tpu.memory_space<vmem>> -> memref<64x128xf32, #tpu.memory_space<vmem>>
    tpu.wait_dma2 semaphore(%arg28 : memref<!tpu.dma_semaphore, #tpu.memory_space<semaphore_mem>>) src(%dma_wait3A_386 : memref<64x128xf32, #tpu.memory_space<vmem>>) dst(%dma_wait3A_383 : memref<64x128xf32, #tpu.memory_space<vmem_shared>>)
    %dma_wait3A_387 = arith.constant 0 : i32
    %dma_wait3A_388 = tpu.memref_slice %arg20[%dma_wait3A_387] : memref<96xf32, #tpu.memory_space<vmem>> -> memref<64xf32, #tpu.memory_space<vmem>>
    %dma_wait3A_389 = tpu.memref_slice %arg9[%add3A_376] : memref<10240xf32, #tpu.memory_space<vmem_shared>> -> memref<64xf32, #tpu.memory_space<vmem_shared>>
    %dma_wait3A_390 = tpu.memref_slice %arg9[%add3A_376] : memref<10240xf32, #tpu.memory_space<vmem_shared>> -> memref<64xf32, #tpu.memory_space<vmem_shared>>
    %dma_wait3A_391 = arith.constant 0 : i32
    %dma_wait3A_392 = tpu.memref_slice %arg20[%dma_wait3A_391] : memref<96xf32, #tpu.memory_space<vmem>> -> memref<64xf32, #tpu.memory_space<vmem>>
    tpu.wait_dma2 semaphore(%arg30 : memref<!tpu.dma_semaphore, #tpu.memory_space<semaphore_mem>>) src(%dma_wait3A_392 : memref<64xf32, #tpu.memory_space<vmem>>) dst(%dma_wait3A_390 : memref<64xf32, #tpu.memory_space<vmem_shared>>)
    %mul3A_393 = arith.constant 640 : i32
    %mul3A_394 = arith.muli %arg1, %mul3A_393 : i32
    %add3A_395 = arith.constant 512 : i32
    %add3A_396 = arith.addi %mul3A_394, %add3A_395 : i32
    %dma_wait3A_397 = arith.constant 0 : i32
    %dma_wait3A_398 = arith.constant 0 : i32
    %dma_wait3A_399 = tpu.memref_slice %arg18[%dma_wait3A_397, %dma_wait3A_398] : memref<96x128xf32, #tpu.memory_space<vmem>> -> memref<64x128xf32, #tpu.memory_space<vmem>>
    %dma_wait3A_400 = arith.constant 0 : i32
    %dma_wait3A_401 = tpu.memref_slice %arg8[%add3A_396, %dma_wait3A_400] : memref<10240x128xf32, #tpu.memory_space<vmem_shared>> -> memref<64x128xf32, #tpu.memory_space<vmem_shared>>
    %dma_wait3A_402 = arith.constant 0 : i32
    %dma_wait3A_403 = tpu.memref_slice %arg8[%add3A_396, %dma_wait3A_402] : memref<10240x128xf32, #tpu.memory_space<vmem_shared>> -> memref<64x128xf32, #tpu.memory_space<vmem_shared>>
    %dma_wait3A_404 = arith.constant 0 : i32
    %dma_wait3A_405 = arith.constant 0 : i32
    %dma_wait3A_406 = tpu.memref_slice %arg18[%dma_wait3A_404, %dma_wait3A_405] : memref<96x128xf32, #tpu.memory_space<vmem>> -> memref<64x128xf32, #tpu.memory_space<vmem>>
    tpu.wait_dma2 semaphore(%arg28 : memref<!tpu.dma_semaphore, #tpu.memory_space<semaphore_mem>>) src(%dma_wait3A_406 : memref<64x128xf32, #tpu.memory_space<vmem>>) dst(%dma_wait3A_403 : memref<64x128xf32, #tpu.memory_space<vmem_shared>>)
    %dma_wait3A_407 = arith.constant 0 : i32
    %dma_wait3A_408 = tpu.memref_slice %arg20[%dma_wait3A_407] : memref<96xf32, #tpu.memory_space<vmem>> -> memref<64xf32, #tpu.memory_space<vmem>>
    %dma_wait3A_409 = tpu.memref_slice %arg9[%add3A_396] : memref<10240xf32, #tpu.memory_space<vmem_shared>> -> memref<64xf32, #tpu.memory_space<vmem_shared>>
    %dma_wait3A_410 = tpu.memref_slice %arg9[%add3A_396] : memref<10240xf32, #tpu.memory_space<vmem_shared>> -> memref<64xf32, #tpu.memory_space<vmem_shared>>
    %dma_wait3A_411 = arith.constant 0 : i32
    %dma_wait3A_412 = tpu.memref_slice %arg20[%dma_wait3A_411] : memref<96xf32, #tpu.memory_space<vmem>> -> memref<64xf32, #tpu.memory_space<vmem>>
    tpu.wait_dma2 semaphore(%arg30 : memref<!tpu.dma_semaphore, #tpu.memory_space<semaphore_mem>>) src(%dma_wait3A_412 : memref<64xf32, #tpu.memory_space<vmem>>) dst(%dma_wait3A_410 : memref<64xf32, #tpu.memory_space<vmem_shared>>)
    %mul3A_413 = arith.constant 640 : i32
    %mul3A_414 = arith.muli %arg1, %mul3A_413 : i32
    %add3A_415 = arith.constant 576 : i32
    %add3A_416 = arith.addi %mul3A_414, %add3A_415 : i32
    %dma_wait3A_417 = arith.constant 0 : i32
    %dma_wait3A_418 = arith.constant 0 : i32
    %dma_wait3A_419 = tpu.memref_slice %arg18[%dma_wait3A_417, %dma_wait3A_418] : memref<96x128xf32, #tpu.memory_space<vmem>> -> memref<64x128xf32, #tpu.memory_space<vmem>>
    %dma_wait3A_420 = arith.constant 0 : i32
    %dma_wait3A_421 = tpu.memref_slice %arg8[%add3A_416, %dma_wait3A_420] : memref<10240x128xf32, #tpu.memory_space<vmem_shared>> -> memref<64x128xf32, #tpu.memory_space<vmem_shared>>
    %dma_wait3A_422 = arith.constant 0 : i32
    %dma_wait3A_423 = tpu.memref_slice %arg8[%add3A_416, %dma_wait3A_422] : memref<10240x128xf32, #tpu.memory_space<vmem_shared>> -> memref<64x128xf32, #tpu.memory_space<vmem_shared>>
    %dma_wait3A_424 = arith.constant 0 : i32
    %dma_wait3A_425 = arith.constant 0 : i32
    %dma_wait3A_426 = tpu.memref_slice %arg18[%dma_wait3A_424, %dma_wait3A_425] : memref<96x128xf32, #tpu.memory_space<vmem>> -> memref<64x128xf32, #tpu.memory_space<vmem>>
    tpu.wait_dma2 semaphore(%arg28 : memref<!tpu.dma_semaphore, #tpu.memory_space<semaphore_mem>>) src(%dma_wait3A_426 : memref<64x128xf32, #tpu.memory_space<vmem>>) dst(%dma_wait3A_423 : memref<64x128xf32, #tpu.memory_space<vmem_shared>>)
    %dma_wait3A_427 = arith.constant 0 : i32
    %dma_wait3A_428 = tpu.memref_slice %arg20[%dma_wait3A_427] : memref<96xf32, #tpu.memory_space<vmem>> -> memref<64xf32, #tpu.memory_space<vmem>>
    %dma_wait3A_429 = tpu.memref_slice %arg9[%add3A_416] : memref<10240xf32, #tpu.memory_space<vmem_shared>> -> memref<64xf32, #tpu.memory_space<vmem_shared>>
    %dma_wait3A_430 = tpu.memref_slice %arg9[%add3A_416] : memref<10240xf32, #tpu.memory_space<vmem_shared>> -> memref<64xf32, #tpu.memory_space<vmem_shared>>
    %dma_wait3A_431 = arith.constant 0 : i32
    %dma_wait3A_432 = tpu.memref_slice %arg20[%dma_wait3A_431] : memref<96xf32, #tpu.memory_space<vmem>> -> memref<64xf32, #tpu.memory_space<vmem>>
    tpu.wait_dma2 semaphore(%arg30 : memref<!tpu.dma_semaphore, #tpu.memory_space<semaphore_mem>>) src(%dma_wait3A_432 : memref<64xf32, #tpu.memory_space<vmem>>) dst(%dma_wait3A_430 : memref<64xf32, #tpu.memory_space<vmem_shared>>)
    %dma_wait3A_433 = arith.constant 0 : i32
    %dma_wait3A_434 = arith.constant 0 : i32
    %dma_wait3A_435 = tpu.memref_slice %arg3[%dma_wait3A_433, %dma_wait3A_434] : memref<8x10240xf32, #tpu.memory_space<hbm>> -> memref<1x10240xf32, #tpu.memory_space<hbm>>
    %dma_wait3A_436 = tpu.memref_squeeze %dma_wait3A_435 : memref<1x10240xf32, #tpu.memory_space<hbm>> -> memref<10240xf32, #tpu.memory_space<hbm>>
    %dma_wait3A_437 = arith.constant 0 : i32
    %dma_wait3A_438 = tpu.memref_slice %arg3[%dma_wait3A_433, %dma_wait3A_437] : memref<8x10240xf32, #tpu.memory_space<hbm>> -> memref<1x10240xf32, #tpu.memory_space<hbm>>
    %dma_wait3A_439 = tpu.memref_squeeze %dma_wait3A_438 : memref<1x10240xf32, #tpu.memory_space<hbm>> -> memref<10240xf32, #tpu.memory_space<hbm>>
    tpu.wait_dma2 semaphore(%arg22 : memref<!tpu.dma_semaphore, #tpu.memory_space<semaphore_mem>>) src(%dma_wait3A_439 : memref<10240xf32, #tpu.memory_space<hbm>>) dst(%arg10 : memref<10240xf32, #tpu.memory_space<vmem>>)
    %dma_wait3A_440 = arith.constant 1 : i32
    %dma_wait3A_441 = arith.constant 0 : i32
    %dma_wait3A_442 = tpu.memref_slice %arg3[%dma_wait3A_440, %dma_wait3A_441] : memref<8x10240xf32, #tpu.memory_space<hbm>> -> memref<1x10240xf32, #tpu.memory_space<hbm>>
    %dma_wait3A_443 = tpu.memref_squeeze %dma_wait3A_442 : memref<1x10240xf32, #tpu.memory_space<hbm>> -> memref<10240xf32, #tpu.memory_space<hbm>>
    %dma_wait3A_444 = arith.constant 0 : i32
    %dma_wait3A_445 = tpu.memref_slice %arg3[%dma_wait3A_440, %dma_wait3A_444] : memref<8x10240xf32, #tpu.memory_space<hbm>> -> memref<1x10240xf32, #tpu.memory_space<hbm>>
    %dma_wait3A_446 = tpu.memref_squeeze %dma_wait3A_445 : memref<1x10240xf32, #tpu.memory_space<hbm>> -> memref<10240xf32, #tpu.memory_space<hbm>>
    tpu.wait_dma2 semaphore(%arg23 : memref<!tpu.dma_semaphore, #tpu.memory_space<semaphore_mem>>) src(%dma_wait3A_446 : memref<10240xf32, #tpu.memory_space<hbm>>) dst(%arg11 : memref<10240xf32, #tpu.memory_space<vmem>>)
    %barrier3A = arith.constant 0 : index
    tpu.barrier barrier_id(%barrier3A)
    %add3A_447 = arith.constant 0 : i32
    %add3A_448 = arith.addi %mul3A_2, %add3A_447 : i32
    %dma_start3A_449 = tpu.memref_slice %arg4[%add3A_448] : memref<331872xi32, #tpu.memory_space<hbm>> -> memref<96xi32, #tpu.memory_space<hbm>>
    %dma_start3A_450 = tpu.memref_slice %arg4[%add3A_448] : memref<331872xi32, #tpu.memory_space<hbm>> -> memref<96xi32, #tpu.memory_space<hbm>>
    tpu.enqueue_dma source(%dma_start3A_450 : memref<96xi32, #tpu.memory_space<hbm>>) target(%arg12 : memref<96xi32, #tpu.memory_space<vmem>>) target_semaphore(%arg24 : memref<!tpu.dma_semaphore, #tpu.memory_space<semaphore_mem>>)
    %dma_start3A_451 = tpu.memref_slice %arg5[%add3A_448] : memref<331872xi32, #tpu.memory_space<hbm>> -> memref<96xi32, #tpu.memory_space<hbm>>
    %dma_start3A_452 = tpu.memref_slice %arg5[%add3A_448] : memref<331872xi32, #tpu.memory_space<hbm>> -> memref<96xi32, #tpu.memory_space<hbm>>
    tpu.enqueue_dma source(%dma_start3A_452 : memref<96xi32, #tpu.memory_space<hbm>>) target(%arg14 : memref<96xi32, #tpu.memory_space<vmem>>) target_semaphore(%arg26 : memref<!tpu.dma_semaphore, #tpu.memory_space<semaphore_mem>>)
    %add3A_453 = arith.constant 96 : i32
    %add3A_454 = arith.addi %mul3A_2, %add3A_453 : i32
    %dma_start3A_455 = tpu.memref_slice %arg4[%add3A_454] : memref<331872xi32, #tpu.memory_space<hbm>> -> memref<96xi32, #tpu.memory_space<hbm>>
    %dma_start3A_456 = tpu.memref_slice %arg4[%add3A_454] : memref<331872xi32, #tpu.memory_space<hbm>> -> memref<96xi32, #tpu.memory_space<hbm>>
    tpu.enqueue_dma source(%dma_start3A_456 : memref<96xi32, #tpu.memory_space<hbm>>) target(%arg13 : memref<96xi32, #tpu.memory_space<vmem>>) target_semaphore(%arg25 : memref<!tpu.dma_semaphore, #tpu.memory_space<semaphore_mem>>)
    %dma_start3A_457 = tpu.memref_slice %arg5[%add3A_454] : memref<331872xi32, #tpu.memory_space<hbm>> -> memref<96xi32, #tpu.memory_space<hbm>>
    %dma_start3A_458 = tpu.memref_slice %arg5[%add3A_454] : memref<331872xi32, #tpu.memory_space<hbm>> -> memref<96xi32, #tpu.memory_space<hbm>>
    tpu.enqueue_dma source(%dma_start3A_458 : memref<96xi32, #tpu.memory_space<hbm>>) target(%arg15 : memref<96xi32, #tpu.memory_space<vmem>>) target_semaphore(%arg27 : memref<!tpu.dma_semaphore, #tpu.memory_space<semaphore_mem>>)
    %add3A_459 = arith.constant 0 : i32
    %add3A_460 = arith.addi %mul3A_2, %add3A_459 : i32
    %dma_wait3A_461 = tpu.memref_slice %arg4[%add3A_460] : memref<331872xi32, #tpu.memory_space<hbm>> -> memref<96xi32, #tpu.memory_space<hbm>>
    %dma_wait3A_462 = tpu.memref_slice %arg4[%add3A_460] : memref<331872xi32, #tpu.memory_space<hbm>> -> memref<96xi32, #tpu.memory_space<hbm>>
    tpu.wait_dma2 semaphore(%arg24 : memref<!tpu.dma_semaphore, #tpu.memory_space<semaphore_mem>>) src(%dma_wait3A_462 : memref<96xi32, #tpu.memory_space<hbm>>) dst(%arg12 : memref<96xi32, #tpu.memory_space<vmem>>)
    %dma_wait3A_463 = tpu.memref_slice %arg5[%add3A_460] : memref<331872xi32, #tpu.memory_space<hbm>> -> memref<96xi32, #tpu.memory_space<hbm>>
    %dma_wait3A_464 = tpu.memref_slice %arg5[%add3A_460] : memref<331872xi32, #tpu.memory_space<hbm>> -> memref<96xi32, #tpu.memory_space<hbm>>
    tpu.wait_dma2 semaphore(%arg26 : memref<!tpu.dma_semaphore, #tpu.memory_space<semaphore_mem>>) src(%dma_wait3A_464 : memref<96xi32, #tpu.memory_space<hbm>>) dst(%arg14 : memref<96xi32, #tpu.memory_space<vmem>>)
    %dma_start3A_465 = arith.constant 0 : i32
    %dma_start3A_466 = arith.constant 0 : i32
    %dma_start3A_467 = tpu.memref_slice %arg2[%dma_start3A_465, %dma_start3A_466] : memref<10240x128xf32, #tpu.memory_space<hbm>> -> memref<10240x128xf32, #tpu.memory_space<hbm>>
    tpu.enqueue_indirect_dma source(%dma_start3A_467 : memref<10240x128xf32, #tpu.memory_space<hbm>>) target(%arg18 : memref<96x128xf32, #tpu.memory_space<vmem>>) offsets(%arg12 : memref<96xi32, #tpu.memory_space<vmem>>) semaphore(%arg22 : memref<!tpu.dma_semaphore, #tpu.memory_space<semaphore_mem>>)
    %add3A_468 = arith.constant 96 : i32
    %add3A_469 = arith.addi %mul3A_2, %add3A_468 : i32
    %dma_wait3A_470 = tpu.memref_slice %arg4[%add3A_469] : memref<331872xi32, #tpu.memory_space<hbm>> -> memref<96xi32, #tpu.memory_space<hbm>>
    %dma_wait3A_471 = tpu.memref_slice %arg4[%add3A_469] : memref<331872xi32, #tpu.memory_space<hbm>> -> memref<96xi32, #tpu.memory_space<hbm>>
    tpu.wait_dma2 semaphore(%arg25 : memref<!tpu.dma_semaphore, #tpu.memory_space<semaphore_mem>>) src(%dma_wait3A_471 : memref<96xi32, #tpu.memory_space<hbm>>) dst(%arg13 : memref<96xi32, #tpu.memory_space<vmem>>)
    %dma_wait3A_472 = tpu.memref_slice %arg5[%add3A_469] : memref<331872xi32, #tpu.memory_space<hbm>> -> memref<96xi32, #tpu.memory_space<hbm>>
    %dma_wait3A_473 = tpu.memref_slice %arg5[%add3A_469] : memref<331872xi32, #tpu.memory_space<hbm>> -> memref<96xi32, #tpu.memory_space<hbm>>
    tpu.wait_dma2 semaphore(%arg27 : memref<!tpu.dma_semaphore, #tpu.memory_space<semaphore_mem>>) src(%dma_wait3A_473 : memref<96xi32, #tpu.memory_space<hbm>>) dst(%arg15 : memref<96xi32, #tpu.memory_space<vmem>>)
    %dma_start3A_474 = arith.constant 0 : i32
    %dma_start3A_475 = arith.constant 0 : i32
    %dma_start3A_476 = tpu.memref_slice %arg2[%dma_start3A_474, %dma_start3A_475] : memref<10240x128xf32, #tpu.memory_space<hbm>> -> memref<10240x128xf32, #tpu.memory_space<hbm>>
    tpu.enqueue_indirect_dma source(%dma_start3A_476 : memref<10240x128xf32, #tpu.memory_space<hbm>>) target(%arg19 : memref<96x128xf32, #tpu.memory_space<vmem>>) offsets(%arg13 : memref<96xi32, #tpu.memory_space<vmem>>) semaphore(%arg23 : memref<!tpu.dma_semaphore, #tpu.memory_space<semaphore_mem>>)
    %dma_wait3A_477 = arith.constant 0 : i32
    %dma_wait3A_478 = arith.constant 0 : i32
    %dma_wait3A_479 = tpu.memref_slice %arg2[%dma_wait3A_477, %dma_wait3A_478] : memref<10240x128xf32, #tpu.memory_space<hbm>> -> memref<10240x128xf32, #tpu.memory_space<hbm>>
    tpu.wait_indirect_dma semaphore(%arg22 : memref<!tpu.dma_semaphore, #tpu.memory_space<semaphore_mem>>) src(%dma_wait3A_479 : memref<10240x128xf32, #tpu.memory_space<hbm>>) dst(%arg18 : memref<96x128xf32, #tpu.memory_space<vmem>>)
    %parallel_loop3A = arith.constant 0 : i32
    %parallel_loop3A_480 = arith.constant 6 : i32
    %parallel_loop3A_481 = arith.constant 1 : i32
    scf.for %parallel_loop3A_536 = %parallel_loop3A to %parallel_loop3A_480 step %parallel_loop3A_481  : i32 {
      %parallel_loop3A_537 = arith.constant 16 : i32
      %parallel_loop3A_538 = arith.muli %parallel_loop3A_536, %parallel_loop3A_537 : i32
      %parallel_loop3A_539 = arith.index_cast %parallel_loop3A_538 : i32 to index
      %parallel_loop3A_540 = tpu.vector_load %arg12[%parallel_loop3A_539] {strides = array<i32>} : memref<96xi32, #tpu.memory_space<vmem>>, vector<16xi32>,
      %parallel_loop3A_541 = arith.constant 16 : i32
      %parallel_loop3A_542 = arith.muli %parallel_loop3A_536, %parallel_loop3A_541 : i32
      %parallel_loop3A_543 = arith.index_cast %parallel_loop3A_542 : i32 to index
      %parallel_loop3A_544 = tpu.vector_load %arg14[%parallel_loop3A_543] {strides = array<i32>} : memref<96xi32, #tpu.memory_space<vmem>>, vector<16xi32>,
      %parallel_loop3A_545 = tpu.vector_load_idx %arg10[%parallel_loop3A_540] : memref<10240xf32, #tpu.memory_space<vmem>>[vector<16xi32>], vector<16xf32>,
      %parallel_loop3A_546 = tpu.vector_load_idx %arg11[%parallel_loop3A_544] : memref<10240xf32, #tpu.memory_space<vmem>>[vector<16xi32>], vector<16xf32>,
      %parallel_loop3A_547 = arith.addf %parallel_loop3A_545, %parallel_loop3A_546 : vector<16xf32>
      %parallel_loop3A_548 = arith.constant 2.000000e-01 : f32
      %parallel_loop3A_549 = vector.broadcast %parallel_loop3A_548 : f32 to vector<16xf32>
      %parallel_loop3A_550 = arith.mulf %parallel_loop3A_549, %parallel_loop3A_547 : vector<16xf32>
      %parallel_loop3A_551 = arith.maximumf %parallel_loop3A_547, %parallel_loop3A_550 : vector<16xf32>
      %parallel_loop3A_552 = math.exp %parallel_loop3A_551 : vector<16xf32>
      %parallel_loop3A_553 = arith.constant 16 : i32
      %parallel_loop3A_554 = arith.muli %parallel_loop3A_536, %parallel_loop3A_553 : i32
      %parallel_loop3A_555 = arith.index_cast %parallel_loop3A_554 : i32 to index
      %parallel_loop3A_556 = tpu.vector_load %arg20[%parallel_loop3A_555] {strides = array<i32>} : memref<96xf32, #tpu.memory_space<vmem>>, vector<16xf32>,
      tpu.vector_store %arg20[%parallel_loop3A_555], %parallel_loop3A_552 {strides = array<i32>} : memref<96xf32, #tpu.memory_space<vmem>>, vector<16xf32>,
      %parallel_loop3A_557 = arith.constant 16 : i32
      %parallel_loop3A_558 = arith.muli %parallel_loop3A_536, %parallel_loop3A_557 : i32
      %parallel_loop3A_559 = arith.index_cast %parallel_loop3A_558 : i32 to index
      %parallel_loop3A_560 = tpu.vector_load %arg16[%parallel_loop3A_559] {strides = array<i32>} : memref<96xi32, #tpu.memory_space<vmem>>, vector<16xi32>,
      tpu.vector_store %arg16[%parallel_loop3A_559], %parallel_loop3A_544 {strides = array<i32>} : memref<96xi32, #tpu.memory_space<vmem>>, vector<16xi32>,
    } {sc.loop_unroll_factor = 4 : i64, sc.parallel_access}
    %dma_start3A_482 = arith.constant 0 : i32
    %dma_start3A_483 = tpu.memref_slice %arg9[%dma_start3A_482] : memref<10240xf32, #tpu.memory_space<vmem_shared>> -> memref<10240xf32, #tpu.memory_space<vmem_shared>>
    tpu.enqueue_indirect_dma source(%arg20 : memref<96xf32, #tpu.memory_space<vmem>>) target(%dma_start3A_483 : memref<10240xf32, #tpu.memory_space<vmem_shared>>) offsets(%arg16 : memref<96xi32, #tpu.memory_space<vmem>>) semaphore(%arg30 : memref<!tpu.dma_semaphore, #tpu.memory_space<semaphore_mem>>) {add = true}
    %parallel_loop3A_484 = arith.constant 0 : i32
    %parallel_loop3A_485 = arith.constant 96 : i32
    %parallel_loop3A_486 = arith.constant 1 : i32
    scf.for %parallel_loop3A_536 = %parallel_loop3A_484 to %parallel_loop3A_485 step %parallel_loop3A_486  : i32 {
      %parallel_loop3A_537 = arith.constant 0 : i32
      %parallel_loop3A_538 = vector.broadcast %parallel_loop3A_537 : i32 to vector<16xi32>
      %parallel_loop3A_539 = vector.broadcast %parallel_loop3A_536 : i32 to vector<16xi32>
      %parallel_loop3A_540 = arith.addi %parallel_loop3A_538, %parallel_loop3A_539 : vector<16xi32>
      %parallel_loop3A_541 = tpu.vector_load_idx %arg20[%parallel_loop3A_540] : memref<96xf32, #tpu.memory_space<vmem>>[vector<16xi32>], vector<16xf32>,
      %parallel_loop3A_542 = arith.index_cast %parallel_loop3A_536 : i32 to index
      %parallel_loop3A_543 = arith.constant 0 : index
      %parallel_loop3A_544 = tpu.vector_load %arg18[%parallel_loop3A_542, %parallel_loop3A_543] {strides = array<i32>} : memref<96x128xf32, #tpu.memory_space<vmem>>, vector<16xf32>,
      %parallel_loop3A_545 = arith.mulf %parallel_loop3A_544, %parallel_loop3A_541 : vector<16xf32>
      %parallel_loop3A_546 = arith.index_cast %parallel_loop3A_536 : i32 to index
      %parallel_loop3A_547 = arith.constant 0 : index
      %parallel_loop3A_548 = tpu.vector_load %arg18[%parallel_loop3A_546, %parallel_loop3A_547] {strides = array<i32>} : memref<96x128xf32, #tpu.memory_space<vmem>>, vector<16xf32>,
      tpu.vector_store %arg18[%parallel_loop3A_546, %parallel_loop3A_547], %parallel_loop3A_545 {strides = array<i32>} : memref<96x128xf32, #tpu.memory_space<vmem>>, vector<16xf32>,
      %parallel_loop3A_549 = arith.index_cast %parallel_loop3A_536 : i32 to index
      %parallel_loop3A_550 = arith.constant 16 : index
      %parallel_loop3A_551 = tpu.vector_load %arg18[%parallel_loop3A_549, %parallel_loop3A_550] {strides = array<i32>} : memref<96x128xf32, #tpu.memory_space<vmem>>, vector<16xf32>,
      %parallel_loop3A_552 = arith.mulf %parallel_loop3A_551, %parallel_loop3A_541 : vector<16xf32>
      %parallel_loop3A_553 = arith.index_cast %parallel_loop3A_536 : i32 to index
      %parallel_loop3A_554 = arith.constant 16 : index
      %parallel_loop3A_555 = tpu.vector_load %arg18[%parallel_loop3A_553, %parallel_loop3A_554] {strides = array<i32>} : memref<96x128xf32, #tpu.memory_space<vmem>>, vector<16xf32>,
      tpu.vector_store %arg18[%parallel_loop3A_553, %parallel_loop3A_554], %parallel_loop3A_552 {strides = array<i32>} : memref<96x128xf32, #tpu.memory_space<vmem>>, vector<16xf32>,
      %parallel_loop3A_556 = arith.index_cast %parallel_loop3A_536 : i32 to index
      %parallel_loop3A_557 = arith.constant 32 : index
      %parallel_loop3A_558 = tpu.vector_load %arg18[%parallel_loop3A_556, %parallel_loop3A_557] {strides = array<i32>} : memref<96x128xf32, #tpu.memory_space<vmem>>, vector<16xf32>,
      %parallel_loop3A_559 = arith.mulf %parallel_loop3A_558, %parallel_loop3A_541 : vector<16xf32>
      %parallel_loop3A_560 = arith.index_cast %parallel_loop3A_536 : i32 to index
      %parallel_loop3A_561 = arith.constant 32 : index
      %parallel_loop3A_562 = tpu.vector_load %arg18[%parallel_loop3A_560, %parallel_loop3A_561] {strides = array<i32>} : memref<96x128xf32, #tpu.memory_space<vmem>>, vector<16xf32>,
      tpu.vector_store %arg18[%parallel_loop3A_560, %parallel_loop3A_561], %parallel_loop3A_559 {strides = array<i32>} : memref<96x128xf32, #tpu.memory_space<vmem>>, vector<16xf32>,
      %parallel_loop3A_563 = arith.index_cast %parallel_loop3A_536 : i32 to index
      %parallel_loop3A_564 = arith.constant 48 : index
      %parallel_loop3A_565 = tpu.vector_load %arg18[%parallel_loop3A_563, %parallel_loop3A_564] {strides = array<i32>} : memref<96x128xf32, #tpu.memory_space<vmem>>, vector<16xf32>,
      %parallel_loop3A_566 = arith.mulf %parallel_loop3A_565, %parallel_loop3A_541 : vector<16xf32>
      %parallel_loop3A_567 = arith.index_cast %parallel_loop3A_536 : i32 to index
      %parallel_loop3A_568 = arith.constant 48 : index
      %parallel_loop3A_569 = tpu.vector_load %arg18[%parallel_loop3A_567, %parallel_loop3A_568] {strides = array<i32>} : memref<96x128xf32, #tpu.memory_space<vmem>>, vector<16xf32>,
      tpu.vector_store %arg18[%parallel_loop3A_567, %parallel_loop3A_568], %parallel_loop3A_566 {strides = array<i32>} : memref<96x128xf32, #tpu.memory_space<vmem>>, vector<16xf32>,
      %parallel_loop3A_570 = arith.index_cast %parallel_loop3A_536 : i32 to index
      %parallel_loop3A_571 = arith.constant 64 : index
      %parallel_loop3A_572 = tpu.vector_load %arg18[%parallel_loop3A_570, %parallel_loop3A_571] {strides = array<i32>} : memref<96x128xf32, #tpu.memory_space<vmem>>, vector<16xf32>,
      %parallel_loop3A_573 = arith.mulf %parallel_loop3A_572, %parallel_loop3A_541 : vector<16xf32>
      %parallel_loop3A_574 = arith.index_cast %parallel_loop3A_536 : i32 to index
      %parallel_loop3A_575 = arith.constant 64 : index
      %parallel_loop3A_576 = tpu.vector_load %arg18[%parallel_loop3A_574, %parallel_loop3A_575] {strides = array<i32>} : memref<96x128xf32, #tpu.memory_space<vmem>>, vector<16xf32>,
      tpu.vector_store %arg18[%parallel_loop3A_574, %parallel_loop3A_575], %parallel_loop3A_573 {strides = array<i32>} : memref<96x128xf32, #tpu.memory_space<vmem>>, vector<16xf32>,
      %parallel_loop3A_577 = arith.index_cast %parallel_loop3A_536 : i32 to index
      %parallel_loop3A_578 = arith.constant 80 : index
      %parallel_loop3A_579 = tpu.vector_load %arg18[%parallel_loop3A_577, %parallel_loop3A_578] {strides = array<i32>} : memref<96x128xf32, #tpu.memory_space<vmem>>, vector<16xf32>,
      %parallel_loop3A_580 = arith.mulf %parallel_loop3A_579, %parallel_loop3A_541 : vector<16xf32>
      %parallel_loop3A_581 = arith.index_cast %parallel_loop3A_536 : i32 to index
      %parallel_loop3A_582 = arith.constant 80 : index
      %parallel_loop3A_583 = tpu.vector_load %arg18[%parallel_loop3A_581, %parallel_loop3A_582] {strides = array<i32>} : memref<96x128xf32, #tpu.memory_space<vmem>>, vector<16xf32>,
      tpu.vector_store %arg18[%parallel_loop3A_581, %parallel_loop3A_582], %parallel_loop3A_580 {strides = array<i32>} : memref<96x128xf32, #tpu.memory_space<vmem>>, vector<16xf32>,
      %parallel_loop3A_584 = arith.index_cast %parallel_loop3A_536 : i32 to index
      %parallel_loop3A_585 = arith.constant 96 : index
      %parallel_loop3A_586 = tpu.vector_load %arg18[%parallel_loop3A_584, %parallel_loop3A_585] {strides = array<i32>} : memref<96x128xf32, #tpu.memory_space<vmem>>, vector<16xf32>,
      %parallel_loop3A_587 = arith.mulf %parallel_loop3A_586, %parallel_loop3A_541 : vector<16xf32>
      %parallel_loop3A_588 = arith.index_cast %parallel_loop3A_536 : i32 to index
      %parallel_loop3A_589 = arith.constant 96 : index
      %parallel_loop3A_590 = tpu.vector_load %arg18[%parallel_loop3A_588, %parallel_loop3A_589] {strides = array<i32>} : memref<96x128xf32, #tpu.memory_space<vmem>>, vector<16xf32>,
      tpu.vector_store %arg18[%parallel_loop3A_588, %parallel_loop3A_589], %parallel_loop3A_587 {strides = array<i32>} : memref<96x128xf32, #tpu.memory_space<vmem>>, vector<16xf32>,
      %parallel_loop3A_591 = arith.index_cast %parallel_loop3A_536 : i32 to index
      %parallel_loop3A_592 = arith.constant 112 : index
      %parallel_loop3A_593 = tpu.vector_load %arg18[%parallel_loop3A_591, %parallel_loop3A_592] {strides = array<i32>} : memref<96x128xf32, #tpu.memory_space<vmem>>, vector<16xf32>,
      %parallel_loop3A_594 = arith.mulf %parallel_loop3A_593, %parallel_loop3A_541 : vector<16xf32>
      %parallel_loop3A_595 = arith.index_cast %parallel_loop3A_536 : i32 to index
      %parallel_loop3A_596 = arith.constant 112 : index
      %parallel_loop3A_597 = tpu.vector_load %arg18[%parallel_loop3A_595, %parallel_loop3A_596] {strides = array<i32>} : memref<96x128xf32, #tpu.memory_space<vmem>>, vector<16xf32>,
      tpu.vector_store %arg18[%parallel_loop3A_595, %parallel_loop3A_596], %parallel_loop3A_594 {strides = array<i32>} : memref<96x128xf32, #tpu.memory_space<vmem>>, vector<16xf32>,
    } {sc.loop_unroll_factor = 4 : i64, sc.parallel_access}
    %dma_start3A_487 = arith.constant 0 : i32
    %dma_start3A_488 = arith.constant 0 : i32
    %dma_start3A_489 = tpu.memref_slice %arg8[%dma_start3A_487, %dma_start3A_488] : memref<10240x128xf32, #tpu.memory_space<vmem_shared>> -> memref<10240x128xf32, #tpu.memory_space<vmem_shared>>
    tpu.enqueue_indirect_dma source(%arg18 : memref<96x128xf32, #tpu.memory_space<vmem>>) target(%dma_start3A_489 : memref<10240x128xf32, #tpu.memory_space<vmem_shared>>) offsets(%arg16 : memref<96xi32, #tpu.memory_space<vmem>>) semaphore(%arg28 : memref<!tpu.dma_semaphore, #tpu.memory_space<semaphore_mem>>) {add = true}
    %add3A_490 = arith.constant 192 : i32
    %add3A_491 = arith.addi %mul3A_2, %add3A_490 : i32
    %dma_start3A_492 = tpu.memref_slice %arg4[%add3A_491] : memref<331872xi32, #tpu.memory_space<hbm>> -> memref<96xi32, #tpu.memory_space<hbm>>
    %dma_start3A_493 = tpu.memref_slice %arg4[%add3A_491] : memref<331872xi32, #tpu.memory_space<hbm>> -> memref<96xi32, #tpu.memory_space<hbm>>
    tpu.enqueue_dma source(%dma_start3A_493 : memref<96xi32, #tpu.memory_space<hbm>>) target(%arg12 : memref<96xi32, #tpu.memory_space<vmem>>) target_semaphore(%arg24 : memref<!tpu.dma_semaphore, #tpu.memory_space<semaphore_mem>>)
    %dma_start3A_494 = tpu.memref_slice %arg5[%add3A_491] : memref<331872xi32, #tpu.memory_space<hbm>> -> memref<96xi32, #tpu.memory_space<hbm>>
    %dma_start3A_495 = tpu.memref_slice %arg5[%add3A_491] : memref<331872xi32, #tpu.memory_space<hbm>> -> memref<96xi32, #tpu.memory_space<hbm>>
    tpu.enqueue_dma source(%dma_start3A_495 : memref<96xi32, #tpu.memory_space<hbm>>) target(%arg14 : memref<96xi32, #tpu.memory_space<vmem>>) target_semaphore(%arg26 : memref<!tpu.dma_semaphore, #tpu.memory_space<semaphore_mem>>)
    %scan3A_496 = arith.constant 0 : i32
    %scan3A_497 = arith.constant 0 : i32
    %scan3A_498 = arith.constant 53 : i32
    %scan3A_499 = arith.addi %scan3A_497, %scan3A_498 : i32
    %scan3A_500 = arith.constant 1 : i32
    %scan3A_501 = scf.for %scan3A_536 = %scan3A_497 to %scan3A_499 step %scan3A_500 iter_args(%scan3A_537 = %scan3A_496) -> (i32)  : i32 {
      %mul3A_538 = arith.constant 2 : i32
      %mul3A_539 = arith.muli %mul3A_538, %scan3A_536 : i32
      %add3A_540 = arith.constant 1 : i32
      %add3A_541 = arith.addi %mul3A_539, %add3A_540 : i32
      %sub3A = arith.constant 1 : i32
      %sub3A_542 = arith.subi %add3A_541, %sub3A : i32
      %dma_wait3A_543 = arith.constant 0 : i32
      %dma_wait3A_544 = tpu.memref_slice %arg9[%dma_wait3A_543] : memref<10240xf32, #tpu.memory_space<vmem_shared>> -> memref<10240xf32, #tpu.memory_space<vmem_shared>>
      tpu.wait_indirect_dma semaphore(%arg30 : memref<!tpu.dma_semaphore, #tpu.memory_space<semaphore_mem>>) src(%arg20 : memref<96xf32, #tpu.memory_space<vmem>>) dst(%dma_wait3A_544 : memref<10240xf32, #tpu.memory_space<vmem_shared>>)
      %dma_wait3A_545 = arith.constant 0 : i32
      %dma_wait3A_546 = arith.constant 0 : i32
      %dma_wait3A_547 = tpu.memref_slice %arg8[%dma_wait3A_545, %dma_wait3A_546] : memref<10240x128xf32, #tpu.memory_space<vmem_shared>> -> memref<10240x128xf32, #tpu.memory_space<vmem_shared>>
      tpu.wait_indirect_dma semaphore(%arg28 : memref<!tpu.dma_semaphore, #tpu.memory_space<semaphore_mem>>) src(%arg18 : memref<96x128xf32, #tpu.memory_space<vmem>>) dst(%dma_wait3A_547 : memref<10240x128xf32, #tpu.memory_space<vmem_shared>>)
      %add3A_548 = arith.constant 1 : i32
      %add3A_549 = arith.addi %add3A_541, %add3A_548 : i32
      %mul3A_550 = arith.constant 96 : i32
      %mul3A_551 = arith.muli %add3A_549, %mul3A_550 : i32
      %add3A_552 = arith.addi %mul3A_2, %mul3A_551 : i32
      %dma_wait3A_553 = tpu.memref_slice %arg4[%add3A_552] : memref<331872xi32, #tpu.memory_space<hbm>> -> memref<96xi32, #tpu.memory_space<hbm>>
      %dma_wait3A_554 = tpu.memref_slice %arg4[%add3A_552] : memref<331872xi32, #tpu.memory_space<hbm>> -> memref<96xi32, #tpu.memory_space<hbm>>
      tpu.wait_dma2 semaphore(%arg24 : memref<!tpu.dma_semaphore, #tpu.memory_space<semaphore_mem>>) src(%dma_wait3A_554 : memref<96xi32, #tpu.memory_space<hbm>>) dst(%arg12 : memref<96xi32, #tpu.memory_space<vmem>>)
      %dma_wait3A_555 = tpu.memref_slice %arg5[%add3A_552] : memref<331872xi32, #tpu.memory_space<hbm>> -> memref<96xi32, #tpu.memory_space<hbm>>
      %dma_wait3A_556 = tpu.memref_slice %arg5[%add3A_552] : memref<331872xi32, #tpu.memory_space<hbm>> -> memref<96xi32, #tpu.memory_space<hbm>>
      tpu.wait_dma2 semaphore(%arg26 : memref<!tpu.dma_semaphore, #tpu.memory_space<semaphore_mem>>) src(%dma_wait3A_556 : memref<96xi32, #tpu.memory_space<hbm>>) dst(%arg14 : memref<96xi32, #tpu.memory_space<vmem>>)
      %add3A_557 = arith.constant 1 : i32
      %add3A_558 = arith.addi %add3A_541, %add3A_557 : i32
      %dma_start3A_559 = arith.constant 0 : i32
      %dma_start3A_560 = arith.constant 0 : i32
      %dma_start3A_561 = tpu.memref_slice %arg2[%dma_start3A_559, %dma_start3A_560] : memref<10240x128xf32, #tpu.memory_space<hbm>> -> memref<10240x128xf32, #tpu.memory_space<hbm>>
      tpu.enqueue_indirect_dma source(%dma_start3A_561 : memref<10240x128xf32, #tpu.memory_space<hbm>>) target(%arg18 : memref<96x128xf32, #tpu.memory_space<vmem>>) offsets(%arg12 : memref<96xi32, #tpu.memory_space<vmem>>) semaphore(%arg22 : memref<!tpu.dma_semaphore, #tpu.memory_space<semaphore_mem>>)
      %dma_wait3A_562 = arith.constant 0 : i32
      %dma_wait3A_563 = arith.constant 0 : i32
      %dma_wait3A_564 = tpu.memref_slice %arg2[%dma_wait3A_562, %dma_wait3A_563] : memref<10240x128xf32, #tpu.memory_space<hbm>> -> memref<10240x128xf32, #tpu.memory_space<hbm>>
      tpu.wait_indirect_dma semaphore(%arg23 : memref<!tpu.dma_semaphore, #tpu.memory_space<semaphore_mem>>) src(%dma_wait3A_564 : memref<10240x128xf32, #tpu.memory_space<hbm>>) dst(%arg19 : memref<96x128xf32, #tpu.memory_space<vmem>>)
      %parallel_loop3A_565 = arith.constant 0 : i32
      %parallel_loop3A_566 = arith.constant 6 : i32
      %parallel_loop3A_567 = arith.constant 1 : i32
      scf.for %parallel_loop3A_634 = %parallel_loop3A_565 to %parallel_loop3A_566 step %parallel_loop3A_567  : i32 {
        %parallel_loop3A_635 = arith.constant 16 : i32
        %parallel_loop3A_636 = arith.muli %parallel_loop3A_634, %parallel_loop3A_635 : i32
        %parallel_loop3A_637 = arith.index_cast %parallel_loop3A_636 : i32 to index
        %parallel_loop3A_638 = tpu.vector_load %arg13[%parallel_loop3A_637] {strides = array<i32>} : memref<96xi32, #tpu.memory_space<vmem>>, vector<16xi32>,
        %parallel_loop3A_639 = arith.constant 16 : i32
        %parallel_loop3A_640 = arith.muli %parallel_loop3A_634, %parallel_loop3A_639 : i32
        %parallel_loop3A_641 = arith.index_cast %parallel_loop3A_640 : i32 to index
        %parallel_loop3A_642 = tpu.vector_load %arg15[%parallel_loop3A_641] {strides = array<i32>} : memref<96xi32, #tpu.memory_space<vmem>>, vector<16xi32>,
        %parallel_loop3A_643 = tpu.vector_load_idx %arg10[%parallel_loop3A_638] : memref<10240xf32, #tpu.memory_space<vmem>>[vector<16xi32>], vector<16xf32>,
        %parallel_loop3A_644 = tpu.vector_load_idx %arg11[%parallel_loop3A_642] : memref<10240xf32, #tpu.memory_space<vmem>>[vector<16xi32>], vector<16xf32>,
        %parallel_loop3A_645 = arith.addf %parallel_loop3A_643, %parallel_loop3A_644 : vector<16xf32>
        %parallel_loop3A_646 = arith.constant 2.000000e-01 : f32
        %parallel_loop3A_647 = vector.broadcast %parallel_loop3A_646 : f32 to vector<16xf32>
        %parallel_loop3A_648 = arith.mulf %parallel_loop3A_647, %parallel_loop3A_645 : vector<16xf32>
        %parallel_loop3A_649 = arith.maximumf %parallel_loop3A_645, %parallel_loop3A_648 : vector<16xf32>
        %parallel_loop3A_650 = math.exp %parallel_loop3A_649 : vector<16xf32>
        %parallel_loop3A_651 = arith.constant 16 : i32
        %parallel_loop3A_652 = arith.muli %parallel_loop3A_634, %parallel_loop3A_651 : i32
        %parallel_loop3A_653 = arith.index_cast %parallel_loop3A_652 : i32 to index
        %parallel_loop3A_654 = tpu.vector_load %arg21[%parallel_loop3A_653] {strides = array<i32>} : memref<96xf32, #tpu.memory_space<vmem>>, vector<16xf32>,
        tpu.vector_store %arg21[%parallel_loop3A_653], %parallel_loop3A_650 {strides = array<i32>} : memref<96xf32, #tpu.memory_space<vmem>>, vector<16xf32>,
        %parallel_loop3A_655 = arith.constant 16 : i32
        %parallel_loop3A_656 = arith.muli %parallel_loop3A_634, %parallel_loop3A_655 : i32
        %parallel_loop3A_657 = arith.index_cast %parallel_loop3A_656 : i32 to index
        %parallel_loop3A_658 = tpu.vector_load %arg17[%parallel_loop3A_657] {strides = array<i32>} : memref<96xi32, #tpu.memory_space<vmem>>, vector<16xi32>,
        tpu.vector_store %arg17[%parallel_loop3A_657], %parallel_loop3A_642 {strides = array<i32>} : memref<96xi32, #tpu.memory_space<vmem>>, vector<16xi32>,
      } {sc.loop_unroll_factor = 4 : i64, sc.parallel_access}
      %dma_start3A_568 = arith.constant 0 : i32
      %dma_start3A_569 = tpu.memref_slice %arg9[%dma_start3A_568] : memref<10240xf32, #tpu.memory_space<vmem_shared>> -> memref<10240xf32, #tpu.memory_space<vmem_shared>>
      tpu.enqueue_indirect_dma source(%arg21 : memref<96xf32, #tpu.memory_space<vmem>>) target(%dma_start3A_569 : memref<10240xf32, #tpu.memory_space<vmem_shared>>) offsets(%arg17 : memref<96xi32, #tpu.memory_space<vmem>>) semaphore(%arg31 : memref<!tpu.dma_semaphore, #tpu.memory_space<semaphore_mem>>) {add = true}
      %parallel_loop3A_570 = arith.constant 0 : i32
      %parallel_loop3A_571 = arith.constant 96 : i32
      %parallel_loop3A_572 = arith.constant 1 : i32
      scf.for %parallel_loop3A_634 = %parallel_loop3A_570 to %parallel_loop3A_571 step %parallel_loop3A_572  : i32 {
        %parallel_loop3A_635 = arith.constant 0 : i32
        %parallel_loop3A_636 = vector.broadcast %parallel_loop3A_635 : i32 to vector<16xi32>
        %parallel_loop3A_637 = vector.broadcast %parallel_loop3A_634 : i32 to vector<16xi32>
        %parallel_loop3A_638 = arith.addi %parallel_loop3A_636, %parallel_loop3A_637 : vector<16xi32>
        %parallel_loop3A_639 = tpu.vector_load_idx %arg21[%parallel_loop3A_638] : memref<96xf32, #tpu.memory_space<vmem>>[vector<16xi32>], vector<16xf32>,
        %parallel_loop3A_640 = arith.index_cast %parallel_loop3A_634 : i32 to index
        %parallel_loop3A_641 = arith.constant 0 : index
        %parallel_loop3A_642 = tpu.vector_load %arg19[%parallel_loop3A_640, %parallel_loop3A_641] {strides = array<i32>} : memref<96x128xf32, #tpu.memory_space<vmem>>, vector<16xf32>,
        %parallel_loop3A_643 = arith.mulf %parallel_loop3A_642, %parallel_loop3A_639 : vector<16xf32>
        %parallel_loop3A_644 = arith.index_cast %parallel_loop3A_634 : i32 to index
        %parallel_loop3A_645 = arith.constant 0 : index
        %parallel_loop3A_646 = tpu.vector_load %arg19[%parallel_loop3A_644, %parallel_loop3A_645] {strides = array<i32>} : memref<96x128xf32, #tpu.memory_space<vmem>>, vector<16xf32>,
        tpu.vector_store %arg19[%parallel_loop3A_644, %parallel_loop3A_645], %parallel_loop3A_643 {strides = array<i32>} : memref<96x128xf32, #tpu.memory_space<vmem>>, vector<16xf32>,
        %parallel_loop3A_647 = arith.index_cast %parallel_loop3A_634 : i32 to index
        %parallel_loop3A_648 = arith.constant 16 : index
        %parallel_loop3A_649 = tpu.vector_load %arg19[%parallel_loop3A_647, %parallel_loop3A_648] {strides = array<i32>} : memref<96x128xf32, #tpu.memory_space<vmem>>, vector<16xf32>,
        %parallel_loop3A_650 = arith.mulf %parallel_loop3A_649, %parallel_loop3A_639 : vector<16xf32>
        %parallel_loop3A_651 = arith.index_cast %parallel_loop3A_634 : i32 to index
        %parallel_loop3A_652 = arith.constant 16 : index
        %parallel_loop3A_653 = tpu.vector_load %arg19[%parallel_loop3A_651, %parallel_loop3A_652] {strides = array<i32>} : memref<96x128xf32, #tpu.memory_space<vmem>>, vector<16xf32>,
        tpu.vector_store %arg19[%parallel_loop3A_651, %parallel_loop3A_652], %parallel_loop3A_650 {strides = array<i32>} : memref<96x128xf32, #tpu.memory_space<vmem>>, vector<16xf32>,
        %parallel_loop3A_654 = arith.index_cast %parallel_loop3A_634 : i32 to index
        %parallel_loop3A_655 = arith.constant 32 : index
        %parallel_loop3A_656 = tpu.vector_load %arg19[%parallel_loop3A_654, %parallel_loop3A_655] {strides = array<i32>} : memref<96x128xf32, #tpu.memory_space<vmem>>, vector<16xf32>,
        %parallel_loop3A_657 = arith.mulf %parallel_loop3A_656, %parallel_loop3A_639 : vector<16xf32>
        %parallel_loop3A_658 = arith.index_cast %parallel_loop3A_634 : i32 to index
        %parallel_loop3A_659 = arith.constant 32 : index
        %parallel_loop3A_660 = tpu.vector_load %arg19[%parallel_loop3A_658, %parallel_loop3A_659] {strides = array<i32>} : memref<96x128xf32, #tpu.memory_space<vmem>>, vector<16xf32>,
        tpu.vector_store %arg19[%parallel_loop3A_658, %parallel_loop3A_659], %parallel_loop3A_657 {strides = array<i32>} : memref<96x128xf32, #tpu.memory_space<vmem>>, vector<16xf32>,
        %parallel_loop3A_661 = arith.index_cast %parallel_loop3A_634 : i32 to index
        %parallel_loop3A_662 = arith.constant 48 : index
        %parallel_loop3A_663 = tpu.vector_load %arg19[%parallel_loop3A_661, %parallel_loop3A_662] {strides = array<i32>} : memref<96x128xf32, #tpu.memory_space<vmem>>, vector<16xf32>,
        %parallel_loop3A_664 = arith.mulf %parallel_loop3A_663, %parallel_loop3A_639 : vector<16xf32>
        %parallel_loop3A_665 = arith.index_cast %parallel_loop3A_634 : i32 to index
        %parallel_loop3A_666 = arith.constant 48 : index
        %parallel_loop3A_667 = tpu.vector_load %arg19[%parallel_loop3A_665, %parallel_loop3A_666] {strides = array<i32>} : memref<96x128xf32, #tpu.memory_space<vmem>>, vector<16xf32>,
        tpu.vector_store %arg19[%parallel_loop3A_665, %parallel_loop3A_666], %parallel_loop3A_664 {strides = array<i32>} : memref<96x128xf32, #tpu.memory_space<vmem>>, vector<16xf32>,
        %parallel_loop3A_668 = arith.index_cast %parallel_loop3A_634 : i32 to index
        %parallel_loop3A_669 = arith.constant 64 : index
        %parallel_loop3A_670 = tpu.vector_load %arg19[%parallel_loop3A_668, %parallel_loop3A_669] {strides = array<i32>} : memref<96x128xf32, #tpu.memory_space<vmem>>, vector<16xf32>,
        %parallel_loop3A_671 = arith.mulf %parallel_loop3A_670, %parallel_loop3A_639 : vector<16xf32>
        %parallel_loop3A_672 = arith.index_cast %parallel_loop3A_634 : i32 to index
        %parallel_loop3A_673 = arith.constant 64 : index
        %parallel_loop3A_674 = tpu.vector_load %arg19[%parallel_loop3A_672, %parallel_loop3A_673] {strides = array<i32>} : memref<96x128xf32, #tpu.memory_space<vmem>>, vector<16xf32>,
        tpu.vector_store %arg19[%parallel_loop3A_672, %parallel_loop3A_673], %parallel_loop3A_671 {strides = array<i32>} : memref<96x128xf32, #tpu.memory_space<vmem>>, vector<16xf32>,
        %parallel_loop3A_675 = arith.index_cast %parallel_loop3A_634 : i32 to index
        %parallel_loop3A_676 = arith.constant 80 : index
        %parallel_loop3A_677 = tpu.vector_load %arg19[%parallel_loop3A_675, %parallel_loop3A_676] {strides = array<i32>} : memref<96x128xf32, #tpu.memory_space<vmem>>, vector<16xf32>,
        %parallel_loop3A_678 = arith.mulf %parallel_loop3A_677, %parallel_loop3A_639 : vector<16xf32>
        %parallel_loop3A_679 = arith.index_cast %parallel_loop3A_634 : i32 to index
        %parallel_loop3A_680 = arith.constant 80 : index
        %parallel_loop3A_681 = tpu.vector_load %arg19[%parallel_loop3A_679, %parallel_loop3A_680] {strides = array<i32>} : memref<96x128xf32, #tpu.memory_space<vmem>>, vector<16xf32>,
        tpu.vector_store %arg19[%parallel_loop3A_679, %parallel_loop3A_680], %parallel_loop3A_678 {strides = array<i32>} : memref<96x128xf32, #tpu.memory_space<vmem>>, vector<16xf32>,
        %parallel_loop3A_682 = arith.index_cast %parallel_loop3A_634 : i32 to index
        %parallel_loop3A_683 = arith.constant 96 : index
        %parallel_loop3A_684 = tpu.vector_load %arg19[%parallel_loop3A_682, %parallel_loop3A_683] {strides = array<i32>} : memref<96x128xf32, #tpu.memory_space<vmem>>, vector<16xf32>,
        %parallel_loop3A_685 = arith.mulf %parallel_loop3A_684, %parallel_loop3A_639 : vector<16xf32>
        %parallel_loop3A_686 = arith.index_cast %parallel_loop3A_634 : i32 to index
        %parallel_loop3A_687 = arith.constant 96 : index
        %parallel_loop3A_688 = tpu.vector_load %arg19[%parallel_loop3A_686, %parallel_loop3A_687] {strides = array<i32>} : memref<96x128xf32, #tpu.memory_space<vmem>>, vector<16xf32>,
        tpu.vector_store %arg19[%parallel_loop3A_686, %parallel_loop3A_687], %parallel_loop3A_685 {strides = array<i32>} : memref<96x128xf32, #tpu.memory_space<vmem>>, vector<16xf32>,
        %parallel_loop3A_689 = arith.index_cast %parallel_loop3A_634 : i32 to index
        %parallel_loop3A_690 = arith.constant 112 : index
        %parallel_loop3A_691 = tpu.vector_load %arg19[%parallel_loop3A_689, %parallel_loop3A_690] {strides = array<i32>} : memref<96x128xf32, #tpu.memory_space<vmem>>, vector<16xf32>,
        %parallel_loop3A_692 = arith.mulf %parallel_loop3A_691, %parallel_loop3A_639 : vector<16xf32>
        %parallel_loop3A_693 = arith.index_cast %parallel_loop3A_634 : i32 to index
        %parallel_loop3A_694 = arith.constant 112 : index
        %parallel_loop3A_695 = tpu.vector_load %arg19[%parallel_loop3A_693, %parallel_loop3A_694] {strides = array<i32>} : memref<96x128xf32, #tpu.memory_space<vmem>>, vector<16xf32>,
        tpu.vector_store %arg19[%parallel_loop3A_693, %parallel_loop3A_694], %parallel_loop3A_692 {strides = array<i32>} : memref<96x128xf32, #tpu.memory_space<vmem>>, vector<16xf32>,
      } {sc.loop_unroll_factor = 4 : i64, sc.parallel_access}
      %dma_start3A_573 = arith.constant 0 : i32
      %dma_start3A_574 = arith.constant 0 : i32
      %dma_start3A_575 = tpu.memref_slice %arg8[%dma_start3A_573, %dma_start3A_574] : memref<10240x128xf32, #tpu.memory_space<vmem_shared>> -> memref<10240x128xf32, #tpu.memory_space<vmem_shared>>
      tpu.enqueue_indirect_dma source(%arg19 : memref<96x128xf32, #tpu.memory_space<vmem>>) target(%dma_start3A_575 : memref<10240x128xf32, #tpu.memory_space<vmem_shared>>) offsets(%arg17 : memref<96xi32, #tpu.memory_space<vmem>>) semaphore(%arg29 : memref<!tpu.dma_semaphore, #tpu.memory_space<semaphore_mem>>) {add = true}
      %add3A_576 = arith.constant 2 : i32
      %add3A_577 = arith.addi %add3A_541, %add3A_576 : i32
      %mul3A_578 = arith.constant 96 : i32
      %mul3A_579 = arith.muli %add3A_577, %mul3A_578 : i32
      %add3A_580 = arith.addi %mul3A_2, %mul3A_579 : i32
      %dma_start3A_581 = tpu.memref_slice %arg4[%add3A_580] : memref<331872xi32, #tpu.memory_space<hbm>> -> memref<96xi32, #tpu.memory_space<hbm>>
      %dma_start3A_582 = tpu.memref_slice %arg4[%add3A_580] : memref<331872xi32, #tpu.memory_space<hbm>> -> memref<96xi32, #tpu.memory_space<hbm>>
      tpu.enqueue_dma source(%dma_start3A_582 : memref<96xi32, #tpu.memory_space<hbm>>) target(%arg13 : memref<96xi32, #tpu.memory_space<vmem>>) target_semaphore(%arg25 : memref<!tpu.dma_semaphore, #tpu.memory_space<semaphore_mem>>)
      %dma_start3A_583 = tpu.memref_slice %arg5[%add3A_580] : memref<331872xi32, #tpu.memory_space<hbm>> -> memref<96xi32, #tpu.memory_space<hbm>>
      %dma_start3A_584 = tpu.memref_slice %arg5[%add3A_580] : memref<331872xi32, #tpu.memory_space<hbm>> -> memref<96xi32, #tpu.memory_space<hbm>>
      tpu.enqueue_dma source(%dma_start3A_584 : memref<96xi32, #tpu.memory_space<hbm>>) target(%arg15 : memref<96xi32, #tpu.memory_space<vmem>>) target_semaphore(%arg27 : memref<!tpu.dma_semaphore, #tpu.memory_space<semaphore_mem>>)
      %mul3A_585 = arith.constant 2 : i32
      %mul3A_586 = arith.muli %mul3A_585, %scan3A_536 : i32
      %add3A_587 = arith.constant 2 : i32
      %add3A_588 = arith.addi %mul3A_586, %add3A_587 : i32
      %sub3A_589 = arith.constant 1 : i32
      %sub3A_590 = arith.subi %add3A_588, %sub3A_589 : i32
      %dma_wait3A_591 = arith.constant 0 : i32
      %dma_wait3A_592 = tpu.memref_slice %arg9[%dma_wait3A_591] : memref<10240xf32, #tpu.memory_space<vmem_shared>> -> memref<10240xf32, #tpu.memory_space<vmem_shared>>
      tpu.wait_indirect_dma semaphore(%arg31 : memref<!tpu.dma_semaphore, #tpu.memory_space<semaphore_mem>>) src(%arg21 : memref<96xf32, #tpu.memory_space<vmem>>) dst(%dma_wait3A_592 : memref<10240xf32, #tpu.memory_space<vmem_shared>>)
      %dma_wait3A_593 = arith.constant 0 : i32
      %dma_wait3A_594 = arith.constant 0 : i32
      %dma_wait3A_595 = tpu.memref_slice %arg8[%dma_wait3A_593, %dma_wait3A_594] : memref<10240x128xf32, #tpu.memory_space<vmem_shared>> -> memref<10240x128xf32, #tpu.memory_space<vmem_shared>>
      tpu.wait_indirect_dma semaphore(%arg29 : memref<!tpu.dma_semaphore, #tpu.memory_space<semaphore_mem>>) src(%arg19 : memref<96x128xf32, #tpu.memory_space<vmem>>) dst(%dma_wait3A_595 : memref<10240x128xf32, #tpu.memory_space<vmem_shared>>)
      %add3A_596 = arith.constant 1 : i32
      %add3A_597 = arith.addi %add3A_588, %add3A_596 : i32
      %mul3A_598 = arith.constant 96 : i32
      %mul3A_599 = arith.muli %add3A_597, %mul3A_598 : i32
      %add3A_600 = arith.addi %mul3A_2, %mul3A_599 : i32
      %dma_wait3A_601 = tpu.memref_slice %arg4[%add3A_600] : memref<331872xi32, #tpu.memory_space<hbm>> -> memref<96xi32, #tpu.memory_space<hbm>>
      %dma_wait3A_602 = tpu.memref_slice %arg4[%add3A_600] : memref<331872xi32, #tpu.memory_space<hbm>> -> memref<96xi32, #tpu.memory_space<hbm>>
      tpu.wait_dma2 semaphore(%arg25 : memref<!tpu.dma_semaphore, #tpu.memory_space<semaphore_mem>>) src(%dma_wait3A_602 : memref<96xi32, #tpu.memory_space<hbm>>) dst(%arg13 : memref<96xi32, #tpu.memory_space<vmem>>)
      %dma_wait3A_603 = tpu.memref_slice %arg5[%add3A_600] : memref<331872xi32, #tpu.memory_space<hbm>> -> memref<96xi32, #tpu.memory_space<hbm>>
      %dma_wait3A_604 = tpu.memref_slice %arg5[%add3A_600] : memref<331872xi32, #tpu.memory_space<hbm>> -> memref<96xi32, #tpu.memory_space<hbm>>
      tpu.wait_dma2 semaphore(%arg27 : memref<!tpu.dma_semaphore, #tpu.memory_space<semaphore_mem>>) src(%dma_wait3A_604 : memref<96xi32, #tpu.memory_space<hbm>>) dst(%arg15 : memref<96xi32, #tpu.memory_space<vmem>>)
      %add3A_605 = arith.constant 1 : i32
      %add3A_606 = arith.addi %add3A_588, %add3A_605 : i32
      %dma_start3A_607 = arith.constant 0 : i32
      %dma_start3A_608 = arith.constant 0 : i32
      %dma_start3A_609 = tpu.memref_slice %arg2[%dma_start3A_607, %dma_start3A_608] : memref<10240x128xf32, #tpu.memory_space<hbm>> -> memref<10240x128xf32, #tpu.memory_space<hbm>>
      tpu.enqueue_indirect_dma source(%dma_start3A_609 : memref<10240x128xf32, #tpu.memory_space<hbm>>) target(%arg19 : memref<96x128xf32, #tpu.memory_space<vmem>>) offsets(%arg13 : memref<96xi32, #tpu.memory_space<vmem>>) semaphore(%arg23 : memref<!tpu.dma_semaphore, #tpu.memory_space<semaphore_mem>>)
      %dma_wait3A_610 = arith.constant 0 : i32
      %dma_wait3A_611 = arith.constant 0 : i32
      %dma_wait3A_612 = tpu.memref_slice %arg2[%dma_wait3A_610, %dma_wait3A_611] : memref<10240x128xf32, #tpu.memory_space<hbm>> -> memref<10240x128xf32, #tpu.memory_space<hbm>>
      tpu.wait_indirect_dma semaphore(%arg22 : memref<!tpu.dma_semaphore, #tpu.memory_space<semaphore_mem>>) src(%dma_wait3A_612 : memref<10240x128xf32, #tpu.memory_space<hbm>>) dst(%arg18 : memref<96x128xf32, #tpu.memory_space<vmem>>)
      %parallel_loop3A_613 = arith.constant 0 : i32
      %parallel_loop3A_614 = arith.constant 6 : i32
      %parallel_loop3A_615 = arith.constant 1 : i32
      scf.for %parallel_loop3A_634 = %parallel_loop3A_613 to %parallel_loop3A_614 step %parallel_loop3A_615  : i32 {
        %parallel_loop3A_635 = arith.constant 16 : i32
        %parallel_loop3A_636 = arith.muli %parallel_loop3A_634, %parallel_loop3A_635 : i32
        %parallel_loop3A_637 = arith.index_cast %parallel_loop3A_636 : i32 to index
        %parallel_loop3A_638 = tpu.vector_load %arg12[%parallel_loop3A_637] {strides = array<i32>} : memref<96xi32, #tpu.memory_space<vmem>>, vector<16xi32>,
        %parallel_loop3A_639 = arith.constant 16 : i32
        %parallel_loop3A_640 = arith.muli %parallel_loop3A_634, %parallel_loop3A_639 : i32
        %parallel_loop3A_641 = arith.index_cast %parallel_loop3A_640 : i32 to index
        %parallel_loop3A_642 = tpu.vector_load %arg14[%parallel_loop3A_641] {strides = array<i32>} : memref<96xi32, #tpu.memory_space<vmem>>, vector<16xi32>,
        %parallel_loop3A_643 = tpu.vector_load_idx %arg10[%parallel_loop3A_638] : memref<10240xf32, #tpu.memory_space<vmem>>[vector<16xi32>], vector<16xf32>,
        %parallel_loop3A_644 = tpu.vector_load_idx %arg11[%parallel_loop3A_642] : memref<10240xf32, #tpu.memory_space<vmem>>[vector<16xi32>], vector<16xf32>,
        %parallel_loop3A_645 = arith.addf %parallel_loop3A_643, %parallel_loop3A_644 : vector<16xf32>
        %parallel_loop3A_646 = arith.constant 2.000000e-01 : f32
        %parallel_loop3A_647 = vector.broadcast %parallel_loop3A_646 : f32 to vector<16xf32>
        %parallel_loop3A_648 = arith.mulf %parallel_loop3A_647, %parallel_loop3A_645 : vector<16xf32>
        %parallel_loop3A_649 = arith.maximumf %parallel_loop3A_645, %parallel_loop3A_648 : vector<16xf32>
        %parallel_loop3A_650 = math.exp %parallel_loop3A_649 : vector<16xf32>
        %parallel_loop3A_651 = arith.constant 16 : i32
        %parallel_loop3A_652 = arith.muli %parallel_loop3A_634, %parallel_loop3A_651 : i32
        %parallel_loop3A_653 = arith.index_cast %parallel_loop3A_652 : i32 to index
        %parallel_loop3A_654 = tpu.vector_load %arg20[%parallel_loop3A_653] {strides = array<i32>} : memref<96xf32, #tpu.memory_space<vmem>>, vector<16xf32>,
        tpu.vector_store %arg20[%parallel_loop3A_653], %parallel_loop3A_650 {strides = array<i32>} : memref<96xf32, #tpu.memory_space<vmem>>, vector<16xf32>,
        %parallel_loop3A_655 = arith.constant 16 : i32
        %parallel_loop3A_656 = arith.muli %parallel_loop3A_634, %parallel_loop3A_655 : i32
        %parallel_loop3A_657 = arith.index_cast %parallel_loop3A_656 : i32 to index
        %parallel_loop3A_658 = tpu.vector_load %arg16[%parallel_loop3A_657] {strides = array<i32>} : memref<96xi32, #tpu.memory_space<vmem>>, vector<16xi32>,
        tpu.vector_store %arg16[%parallel_loop3A_657], %parallel_loop3A_642 {strides = array<i32>} : memref<96xi32, #tpu.memory_space<vmem>>, vector<16xi32>,
      } {sc.loop_unroll_factor = 4 : i64, sc.parallel_access}
      %dma_start3A_616 = arith.constant 0 : i32
      %dma_start3A_617 = tpu.memref_slice %arg9[%dma_start3A_616] : memref<10240xf32, #tpu.memory_space<vmem_shared>> -> memref<10240xf32, #tpu.memory_space<vmem_shared>>
      tpu.enqueue_indirect_dma source(%arg20 : memref<96xf32, #tpu.memory_space<vmem>>) target(%dma_start3A_617 : memref<10240xf32, #tpu.memory_space<vmem_shared>>) offsets(%arg16 : memref<96xi32, #tpu.memory_space<vmem>>) semaphore(%arg30 : memref<!tpu.dma_semaphore, #tpu.memory_space<semaphore_mem>>) {add = true}
      %parallel_loop3A_618 = arith.constant 0 : i32
      %parallel_loop3A_619 = arith.constant 96 : i32
      %parallel_loop3A_620 = arith.constant 1 : i32
      scf.for %parallel_loop3A_634 = %parallel_loop3A_618 to %parallel_loop3A_619 step %parallel_loop3A_620  : i32 {
        %parallel_loop3A_635 = arith.constant 0 : i32
        %parallel_loop3A_636 = vector.broadcast %parallel_loop3A_635 : i32 to vector<16xi32>
        %parallel_loop3A_637 = vector.broadcast %parallel_loop3A_634 : i32 to vector<16xi32>
        %parallel_loop3A_638 = arith.addi %parallel_loop3A_636, %parallel_loop3A_637 : vector<16xi32>
        %parallel_loop3A_639 = tpu.vector_load_idx %arg20[%parallel_loop3A_638] : memref<96xf32, #tpu.memory_space<vmem>>[vector<16xi32>], vector<16xf32>,
        %parallel_loop3A_640 = arith.index_cast %parallel_loop3A_634 : i32 to index
        %parallel_loop3A_641 = arith.constant 0 : index
        %parallel_loop3A_642 = tpu.vector_load %arg18[%parallel_loop3A_640, %parallel_loop3A_641] {strides = array<i32>} : memref<96x128xf32, #tpu.memory_space<vmem>>, vector<16xf32>,
        %parallel_loop3A_643 = arith.mulf %parallel_loop3A_642, %parallel_loop3A_639 : vector<16xf32>
        %parallel_loop3A_644 = arith.index_cast %parallel_loop3A_634 : i32 to index
        %parallel_loop3A_645 = arith.constant 0 : index
        %parallel_loop3A_646 = tpu.vector_load %arg18[%parallel_loop3A_644, %parallel_loop3A_645] {strides = array<i32>} : memref<96x128xf32, #tpu.memory_space<vmem>>, vector<16xf32>,
        tpu.vector_store %arg18[%parallel_loop3A_644, %parallel_loop3A_645], %parallel_loop3A_643 {strides = array<i32>} : memref<96x128xf32, #tpu.memory_space<vmem>>, vector<16xf32>,
        %parallel_loop3A_647 = arith.index_cast %parallel_loop3A_634 : i32 to index
        %parallel_loop3A_648 = arith.constant 16 : index
        %parallel_loop3A_649 = tpu.vector_load %arg18[%parallel_loop3A_647, %parallel_loop3A_648] {strides = array<i32>} : memref<96x128xf32, #tpu.memory_space<vmem>>, vector<16xf32>,
        %parallel_loop3A_650 = arith.mulf %parallel_loop3A_649, %parallel_loop3A_639 : vector<16xf32>
        %parallel_loop3A_651 = arith.index_cast %parallel_loop3A_634 : i32 to index
        %parallel_loop3A_652 = arith.constant 16 : index
        %parallel_loop3A_653 = tpu.vector_load %arg18[%parallel_loop3A_651, %parallel_loop3A_652] {strides = array<i32>} : memref<96x128xf32, #tpu.memory_space<vmem>>, vector<16xf32>,
        tpu.vector_store %arg18[%parallel_loop3A_651, %parallel_loop3A_652], %parallel_loop3A_650 {strides = array<i32>} : memref<96x128xf32, #tpu.memory_space<vmem>>, vector<16xf32>,
        %parallel_loop3A_654 = arith.index_cast %parallel_loop3A_634 : i32 to index
        %parallel_loop3A_655 = arith.constant 32 : index
        %parallel_loop3A_656 = tpu.vector_load %arg18[%parallel_loop3A_654, %parallel_loop3A_655] {strides = array<i32>} : memref<96x128xf32, #tpu.memory_space<vmem>>, vector<16xf32>,
        %parallel_loop3A_657 = arith.mulf %parallel_loop3A_656, %parallel_loop3A_639 : vector<16xf32>
        %parallel_loop3A_658 = arith.index_cast %parallel_loop3A_634 : i32 to index
        %parallel_loop3A_659 = arith.constant 32 : index
        %parallel_loop3A_660 = tpu.vector_load %arg18[%parallel_loop3A_658, %parallel_loop3A_659] {strides = array<i32>} : memref<96x128xf32, #tpu.memory_space<vmem>>, vector<16xf32>,
        tpu.vector_store %arg18[%parallel_loop3A_658, %parallel_loop3A_659], %parallel_loop3A_657 {strides = array<i32>} : memref<96x128xf32, #tpu.memory_space<vmem>>, vector<16xf32>,
        %parallel_loop3A_661 = arith.index_cast %parallel_loop3A_634 : i32 to index
        %parallel_loop3A_662 = arith.constant 48 : index
        %parallel_loop3A_663 = tpu.vector_load %arg18[%parallel_loop3A_661, %parallel_loop3A_662] {strides = array<i32>} : memref<96x128xf32, #tpu.memory_space<vmem>>, vector<16xf32>,
        %parallel_loop3A_664 = arith.mulf %parallel_loop3A_663, %parallel_loop3A_639 : vector<16xf32>
        %parallel_loop3A_665 = arith.index_cast %parallel_loop3A_634 : i32 to index
        %parallel_loop3A_666 = arith.constant 48 : index
        %parallel_loop3A_667 = tpu.vector_load %arg18[%parallel_loop3A_665, %parallel_loop3A_666] {strides = array<i32>} : memref<96x128xf32, #tpu.memory_space<vmem>>, vector<16xf32>,
        tpu.vector_store %arg18[%parallel_loop3A_665, %parallel_loop3A_666], %parallel_loop3A_664 {strides = array<i32>} : memref<96x128xf32, #tpu.memory_space<vmem>>, vector<16xf32>,
        %parallel_loop3A_668 = arith.index_cast %parallel_loop3A_634 : i32 to index
        %parallel_loop3A_669 = arith.constant 64 : index
        %parallel_loop3A_670 = tpu.vector_load %arg18[%parallel_loop3A_668, %parallel_loop3A_669] {strides = array<i32>} : memref<96x128xf32, #tpu.memory_space<vmem>>, vector<16xf32>,
        %parallel_loop3A_671 = arith.mulf %parallel_loop3A_670, %parallel_loop3A_639 : vector<16xf32>
        %parallel_loop3A_672 = arith.index_cast %parallel_loop3A_634 : i32 to index
        %parallel_loop3A_673 = arith.constant 64 : index
        %parallel_loop3A_674 = tpu.vector_load %arg18[%parallel_loop3A_672, %parallel_loop3A_673] {strides = array<i32>} : memref<96x128xf32, #tpu.memory_space<vmem>>, vector<16xf32>,
        tpu.vector_store %arg18[%parallel_loop3A_672, %parallel_loop3A_673], %parallel_loop3A_671 {strides = array<i32>} : memref<96x128xf32, #tpu.memory_space<vmem>>, vector<16xf32>,
        %parallel_loop3A_675 = arith.index_cast %parallel_loop3A_634 : i32 to index
        %parallel_loop3A_676 = arith.constant 80 : index
        %parallel_loop3A_677 = tpu.vector_load %arg18[%parallel_loop3A_675, %parallel_loop3A_676] {strides = array<i32>} : memref<96x128xf32, #tpu.memory_space<vmem>>, vector<16xf32>,
        %parallel_loop3A_678 = arith.mulf %parallel_loop3A_677, %parallel_loop3A_639 : vector<16xf32>
        %parallel_loop3A_679 = arith.index_cast %parallel_loop3A_634 : i32 to index
        %parallel_loop3A_680 = arith.constant 80 : index
        %parallel_loop3A_681 = tpu.vector_load %arg18[%parallel_loop3A_679, %parallel_loop3A_680] {strides = array<i32>} : memref<96x128xf32, #tpu.memory_space<vmem>>, vector<16xf32>,
        tpu.vector_store %arg18[%parallel_loop3A_679, %parallel_loop3A_680], %parallel_loop3A_678 {strides = array<i32>} : memref<96x128xf32, #tpu.memory_space<vmem>>, vector<16xf32>,
        %parallel_loop3A_682 = arith.index_cast %parallel_loop3A_634 : i32 to index
        %parallel_loop3A_683 = arith.constant 96 : index
        %parallel_loop3A_684 = tpu.vector_load %arg18[%parallel_loop3A_682, %parallel_loop3A_683] {strides = array<i32>} : memref<96x128xf32, #tpu.memory_space<vmem>>, vector<16xf32>,
        %parallel_loop3A_685 = arith.mulf %parallel_loop3A_684, %parallel_loop3A_639 : vector<16xf32>
        %parallel_loop3A_686 = arith.index_cast %parallel_loop3A_634 : i32 to index
        %parallel_loop3A_687 = arith.constant 96 : index
        %parallel_loop3A_688 = tpu.vector_load %arg18[%parallel_loop3A_686, %parallel_loop3A_687] {strides = array<i32>} : memref<96x128xf32, #tpu.memory_space<vmem>>, vector<16xf32>,
        tpu.vector_store %arg18[%parallel_loop3A_686, %parallel_loop3A_687], %parallel_loop3A_685 {strides = array<i32>} : memref<96x128xf32, #tpu.memory_space<vmem>>, vector<16xf32>,
        %parallel_loop3A_689 = arith.index_cast %parallel_loop3A_634 : i32 to index
        %parallel_loop3A_690 = arith.constant 112 : index
        %parallel_loop3A_691 = tpu.vector_load %arg18[%parallel_loop3A_689, %parallel_loop3A_690] {strides = array<i32>} : memref<96x128xf32, #tpu.memory_space<vmem>>, vector<16xf32>,
        %parallel_loop3A_692 = arith.mulf %parallel_loop3A_691, %parallel_loop3A_639 : vector<16xf32>
        %parallel_loop3A_693 = arith.index_cast %parallel_loop3A_634 : i32 to index
        %parallel_loop3A_694 = arith.constant 112 : index
        %parallel_loop3A_695 = tpu.vector_load %arg18[%parallel_loop3A_693, %parallel_loop3A_694] {strides = array<i32>} : memref<96x128xf32, #tpu.memory_space<vmem>>, vector<16xf32>,
        tpu.vector_store %arg18[%parallel_loop3A_693, %parallel_loop3A_694], %parallel_loop3A_692 {strides = array<i32>} : memref<96x128xf32, #tpu.memory_space<vmem>>, vector<16xf32>,
      } {sc.loop_unroll_factor = 4 : i64, sc.parallel_access}
      %dma_start3A_621 = arith.constant 0 : i32
      %dma_start3A_622 = arith.constant 0 : i32
      %dma_start3A_623 = tpu.memref_slice %arg8[%dma_start3A_621, %dma_start3A_622] : memref<10240x128xf32, #tpu.memory_space<vmem_shared>> -> memref<10240x128xf32, #tpu.memory_space<vmem_shared>>
      tpu.enqueue_indirect_dma source(%arg18 : memref<96x128xf32, #tpu.memory_space<vmem>>) target(%dma_start3A_623 : memref<10240x128xf32, #tpu.memory_space<vmem_shared>>) offsets(%arg16 : memref<96xi32, #tpu.memory_space<vmem>>) semaphore(%arg28 : memref<!tpu.dma_semaphore, #tpu.memory_space<semaphore_mem>>) {add = true}
      %add3A_624 = arith.constant 2 : i32
      %add3A_625 = arith.addi %add3A_588, %add3A_624 : i32
      %mul3A_626 = arith.constant 96 : i32
      %mul3A_627 = arith.muli %add3A_625, %mul3A_626 : i32
      %add3A_628 = arith.addi %mul3A_2, %mul3A_627 : i32
      %dma_start3A_629 = tpu.memref_slice %arg4[%add3A_628] : memref<331872xi32, #tpu.memory_space<hbm>> -> memref<96xi32, #tpu.memory_space<hbm>>
      %dma_start3A_630 = tpu.memref_slice %arg4[%add3A_628] : memref<331872xi32, #tpu.memory_space<hbm>> -> memref<96xi32, #tpu.memory_space<hbm>>
      tpu.enqueue_dma source(%dma_start3A_630 : memref<96xi32, #tpu.memory_space<hbm>>) target(%arg12 : memref<96xi32, #tpu.memory_space<vmem>>) target_semaphore(%arg24 : memref<!tpu.dma_semaphore, #tpu.memory_space<semaphore_mem>>)
      %dma_start3A_631 = tpu.memref_slice %arg5[%add3A_628] : memref<331872xi32, #tpu.memory_space<hbm>> -> memref<96xi32, #tpu.memory_space<hbm>>
      %dma_start3A_632 = tpu.memref_slice %arg5[%add3A_628] : memref<331872xi32, #tpu.memory_space<hbm>> -> memref<96xi32, #tpu.memory_space<hbm>>
      tpu.enqueue_dma source(%dma_start3A_632 : memref<96xi32, #tpu.memory_space<hbm>>) target(%arg14 : memref<96xi32, #tpu.memory_space<vmem>>) target_semaphore(%arg26 : memref<!tpu.dma_semaphore, #tpu.memory_space<semaphore_mem>>)
      %scan3A_633 = arith.constant 0 : i32
      scf.yield %scan3A_633 : i32
    }
    %scan3A_502 = arith.constant 53 : i32
    %dma_wait3A_503 = arith.constant 0 : i32
    %dma_wait3A_504 = tpu.memref_slice %arg9[%dma_wait3A_503] : memref<10240xf32, #tpu.memory_space<vmem_shared>> -> memref<10240xf32, #tpu.memory_space<vmem_shared>>
    tpu.wait_indirect_dma semaphore(%arg30 : memref<!tpu.dma_semaphore, #tpu.memory_space<semaphore_mem>>) src(%arg20 : memref<96xf32, #tpu.memory_space<vmem>>) dst(%dma_wait3A_504 : memref<10240xf32, #tpu.memory_space<vmem_shared>>)
    %dma_wait3A_505 = arith.constant 0 : i32
    %dma_wait3A_506 = arith.constant 0 : i32
    %dma_wait3A_507 = tpu.memref_slice %arg8[%dma_wait3A_505, %dma_wait3A_506] : memref<10240x128xf32, #tpu.memory_space<vmem_shared>> -> memref<10240x128xf32, #tpu.memory_space<vmem_shared>>
    tpu.wait_indirect_dma semaphore(%arg28 : memref<!tpu.dma_semaphore, #tpu.memory_space<semaphore_mem>>) src(%arg18 : memref<96x128xf32, #tpu.memory_space<vmem>>) dst(%dma_wait3A_507 : memref<10240x128xf32, #tpu.memory_space<vmem_shared>>)
    %dma_wait3A_508 = arith.constant 0 : i32
    %dma_wait3A_509 = arith.constant 0 : i32
    %dma_wait3A_510 = tpu.memref_slice %arg2[%dma_wait3A_508, %dma_wait3A_509] : memref<10240x128xf32, #tpu.memory_space<hbm>> -> memref<10240x128xf32, #tpu.memory_space<hbm>>
    tpu.wait_indirect_dma semaphore(%arg23 : memref<!tpu.dma_semaphore, #tpu.memory_space<semaphore_mem>>) src(%dma_wait3A_510 : memref<10240x128xf32, #tpu.memory_space<hbm>>) dst(%arg19 : memref<96x128xf32, #tpu.memory_space<vmem>>)
    %parallel_loop3A_511 = arith.constant 0 : i32
    %parallel_loop3A_512 = arith.constant 6 : i32
    %parallel_loop3A_513 = arith.constant 1 : i32
    scf.for %parallel_loop3A_536 = %parallel_loop3A_511 to %parallel_loop3A_512 step %parallel_loop3A_513  : i32 {
      %parallel_loop3A_537 = arith.constant 16 : i32
      %parallel_loop3A_538 = arith.muli %parallel_loop3A_536, %parallel_loop3A_537 : i32
      %parallel_loop3A_539 = arith.index_cast %parallel_loop3A_538 : i32 to index
      %parallel_loop3A_540 = tpu.vector_load %arg13[%parallel_loop3A_539] {strides = array<i32>} : memref<96xi32, #tpu.memory_space<vmem>>, vector<16xi32>,
      %parallel_loop3A_541 = arith.constant 16 : i32
      %parallel_loop3A_542 = arith.muli %parallel_loop3A_536, %parallel_loop3A_541 : i32
      %parallel_loop3A_543 = arith.index_cast %parallel_loop3A_542 : i32 to index
      %parallel_loop3A_544 = tpu.vector_load %arg15[%parallel_loop3A_543] {strides = array<i32>} : memref<96xi32, #tpu.memory_space<vmem>>, vector<16xi32>,
      %parallel_loop3A_545 = tpu.vector_load_idx %arg10[%parallel_loop3A_540] : memref<10240xf32, #tpu.memory_space<vmem>>[vector<16xi32>], vector<16xf32>,
      %parallel_loop3A_546 = tpu.vector_load_idx %arg11[%parallel_loop3A_544] : memref<10240xf32, #tpu.memory_space<vmem>>[vector<16xi32>], vector<16xf32>,
      %parallel_loop3A_547 = arith.addf %parallel_loop3A_545, %parallel_loop3A_546 : vector<16xf32>
      %parallel_loop3A_548 = arith.constant 2.000000e-01 : f32
      %parallel_loop3A_549 = vector.broadcast %parallel_loop3A_548 : f32 to vector<16xf32>
      %parallel_loop3A_550 = arith.mulf %parallel_loop3A_549, %parallel_loop3A_547 : vector<16xf32>
      %parallel_loop3A_551 = arith.maximumf %parallel_loop3A_547, %parallel_loop3A_550 : vector<16xf32>
      %parallel_loop3A_552 = math.exp %parallel_loop3A_551 : vector<16xf32>
      %parallel_loop3A_553 = arith.constant 16 : i32
      %parallel_loop3A_554 = arith.muli %parallel_loop3A_536, %parallel_loop3A_553 : i32
      %parallel_loop3A_555 = arith.index_cast %parallel_loop3A_554 : i32 to index
      %parallel_loop3A_556 = tpu.vector_load %arg21[%parallel_loop3A_555] {strides = array<i32>} : memref<96xf32, #tpu.memory_space<vmem>>, vector<16xf32>,
      tpu.vector_store %arg21[%parallel_loop3A_555], %parallel_loop3A_552 {strides = array<i32>} : memref<96xf32, #tpu.memory_space<vmem>>, vector<16xf32>,
      %parallel_loop3A_557 = arith.constant 16 : i32
      %parallel_loop3A_558 = arith.muli %parallel_loop3A_536, %parallel_loop3A_557 : i32
      %parallel_loop3A_559 = arith.index_cast %parallel_loop3A_558 : i32 to index
      %parallel_loop3A_560 = tpu.vector_load %arg17[%parallel_loop3A_559] {strides = array<i32>} : memref<96xi32, #tpu.memory_space<vmem>>, vector<16xi32>,
      tpu.vector_store %arg17[%parallel_loop3A_559], %parallel_loop3A_544 {strides = array<i32>} : memref<96xi32, #tpu.memory_space<vmem>>, vector<16xi32>,
    } {sc.loop_unroll_factor = 4 : i64, sc.parallel_access}
    %dma_start3A_514 = arith.constant 0 : i32
    %dma_start3A_515 = tpu.memref_slice %arg9[%dma_start3A_514] : memref<10240xf32, #tpu.memory_space<vmem_shared>> -> memref<10240xf32, #tpu.memory_space<vmem_shared>>
    tpu.enqueue_indirect_dma source(%arg21 : memref<96xf32, #tpu.memory_space<vmem>>) target(%dma_start3A_515 : memref<10240xf32, #tpu.memory_space<vmem_shared>>) offsets(%arg17 : memref<96xi32, #tpu.memory_space<vmem>>) semaphore(%arg31 : memref<!tpu.dma_semaphore, #tpu.memory_space<semaphore_mem>>) {add = true}
    %parallel_loop3A_516 = arith.constant 0 : i32
    %parallel_loop3A_517 = arith.constant 96 : i32
    %parallel_loop3A_518 = arith.constant 1 : i32
    scf.for %parallel_loop3A_536 = %parallel_loop3A_516 to %parallel_loop3A_517 step %parallel_loop3A_518  : i32 {
      %parallel_loop3A_537 = arith.constant 0 : i32
      %parallel_loop3A_538 = vector.broadcast %parallel_loop3A_537 : i32 to vector<16xi32>
      %parallel_loop3A_539 = vector.broadcast %parallel_loop3A_536 : i32 to vector<16xi32>
      %parallel_loop3A_540 = arith.addi %parallel_loop3A_538, %parallel_loop3A_539 : vector<16xi32>
      %parallel_loop3A_541 = tpu.vector_load_idx %arg21[%parallel_loop3A_540] : memref<96xf32, #tpu.memory_space<vmem>>[vector<16xi32>], vector<16xf32>,
      %parallel_loop3A_542 = arith.index_cast %parallel_loop3A_536 : i32 to index
      %parallel_loop3A_543 = arith.constant 0 : index
      %parallel_loop3A_544 = tpu.vector_load %arg19[%parallel_loop3A_542, %parallel_loop3A_543] {strides = array<i32>} : memref<96x128xf32, #tpu.memory_space<vmem>>, vector<16xf32>,
      %parallel_loop3A_545 = arith.mulf %parallel_loop3A_544, %parallel_loop3A_541 : vector<16xf32>
      %parallel_loop3A_546 = arith.index_cast %parallel_loop3A_536 : i32 to index
      %parallel_loop3A_547 = arith.constant 0 : index
      %parallel_loop3A_548 = tpu.vector_load %arg19[%parallel_loop3A_546, %parallel_loop3A_547] {strides = array<i32>} : memref<96x128xf32, #tpu.memory_space<vmem>>, vector<16xf32>,
      tpu.vector_store %arg19[%parallel_loop3A_546, %parallel_loop3A_547], %parallel_loop3A_545 {strides = array<i32>} : memref<96x128xf32, #tpu.memory_space<vmem>>, vector<16xf32>,
      %parallel_loop3A_549 = arith.index_cast %parallel_loop3A_536 : i32 to index
      %parallel_loop3A_550 = arith.constant 16 : index
      %parallel_loop3A_551 = tpu.vector_load %arg19[%parallel_loop3A_549, %parallel_loop3A_550] {strides = array<i32>} : memref<96x128xf32, #tpu.memory_space<vmem>>, vector<16xf32>,
      %parallel_loop3A_552 = arith.mulf %parallel_loop3A_551, %parallel_loop3A_541 : vector<16xf32>
      %parallel_loop3A_553 = arith.index_cast %parallel_loop3A_536 : i32 to index
      %parallel_loop3A_554 = arith.constant 16 : index
      %parallel_loop3A_555 = tpu.vector_load %arg19[%parallel_loop3A_553, %parallel_loop3A_554] {strides = array<i32>} : memref<96x128xf32, #tpu.memory_space<vmem>>, vector<16xf32>,
      tpu.vector_store %arg19[%parallel_loop3A_553, %parallel_loop3A_554], %parallel_loop3A_552 {strides = array<i32>} : memref<96x128xf32, #tpu.memory_space<vmem>>, vector<16xf32>,
      %parallel_loop3A_556 = arith.index_cast %parallel_loop3A_536 : i32 to index
      %parallel_loop3A_557 = arith.constant 32 : index
      %parallel_loop3A_558 = tpu.vector_load %arg19[%parallel_loop3A_556, %parallel_loop3A_557] {strides = array<i32>} : memref<96x128xf32, #tpu.memory_space<vmem>>, vector<16xf32>,
      %parallel_loop3A_559 = arith.mulf %parallel_loop3A_558, %parallel_loop3A_541 : vector<16xf32>
      %parallel_loop3A_560 = arith.index_cast %parallel_loop3A_536 : i32 to index
      %parallel_loop3A_561 = arith.constant 32 : index
      %parallel_loop3A_562 = tpu.vector_load %arg19[%parallel_loop3A_560, %parallel_loop3A_561] {strides = array<i32>} : memref<96x128xf32, #tpu.memory_space<vmem>>, vector<16xf32>,
      tpu.vector_store %arg19[%parallel_loop3A_560, %parallel_loop3A_561], %parallel_loop3A_559 {strides = array<i32>} : memref<96x128xf32, #tpu.memory_space<vmem>>, vector<16xf32>,
      %parallel_loop3A_563 = arith.index_cast %parallel_loop3A_536 : i32 to index
      %parallel_loop3A_564 = arith.constant 48 : index
      %parallel_loop3A_565 = tpu.vector_load %arg19[%parallel_loop3A_563, %parallel_loop3A_564] {strides = array<i32>} : memref<96x128xf32, #tpu.memory_space<vmem>>, vector<16xf32>,
      %parallel_loop3A_566 = arith.mulf %parallel_loop3A_565, %parallel_loop3A_541 : vector<16xf32>
      %parallel_loop3A_567 = arith.index_cast %parallel_loop3A_536 : i32 to index
      %parallel_loop3A_568 = arith.constant 48 : index
      %parallel_loop3A_569 = tpu.vector_load %arg19[%parallel_loop3A_567, %parallel_loop3A_568] {strides = array<i32>} : memref<96x128xf32, #tpu.memory_space<vmem>>, vector<16xf32>,
      tpu.vector_store %arg19[%parallel_loop3A_567, %parallel_loop3A_568], %parallel_loop3A_566 {strides = array<i32>} : memref<96x128xf32, #tpu.memory_space<vmem>>, vector<16xf32>,
      %parallel_loop3A_570 = arith.index_cast %parallel_loop3A_536 : i32 to index
      %parallel_loop3A_571 = arith.constant 64 : index
      %parallel_loop3A_572 = tpu.vector_load %arg19[%parallel_loop3A_570, %parallel_loop3A_571] {strides = array<i32>} : memref<96x128xf32, #tpu.memory_space<vmem>>, vector<16xf32>,
      %parallel_loop3A_573 = arith.mulf %parallel_loop3A_572, %parallel_loop3A_541 : vector<16xf32>
      %parallel_loop3A_574 = arith.index_cast %parallel_loop3A_536 : i32 to index
      %parallel_loop3A_575 = arith.constant 64 : index
      %parallel_loop3A_576 = tpu.vector_load %arg19[%parallel_loop3A_574, %parallel_loop3A_575] {strides = array<i32>} : memref<96x128xf32, #tpu.memory_space<vmem>>, vector<16xf32>,
      tpu.vector_store %arg19[%parallel_loop3A_574, %parallel_loop3A_575], %parallel_loop3A_573 {strides = array<i32>} : memref<96x128xf32, #tpu.memory_space<vmem>>, vector<16xf32>,
      %parallel_loop3A_577 = arith.index_cast %parallel_loop3A_536 : i32 to index
      %parallel_loop3A_578 = arith.constant 80 : index
      %parallel_loop3A_579 = tpu.vector_load %arg19[%parallel_loop3A_577, %parallel_loop3A_578] {strides = array<i32>} : memref<96x128xf32, #tpu.memory_space<vmem>>, vector<16xf32>,
      %parallel_loop3A_580 = arith.mulf %parallel_loop3A_579, %parallel_loop3A_541 : vector<16xf32>
      %parallel_loop3A_581 = arith.index_cast %parallel_loop3A_536 : i32 to index
      %parallel_loop3A_582 = arith.constant 80 : index
      %parallel_loop3A_583 = tpu.vector_load %arg19[%parallel_loop3A_581, %parallel_loop3A_582] {strides = array<i32>} : memref<96x128xf32, #tpu.memory_space<vmem>>, vector<16xf32>,
      tpu.vector_store %arg19[%parallel_loop3A_581, %parallel_loop3A_582], %parallel_loop3A_580 {strides = array<i32>} : memref<96x128xf32, #tpu.memory_space<vmem>>, vector<16xf32>,
      %parallel_loop3A_584 = arith.index_cast %parallel_loop3A_536 : i32 to index
      %parallel_loop3A_585 = arith.constant 96 : index
      %parallel_loop3A_586 = tpu.vector_load %arg19[%parallel_loop3A_584, %parallel_loop3A_585] {strides = array<i32>} : memref<96x128xf32, #tpu.memory_space<vmem>>, vector<16xf32>,
      %parallel_loop3A_587 = arith.mulf %parallel_loop3A_586, %parallel_loop3A_541 : vector<16xf32>
      %parallel_loop3A_588 = arith.index_cast %parallel_loop3A_536 : i32 to index
      %parallel_loop3A_589 = arith.constant 96 : index
      %parallel_loop3A_590 = tpu.vector_load %arg19[%parallel_loop3A_588, %parallel_loop3A_589] {strides = array<i32>} : memref<96x128xf32, #tpu.memory_space<vmem>>, vector<16xf32>,
      tpu.vector_store %arg19[%parallel_loop3A_588, %parallel_loop3A_589], %parallel_loop3A_587 {strides = array<i32>} : memref<96x128xf32, #tpu.memory_space<vmem>>, vector<16xf32>,
      %parallel_loop3A_591 = arith.index_cast %parallel_loop3A_536 : i32 to index
      %parallel_loop3A_592 = arith.constant 112 : index
      %parallel_loop3A_593 = tpu.vector_load %arg19[%parallel_loop3A_591, %parallel_loop3A_592] {strides = array<i32>} : memref<96x128xf32, #tpu.memory_space<vmem>>, vector<16xf32>,
      %parallel_loop3A_594 = arith.mulf %parallel_loop3A_593, %parallel_loop3A_541 : vector<16xf32>
      %parallel_loop3A_595 = arith.index_cast %parallel_loop3A_536 : i32 to index
      %parallel_loop3A_596 = arith.constant 112 : index
      %parallel_loop3A_597 = tpu.vector_load %arg19[%parallel_loop3A_595, %parallel_loop3A_596] {strides = array<i32>} : memref<96x128xf32, #tpu.memory_space<vmem>>, vector<16xf32>,
      tpu.vector_store %arg19[%parallel_loop3A_595, %parallel_loop3A_596], %parallel_loop3A_594 {strides = array<i32>} : memref<96x128xf32, #tpu.memory_space<vmem>>, vector<16xf32>,
    } {sc.loop_unroll_factor = 4 : i64, sc.parallel_access}
    %dma_start3A_519 = arith.constant 0 : i32
    %dma_start3A_520 = arith.constant 0 : i32
    %dma_start3A_521 = tpu.memref_slice %arg8[%dma_start3A_519, %dma_start3A_520] : memref<10240x128xf32, #tpu.memory_space<vmem_shared>> -> memref<10240x128xf32, #tpu.memory_space<vmem_shared>>
    tpu.enqueue_indirect_dma source(%arg19 : memref<96x128xf32, #tpu.memory_space<vmem>>) target(%dma_start3A_521 : memref<10240x128xf32, #tpu.memory_space<vmem_shared>>) offsets(%arg17 : memref<96xi32, #tpu.memory_space<vmem>>) semaphore(%arg29 : memref<!tpu.dma_semaphore, #tpu.memory_space<semaphore_mem>>) {add = true}
    %dma_wait3A_522 = arith.constant 0 : i32
    %dma_wait3A_523 = tpu.memref_slice %arg9[%dma_wait3A_522] : memref<10240xf32, #tpu.memory_space<vmem_shared>> -> memref<10240xf32, #tpu.memory_space<vmem_shared>>
    tpu.wait_indirect_dma semaphore(%arg31 : memref<!tpu.dma_semaphore, #tpu.memory_space<semaphore_mem>>) src(%arg21 : memref<96xf32, #tpu.memory_space<vmem>>) dst(%dma_wait3A_523 : memref<10240xf32, #tpu.memory_space<vmem_shared>>)
    %dma_wait3A_524 = arith.constant 0 : i32
    %dma_wait3A_525 = arith.constant 0 : i32
    %dma_wait3A_526 = tpu.memref_slice %arg8[%dma_wait3A_524, %dma_wait3A_525] : memref<10240x128xf32, #tpu.memory_space<vmem_shared>> -> memref<10240x128xf32, #tpu.memory_space<vmem_shared>>
    tpu.wait_indirect_dma semaphore(%arg29 : memref<!tpu.dma_semaphore, #tpu.memory_space<semaphore_mem>>) src(%arg19 : memref<96x128xf32, #tpu.memory_space<vmem>>) dst(%dma_wait3A_526 : memref<10240x128xf32, #tpu.memory_space<vmem_shared>>)
    %add3A_527 = arith.constant 10368 : i32
    %add3A_528 = arith.addi %mul3A_2, %add3A_527 : i32
    %dma_wait3A_529 = tpu.memref_slice %arg4[%add3A_528] : memref<331872xi32, #tpu.memory_space<hbm>> -> memref<96xi32, #tpu.memory_space<hbm>>
    %dma_wait3A_530 = tpu.memref_slice %arg4[%add3A_528] : memref<331872xi32, #tpu.memory_space<hbm>> -> memref<96xi32, #tpu.memory_space<hbm>>
    tpu.wait_dma2 semaphore(%arg24 : memref<!tpu.dma_semaphore, #tpu.memory_space<semaphore_mem>>) src(%dma_wait3A_530 : memref<96xi32, #tpu.memory_space<hbm>>) dst(%arg12 : memref<96xi32, #tpu.memory_space<vmem>>)
    %dma_wait3A_531 = tpu.memref_slice %arg5[%add3A_528] : memref<331872xi32, #tpu.memory_space<hbm>> -> memref<96xi32, #tpu.memory_space<hbm>>
    %dma_wait3A_532 = tpu.memref_slice %arg5[%add3A_528] : memref<331872xi32, #tpu.memory_space<hbm>> -> memref<96xi32, #tpu.memory_space<hbm>>
    tpu.wait_dma2 semaphore(%arg26 : memref<!tpu.dma_semaphore, #tpu.memory_space<semaphore_mem>>) src(%dma_wait3A_532 : memref<96xi32, #tpu.memory_space<hbm>>) dst(%arg14 : memref<96xi32, #tpu.memory_space<vmem>>)
    %barrier3A_533 = arith.constant 0 : index
    tpu.barrier barrier_id(%barrier3A_533)
    %mul3A_534 = arith.constant 640 : i32
    %mul3A_535 = arith.muli %arg1, %mul3A_534 : i32
    "tpu.region"() ({
      %run_scoped3A = tpu.sem_alloc : memref<!tpu.dma_semaphore, #tpu.memory_space<semaphore_mem>>
      %dma_start3A_536 = arith.constant 0 : i32
      %dma_start3A_537 = tpu.memref_slice %arg6[%arg0, %mul3A_535, %dma_start3A_536] : memref<2x10240x128xf32, #tpu.memory_space<hbm>> -> memref<1x640x128xf32, #tpu.memory_space<hbm>>
      %dma_start3A_538 = tpu.memref_squeeze %dma_start3A_537 : memref<1x640x128xf32, #tpu.memory_space<hbm>> -> memref<640x128xf32, #tpu.memory_space<hbm>>
      %dma_start3A_539 = arith.constant 0 : i32
      %dma_start3A_540 = tpu.memref_slice %arg8[%mul3A_535, %dma_start3A_539] : memref<10240x128xf32, #tpu.memory_space<vmem_shared>> -> memref<640x128xf32, #tpu.memory_space<vmem_shared>>
      tpu.enqueue_dma source(%dma_start3A_540 : memref<640x128xf32, #tpu.memory_space<vmem_shared>>) target(%dma_start3A_538 : memref<640x128xf32, #tpu.memory_space<hbm>>) target_semaphore(%run_scoped3A : memref<!tpu.dma_semaphore, #tpu.memory_space<semaphore_mem>>)
      %dma_wait3A_541 = arith.constant 0 : i32
      %dma_wait3A_542 = tpu.memref_slice %arg6[%arg0, %mul3A_535, %dma_wait3A_541] : memref<2x10240x128xf32, #tpu.memory_space<hbm>> -> memref<1x640x128xf32, #tpu.memory_space<hbm>>
      %dma_wait3A_543 = tpu.memref_squeeze %dma_wait3A_542 : memref<1x640x128xf32, #tpu.memory_space<hbm>> -> memref<640x128xf32, #tpu.memory_space<hbm>>
      %dma_wait3A_544 = arith.constant 0 : i32
      %dma_wait3A_545 = tpu.memref_slice %arg8[%mul3A_535, %dma_wait3A_544] : memref<10240x128xf32, #tpu.memory_space<vmem_shared>> -> memref<640x128xf32, #tpu.memory_space<vmem_shared>>
      tpu.wait_dma2 semaphore(%run_scoped3A : memref<!tpu.dma_semaphore, #tpu.memory_space<semaphore_mem>>) src(%dma_wait3A_545 : memref<640x128xf32, #tpu.memory_space<vmem_shared>>) dst(%dma_wait3A_543 : memref<640x128xf32, #tpu.memory_space<hbm>>)
      tpu.yield
    }) : () -> ()
    "tpu.region"() ({
      %run_scoped3A = tpu.sem_alloc : memref<!tpu.dma_semaphore, #tpu.memory_space<semaphore_mem>>
      %dma_start3A_536 = tpu.memref_slice %arg7[%arg0, %mul3A_535] : memref<2x10240xf32, #tpu.memory_space<hbm>> -> memref<1x640xf32, #tpu.memory_space<hbm>>
      %dma_start3A_537 = tpu.memref_squeeze %dma_start3A_536 : memref<1x640xf32, #tpu.memory_space<hbm>> -> memref<640xf32, #tpu.memory_space<hbm>>
      %dma_start3A_538 = tpu.memref_slice %arg9[%mul3A_535] : memref<10240xf32, #tpu.memory_space<vmem_shared>> -> memref<640xf32, #tpu.memory_space<vmem_shared>>
      tpu.enqueue_dma source(%dma_start3A_538 : memref<640xf32, #tpu.memory_space<vmem_shared>>) target(%dma_start3A_537 : memref<640xf32, #tpu.memory_space<hbm>>) target_semaphore(%run_scoped3A : memref<!tpu.dma_semaphore, #tpu.memory_space<semaphore_mem>>)
      %dma_wait3A_539 = tpu.memref_slice %arg7[%arg0, %mul3A_535] : memref<2x10240xf32, #tpu.memory_space<hbm>> -> memref<1x640xf32, #tpu.memory_space<hbm>>
      %dma_wait3A_540 = tpu.memref_squeeze %dma_wait3A_539 : memref<1x640xf32, #tpu.memory_space<hbm>> -> memref<640xf32, #tpu.memory_space<hbm>>
      %dma_wait3A_541 = tpu.memref_slice %arg9[%mul3A_535] : memref<10240xf32, #tpu.memory_space<vmem_shared>> -> memref<640xf32, #tpu.memory_space<vmem_shared>>
      tpu.wait_dma2 semaphore(%run_scoped3A : memref<!tpu.dma_semaphore, #tpu.memory_space<semaphore_mem>>) src(%dma_wait3A_541 : memref<640xf32, #tpu.memory_space<vmem_shared>>) dst(%dma_wait3A_540 : memref<640xf32, #tpu.memory_space<hbm>>)
      tpu.yield
    }) : () -> ()
    return
  }
}

#map = affine_map<(d0, d1) -> (0, 0)>
#map1 = affine_map<(d0, d1) -> (0)>
#map2 = affine_map<(d0, d1) -> (0, 0, 0)>
module attributes {stable_mosaic.version = 14 : i64} {
  func.func @_edge_pass_kernel(%arg0: i32, %arg1: i32, %arg2: memref<10240x128xf32, #tpu.memory_space<hbm>>, %arg3: memref<8x10240xf32, #tpu.memory_space<hbm>>, %arg4: memref<331872xi32, #tpu.memory_space<hbm>>, %arg5: memref<331872xi32, #tpu.memory_space<hbm>>, %arg6: memref<2x10240x128xf32, #tpu.memory_space<hbm>>, %arg7: memref<2x10240xf32, #tpu.memory_space<hbm>>, %arg8: memref<10240x128xf32, #tpu.memory_space<vmem_shared>>, %arg9: memref<10240xf32, #tpu.memory_space<vmem_shared>>, %arg10: memref<10240xf32, #tpu.memory_space<vmem>>, %arg11: memref<10240xf32, #tpu.memory_space<vmem>>, %arg12: memref<96xi32, #tpu.memory_space<vmem>>, %arg13: memref<96xi32, #tpu.memory_space<vmem>>, %arg14: memref<96xi32, #tpu.memory_space<vmem>>, %arg15: memref<96xi32, #tpu.memory_space<vmem>>, %arg16: memref<96xi32, #tpu.memory_space<vmem>>, %arg17: memref<96xi32, #tpu.memory_space<vmem>>, %arg18: memref<96x128xf32, #tpu.memory_space<vmem>>, %arg19: memref<96x128xf32, #tpu.memory_space<vmem>>, %arg20: memref<96xf32, #tpu.memory_space<vmem>>, %arg21: memref<96xf32, #tpu.memory_space<vmem>>, %arg22: memref<!tpu.dma_semaphore, #tpu.memory_space<semaphore_mem>>, %arg23: memref<!tpu.dma_semaphore, #tpu.memory_space<semaphore_mem>>, %arg24: memref<!tpu.dma_semaphore, #tpu.memory_space<semaphore_mem>>, %arg25: memref<!tpu.dma_semaphore, #tpu.memory_space<semaphore_mem>>, %arg26: memref<!tpu.dma_semaphore, #tpu.memory_space<semaphore_mem>>, %arg27: memref<!tpu.dma_semaphore, #tpu.memory_space<semaphore_mem>>, %arg28: memref<!tpu.dma_semaphore, #tpu.memory_space<semaphore_mem>>, %arg29: memref<!tpu.dma_semaphore, #tpu.memory_space<semaphore_mem>>, %arg30: memref<!tpu.dma_semaphore, #tpu.memory_space<semaphore_mem>>, %arg31: memref<!tpu.dma_semaphore, #tpu.memory_space<semaphore_mem>>) attributes {dimension_semantics = [#tpu.dimension_semantics<core_parallel>, #tpu.dimension_semantics<subcore_parallel>], iteration_bounds = array<i64: 2, 16>, scalar_prefetch = 0 : i64, scratch_operands = 24 : i64, tpu.core_type = #tpu.core_type<sc_vector_subcore>, window_params = [{transform_indices = #map}, {transform_indices = #map}, {transform_indices = #map1}, {transform_indices = #map1}, {transform_indices = #map2}, {transform_indices = #map}]} {
    %mul3A = arith.constant 2 : i32
    %mul3A_0 = arith.muli %arg1, %mul3A : i32
    %add3A = arith.addi %mul3A_0, %arg0 : i32
    %mul3A_1 = arith.constant 10368 : i32
    %mul3A_2 = arith.muli %add3A, %mul3A_1 : i32
    %broadcast_in_dim3A = arith.constant 0.000000e+00 : f32
    %broadcast_in_dim3A_3 = vector.broadcast %broadcast_in_dim3A : f32 to vector<16xf32>
    %scan3A = arith.constant 0 : i32
    %scan3A_4 = arith.constant 0 : i32
    %scan3A_5 = arith.constant 96 : i32
    %scan3A_6 = arith.addi %scan3A_4, %scan3A_5 : i32
    %scan3A_7 = arith.constant 1 : i32
    %scan3A_8 = scf.for %scan3A_536 = %scan3A_4 to %scan3A_6 step %scan3A_7 iter_args(%scan3A_537 = %scan3A) -> (i32)  : i32 {
      %swap3A_538 = arith.index_cast %scan3A_536 : i32 to index
      %swap3A_539 = arith.constant 0 : index
      %swap3A_540 = tpu.vector_load %arg18[%swap3A_538, %swap3A_539] {strides = array<i32>} : memref<96x128xf32, #tpu.memory_space<vmem>>, vector<16xf32>,
      tpu.vector_store %arg18[%swap3A_538, %swap3A_539], %broadcast_in_dim3A_3 {strides = array<i32>} : memref<96x128xf32, #tpu.memory_space<vmem>>, vector<16xf32>,
      %swap3A_541 = arith.index_cast %scan3A_536 : i32 to index
      %swap3A_542 = arith.constant 16 : index
      %swap3A_543 = tpu.vector_load %arg18[%swap3A_541, %swap3A_542] {strides = array<i32>} : memref<96x128xf32, #tpu.memory_space<vmem>>, vector<16xf32>,
      tpu.vector_store %arg18[%swap3A_541, %swap3A_542], %broadcast_in_dim3A_3 {strides = array<i32>} : memref<96x128xf32, #tpu.memory_space<vmem>>, vector<16xf32>,
      %swap3A_544 = arith.index_cast %scan3A_536 : i32 to index
      %swap3A_545 = arith.constant 32 : index
      %swap3A_546 = tpu.vector_load %arg18[%swap3A_544, %swap3A_545] {strides = array<i32>} : memref<96x128xf32, #tpu.memory_space<vmem>>, vector<16xf32>,
      tpu.vector_store %arg18[%swap3A_544, %swap3A_545], %broadcast_in_dim3A_3 {strides = array<i32>} : memref<96x128xf32, #tpu.memory_space<vmem>>, vector<16xf32>,
      %swap3A_547 = arith.index_cast %scan3A_536 : i32 to index
      %swap3A_548 = arith.constant 48 : index
      %swap3A_549 = tpu.vector_load %arg18[%swap3A_547, %swap3A_548] {strides = array<i32>} : memref<96x128xf32, #tpu.memory_space<vmem>>, vector<16xf32>,
      tpu.vector_store %arg18[%swap3A_547, %swap3A_548], %broadcast_in_dim3A_3 {strides = array<i32>} : memref<96x128xf32, #tpu.memory_space<vmem>>, vector<16xf32>,
      %swap3A_550 = arith.index_cast %scan3A_536 : i32 to index
      %swap3A_551 = arith.constant 64 : index
      %swap3A_552 = tpu.vector_load %arg18[%swap3A_550, %swap3A_551] {strides = array<i32>} : memref<96x128xf32, #tpu.memory_space<vmem>>, vector<16xf32>,
      tpu.vector_store %arg18[%swap3A_550, %swap3A_551], %broadcast_in_dim3A_3 {strides = array<i32>} : memref<96x128xf32, #tpu.memory_space<vmem>>, vector<16xf32>,
      %swap3A_553 = arith.index_cast %scan3A_536 : i32 to index
      %swap3A_554 = arith.constant 80 : index
      %swap3A_555 = tpu.vector_load %arg18[%swap3A_553, %swap3A_554] {strides = array<i32>} : memref<96x128xf32, #tpu.memory_space<vmem>>, vector<16xf32>,
      tpu.vector_store %arg18[%swap3A_553, %swap3A_554], %broadcast_in_dim3A_3 {strides = array<i32>} : memref<96x128xf32, #tpu.memory_space<vmem>>, vector<16xf32>,
      %swap3A_556 = arith.index_cast %scan3A_536 : i32 to index
      %swap3A_557 = arith.constant 96 : index
      %swap3A_558 = tpu.vector_load %arg18[%swap3A_556, %swap3A_557] {strides = array<i32>} : memref<96x128xf32, #tpu.memory_space<vmem>>, vector<16xf32>,
      tpu.vector_store %arg18[%swap3A_556, %swap3A_557], %broadcast_in_dim3A_3 {strides = array<i32>} : memref<96x128xf32, #tpu.memory_space<vmem>>, vector<16xf32>,
      %swap3A_559 = arith.index_cast %scan3A_536 : i32 to index
      %swap3A_560 = arith.constant 112 : index
      %swap3A_561 = tpu.vector_load %arg18[%swap3A_559, %swap3A_560] {strides = array<i32>} : memref<96x128xf32, #tpu.memory_space<vmem>>, vector<16xf32>,
      tpu.vector_store %arg18[%swap3A_559, %swap3A_560], %broadcast_in_dim3A_3 {strides = array<i32>} : memref<96x128xf32, #tpu.memory_space<vmem>>, vector<16xf32>,
      %scan3A_562 = arith.constant 0 : i32
      scf.yield %scan3A_562 : i32
    }
    %scan3A_9 = arith.constant 96 : i32
    %swap3A = arith.constant 0 : index
    %swap3A_10 = tpu.vector_load %arg20[%swap3A] {strides = array<i32>} : memref<96xf32, #tpu.memory_space<vmem>>, vector<16xf32>,
    tpu.vector_store %arg20[%swap3A], %broadcast_in_dim3A_3 {strides = array<i32>} : memref<96xf32, #tpu.memory_space<vmem>>, vector<16xf32>,
    %swap3A_11 = arith.constant 16 : index
    %swap3A_12 = tpu.vector_load %arg20[%swap3A_11] {strides = array<i32>} : memref<96xf32, #tpu.memory_space<vmem>>, vector<16xf32>,
    tpu.vector_store %arg20[%swap3A_11], %broadcast_in_dim3A_3 {strides = array<i32>} : memref<96xf32, #tpu.memory_space<vmem>>, vector<16xf32>,
    %swap3A_13 = arith.constant 32 : index
    %swap3A_14 = tpu.vector_load %arg20[%swap3A_13] {strides = array<i32>} : memref<96xf32, #tpu.memory_space<vmem>>, vector<16xf32>,
    tpu.vector_store %arg20[%swap3A_13], %broadcast_in_dim3A_3 {strides = array<i32>} : memref<96xf32, #tpu.memory_space<vmem>>, vector<16xf32>,
    %swap3A_15 = arith.constant 48 : index
    %swap3A_16 = tpu.vector_load %arg20[%swap3A_15] {strides = array<i32>} : memref<96xf32, #tpu.memory_space<vmem>>, vector<16xf32>,
    tpu.vector_store %arg20[%swap3A_15], %broadcast_in_dim3A_3 {strides = array<i32>} : memref<96xf32, #tpu.memory_space<vmem>>, vector<16xf32>,
    %swap3A_17 = arith.constant 64 : index
    %swap3A_18 = tpu.vector_load %arg20[%swap3A_17] {strides = array<i32>} : memref<96xf32, #tpu.memory_space<vmem>>, vector<16xf32>,
    tpu.vector_store %arg20[%swap3A_17], %broadcast_in_dim3A_3 {strides = array<i32>} : memref<96xf32, #tpu.memory_space<vmem>>, vector<16xf32>,
    %swap3A_19 = arith.constant 80 : index
    %swap3A_20 = tpu.vector_load %arg20[%swap3A_19] {strides = array<i32>} : memref<96xf32, #tpu.memory_space<vmem>>, vector<16xf32>,
    tpu.vector_store %arg20[%swap3A_19], %broadcast_in_dim3A_3 {strides = array<i32>} : memref<96xf32, #tpu.memory_space<vmem>>, vector<16xf32>,
    %mul3A_21 = arith.constant 640 : i32
    %mul3A_22 = arith.muli %arg1, %mul3A_21 : i32
    %add3A_23 = arith.constant 0 : i32
    %add3A_24 = arith.addi %mul3A_22, %add3A_23 : i32
    %dma_start3A = arith.constant 0 : i32
    %dma_start3A_25 = arith.constant 0 : i32
    %dma_start3A_26 = tpu.memref_slice %arg18[%dma_start3A, %dma_start3A_25] : memref<96x128xf32, #tpu.memory_space<vmem>> -> memref<64x128xf32, #tpu.memory_space<vmem>>
    %dma_start3A_27 = arith.constant 0 : i32
    %dma_start3A_28 = tpu.memref_slice %arg8[%add3A_24, %dma_start3A_27] : memref<10240x128xf32, #tpu.memory_space<vmem_shared>> -> memref<64x128xf32, #tpu.memory_space<vmem_shared>>
    %dma_start3A_29 = arith.constant 0 : i32
    %dma_start3A_30 = tpu.memref_slice %arg8[%add3A_24, %dma_start3A_29] : memref<10240x128xf32, #tpu.memory_space<vmem_shared>> -> memref<64x128xf32, #tpu.memory_space<vmem_shared>>
    %dma_start3A_31 = arith.constant 0 : i32
    %dma_start3A_32 = arith.constant 0 : i32
    %dma_start3A_33 = tpu.memref_slice %arg18[%dma_start3A_31, %dma_start3A_32] : memref<96x128xf32, #tpu.memory_space<vmem>> -> memref<64x128xf32, #tpu.memory_space<vmem>>
    tpu.enqueue_dma source(%dma_start3A_33 : memref<64x128xf32, #tpu.memory_space<vmem>>) target(%dma_start3A_30 : memref<64x128xf32, #tpu.memory_space<vmem_shared>>) target_semaphore(%arg28 : memref<!tpu.dma_semaphore, #tpu.memory_space<semaphore_mem>>)
    %dma_start3A_34 = arith.constant 0 : i32
    %dma_start3A_35 = tpu.memref_slice %arg20[%dma_start3A_34] : memref<96xf32, #tpu.memory_space<vmem>> -> memref<64xf32, #tpu.memory_space<vmem>>
    %dma_start3A_36 = tpu.memref_slice %arg9[%add3A_24] : memref<10240xf32, #tpu.memory_space<vmem_shared>> -> memref<64xf32, #tpu.memory_space<vmem_shared>>
    %dma_start3A_37 = tpu.memref_slice %arg9[%add3A_24] : memref<10240xf32, #tpu.memory_space<vmem_shared>> -> memref<64xf32, #tpu.memory_space<vmem_shared>>
    %dma_start3A_38 = arith.constant 0 : i32
    %dma_start3A_39 = tpu.memref_slice %arg20[%dma_start3A_38] : memref<96xf32, #tpu.memory_space<vmem>> -> memref<64xf32, #tpu.memory_space<vmem>>
    tpu.enqueue_dma source(%dma_start3A_39 : memref<64xf32, #tpu.memory_space<vmem>>) target(%dma_start3A_37 : memref<64xf32, #tpu.memory_space<vmem_shared>>) target_semaphore(%arg30 : memref<!tpu.dma_semaphore, #tpu.memory_space<semaphore_mem>>)
    %mul3A_40 = arith.constant 640 : i32
    %mul3A_41 = arith.muli %arg1, %mul3A_40 : i32
    %add3A_42 = arith.constant 64 : i32
    %add3A_43 = arith.addi %mul3A_41, %add3A_42 : i32
    %dma_start3A_44 = arith.constant 0 : i32
    %dma_start3A_45 = arith.constant 0 : i32
    %dma_start3A_46 = tpu.memref_slice %arg18[%dma_start3A_44, %dma_start3A_45] : memref<96x128xf32, #tpu.memory_space<vmem>> -> memref<64x128xf32, #tpu.memory_space<vmem>>
    %dma_start3A_47 = arith.constant 0 : i32
    %dma_start3A_48 = tpu.memref_slice %arg8[%add3A_43, %dma_start3A_47] : memref<10240x128xf32, #tpu.memory_space<vmem_shared>> -> memref<64x128xf32, #tpu.memory_space<vmem_shared>>
    %dma_start3A_49 = arith.constant 0 : i32
    %dma_start3A_50 = tpu.memref_slice %arg8[%add3A_43, %dma_start3A_49] : memref<10240x128xf32, #tpu.memory_space<vmem_shared>> -> memref<64x128xf32, #tpu.memory_space<vmem_shared>>
    %dma_start3A_51 = arith.constant 0 : i32
    %dma_start3A_52 = arith.constant 0 : i32
    %dma_start3A_53 = tpu.memref_slice %arg18[%dma_start3A_51, %dma_start3A_52] : memref<96x128xf32, #tpu.memory_space<vmem>> -> memref<64x128xf32, #tpu.memory_space<vmem>>
    tpu.enqueue_dma source(%dma_start3A_53 : memref<64x128xf32, #tpu.memory_space<vmem>>) target(%dma_start3A_50 : memref<64x128xf32, #tpu.memory_space<vmem_shared>>) target_semaphore(%arg28 : memref<!tpu.dma_semaphore, #tpu.memory_space<semaphore_mem>>)
    %dma_start3A_54 = arith.constant 0 : i32
    %dma_start3A_55 = tpu.memref_slice %arg20[%dma_start3A_54] : memref<96xf32, #tpu.memory_space<vmem>> -> memref<64xf32, #tpu.memory_space<vmem>>
    %dma_start3A_56 = tpu.memref_slice %arg9[%add3A_43] : memref<10240xf32, #tpu.memory_space<vmem_shared>> -> memref<64xf32, #tpu.memory_space<vmem_shared>>
    %dma_start3A_57 = tpu.memref_slice %arg9[%add3A_43] : memref<10240xf32, #tpu.memory_space<vmem_shared>> -> memref<64xf32, #tpu.memory_space<vmem_shared>>
    %dma_start3A_58 = arith.constant 0 : i32
    %dma_start3A_59 = tpu.memref_slice %arg20[%dma_start3A_58] : memref<96xf32, #tpu.memory_space<vmem>> -> memref<64xf32, #tpu.memory_space<vmem>>
    tpu.enqueue_dma source(%dma_start3A_59 : memref<64xf32, #tpu.memory_space<vmem>>) target(%dma_start3A_57 : memref<64xf32, #tpu.memory_space<vmem_shared>>) target_semaphore(%arg30 : memref<!tpu.dma_semaphore, #tpu.memory_space<semaphore_mem>>)
    %mul3A_60 = arith.constant 640 : i32
    %mul3A_61 = arith.muli %arg1, %mul3A_60 : i32
    %add3A_62 = arith.constant 128 : i32
    %add3A_63 = arith.addi %mul3A_61, %add3A_62 : i32
    %dma_start3A_64 = arith.constant 0 : i32
    %dma_start3A_65 = arith.constant 0 : i32
    %dma_start3A_66 = tpu.memref_slice %arg18[%dma_start3A_64, %dma_start3A_65] : memref<96x128xf32, #tpu.memory_space<vmem>> -> memref<64x128xf32, #tpu.memory_space<vmem>>
    %dma_start3A_67 = arith.constant 0 : i32
    %dma_start3A_68 = tpu.memref_slice %arg8[%add3A_63, %dma_start3A_67] : memref<10240x128xf32, #tpu.memory_space<vmem_shared>> -> memref<64x128xf32, #tpu.memory_space<vmem_shared>>
    %dma_start3A_69 = arith.constant 0 : i32
    %dma_start3A_70 = tpu.memref_slice %arg8[%add3A_63, %dma_start3A_69] : memref<10240x128xf32, #tpu.memory_space<vmem_shared>> -> memref<64x128xf32, #tpu.memory_space<vmem_shared>>
    %dma_start3A_71 = arith.constant 0 : i32
    %dma_start3A_72 = arith.constant 0 : i32
    %dma_start3A_73 = tpu.memref_slice %arg18[%dma_start3A_71, %dma_start3A_72] : memref<96x128xf32, #tpu.memory_space<vmem>> -> memref<64x128xf32, #tpu.memory_space<vmem>>
    tpu.enqueue_dma source(%dma_start3A_73 : memref<64x128xf32, #tpu.memory_space<vmem>>) target(%dma_start3A_70 : memref<64x128xf32, #tpu.memory_space<vmem_shared>>) target_semaphore(%arg28 : memref<!tpu.dma_semaphore, #tpu.memory_space<semaphore_mem>>)
    %dma_start3A_74 = arith.constant 0 : i32
    %dma_start3A_75 = tpu.memref_slice %arg20[%dma_start3A_74] : memref<96xf32, #tpu.memory_space<vmem>> -> memref<64xf32, #tpu.memory_space<vmem>>
    %dma_start3A_76 = tpu.memref_slice %arg9[%add3A_63] : memref<10240xf32, #tpu.memory_space<vmem_shared>> -> memref<64xf32, #tpu.memory_space<vmem_shared>>
    %dma_start3A_77 = tpu.memref_slice %arg9[%add3A_63] : memref<10240xf32, #tpu.memory_space<vmem_shared>> -> memref<64xf32, #tpu.memory_space<vmem_shared>>
    %dma_start3A_78 = arith.constant 0 : i32
    %dma_start3A_79 = tpu.memref_slice %arg20[%dma_start3A_78] : memref<96xf32, #tpu.memory_space<vmem>> -> memref<64xf32, #tpu.memory_space<vmem>>
    tpu.enqueue_dma source(%dma_start3A_79 : memref<64xf32, #tpu.memory_space<vmem>>) target(%dma_start3A_77 : memref<64xf32, #tpu.memory_space<vmem_shared>>) target_semaphore(%arg30 : memref<!tpu.dma_semaphore, #tpu.memory_space<semaphore_mem>>)
    %mul3A_80 = arith.constant 640 : i32
    %mul3A_81 = arith.muli %arg1, %mul3A_80 : i32
    %add3A_82 = arith.constant 192 : i32
    %add3A_83 = arith.addi %mul3A_81, %add3A_82 : i32
    %dma_start3A_84 = arith.constant 0 : i32
    %dma_start3A_85 = arith.constant 0 : i32
    %dma_start3A_86 = tpu.memref_slice %arg18[%dma_start3A_84, %dma_start3A_85] : memref<96x128xf32, #tpu.memory_space<vmem>> -> memref<64x128xf32, #tpu.memory_space<vmem>>
    %dma_start3A_87 = arith.constant 0 : i32
    %dma_start3A_88 = tpu.memref_slice %arg8[%add3A_83, %dma_start3A_87] : memref<10240x128xf32, #tpu.memory_space<vmem_shared>> -> memref<64x128xf32, #tpu.memory_space<vmem_shared>>
    %dma_start3A_89 = arith.constant 0 : i32
    %dma_start3A_90 = tpu.memref_slice %arg8[%add3A_83, %dma_start3A_89] : memref<10240x128xf32, #tpu.memory_space<vmem_shared>> -> memref<64x128xf32, #tpu.memory_space<vmem_shared>>
    %dma_start3A_91 = arith.constant 0 : i32
    %dma_start3A_92 = arith.constant 0 : i32
    %dma_start3A_93 = tpu.memref_slice %arg18[%dma_start3A_91, %dma_start3A_92] : memref<96x128xf32, #tpu.memory_space<vmem>> -> memref<64x128xf32, #tpu.memory_space<vmem>>
    tpu.enqueue_dma source(%dma_start3A_93 : memref<64x128xf32, #tpu.memory_space<vmem>>) target(%dma_start3A_90 : memref<64x128xf32, #tpu.memory_space<vmem_shared>>) target_semaphore(%arg28 : memref<!tpu.dma_semaphore, #tpu.memory_space<semaphore_mem>>)
    %dma_start3A_94 = arith.constant 0 : i32
    %dma_start3A_95 = tpu.memref_slice %arg20[%dma_start3A_94] : memref<96xf32, #tpu.memory_space<vmem>> -> memref<64xf32, #tpu.memory_space<vmem>>
    %dma_start3A_96 = tpu.memref_slice %arg9[%add3A_83] : memref<10240xf32, #tpu.memory_space<vmem_shared>> -> memref<64xf32, #tpu.memory_space<vmem_shared>>
    %dma_start3A_97 = tpu.memref_slice %arg9[%add3A_83] : memref<10240xf32, #tpu.memory_space<vmem_shared>> -> memref<64xf32, #tpu.memory_space<vmem_shared>>
    %dma_start3A_98 = arith.constant 0 : i32
    %dma_start3A_99 = tpu.memref_slice %arg20[%dma_start3A_98] : memref<96xf32, #tpu.memory_space<vmem>> -> memref<64xf32, #tpu.memory_space<vmem>>
    tpu.enqueue_dma source(%dma_start3A_99 : memref<64xf32, #tpu.memory_space<vmem>>) target(%dma_start3A_97 : memref<64xf32, #tpu.memory_space<vmem_shared>>) target_semaphore(%arg30 : memref<!tpu.dma_semaphore, #tpu.memory_space<semaphore_mem>>)
    %mul3A_100 = arith.constant 640 : i32
    %mul3A_101 = arith.muli %arg1, %mul3A_100 : i32
    %add3A_102 = arith.constant 256 : i32
    %add3A_103 = arith.addi %mul3A_101, %add3A_102 : i32
    %dma_start3A_104 = arith.constant 0 : i32
    %dma_start3A_105 = arith.constant 0 : i32
    %dma_start3A_106 = tpu.memref_slice %arg18[%dma_start3A_104, %dma_start3A_105] : memref<96x128xf32, #tpu.memory_space<vmem>> -> memref<64x128xf32, #tpu.memory_space<vmem>>
    %dma_start3A_107 = arith.constant 0 : i32
    %dma_start3A_108 = tpu.memref_slice %arg8[%add3A_103, %dma_start3A_107] : memref<10240x128xf32, #tpu.memory_space<vmem_shared>> -> memref<64x128xf32, #tpu.memory_space<vmem_shared>>
    %dma_start3A_109 = arith.constant 0 : i32
    %dma_start3A_110 = tpu.memref_slice %arg8[%add3A_103, %dma_start3A_109] : memref<10240x128xf32, #tpu.memory_space<vmem_shared>> -> memref<64x128xf32, #tpu.memory_space<vmem_shared>>
    %dma_start3A_111 = arith.constant 0 : i32
    %dma_start3A_112 = arith.constant 0 : i32
    %dma_start3A_113 = tpu.memref_slice %arg18[%dma_start3A_111, %dma_start3A_112] : memref<96x128xf32, #tpu.memory_space<vmem>> -> memref<64x128xf32, #tpu.memory_space<vmem>>
    tpu.enqueue_dma source(%dma_start3A_113 : memref<64x128xf32, #tpu.memory_space<vmem>>) target(%dma_start3A_110 : memref<64x128xf32, #tpu.memory_space<vmem_shared>>) target_semaphore(%arg28 : memref<!tpu.dma_semaphore, #tpu.memory_space<semaphore_mem>>)
    %dma_start3A_114 = arith.constant 0 : i32
    %dma_start3A_115 = tpu.memref_slice %arg20[%dma_start3A_114] : memref<96xf32, #tpu.memory_space<vmem>> -> memref<64xf32, #tpu.memory_space<vmem>>
    %dma_start3A_116 = tpu.memref_slice %arg9[%add3A_103] : memref<10240xf32, #tpu.memory_space<vmem_shared>> -> memref<64xf32, #tpu.memory_space<vmem_shared>>
    %dma_start3A_117 = tpu.memref_slice %arg9[%add3A_103] : memref<10240xf32, #tpu.memory_space<vmem_shared>> -> memref<64xf32, #tpu.memory_space<vmem_shared>>
    %dma_start3A_118 = arith.constant 0 : i32
    %dma_start3A_119 = tpu.memref_slice %arg20[%dma_start3A_118] : memref<96xf32, #tpu.memory_space<vmem>> -> memref<64xf32, #tpu.memory_space<vmem>>
    tpu.enqueue_dma source(%dma_start3A_119 : memref<64xf32, #tpu.memory_space<vmem>>) target(%dma_start3A_117 : memref<64xf32, #tpu.memory_space<vmem_shared>>) target_semaphore(%arg30 : memref<!tpu.dma_semaphore, #tpu.memory_space<semaphore_mem>>)
    %mul3A_120 = arith.constant 640 : i32
    %mul3A_121 = arith.muli %arg1, %mul3A_120 : i32
    %add3A_122 = arith.constant 320 : i32
    %add3A_123 = arith.addi %mul3A_121, %add3A_122 : i32
    %dma_start3A_124 = arith.constant 0 : i32
    %dma_start3A_125 = arith.constant 0 : i32
    %dma_start3A_126 = tpu.memref_slice %arg18[%dma_start3A_124, %dma_start3A_125] : memref<96x128xf32, #tpu.memory_space<vmem>> -> memref<64x128xf32, #tpu.memory_space<vmem>>
    %dma_start3A_127 = arith.constant 0 : i32
    %dma_start3A_128 = tpu.memref_slice %arg8[%add3A_123, %dma_start3A_127] : memref<10240x128xf32, #tpu.memory_space<vmem_shared>> -> memref<64x128xf32, #tpu.memory_space<vmem_shared>>
    %dma_start3A_129 = arith.constant 0 : i32
    %dma_start3A_130 = tpu.memref_slice %arg8[%add3A_123, %dma_start3A_129] : memref<10240x128xf32, #tpu.memory_space<vmem_shared>> -> memref<64x128xf32, #tpu.memory_space<vmem_shared>>
    %dma_start3A_131 = arith.constant 0 : i32
    %dma_start3A_132 = arith.constant 0 : i32
    %dma_start3A_133 = tpu.memref_slice %arg18[%dma_start3A_131, %dma_start3A_132] : memref<96x128xf32, #tpu.memory_space<vmem>> -> memref<64x128xf32, #tpu.memory_space<vmem>>
    tpu.enqueue_dma source(%dma_start3A_133 : memref<64x128xf32, #tpu.memory_space<vmem>>) target(%dma_start3A_130 : memref<64x128xf32, #tpu.memory_space<vmem_shared>>) target_semaphore(%arg28 : memref<!tpu.dma_semaphore, #tpu.memory_space<semaphore_mem>>)
    %dma_start3A_134 = arith.constant 0 : i32
    %dma_start3A_135 = tpu.memref_slice %arg20[%dma_start3A_134] : memref<96xf32, #tpu.memory_space<vmem>> -> memref<64xf32, #tpu.memory_space<vmem>>
    %dma_start3A_136 = tpu.memref_slice %arg9[%add3A_123] : memref<10240xf32, #tpu.memory_space<vmem_shared>> -> memref<64xf32, #tpu.memory_space<vmem_shared>>
    %dma_start3A_137 = tpu.memref_slice %arg9[%add3A_123] : memref<10240xf32, #tpu.memory_space<vmem_shared>> -> memref<64xf32, #tpu.memory_space<vmem_shared>>
    %dma_start3A_138 = arith.constant 0 : i32
    %dma_start3A_139 = tpu.memref_slice %arg20[%dma_start3A_138] : memref<96xf32, #tpu.memory_space<vmem>> -> memref<64xf32, #tpu.memory_space<vmem>>
    tpu.enqueue_dma source(%dma_start3A_139 : memref<64xf32, #tpu.memory_space<vmem>>) target(%dma_start3A_137 : memref<64xf32, #tpu.memory_space<vmem_shared>>) target_semaphore(%arg30 : memref<!tpu.dma_semaphore, #tpu.memory_space<semaphore_mem>>)
    %mul3A_140 = arith.constant 640 : i32
    %mul3A_141 = arith.muli %arg1, %mul3A_140 : i32
    %add3A_142 = arith.constant 384 : i32
    %add3A_143 = arith.addi %mul3A_141, %add3A_142 : i32
    %dma_start3A_144 = arith.constant 0 : i32
    %dma_start3A_145 = arith.constant 0 : i32
    %dma_start3A_146 = tpu.memref_slice %arg18[%dma_start3A_144, %dma_start3A_145] : memref<96x128xf32, #tpu.memory_space<vmem>> -> memref<64x128xf32, #tpu.memory_space<vmem>>
    %dma_start3A_147 = arith.constant 0 : i32
    %dma_start3A_148 = tpu.memref_slice %arg8[%add3A_143, %dma_start3A_147] : memref<10240x128xf32, #tpu.memory_space<vmem_shared>> -> memref<64x128xf32, #tpu.memory_space<vmem_shared>>
    %dma_start3A_149 = arith.constant 0 : i32
    %dma_start3A_150 = tpu.memref_slice %arg8[%add3A_143, %dma_start3A_149] : memref<10240x128xf32, #tpu.memory_space<vmem_shared>> -> memref<64x128xf32, #tpu.memory_space<vmem_shared>>
    %dma_start3A_151 = arith.constant 0 : i32
    %dma_start3A_152 = arith.constant 0 : i32
    %dma_start3A_153 = tpu.memref_slice %arg18[%dma_start3A_151, %dma_start3A_152] : memref<96x128xf32, #tpu.memory_space<vmem>> -> memref<64x128xf32, #tpu.memory_space<vmem>>
    tpu.enqueue_dma source(%dma_start3A_153 : memref<64x128xf32, #tpu.memory_space<vmem>>) target(%dma_start3A_150 : memref<64x128xf32, #tpu.memory_space<vmem_shared>>) target_semaphore(%arg28 : memref<!tpu.dma_semaphore, #tpu.memory_space<semaphore_mem>>)
    %dma_start3A_154 = arith.constant 0 : i32
    %dma_start3A_155 = tpu.memref_slice %arg20[%dma_start3A_154] : memref<96xf32, #tpu.memory_space<vmem>> -> memref<64xf32, #tpu.memory_space<vmem>>
    %dma_start3A_156 = tpu.memref_slice %arg9[%add3A_143] : memref<10240xf32, #tpu.memory_space<vmem_shared>> -> memref<64xf32, #tpu.memory_space<vmem_shared>>
    %dma_start3A_157 = tpu.memref_slice %arg9[%add3A_143] : memref<10240xf32, #tpu.memory_space<vmem_shared>> -> memref<64xf32, #tpu.memory_space<vmem_shared>>
    %dma_start3A_158 = arith.constant 0 : i32
    %dma_start3A_159 = tpu.memref_slice %arg20[%dma_start3A_158] : memref<96xf32, #tpu.memory_space<vmem>> -> memref<64xf32, #tpu.memory_space<vmem>>
    tpu.enqueue_dma source(%dma_start3A_159 : memref<64xf32, #tpu.memory_space<vmem>>) target(%dma_start3A_157 : memref<64xf32, #tpu.memory_space<vmem_shared>>) target_semaphore(%arg30 : memref<!tpu.dma_semaphore, #tpu.memory_space<semaphore_mem>>)
    %mul3A_160 = arith.constant 640 : i32
    %mul3A_161 = arith.muli %arg1, %mul3A_160 : i32
    %add3A_162 = arith.constant 448 : i32
    %add3A_163 = arith.addi %mul3A_161, %add3A_162 : i32
    %dma_start3A_164 = arith.constant 0 : i32
    %dma_start3A_165 = arith.constant 0 : i32
    %dma_start3A_166 = tpu.memref_slice %arg18[%dma_start3A_164, %dma_start3A_165] : memref<96x128xf32, #tpu.memory_space<vmem>> -> memref<64x128xf32, #tpu.memory_space<vmem>>
    %dma_start3A_167 = arith.constant 0 : i32
    %dma_start3A_168 = tpu.memref_slice %arg8[%add3A_163, %dma_start3A_167] : memref<10240x128xf32, #tpu.memory_space<vmem_shared>> -> memref<64x128xf32, #tpu.memory_space<vmem_shared>>
    %dma_start3A_169 = arith.constant 0 : i32
    %dma_start3A_170 = tpu.memref_slice %arg8[%add3A_163, %dma_start3A_169] : memref<10240x128xf32, #tpu.memory_space<vmem_shared>> -> memref<64x128xf32, #tpu.memory_space<vmem_shared>>
    %dma_start3A_171 = arith.constant 0 : i32
    %dma_start3A_172 = arith.constant 0 : i32
    %dma_start3A_173 = tpu.memref_slice %arg18[%dma_start3A_171, %dma_start3A_172] : memref<96x128xf32, #tpu.memory_space<vmem>> -> memref<64x128xf32, #tpu.memory_space<vmem>>
    tpu.enqueue_dma source(%dma_start3A_173 : memref<64x128xf32, #tpu.memory_space<vmem>>) target(%dma_start3A_170 : memref<64x128xf32, #tpu.memory_space<vmem_shared>>) target_semaphore(%arg28 : memref<!tpu.dma_semaphore, #tpu.memory_space<semaphore_mem>>)
    %dma_start3A_174 = arith.constant 0 : i32
    %dma_start3A_175 = tpu.memref_slice %arg20[%dma_start3A_174] : memref<96xf32, #tpu.memory_space<vmem>> -> memref<64xf32, #tpu.memory_space<vmem>>
    %dma_start3A_176 = tpu.memref_slice %arg9[%add3A_163] : memref<10240xf32, #tpu.memory_space<vmem_shared>> -> memref<64xf32, #tpu.memory_space<vmem_shared>>
    %dma_start3A_177 = tpu.memref_slice %arg9[%add3A_163] : memref<10240xf32, #tpu.memory_space<vmem_shared>> -> memref<64xf32, #tpu.memory_space<vmem_shared>>
    %dma_start3A_178 = arith.constant 0 : i32
    %dma_start3A_179 = tpu.memref_slice %arg20[%dma_start3A_178] : memref<96xf32, #tpu.memory_space<vmem>> -> memref<64xf32, #tpu.memory_space<vmem>>
    tpu.enqueue_dma source(%dma_start3A_179 : memref<64xf32, #tpu.memory_space<vmem>>) target(%dma_start3A_177 : memref<64xf32, #tpu.memory_space<vmem_shared>>) target_semaphore(%arg30 : memref<!tpu.dma_semaphore, #tpu.memory_space<semaphore_mem>>)
    %mul3A_180 = arith.constant 640 : i32
    %mul3A_181 = arith.muli %arg1, %mul3A_180 : i32
    %add3A_182 = arith.constant 512 : i32
    %add3A_183 = arith.addi %mul3A_181, %add3A_182 : i32
    %dma_start3A_184 = arith.constant 0 : i32
    %dma_start3A_185 = arith.constant 0 : i32
    %dma_start3A_186 = tpu.memref_slice %arg18[%dma_start3A_184, %dma_start3A_185] : memref<96x128xf32, #tpu.memory_space<vmem>> -> memref<64x128xf32, #tpu.memory_space<vmem>>
    %dma_start3A_187 = arith.constant 0 : i32
    %dma_start3A_188 = tpu.memref_slice %arg8[%add3A_183, %dma_start3A_187] : memref<10240x128xf32, #tpu.memory_space<vmem_shared>> -> memref<64x128xf32, #tpu.memory_space<vmem_shared>>
    %dma_start3A_189 = arith.constant 0 : i32
    %dma_start3A_190 = tpu.memref_slice %arg8[%add3A_183, %dma_start3A_189] : memref<10240x128xf32, #tpu.memory_space<vmem_shared>> -> memref<64x128xf32, #tpu.memory_space<vmem_shared>>
    %dma_start3A_191 = arith.constant 0 : i32
    %dma_start3A_192 = arith.constant 0 : i32
    %dma_start3A_193 = tpu.memref_slice %arg18[%dma_start3A_191, %dma_start3A_192] : memref<96x128xf32, #tpu.memory_space<vmem>> -> memref<64x128xf32, #tpu.memory_space<vmem>>
    tpu.enqueue_dma source(%dma_start3A_193 : memref<64x128xf32, #tpu.memory_space<vmem>>) target(%dma_start3A_190 : memref<64x128xf32, #tpu.memory_space<vmem_shared>>) target_semaphore(%arg28 : memref<!tpu.dma_semaphore, #tpu.memory_space<semaphore_mem>>)
    %dma_start3A_194 = arith.constant 0 : i32
    %dma_start3A_195 = tpu.memref_slice %arg20[%dma_start3A_194] : memref<96xf32, #tpu.memory_space<vmem>> -> memref<64xf32, #tpu.memory_space<vmem>>
    %dma_start3A_196 = tpu.memref_slice %arg9[%add3A_183] : memref<10240xf32, #tpu.memory_space<vmem_shared>> -> memref<64xf32, #tpu.memory_space<vmem_shared>>
    %dma_start3A_197 = tpu.memref_slice %arg9[%add3A_183] : memref<10240xf32, #tpu.memory_space<vmem_shared>> -> memref<64xf32, #tpu.memory_space<vmem_shared>>
    %dma_start3A_198 = arith.constant 0 : i32
    %dma_start3A_199 = tpu.memref_slice %arg20[%dma_start3A_198] : memref<96xf32, #tpu.memory_space<vmem>> -> memref<64xf32, #tpu.memory_space<vmem>>
    tpu.enqueue_dma source(%dma_start3A_199 : memref<64xf32, #tpu.memory_space<vmem>>) target(%dma_start3A_197 : memref<64xf32, #tpu.memory_space<vmem_shared>>) target_semaphore(%arg30 : memref<!tpu.dma_semaphore, #tpu.memory_space<semaphore_mem>>)
    %mul3A_200 = arith.constant 640 : i32
    %mul3A_201 = arith.muli %arg1, %mul3A_200 : i32
    %add3A_202 = arith.constant 576 : i32
    %add3A_203 = arith.addi %mul3A_201, %add3A_202 : i32
    %dma_start3A_204 = arith.constant 0 : i32
    %dma_start3A_205 = arith.constant 0 : i32
    %dma_start3A_206 = tpu.memref_slice %arg18[%dma_start3A_204, %dma_start3A_205] : memref<96x128xf32, #tpu.memory_space<vmem>> -> memref<64x128xf32, #tpu.memory_space<vmem>>
    %dma_start3A_207 = arith.constant 0 : i32
    %dma_start3A_208 = tpu.memref_slice %arg8[%add3A_203, %dma_start3A_207] : memref<10240x128xf32, #tpu.memory_space<vmem_shared>> -> memref<64x128xf32, #tpu.memory_space<vmem_shared>>
    %dma_start3A_209 = arith.constant 0 : i32
    %dma_start3A_210 = tpu.memref_slice %arg8[%add3A_203, %dma_start3A_209] : memref<10240x128xf32, #tpu.memory_space<vmem_shared>> -> memref<64x128xf32, #tpu.memory_space<vmem_shared>>
    %dma_start3A_211 = arith.constant 0 : i32
    %dma_start3A_212 = arith.constant 0 : i32
    %dma_start3A_213 = tpu.memref_slice %arg18[%dma_start3A_211, %dma_start3A_212] : memref<96x128xf32, #tpu.memory_space<vmem>> -> memref<64x128xf32, #tpu.memory_space<vmem>>
    tpu.enqueue_dma source(%dma_start3A_213 : memref<64x128xf32, #tpu.memory_space<vmem>>) target(%dma_start3A_210 : memref<64x128xf32, #tpu.memory_space<vmem_shared>>) target_semaphore(%arg28 : memref<!tpu.dma_semaphore, #tpu.memory_space<semaphore_mem>>)
    %dma_start3A_214 = arith.constant 0 : i32
    %dma_start3A_215 = tpu.memref_slice %arg20[%dma_start3A_214] : memref<96xf32, #tpu.memory_space<vmem>> -> memref<64xf32, #tpu.memory_space<vmem>>
    %dma_start3A_216 = tpu.memref_slice %arg9[%add3A_203] : memref<10240xf32, #tpu.memory_space<vmem_shared>> -> memref<64xf32, #tpu.memory_space<vmem_shared>>
    %dma_start3A_217 = tpu.memref_slice %arg9[%add3A_203] : memref<10240xf32, #tpu.memory_space<vmem_shared>> -> memref<64xf32, #tpu.memory_space<vmem_shared>>
    %dma_start3A_218 = arith.constant 0 : i32
    %dma_start3A_219 = tpu.memref_slice %arg20[%dma_start3A_218] : memref<96xf32, #tpu.memory_space<vmem>> -> memref<64xf32, #tpu.memory_space<vmem>>
    tpu.enqueue_dma source(%dma_start3A_219 : memref<64xf32, #tpu.memory_space<vmem>>) target(%dma_start3A_217 : memref<64xf32, #tpu.memory_space<vmem_shared>>) target_semaphore(%arg30 : memref<!tpu.dma_semaphore, #tpu.memory_space<semaphore_mem>>)
    %dma_start3A_220 = arith.constant 0 : i32
    %dma_start3A_221 = arith.constant 0 : i32
    %dma_start3A_222 = tpu.memref_slice %arg3[%dma_start3A_220, %dma_start3A_221] : memref<8x10240xf32, #tpu.memory_space<hbm>> -> memref<1x10240xf32, #tpu.memory_space<hbm>>
    %dma_start3A_223 = tpu.memref_squeeze %dma_start3A_222 : memref<1x10240xf32, #tpu.memory_space<hbm>> -> memref<10240xf32, #tpu.memory_space<hbm>>
    %dma_start3A_224 = arith.constant 0 : i32
    %dma_start3A_225 = tpu.memref_slice %arg3[%dma_start3A_220, %dma_start3A_224] : memref<8x10240xf32, #tpu.memory_space<hbm>> -> memref<1x10240xf32, #tpu.memory_space<hbm>>
    %dma_start3A_226 = tpu.memref_squeeze %dma_start3A_225 : memref<1x10240xf32, #tpu.memory_space<hbm>> -> memref<10240xf32, #tpu.memory_space<hbm>>
    tpu.enqueue_dma source(%dma_start3A_226 : memref<10240xf32, #tpu.memory_space<hbm>>) target(%arg10 : memref<10240xf32, #tpu.memory_space<vmem>>) target_semaphore(%arg22 : memref<!tpu.dma_semaphore, #tpu.memory_space<semaphore_mem>>)
    %dma_start3A_227 = arith.constant 1 : i32
    %dma_start3A_228 = arith.constant 0 : i32
    %dma_start3A_229 = tpu.memref_slice %arg3[%dma_start3A_227, %dma_start3A_228] : memref<8x10240xf32, #tpu.memory_space<hbm>> -> memref<1x10240xf32, #tpu.memory_space<hbm>>
    %dma_start3A_230 = tpu.memref_squeeze %dma_start3A_229 : memref<1x10240xf32, #tpu.memory_space<hbm>> -> memref<10240xf32, #tpu.memory_space<hbm>>
    %dma_start3A_231 = arith.constant 0 : i32
    %dma_start3A_232 = tpu.memref_slice %arg3[%dma_start3A_227, %dma_start3A_231] : memref<8x10240xf32, #tpu.memory_space<hbm>> -> memref<1x10240xf32, #tpu.memory_space<hbm>>
    %dma_start3A_233 = tpu.memref_squeeze %dma_start3A_232 : memref<1x10240xf32, #tpu.memory_space<hbm>> -> memref<10240xf32, #tpu.memory_space<hbm>>
    tpu.enqueue_dma source(%dma_start3A_233 : memref<10240xf32, #tpu.memory_space<hbm>>) target(%arg11 : memref<10240xf32, #tpu.memory_space<vmem>>) target_semaphore(%arg23 : memref<!tpu.dma_semaphore, #tpu.memory_space<semaphore_mem>>)
    %mul3A_234 = arith.constant 640 : i32
    %mul3A_235 = arith.muli %arg1, %mul3A_234 : i32
    %add3A_236 = arith.constant 0 : i32
    %add3A_237 = arith.addi %mul3A_235, %add3A_236 : i32
    %dma_wait3A = arith.constant 0 : i32
    %dma_wait3A_238 = arith.constant 0 : i32
    %dma_wait3A_239 = tpu.memref_slice %arg18[%dma_wait3A, %dma_wait3A_238] : memref<96x128xf32, #tpu.memory_space<vmem>> -> memref<64x128xf32, #tpu.memory_space<vmem>>
    %dma_wait3A_240 = arith.constant 0 : i32
    %dma_wait3A_241 = tpu.memref_slice %arg8[%add3A_237, %dma_wait3A_240] : memref<10240x128xf32, #tpu.memory_space<vmem_shared>> -> memref<64x128xf32, #tpu.memory_space<vmem_shared>>
    %dma_wait3A_242 = arith.constant 0 : i32
    %dma_wait3A_243 = tpu.memref_slice %arg8[%add3A_237, %dma_wait3A_242] : memref<10240x128xf32, #tpu.memory_space<vmem_shared>> -> memref<64x128xf32, #tpu.memory_space<vmem_shared>>
    %dma_wait3A_244 = arith.constant 0 : i32
    %dma_wait3A_245 = arith.constant 0 : i32
    %dma_wait3A_246 = tpu.memref_slice %arg18[%dma_wait3A_244, %dma_wait3A_245] : memref<96x128xf32, #tpu.memory_space<vmem>> -> memref<64x128xf32, #tpu.memory_space<vmem>>
    tpu.wait_dma2 semaphore(%arg28 : memref<!tpu.dma_semaphore, #tpu.memory_space<semaphore_mem>>) src(%dma_wait3A_246 : memref<64x128xf32, #tpu.memory_space<vmem>>) dst(%dma_wait3A_243 : memref<64x128xf32, #tpu.memory_space<vmem_shared>>)
    %dma_wait3A_247 = arith.constant 0 : i32
    %dma_wait3A_248 = tpu.memref_slice %arg20[%dma_wait3A_247] : memref<96xf32, #tpu.memory_space<vmem>> -> memref<64xf32, #tpu.memory_space<vmem>>
    %dma_wait3A_249 = tpu.memref_slice %arg9[%add3A_237] : memref<10240xf32, #tpu.memory_space<vmem_shared>> -> memref<64xf32, #tpu.memory_space<vmem_shared>>
    %dma_wait3A_250 = tpu.memref_slice %arg9[%add3A_237] : memref<10240xf32, #tpu.memory_space<vmem_shared>> -> memref<64xf32, #tpu.memory_space<vmem_shared>>
    %dma_wait3A_251 = arith.constant 0 : i32
    %dma_wait3A_252 = tpu.memref_slice %arg20[%dma_wait3A_251] : memref<96xf32, #tpu.memory_space<vmem>> -> memref<64xf32, #tpu.memory_space<vmem>>
    tpu.wait_dma2 semaphore(%arg30 : memref<!tpu.dma_semaphore, #tpu.memory_space<semaphore_mem>>) src(%dma_wait3A_252 : memref<64xf32, #tpu.memory_space<vmem>>) dst(%dma_wait3A_250 : memref<64xf32, #tpu.memory_space<vmem_shared>>)
    %mul3A_253 = arith.constant 640 : i32
    %mul3A_254 = arith.muli %arg1, %mul3A_253 : i32
    %add3A_255 = arith.constant 64 : i32
    %add3A_256 = arith.addi %mul3A_254, %add3A_255 : i32
    %dma_wait3A_257 = arith.constant 0 : i32
    %dma_wait3A_258 = arith.constant 0 : i32
    %dma_wait3A_259 = tpu.memref_slice %arg18[%dma_wait3A_257, %dma_wait3A_258] : memref<96x128xf32, #tpu.memory_space<vmem>> -> memref<64x128xf32, #tpu.memory_space<vmem>>
    %dma_wait3A_260 = arith.constant 0 : i32
    %dma_wait3A_261 = tpu.memref_slice %arg8[%add3A_256, %dma_wait3A_260] : memref<10240x128xf32, #tpu.memory_space<vmem_shared>> -> memref<64x128xf32, #tpu.memory_space<vmem_shared>>
    %dma_wait3A_262 = arith.constant 0 : i32
    %dma_wait3A_263 = tpu.memref_slice %arg8[%add3A_256, %dma_wait3A_262] : memref<10240x128xf32, #tpu.memory_space<vmem_shared>> -> memref<64x128xf32, #tpu.memory_space<vmem_shared>>
    %dma_wait3A_264 = arith.constant 0 : i32
    %dma_wait3A_265 = arith.constant 0 : i32
    %dma_wait3A_266 = tpu.memref_slice %arg18[%dma_wait3A_264, %dma_wait3A_265] : memref<96x128xf32, #tpu.memory_space<vmem>> -> memref<64x128xf32, #tpu.memory_space<vmem>>
    tpu.wait_dma2 semaphore(%arg28 : memref<!tpu.dma_semaphore, #tpu.memory_space<semaphore_mem>>) src(%dma_wait3A_266 : memref<64x128xf32, #tpu.memory_space<vmem>>) dst(%dma_wait3A_263 : memref<64x128xf32, #tpu.memory_space<vmem_shared>>)
    %dma_wait3A_267 = arith.constant 0 : i32
    %dma_wait3A_268 = tpu.memref_slice %arg20[%dma_wait3A_267] : memref<96xf32, #tpu.memory_space<vmem>> -> memref<64xf32, #tpu.memory_space<vmem>>
    %dma_wait3A_269 = tpu.memref_slice %arg9[%add3A_256] : memref<10240xf32, #tpu.memory_space<vmem_shared>> -> memref<64xf32, #tpu.memory_space<vmem_shared>>
    %dma_wait3A_270 = tpu.memref_slice %arg9[%add3A_256] : memref<10240xf32, #tpu.memory_space<vmem_shared>> -> memref<64xf32, #tpu.memory_space<vmem_shared>>
    %dma_wait3A_271 = arith.constant 0 : i32
    %dma_wait3A_272 = tpu.memref_slice %arg20[%dma_wait3A_271] : memref<96xf32, #tpu.memory_space<vmem>> -> memref<64xf32, #tpu.memory_space<vmem>>
    tpu.wait_dma2 semaphore(%arg30 : memref<!tpu.dma_semaphore, #tpu.memory_space<semaphore_mem>>) src(%dma_wait3A_272 : memref<64xf32, #tpu.memory_space<vmem>>) dst(%dma_wait3A_270 : memref<64xf32, #tpu.memory_space<vmem_shared>>)
    %mul3A_273 = arith.constant 640 : i32
    %mul3A_274 = arith.muli %arg1, %mul3A_273 : i32
    %add3A_275 = arith.constant 128 : i32
    %add3A_276 = arith.addi %mul3A_274, %add3A_275 : i32
    %dma_wait3A_277 = arith.constant 0 : i32
    %dma_wait3A_278 = arith.constant 0 : i32
    %dma_wait3A_279 = tpu.memref_slice %arg18[%dma_wait3A_277, %dma_wait3A_278] : memref<96x128xf32, #tpu.memory_space<vmem>> -> memref<64x128xf32, #tpu.memory_space<vmem>>
    %dma_wait3A_280 = arith.constant 0 : i32
    %dma_wait3A_281 = tpu.memref_slice %arg8[%add3A_276, %dma_wait3A_280] : memref<10240x128xf32, #tpu.memory_space<vmem_shared>> -> memref<64x128xf32, #tpu.memory_space<vmem_shared>>
    %dma_wait3A_282 = arith.constant 0 : i32
    %dma_wait3A_283 = tpu.memref_slice %arg8[%add3A_276, %dma_wait3A_282] : memref<10240x128xf32, #tpu.memory_space<vmem_shared>> -> memref<64x128xf32, #tpu.memory_space<vmem_shared>>
    %dma_wait3A_284 = arith.constant 0 : i32
    %dma_wait3A_285 = arith.constant 0 : i32
    %dma_wait3A_286 = tpu.memref_slice %arg18[%dma_wait3A_284, %dma_wait3A_285] : memref<96x128xf32, #tpu.memory_space<vmem>> -> memref<64x128xf32, #tpu.memory_space<vmem>>
    tpu.wait_dma2 semaphore(%arg28 : memref<!tpu.dma_semaphore, #tpu.memory_space<semaphore_mem>>) src(%dma_wait3A_286 : memref<64x128xf32, #tpu.memory_space<vmem>>) dst(%dma_wait3A_283 : memref<64x128xf32, #tpu.memory_space<vmem_shared>>)
    %dma_wait3A_287 = arith.constant 0 : i32
    %dma_wait3A_288 = tpu.memref_slice %arg20[%dma_wait3A_287] : memref<96xf32, #tpu.memory_space<vmem>> -> memref<64xf32, #tpu.memory_space<vmem>>
    %dma_wait3A_289 = tpu.memref_slice %arg9[%add3A_276] : memref<10240xf32, #tpu.memory_space<vmem_shared>> -> memref<64xf32, #tpu.memory_space<vmem_shared>>
    %dma_wait3A_290 = tpu.memref_slice %arg9[%add3A_276] : memref<10240xf32, #tpu.memory_space<vmem_shared>> -> memref<64xf32, #tpu.memory_space<vmem_shared>>
    %dma_wait3A_291 = arith.constant 0 : i32
    %dma_wait3A_292 = tpu.memref_slice %arg20[%dma_wait3A_291] : memref<96xf32, #tpu.memory_space<vmem>> -> memref<64xf32, #tpu.memory_space<vmem>>
    tpu.wait_dma2 semaphore(%arg30 : memref<!tpu.dma_semaphore, #tpu.memory_space<semaphore_mem>>) src(%dma_wait3A_292 : memref<64xf32, #tpu.memory_space<vmem>>) dst(%dma_wait3A_290 : memref<64xf32, #tpu.memory_space<vmem_shared>>)
    %mul3A_293 = arith.constant 640 : i32
    %mul3A_294 = arith.muli %arg1, %mul3A_293 : i32
    %add3A_295 = arith.constant 192 : i32
    %add3A_296 = arith.addi %mul3A_294, %add3A_295 : i32
    %dma_wait3A_297 = arith.constant 0 : i32
    %dma_wait3A_298 = arith.constant 0 : i32
    %dma_wait3A_299 = tpu.memref_slice %arg18[%dma_wait3A_297, %dma_wait3A_298] : memref<96x128xf32, #tpu.memory_space<vmem>> -> memref<64x128xf32, #tpu.memory_space<vmem>>
    %dma_wait3A_300 = arith.constant 0 : i32
    %dma_wait3A_301 = tpu.memref_slice %arg8[%add3A_296, %dma_wait3A_300] : memref<10240x128xf32, #tpu.memory_space<vmem_shared>> -> memref<64x128xf32, #tpu.memory_space<vmem_shared>>
    %dma_wait3A_302 = arith.constant 0 : i32
    %dma_wait3A_303 = tpu.memref_slice %arg8[%add3A_296, %dma_wait3A_302] : memref<10240x128xf32, #tpu.memory_space<vmem_shared>> -> memref<64x128xf32, #tpu.memory_space<vmem_shared>>
    %dma_wait3A_304 = arith.constant 0 : i32
    %dma_wait3A_305 = arith.constant 0 : i32
    %dma_wait3A_306 = tpu.memref_slice %arg18[%dma_wait3A_304, %dma_wait3A_305] : memref<96x128xf32, #tpu.memory_space<vmem>> -> memref<64x128xf32, #tpu.memory_space<vmem>>
    tpu.wait_dma2 semaphore(%arg28 : memref<!tpu.dma_semaphore, #tpu.memory_space<semaphore_mem>>) src(%dma_wait3A_306 : memref<64x128xf32, #tpu.memory_space<vmem>>) dst(%dma_wait3A_303 : memref<64x128xf32, #tpu.memory_space<vmem_shared>>)
    %dma_wait3A_307 = arith.constant 0 : i32
    %dma_wait3A_308 = tpu.memref_slice %arg20[%dma_wait3A_307] : memref<96xf32, #tpu.memory_space<vmem>> -> memref<64xf32, #tpu.memory_space<vmem>>
    %dma_wait3A_309 = tpu.memref_slice %arg9[%add3A_296] : memref<10240xf32, #tpu.memory_space<vmem_shared>> -> memref<64xf32, #tpu.memory_space<vmem_shared>>
    %dma_wait3A_310 = tpu.memref_slice %arg9[%add3A_296] : memref<10240xf32, #tpu.memory_space<vmem_shared>> -> memref<64xf32, #tpu.memory_space<vmem_shared>>
    %dma_wait3A_311 = arith.constant 0 : i32
    %dma_wait3A_312 = tpu.memref_slice %arg20[%dma_wait3A_311] : memref<96xf32, #tpu.memory_space<vmem>> -> memref<64xf32, #tpu.memory_space<vmem>>
    tpu.wait_dma2 semaphore(%arg30 : memref<!tpu.dma_semaphore, #tpu.memory_space<semaphore_mem>>) src(%dma_wait3A_312 : memref<64xf32, #tpu.memory_space<vmem>>) dst(%dma_wait3A_310 : memref<64xf32, #tpu.memory_space<vmem_shared>>)
    %mul3A_313 = arith.constant 640 : i32
    %mul3A_314 = arith.muli %arg1, %mul3A_313 : i32
    %add3A_315 = arith.constant 256 : i32
    %add3A_316 = arith.addi %mul3A_314, %add3A_315 : i32
    %dma_wait3A_317 = arith.constant 0 : i32
    %dma_wait3A_318 = arith.constant 0 : i32
    %dma_wait3A_319 = tpu.memref_slice %arg18[%dma_wait3A_317, %dma_wait3A_318] : memref<96x128xf32, #tpu.memory_space<vmem>> -> memref<64x128xf32, #tpu.memory_space<vmem>>
    %dma_wait3A_320 = arith.constant 0 : i32
    %dma_wait3A_321 = tpu.memref_slice %arg8[%add3A_316, %dma_wait3A_320] : memref<10240x128xf32, #tpu.memory_space<vmem_shared>> -> memref<64x128xf32, #tpu.memory_space<vmem_shared>>
    %dma_wait3A_322 = arith.constant 0 : i32
    %dma_wait3A_323 = tpu.memref_slice %arg8[%add3A_316, %dma_wait3A_322] : memref<10240x128xf32, #tpu.memory_space<vmem_shared>> -> memref<64x128xf32, #tpu.memory_space<vmem_shared>>
    %dma_wait3A_324 = arith.constant 0 : i32
    %dma_wait3A_325 = arith.constant 0 : i32
    %dma_wait3A_326 = tpu.memref_slice %arg18[%dma_wait3A_324, %dma_wait3A_325] : memref<96x128xf32, #tpu.memory_space<vmem>> -> memref<64x128xf32, #tpu.memory_space<vmem>>
    tpu.wait_dma2 semaphore(%arg28 : memref<!tpu.dma_semaphore, #tpu.memory_space<semaphore_mem>>) src(%dma_wait3A_326 : memref<64x128xf32, #tpu.memory_space<vmem>>) dst(%dma_wait3A_323 : memref<64x128xf32, #tpu.memory_space<vmem_shared>>)
    %dma_wait3A_327 = arith.constant 0 : i32
    %dma_wait3A_328 = tpu.memref_slice %arg20[%dma_wait3A_327] : memref<96xf32, #tpu.memory_space<vmem>> -> memref<64xf32, #tpu.memory_space<vmem>>
    %dma_wait3A_329 = tpu.memref_slice %arg9[%add3A_316] : memref<10240xf32, #tpu.memory_space<vmem_shared>> -> memref<64xf32, #tpu.memory_space<vmem_shared>>
    %dma_wait3A_330 = tpu.memref_slice %arg9[%add3A_316] : memref<10240xf32, #tpu.memory_space<vmem_shared>> -> memref<64xf32, #tpu.memory_space<vmem_shared>>
    %dma_wait3A_331 = arith.constant 0 : i32
    %dma_wait3A_332 = tpu.memref_slice %arg20[%dma_wait3A_331] : memref<96xf32, #tpu.memory_space<vmem>> -> memref<64xf32, #tpu.memory_space<vmem>>
    tpu.wait_dma2 semaphore(%arg30 : memref<!tpu.dma_semaphore, #tpu.memory_space<semaphore_mem>>) src(%dma_wait3A_332 : memref<64xf32, #tpu.memory_space<vmem>>) dst(%dma_wait3A_330 : memref<64xf32, #tpu.memory_space<vmem_shared>>)
    %mul3A_333 = arith.constant 640 : i32
    %mul3A_334 = arith.muli %arg1, %mul3A_333 : i32
    %add3A_335 = arith.constant 320 : i32
    %add3A_336 = arith.addi %mul3A_334, %add3A_335 : i32
    %dma_wait3A_337 = arith.constant 0 : i32
    %dma_wait3A_338 = arith.constant 0 : i32
    %dma_wait3A_339 = tpu.memref_slice %arg18[%dma_wait3A_337, %dma_wait3A_338] : memref<96x128xf32, #tpu.memory_space<vmem>> -> memref<64x128xf32, #tpu.memory_space<vmem>>
    %dma_wait3A_340 = arith.constant 0 : i32
    %dma_wait3A_341 = tpu.memref_slice %arg8[%add3A_336, %dma_wait3A_340] : memref<10240x128xf32, #tpu.memory_space<vmem_shared>> -> memref<64x128xf32, #tpu.memory_space<vmem_shared>>
    %dma_wait3A_342 = arith.constant 0 : i32
    %dma_wait3A_343 = tpu.memref_slice %arg8[%add3A_336, %dma_wait3A_342] : memref<10240x128xf32, #tpu.memory_space<vmem_shared>> -> memref<64x128xf32, #tpu.memory_space<vmem_shared>>
    %dma_wait3A_344 = arith.constant 0 : i32
    %dma_wait3A_345 = arith.constant 0 : i32
    %dma_wait3A_346 = tpu.memref_slice %arg18[%dma_wait3A_344, %dma_wait3A_345] : memref<96x128xf32, #tpu.memory_space<vmem>> -> memref<64x128xf32, #tpu.memory_space<vmem>>
    tpu.wait_dma2 semaphore(%arg28 : memref<!tpu.dma_semaphore, #tpu.memory_space<semaphore_mem>>) src(%dma_wait3A_346 : memref<64x128xf32, #tpu.memory_space<vmem>>) dst(%dma_wait3A_343 : memref<64x128xf32, #tpu.memory_space<vmem_shared>>)
    %dma_wait3A_347 = arith.constant 0 : i32
    %dma_wait3A_348 = tpu.memref_slice %arg20[%dma_wait3A_347] : memref<96xf32, #tpu.memory_space<vmem>> -> memref<64xf32, #tpu.memory_space<vmem>>
    %dma_wait3A_349 = tpu.memref_slice %arg9[%add3A_336] : memref<10240xf32, #tpu.memory_space<vmem_shared>> -> memref<64xf32, #tpu.memory_space<vmem_shared>>
    %dma_wait3A_350 = tpu.memref_slice %arg9[%add3A_336] : memref<10240xf32, #tpu.memory_space<vmem_shared>> -> memref<64xf32, #tpu.memory_space<vmem_shared>>
    %dma_wait3A_351 = arith.constant 0 : i32
    %dma_wait3A_352 = tpu.memref_slice %arg20[%dma_wait3A_351] : memref<96xf32, #tpu.memory_space<vmem>> -> memref<64xf32, #tpu.memory_space<vmem>>
    tpu.wait_dma2 semaphore(%arg30 : memref<!tpu.dma_semaphore, #tpu.memory_space<semaphore_mem>>) src(%dma_wait3A_352 : memref<64xf32, #tpu.memory_space<vmem>>) dst(%dma_wait3A_350 : memref<64xf32, #tpu.memory_space<vmem_shared>>)
    %mul3A_353 = arith.constant 640 : i32
    %mul3A_354 = arith.muli %arg1, %mul3A_353 : i32
    %add3A_355 = arith.constant 384 : i32
    %add3A_356 = arith.addi %mul3A_354, %add3A_355 : i32
    %dma_wait3A_357 = arith.constant 0 : i32
    %dma_wait3A_358 = arith.constant 0 : i32
    %dma_wait3A_359 = tpu.memref_slice %arg18[%dma_wait3A_357, %dma_wait3A_358] : memref<96x128xf32, #tpu.memory_space<vmem>> -> memref<64x128xf32, #tpu.memory_space<vmem>>
    %dma_wait3A_360 = arith.constant 0 : i32
    %dma_wait3A_361 = tpu.memref_slice %arg8[%add3A_356, %dma_wait3A_360] : memref<10240x128xf32, #tpu.memory_space<vmem_shared>> -> memref<64x128xf32, #tpu.memory_space<vmem_shared>>
    %dma_wait3A_362 = arith.constant 0 : i32
    %dma_wait3A_363 = tpu.memref_slice %arg8[%add3A_356, %dma_wait3A_362] : memref<10240x128xf32, #tpu.memory_space<vmem_shared>> -> memref<64x128xf32, #tpu.memory_space<vmem_shared>>
    %dma_wait3A_364 = arith.constant 0 : i32
    %dma_wait3A_365 = arith.constant 0 : i32
    %dma_wait3A_366 = tpu.memref_slice %arg18[%dma_wait3A_364, %dma_wait3A_365] : memref<96x128xf32, #tpu.memory_space<vmem>> -> memref<64x128xf32, #tpu.memory_space<vmem>>
    tpu.wait_dma2 semaphore(%arg28 : memref<!tpu.dma_semaphore, #tpu.memory_space<semaphore_mem>>) src(%dma_wait3A_366 : memref<64x128xf32, #tpu.memory_space<vmem>>) dst(%dma_wait3A_363 : memref<64x128xf32, #tpu.memory_space<vmem_shared>>)
    %dma_wait3A_367 = arith.constant 0 : i32
    %dma_wait3A_368 = tpu.memref_slice %arg20[%dma_wait3A_367] : memref<96xf32, #tpu.memory_space<vmem>> -> memref<64xf32, #tpu.memory_space<vmem>>
    %dma_wait3A_369 = tpu.memref_slice %arg9[%add3A_356] : memref<10240xf32, #tpu.memory_space<vmem_shared>> -> memref<64xf32, #tpu.memory_space<vmem_shared>>
    %dma_wait3A_370 = tpu.memref_slice %arg9[%add3A_356] : memref<10240xf32, #tpu.memory_space<vmem_shared>> -> memref<64xf32, #tpu.memory_space<vmem_shared>>
    %dma_wait3A_371 = arith.constant 0 : i32
    %dma_wait3A_372 = tpu.memref_slice %arg20[%dma_wait3A_371] : memref<96xf32, #tpu.memory_space<vmem>> -> memref<64xf32, #tpu.memory_space<vmem>>
    tpu.wait_dma2 semaphore(%arg30 : memref<!tpu.dma_semaphore, #tpu.memory_space<semaphore_mem>>) src(%dma_wait3A_372 : memref<64xf32, #tpu.memory_space<vmem>>) dst(%dma_wait3A_370 : memref<64xf32, #tpu.memory_space<vmem_shared>>)
    %mul3A_373 = arith.constant 640 : i32
    %mul3A_374 = arith.muli %arg1, %mul3A_373 : i32
    %add3A_375 = arith.constant 448 : i32
    %add3A_376 = arith.addi %mul3A_374, %add3A_375 : i32
    %dma_wait3A_377 = arith.constant 0 : i32
    %dma_wait3A_378 = arith.constant 0 : i32
    %dma_wait3A_379 = tpu.memref_slice %arg18[%dma_wait3A_377, %dma_wait3A_378] : memref<96x128xf32, #tpu.memory_space<vmem>> -> memref<64x128xf32, #tpu.memory_space<vmem>>
    %dma_wait3A_380 = arith.constant 0 : i32
    %dma_wait3A_381 = tpu.memref_slice %arg8[%add3A_376, %dma_wait3A_380] : memref<10240x128xf32, #tpu.memory_space<vmem_shared>> -> memref<64x128xf32, #tpu.memory_space<vmem_shared>>
    %dma_wait3A_382 = arith.constant 0 : i32
    %dma_wait3A_383 = tpu.memref_slice %arg8[%add3A_376, %dma_wait3A_382] : memref<10240x128xf32, #tpu.memory_space<vmem_shared>> -> memref<64x128xf32, #tpu.memory_space<vmem_shared>>
    %dma_wait3A_384 = arith.constant 0 : i32
    %dma_wait3A_385 = arith.constant 0 : i32
    %dma_wait3A_386 = tpu.memref_slice %arg18[%dma_wait3A_384, %dma_wait3A_385] : memref<96x128xf32, #tpu.memory_space<vmem>> -> memref<64x128xf32, #tpu.memory_space<vmem>>
    tpu.wait_dma2 semaphore(%arg28 : memref<!tpu.dma_semaphore, #tpu.memory_space<semaphore_mem>>) src(%dma_wait3A_386 : memref<64x128xf32, #tpu.memory_space<vmem>>) dst(%dma_wait3A_383 : memref<64x128xf32, #tpu.memory_space<vmem_shared>>)
    %dma_wait3A_387 = arith.constant 0 : i32
    %dma_wait3A_388 = tpu.memref_slice %arg20[%dma_wait3A_387] : memref<96xf32, #tpu.memory_space<vmem>> -> memref<64xf32, #tpu.memory_space<vmem>>
    %dma_wait3A_389 = tpu.memref_slice %arg9[%add3A_376] : memref<10240xf32, #tpu.memory_space<vmem_shared>> -> memref<64xf32, #tpu.memory_space<vmem_shared>>
    %dma_wait3A_390 = tpu.memref_slice %arg9[%add3A_376] : memref<10240xf32, #tpu.memory_space<vmem_shared>> -> memref<64xf32, #tpu.memory_space<vmem_shared>>
    %dma_wait3A_391 = arith.constant 0 : i32
    %dma_wait3A_392 = tpu.memref_slice %arg20[%dma_wait3A_391] : memref<96xf32, #tpu.memory_space<vmem>> -> memref<64xf32, #tpu.memory_space<vmem>>
    tpu.wait_dma2 semaphore(%arg30 : memref<!tpu.dma_semaphore, #tpu.memory_space<semaphore_mem>>) src(%dma_wait3A_392 : memref<64xf32, #tpu.memory_space<vmem>>) dst(%dma_wait3A_390 : memref<64xf32, #tpu.memory_space<vmem_shared>>)
    %mul3A_393 = arith.constant 640 : i32
    %mul3A_394 = arith.muli %arg1, %mul3A_393 : i32
    %add3A_395 = arith.constant 512 : i32
    %add3A_396 = arith.addi %mul3A_394, %add3A_395 : i32
    %dma_wait3A_397 = arith.constant 0 : i32
    %dma_wait3A_398 = arith.constant 0 : i32
    %dma_wait3A_399 = tpu.memref_slice %arg18[%dma_wait3A_397, %dma_wait3A_398] : memref<96x128xf32, #tpu.memory_space<vmem>> -> memref<64x128xf32, #tpu.memory_space<vmem>>
    %dma_wait3A_400 = arith.constant 0 : i32
    %dma_wait3A_401 = tpu.memref_slice %arg8[%add3A_396, %dma_wait3A_400] : memref<10240x128xf32, #tpu.memory_space<vmem_shared>> -> memref<64x128xf32, #tpu.memory_space<vmem_shared>>
    %dma_wait3A_402 = arith.constant 0 : i32
    %dma_wait3A_403 = tpu.memref_slice %arg8[%add3A_396, %dma_wait3A_402] : memref<10240x128xf32, #tpu.memory_space<vmem_shared>> -> memref<64x128xf32, #tpu.memory_space<vmem_shared>>
    %dma_wait3A_404 = arith.constant 0 : i32
    %dma_wait3A_405 = arith.constant 0 : i32
    %dma_wait3A_406 = tpu.memref_slice %arg18[%dma_wait3A_404, %dma_wait3A_405] : memref<96x128xf32, #tpu.memory_space<vmem>> -> memref<64x128xf32, #tpu.memory_space<vmem>>
    tpu.wait_dma2 semaphore(%arg28 : memref<!tpu.dma_semaphore, #tpu.memory_space<semaphore_mem>>) src(%dma_wait3A_406 : memref<64x128xf32, #tpu.memory_space<vmem>>) dst(%dma_wait3A_403 : memref<64x128xf32, #tpu.memory_space<vmem_shared>>)
    %dma_wait3A_407 = arith.constant 0 : i32
    %dma_wait3A_408 = tpu.memref_slice %arg20[%dma_wait3A_407] : memref<96xf32, #tpu.memory_space<vmem>> -> memref<64xf32, #tpu.memory_space<vmem>>
    %dma_wait3A_409 = tpu.memref_slice %arg9[%add3A_396] : memref<10240xf32, #tpu.memory_space<vmem_shared>> -> memref<64xf32, #tpu.memory_space<vmem_shared>>
    %dma_wait3A_410 = tpu.memref_slice %arg9[%add3A_396] : memref<10240xf32, #tpu.memory_space<vmem_shared>> -> memref<64xf32, #tpu.memory_space<vmem_shared>>
    %dma_wait3A_411 = arith.constant 0 : i32
    %dma_wait3A_412 = tpu.memref_slice %arg20[%dma_wait3A_411] : memref<96xf32, #tpu.memory_space<vmem>> -> memref<64xf32, #tpu.memory_space<vmem>>
    tpu.wait_dma2 semaphore(%arg30 : memref<!tpu.dma_semaphore, #tpu.memory_space<semaphore_mem>>) src(%dma_wait3A_412 : memref<64xf32, #tpu.memory_space<vmem>>) dst(%dma_wait3A_410 : memref<64xf32, #tpu.memory_space<vmem_shared>>)
    %mul3A_413 = arith.constant 640 : i32
    %mul3A_414 = arith.muli %arg1, %mul3A_413 : i32
    %add3A_415 = arith.constant 576 : i32
    %add3A_416 = arith.addi %mul3A_414, %add3A_415 : i32
    %dma_wait3A_417 = arith.constant 0 : i32
    %dma_wait3A_418 = arith.constant 0 : i32
    %dma_wait3A_419 = tpu.memref_slice %arg18[%dma_wait3A_417, %dma_wait3A_418] : memref<96x128xf32, #tpu.memory_space<vmem>> -> memref<64x128xf32, #tpu.memory_space<vmem>>
    %dma_wait3A_420 = arith.constant 0 : i32
    %dma_wait3A_421 = tpu.memref_slice %arg8[%add3A_416, %dma_wait3A_420] : memref<10240x128xf32, #tpu.memory_space<vmem_shared>> -> memref<64x128xf32, #tpu.memory_space<vmem_shared>>
    %dma_wait3A_422 = arith.constant 0 : i32
    %dma_wait3A_423 = tpu.memref_slice %arg8[%add3A_416, %dma_wait3A_422] : memref<10240x128xf32, #tpu.memory_space<vmem_shared>> -> memref<64x128xf32, #tpu.memory_space<vmem_shared>>
    %dma_wait3A_424 = arith.constant 0 : i32
    %dma_wait3A_425 = arith.constant 0 : i32
    %dma_wait3A_426 = tpu.memref_slice %arg18[%dma_wait3A_424, %dma_wait3A_425] : memref<96x128xf32, #tpu.memory_space<vmem>> -> memref<64x128xf32, #tpu.memory_space<vmem>>
    tpu.wait_dma2 semaphore(%arg28 : memref<!tpu.dma_semaphore, #tpu.memory_space<semaphore_mem>>) src(%dma_wait3A_426 : memref<64x128xf32, #tpu.memory_space<vmem>>) dst(%dma_wait3A_423 : memref<64x128xf32, #tpu.memory_space<vmem_shared>>)
    %dma_wait3A_427 = arith.constant 0 : i32
    %dma_wait3A_428 = tpu.memref_slice %arg20[%dma_wait3A_427] : memref<96xf32, #tpu.memory_space<vmem>> -> memref<64xf32, #tpu.memory_space<vmem>>
    %dma_wait3A_429 = tpu.memref_slice %arg9[%add3A_416] : memref<10240xf32, #tpu.memory_space<vmem_shared>> -> memref<64xf32, #tpu.memory_space<vmem_shared>>
    %dma_wait3A_430 = tpu.memref_slice %arg9[%add3A_416] : memref<10240xf32, #tpu.memory_space<vmem_shared>> -> memref<64xf32, #tpu.memory_space<vmem_shared>>
    %dma_wait3A_431 = arith.constant 0 : i32
    %dma_wait3A_432 = tpu.memref_slice %arg20[%dma_wait3A_431] : memref<96xf32, #tpu.memory_space<vmem>> -> memref<64xf32, #tpu.memory_space<vmem>>
    tpu.wait_dma2 semaphore(%arg30 : memref<!tpu.dma_semaphore, #tpu.memory_space<semaphore_mem>>) src(%dma_wait3A_432 : memref<64xf32, #tpu.memory_space<vmem>>) dst(%dma_wait3A_430 : memref<64xf32, #tpu.memory_space<vmem_shared>>)
    %dma_wait3A_433 = arith.constant 0 : i32
    %dma_wait3A_434 = arith.constant 0 : i32
    %dma_wait3A_435 = tpu.memref_slice %arg3[%dma_wait3A_433, %dma_wait3A_434] : memref<8x10240xf32, #tpu.memory_space<hbm>> -> memref<1x10240xf32, #tpu.memory_space<hbm>>
    %dma_wait3A_436 = tpu.memref_squeeze %dma_wait3A_435 : memref<1x10240xf32, #tpu.memory_space<hbm>> -> memref<10240xf32, #tpu.memory_space<hbm>>
    %dma_wait3A_437 = arith.constant 0 : i32
    %dma_wait3A_438 = tpu.memref_slice %arg3[%dma_wait3A_433, %dma_wait3A_437] : memref<8x10240xf32, #tpu.memory_space<hbm>> -> memref<1x10240xf32, #tpu.memory_space<hbm>>
    %dma_wait3A_439 = tpu.memref_squeeze %dma_wait3A_438 : memref<1x10240xf32, #tpu.memory_space<hbm>> -> memref<10240xf32, #tpu.memory_space<hbm>>
    tpu.wait_dma2 semaphore(%arg22 : memref<!tpu.dma_semaphore, #tpu.memory_space<semaphore_mem>>) src(%dma_wait3A_439 : memref<10240xf32, #tpu.memory_space<hbm>>) dst(%arg10 : memref<10240xf32, #tpu.memory_space<vmem>>)
    %dma_wait3A_440 = arith.constant 1 : i32
    %dma_wait3A_441 = arith.constant 0 : i32
    %dma_wait3A_442 = tpu.memref_slice %arg3[%dma_wait3A_440, %dma_wait3A_441] : memref<8x10240xf32, #tpu.memory_space<hbm>> -> memref<1x10240xf32, #tpu.memory_space<hbm>>
    %dma_wait3A_443 = tpu.memref_squeeze %dma_wait3A_442 : memref<1x10240xf32, #tpu.memory_space<hbm>> -> memref<10240xf32, #tpu.memory_space<hbm>>
    %dma_wait3A_444 = arith.constant 0 : i32
    %dma_wait3A_445 = tpu.memref_slice %arg3[%dma_wait3A_440, %dma_wait3A_444] : memref<8x10240xf32, #tpu.memory_space<hbm>> -> memref<1x10240xf32, #tpu.memory_space<hbm>>
    %dma_wait3A_446 = tpu.memref_squeeze %dma_wait3A_445 : memref<1x10240xf32, #tpu.memory_space<hbm>> -> memref<10240xf32, #tpu.memory_space<hbm>>
    tpu.wait_dma2 semaphore(%arg23 : memref<!tpu.dma_semaphore, #tpu.memory_space<semaphore_mem>>) src(%dma_wait3A_446 : memref<10240xf32, #tpu.memory_space<hbm>>) dst(%arg11 : memref<10240xf32, #tpu.memory_space<vmem>>)
    %barrier3A = arith.constant 0 : index
    tpu.barrier barrier_id(%barrier3A)
    %add3A_447 = arith.constant 0 : i32
    %add3A_448 = arith.addi %mul3A_2, %add3A_447 : i32
    %dma_start3A_449 = tpu.memref_slice %arg4[%add3A_448] : memref<331872xi32, #tpu.memory_space<hbm>> -> memref<96xi32, #tpu.memory_space<hbm>>
    %dma_start3A_450 = tpu.memref_slice %arg4[%add3A_448] : memref<331872xi32, #tpu.memory_space<hbm>> -> memref<96xi32, #tpu.memory_space<hbm>>
    tpu.enqueue_dma source(%dma_start3A_450 : memref<96xi32, #tpu.memory_space<hbm>>) target(%arg12 : memref<96xi32, #tpu.memory_space<vmem>>) target_semaphore(%arg24 : memref<!tpu.dma_semaphore, #tpu.memory_space<semaphore_mem>>)
    %dma_start3A_451 = tpu.memref_slice %arg5[%add3A_448] : memref<331872xi32, #tpu.memory_space<hbm>> -> memref<96xi32, #tpu.memory_space<hbm>>
    %dma_start3A_452 = tpu.memref_slice %arg5[%add3A_448] : memref<331872xi32, #tpu.memory_space<hbm>> -> memref<96xi32, #tpu.memory_space<hbm>>
    tpu.enqueue_dma source(%dma_start3A_452 : memref<96xi32, #tpu.memory_space<hbm>>) target(%arg14 : memref<96xi32, #tpu.memory_space<vmem>>) target_semaphore(%arg26 : memref<!tpu.dma_semaphore, #tpu.memory_space<semaphore_mem>>)
    %add3A_453 = arith.constant 96 : i32
    %add3A_454 = arith.addi %mul3A_2, %add3A_453 : i32
    %dma_start3A_455 = tpu.memref_slice %arg4[%add3A_454] : memref<331872xi32, #tpu.memory_space<hbm>> -> memref<96xi32, #tpu.memory_space<hbm>>
    %dma_start3A_456 = tpu.memref_slice %arg4[%add3A_454] : memref<331872xi32, #tpu.memory_space<hbm>> -> memref<96xi32, #tpu.memory_space<hbm>>
    tpu.enqueue_dma source(%dma_start3A_456 : memref<96xi32, #tpu.memory_space<hbm>>) target(%arg13 : memref<96xi32, #tpu.memory_space<vmem>>) target_semaphore(%arg25 : memref<!tpu.dma_semaphore, #tpu.memory_space<semaphore_mem>>)
    %dma_start3A_457 = tpu.memref_slice %arg5[%add3A_454] : memref<331872xi32, #tpu.memory_space<hbm>> -> memref<96xi32, #tpu.memory_space<hbm>>
    %dma_start3A_458 = tpu.memref_slice %arg5[%add3A_454] : memref<331872xi32, #tpu.memory_space<hbm>> -> memref<96xi32, #tpu.memory_space<hbm>>
    tpu.enqueue_dma source(%dma_start3A_458 : memref<96xi32, #tpu.memory_space<hbm>>) target(%arg15 : memref<96xi32, #tpu.memory_space<vmem>>) target_semaphore(%arg27 : memref<!tpu.dma_semaphore, #tpu.memory_space<semaphore_mem>>)
    %add3A_459 = arith.constant 0 : i32
    %add3A_460 = arith.addi %mul3A_2, %add3A_459 : i32
    %dma_wait3A_461 = tpu.memref_slice %arg4[%add3A_460] : memref<331872xi32, #tpu.memory_space<hbm>> -> memref<96xi32, #tpu.memory_space<hbm>>
    %dma_wait3A_462 = tpu.memref_slice %arg4[%add3A_460] : memref<331872xi32, #tpu.memory_space<hbm>> -> memref<96xi32, #tpu.memory_space<hbm>>
    tpu.wait_dma2 semaphore(%arg24 : memref<!tpu.dma_semaphore, #tpu.memory_space<semaphore_mem>>) src(%dma_wait3A_462 : memref<96xi32, #tpu.memory_space<hbm>>) dst(%arg12 : memref<96xi32, #tpu.memory_space<vmem>>)
    %dma_wait3A_463 = tpu.memref_slice %arg5[%add3A_460] : memref<331872xi32, #tpu.memory_space<hbm>> -> memref<96xi32, #tpu.memory_space<hbm>>
    %dma_wait3A_464 = tpu.memref_slice %arg5[%add3A_460] : memref<331872xi32, #tpu.memory_space<hbm>> -> memref<96xi32, #tpu.memory_space<hbm>>
    tpu.wait_dma2 semaphore(%arg26 : memref<!tpu.dma_semaphore, #tpu.memory_space<semaphore_mem>>) src(%dma_wait3A_464 : memref<96xi32, #tpu.memory_space<hbm>>) dst(%arg14 : memref<96xi32, #tpu.memory_space<vmem>>)
    %dma_start3A_465 = arith.constant 0 : i32
    %dma_start3A_466 = arith.constant 0 : i32
    %dma_start3A_467 = tpu.memref_slice %arg2[%dma_start3A_465, %dma_start3A_466] : memref<10240x128xf32, #tpu.memory_space<hbm>> -> memref<10240x128xf32, #tpu.memory_space<hbm>>
    tpu.enqueue_indirect_dma source(%dma_start3A_467 : memref<10240x128xf32, #tpu.memory_space<hbm>>) target(%arg18 : memref<96x128xf32, #tpu.memory_space<vmem>>) offsets(%arg12 : memref<96xi32, #tpu.memory_space<vmem>>) semaphore(%arg22 : memref<!tpu.dma_semaphore, #tpu.memory_space<semaphore_mem>>)
    %add3A_468 = arith.constant 96 : i32
    %add3A_469 = arith.addi %mul3A_2, %add3A_468 : i32
    %dma_wait3A_470 = tpu.memref_slice %arg4[%add3A_469] : memref<331872xi32, #tpu.memory_space<hbm>> -> memref<96xi32, #tpu.memory_space<hbm>>
    %dma_wait3A_471 = tpu.memref_slice %arg4[%add3A_469] : memref<331872xi32, #tpu.memory_space<hbm>> -> memref<96xi32, #tpu.memory_space<hbm>>
    tpu.wait_dma2 semaphore(%arg25 : memref<!tpu.dma_semaphore, #tpu.memory_space<semaphore_mem>>) src(%dma_wait3A_471 : memref<96xi32, #tpu.memory_space<hbm>>) dst(%arg13 : memref<96xi32, #tpu.memory_space<vmem>>)
    %dma_wait3A_472 = tpu.memref_slice %arg5[%add3A_469] : memref<331872xi32, #tpu.memory_space<hbm>> -> memref<96xi32, #tpu.memory_space<hbm>>
    %dma_wait3A_473 = tpu.memref_slice %arg5[%add3A_469] : memref<331872xi32, #tpu.memory_space<hbm>> -> memref<96xi32, #tpu.memory_space<hbm>>
    tpu.wait_dma2 semaphore(%arg27 : memref<!tpu.dma_semaphore, #tpu.memory_space<semaphore_mem>>) src(%dma_wait3A_473 : memref<96xi32, #tpu.memory_space<hbm>>) dst(%arg15 : memref<96xi32, #tpu.memory_space<vmem>>)
    %dma_start3A_474 = arith.constant 0 : i32
    %dma_start3A_475 = arith.constant 0 : i32
    %dma_start3A_476 = tpu.memref_slice %arg2[%dma_start3A_474, %dma_start3A_475] : memref<10240x128xf32, #tpu.memory_space<hbm>> -> memref<10240x128xf32, #tpu.memory_space<hbm>>
    tpu.enqueue_indirect_dma source(%dma_start3A_476 : memref<10240x128xf32, #tpu.memory_space<hbm>>) target(%arg19 : memref<96x128xf32, #tpu.memory_space<vmem>>) offsets(%arg13 : memref<96xi32, #tpu.memory_space<vmem>>) semaphore(%arg23 : memref<!tpu.dma_semaphore, #tpu.memory_space<semaphore_mem>>)
    %dma_wait3A_477 = arith.constant 0 : i32
    %dma_wait3A_478 = arith.constant 0 : i32
    %dma_wait3A_479 = tpu.memref_slice %arg2[%dma_wait3A_477, %dma_wait3A_478] : memref<10240x128xf32, #tpu.memory_space<hbm>> -> memref<10240x128xf32, #tpu.memory_space<hbm>>
    tpu.wait_indirect_dma semaphore(%arg22 : memref<!tpu.dma_semaphore, #tpu.memory_space<semaphore_mem>>) src(%dma_wait3A_479 : memref<10240x128xf32, #tpu.memory_space<hbm>>) dst(%arg18 : memref<96x128xf32, #tpu.memory_space<vmem>>)
    %parallel_loop3A = arith.constant 0 : i32
    %parallel_loop3A_480 = arith.constant 6 : i32
    %parallel_loop3A_481 = arith.constant 1 : i32
    scf.for %parallel_loop3A_536 = %parallel_loop3A to %parallel_loop3A_480 step %parallel_loop3A_481  : i32 {
      %parallel_loop3A_537 = arith.constant 16 : i32
      %parallel_loop3A_538 = arith.muli %parallel_loop3A_536, %parallel_loop3A_537 : i32
      %parallel_loop3A_539 = arith.index_cast %parallel_loop3A_538 : i32 to index
      %parallel_loop3A_540 = tpu.vector_load %arg12[%parallel_loop3A_539] {strides = array<i32>} : memref<96xi32, #tpu.memory_space<vmem>>, vector<16xi32>,
      %parallel_loop3A_541 = arith.constant 16 : i32
      %parallel_loop3A_542 = arith.muli %parallel_loop3A_536, %parallel_loop3A_541 : i32
      %parallel_loop3A_543 = arith.index_cast %parallel_loop3A_542 : i32 to index
      %parallel_loop3A_544 = tpu.vector_load %arg14[%parallel_loop3A_543] {strides = array<i32>} : memref<96xi32, #tpu.memory_space<vmem>>, vector<16xi32>,
      %parallel_loop3A_545 = tpu.vector_load_idx %arg10[%parallel_loop3A_540] : memref<10240xf32, #tpu.memory_space<vmem>>[vector<16xi32>], vector<16xf32>,
      %parallel_loop3A_546 = tpu.vector_load_idx %arg11[%parallel_loop3A_544] : memref<10240xf32, #tpu.memory_space<vmem>>[vector<16xi32>], vector<16xf32>,
      %parallel_loop3A_547 = arith.addf %parallel_loop3A_545, %parallel_loop3A_546 : vector<16xf32>
      %parallel_loop3A_548 = arith.constant 2.000000e-01 : f32
      %parallel_loop3A_549 = vector.broadcast %parallel_loop3A_548 : f32 to vector<16xf32>
      %parallel_loop3A_550 = arith.mulf %parallel_loop3A_549, %parallel_loop3A_547 : vector<16xf32>
      %parallel_loop3A_551 = arith.maximumf %parallel_loop3A_547, %parallel_loop3A_550 : vector<16xf32>
      %parallel_loop3A_552 = math.exp %parallel_loop3A_551 : vector<16xf32>
      %parallel_loop3A_553 = arith.constant 16 : i32
      %parallel_loop3A_554 = arith.muli %parallel_loop3A_536, %parallel_loop3A_553 : i32
      %parallel_loop3A_555 = arith.index_cast %parallel_loop3A_554 : i32 to index
      %parallel_loop3A_556 = tpu.vector_load %arg20[%parallel_loop3A_555] {strides = array<i32>} : memref<96xf32, #tpu.memory_space<vmem>>, vector<16xf32>,
      tpu.vector_store %arg20[%parallel_loop3A_555], %parallel_loop3A_552 {strides = array<i32>} : memref<96xf32, #tpu.memory_space<vmem>>, vector<16xf32>,
      %parallel_loop3A_557 = arith.constant 16 : i32
      %parallel_loop3A_558 = arith.muli %parallel_loop3A_536, %parallel_loop3A_557 : i32
      %parallel_loop3A_559 = arith.index_cast %parallel_loop3A_558 : i32 to index
      %parallel_loop3A_560 = tpu.vector_load %arg16[%parallel_loop3A_559] {strides = array<i32>} : memref<96xi32, #tpu.memory_space<vmem>>, vector<16xi32>,
      tpu.vector_store %arg16[%parallel_loop3A_559], %parallel_loop3A_544 {strides = array<i32>} : memref<96xi32, #tpu.memory_space<vmem>>, vector<16xi32>,
    } {sc.loop_unroll_factor = 4 : i64, sc.parallel_access}
    %dma_start3A_482 = arith.constant 0 : i32
    %dma_start3A_483 = tpu.memref_slice %arg9[%dma_start3A_482] : memref<10240xf32, #tpu.memory_space<vmem_shared>> -> memref<10240xf32, #tpu.memory_space<vmem_shared>>
    tpu.enqueue_indirect_dma source(%arg20 : memref<96xf32, #tpu.memory_space<vmem>>) target(%dma_start3A_483 : memref<10240xf32, #tpu.memory_space<vmem_shared>>) offsets(%arg16 : memref<96xi32, #tpu.memory_space<vmem>>) semaphore(%arg30 : memref<!tpu.dma_semaphore, #tpu.memory_space<semaphore_mem>>) {add = true}
    %parallel_loop3A_484 = arith.constant 0 : i32
    %parallel_loop3A_485 = arith.constant 96 : i32
    %parallel_loop3A_486 = arith.constant 1 : i32
    scf.for %parallel_loop3A_536 = %parallel_loop3A_484 to %parallel_loop3A_485 step %parallel_loop3A_486  : i32 {
      %parallel_loop3A_537 = arith.constant 0 : i32
      %parallel_loop3A_538 = vector.broadcast %parallel_loop3A_537 : i32 to vector<16xi32>
      %parallel_loop3A_539 = vector.broadcast %parallel_loop3A_536 : i32 to vector<16xi32>
      %parallel_loop3A_540 = arith.addi %parallel_loop3A_538, %parallel_loop3A_539 : vector<16xi32>
      %parallel_loop3A_541 = tpu.vector_load_idx %arg20[%parallel_loop3A_540] : memref<96xf32, #tpu.memory_space<vmem>>[vector<16xi32>], vector<16xf32>,
      %parallel_loop3A_542 = arith.index_cast %parallel_loop3A_536 : i32 to index
      %parallel_loop3A_543 = arith.constant 0 : index
      %parallel_loop3A_544 = tpu.vector_load %arg18[%parallel_loop3A_542, %parallel_loop3A_543] {strides = array<i32>} : memref<96x128xf32, #tpu.memory_space<vmem>>, vector<16xf32>,
      %parallel_loop3A_545 = arith.mulf %parallel_loop3A_544, %parallel_loop3A_541 : vector<16xf32>
      %parallel_loop3A_546 = arith.index_cast %parallel_loop3A_536 : i32 to index
      %parallel_loop3A_547 = arith.constant 0 : index
      %parallel_loop3A_548 = tpu.vector_load %arg18[%parallel_loop3A_546, %parallel_loop3A_547] {strides = array<i32>} : memref<96x128xf32, #tpu.memory_space<vmem>>, vector<16xf32>,
      tpu.vector_store %arg18[%parallel_loop3A_546, %parallel_loop3A_547], %parallel_loop3A_545 {strides = array<i32>} : memref<96x128xf32, #tpu.memory_space<vmem>>, vector<16xf32>,
      %parallel_loop3A_549 = arith.index_cast %parallel_loop3A_536 : i32 to index
      %parallel_loop3A_550 = arith.constant 16 : index
      %parallel_loop3A_551 = tpu.vector_load %arg18[%parallel_loop3A_549, %parallel_loop3A_550] {strides = array<i32>} : memref<96x128xf32, #tpu.memory_space<vmem>>, vector<16xf32>,
      %parallel_loop3A_552 = arith.mulf %parallel_loop3A_551, %parallel_loop3A_541 : vector<16xf32>
      %parallel_loop3A_553 = arith.index_cast %parallel_loop3A_536 : i32 to index
      %parallel_loop3A_554 = arith.constant 16 : index
      %parallel_loop3A_555 = tpu.vector_load %arg18[%parallel_loop3A_553, %parallel_loop3A_554] {strides = array<i32>} : memref<96x128xf32, #tpu.memory_space<vmem>>, vector<16xf32>,
      tpu.vector_store %arg18[%parallel_loop3A_553, %parallel_loop3A_554], %parallel_loop3A_552 {strides = array<i32>} : memref<96x128xf32, #tpu.memory_space<vmem>>, vector<16xf32>,
      %parallel_loop3A_556 = arith.index_cast %parallel_loop3A_536 : i32 to index
      %parallel_loop3A_557 = arith.constant 32 : index
      %parallel_loop3A_558 = tpu.vector_load %arg18[%parallel_loop3A_556, %parallel_loop3A_557] {strides = array<i32>} : memref<96x128xf32, #tpu.memory_space<vmem>>, vector<16xf32>,
      %parallel_loop3A_559 = arith.mulf %parallel_loop3A_558, %parallel_loop3A_541 : vector<16xf32>
      %parallel_loop3A_560 = arith.index_cast %parallel_loop3A_536 : i32 to index
      %parallel_loop3A_561 = arith.constant 32 : index
      %parallel_loop3A_562 = tpu.vector_load %arg18[%parallel_loop3A_560, %parallel_loop3A_561] {strides = array<i32>} : memref<96x128xf32, #tpu.memory_space<vmem>>, vector<16xf32>,
      tpu.vector_store %arg18[%parallel_loop3A_560, %parallel_loop3A_561], %parallel_loop3A_559 {strides = array<i32>} : memref<96x128xf32, #tpu.memory_space<vmem>>, vector<16xf32>,
      %parallel_loop3A_563 = arith.index_cast %parallel_loop3A_536 : i32 to index
      %parallel_loop3A_564 = arith.constant 48 : index
      %parallel_loop3A_565 = tpu.vector_load %arg18[%parallel_loop3A_563, %parallel_loop3A_564] {strides = array<i32>} : memref<96x128xf32, #tpu.memory_space<vmem>>, vector<16xf32>,
      %parallel_loop3A_566 = arith.mulf %parallel_loop3A_565, %parallel_loop3A_541 : vector<16xf32>
      %parallel_loop3A_567 = arith.index_cast %parallel_loop3A_536 : i32 to index
      %parallel_loop3A_568 = arith.constant 48 : index
      %parallel_loop3A_569 = tpu.vector_load %arg18[%parallel_loop3A_567, %parallel_loop3A_568] {strides = array<i32>} : memref<96x128xf32, #tpu.memory_space<vmem>>, vector<16xf32>,
      tpu.vector_store %arg18[%parallel_loop3A_567, %parallel_loop3A_568], %parallel_loop3A_566 {strides = array<i32>} : memref<96x128xf32, #tpu.memory_space<vmem>>, vector<16xf32>,
      %parallel_loop3A_570 = arith.index_cast %parallel_loop3A_536 : i32 to index
      %parallel_loop3A_571 = arith.constant 64 : index
      %parallel_loop3A_572 = tpu.vector_load %arg18[%parallel_loop3A_570, %parallel_loop3A_571] {strides = array<i32>} : memref<96x128xf32, #tpu.memory_space<vmem>>, vector<16xf32>,
      %parallel_loop3A_573 = arith.mulf %parallel_loop3A_572, %parallel_loop3A_541 : vector<16xf32>
      %parallel_loop3A_574 = arith.index_cast %parallel_loop3A_536 : i32 to index
      %parallel_loop3A_575 = arith.constant 64 : index
      %parallel_loop3A_576 = tpu.vector_load %arg18[%parallel_loop3A_574, %parallel_loop3A_575] {strides = array<i32>} : memref<96x128xf32, #tpu.memory_space<vmem>>, vector<16xf32>,
      tpu.vector_store %arg18[%parallel_loop3A_574, %parallel_loop3A_575], %parallel_loop3A_573 {strides = array<i32>} : memref<96x128xf32, #tpu.memory_space<vmem>>, vector<16xf32>,
      %parallel_loop3A_577 = arith.index_cast %parallel_loop3A_536 : i32 to index
      %parallel_loop3A_578 = arith.constant 80 : index
      %parallel_loop3A_579 = tpu.vector_load %arg18[%parallel_loop3A_577, %parallel_loop3A_578] {strides = array<i32>} : memref<96x128xf32, #tpu.memory_space<vmem>>, vector<16xf32>,
      %parallel_loop3A_580 = arith.mulf %parallel_loop3A_579, %parallel_loop3A_541 : vector<16xf32>
      %parallel_loop3A_581 = arith.index_cast %parallel_loop3A_536 : i32 to index
      %parallel_loop3A_582 = arith.constant 80 : index
      %parallel_loop3A_583 = tpu.vector_load %arg18[%parallel_loop3A_581, %parallel_loop3A_582] {strides = array<i32>} : memref<96x128xf32, #tpu.memory_space<vmem>>, vector<16xf32>,
      tpu.vector_store %arg18[%parallel_loop3A_581, %parallel_loop3A_582], %parallel_loop3A_580 {strides = array<i32>} : memref<96x128xf32, #tpu.memory_space<vmem>>, vector<16xf32>,
      %parallel_loop3A_584 = arith.index_cast %parallel_loop3A_536 : i32 to index
      %parallel_loop3A_585 = arith.constant 96 : index
      %parallel_loop3A_586 = tpu.vector_load %arg18[%parallel_loop3A_584, %parallel_loop3A_585] {strides = array<i32>} : memref<96x128xf32, #tpu.memory_space<vmem>>, vector<16xf32>,
      %parallel_loop3A_587 = arith.mulf %parallel_loop3A_586, %parallel_loop3A_541 : vector<16xf32>
      %parallel_loop3A_588 = arith.index_cast %parallel_loop3A_536 : i32 to index
      %parallel_loop3A_589 = arith.constant 96 : index
      %parallel_loop3A_590 = tpu.vector_load %arg18[%parallel_loop3A_588, %parallel_loop3A_589] {strides = array<i32>} : memref<96x128xf32, #tpu.memory_space<vmem>>, vector<16xf32>,
      tpu.vector_store %arg18[%parallel_loop3A_588, %parallel_loop3A_589], %parallel_loop3A_587 {strides = array<i32>} : memref<96x128xf32, #tpu.memory_space<vmem>>, vector<16xf32>,
      %parallel_loop3A_591 = arith.index_cast %parallel_loop3A_536 : i32 to index
      %parallel_loop3A_592 = arith.constant 112 : index
      %parallel_loop3A_593 = tpu.vector_load %arg18[%parallel_loop3A_591, %parallel_loop3A_592] {strides = array<i32>} : memref<96x128xf32, #tpu.memory_space<vmem>>, vector<16xf32>,
      %parallel_loop3A_594 = arith.mulf %parallel_loop3A_593, %parallel_loop3A_541 : vector<16xf32>
      %parallel_loop3A_595 = arith.index_cast %parallel_loop3A_536 : i32 to index
      %parallel_loop3A_596 = arith.constant 112 : index
      %parallel_loop3A_597 = tpu.vector_load %arg18[%parallel_loop3A_595, %parallel_loop3A_596] {strides = array<i32>} : memref<96x128xf32, #tpu.memory_space<vmem>>, vector<16xf32>,
      tpu.vector_store %arg18[%parallel_loop3A_595, %parallel_loop3A_596], %parallel_loop3A_594 {strides = array<i32>} : memref<96x128xf32, #tpu.memory_space<vmem>>, vector<16xf32>,
    } {sc.loop_unroll_factor = 4 : i64, sc.parallel_access}
    %dma_start3A_487 = arith.constant 0 : i32
    %dma_start3A_488 = arith.constant 0 : i32
    %dma_start3A_489 = tpu.memref_slice %arg8[%dma_start3A_487, %dma_start3A_488] : memref<10240x128xf32, #tpu.memory_space<vmem_shared>> -> memref<10240x128xf32, #tpu.memory_space<vmem_shared>>
    tpu.enqueue_indirect_dma source(%arg18 : memref<96x128xf32, #tpu.memory_space<vmem>>) target(%dma_start3A_489 : memref<10240x128xf32, #tpu.memory_space<vmem_shared>>) offsets(%arg16 : memref<96xi32, #tpu.memory_space<vmem>>) semaphore(%arg28 : memref<!tpu.dma_semaphore, #tpu.memory_space<semaphore_mem>>) {add = true}
    %add3A_490 = arith.constant 192 : i32
    %add3A_491 = arith.addi %mul3A_2, %add3A_490 : i32
    %dma_start3A_492 = tpu.memref_slice %arg4[%add3A_491] : memref<331872xi32, #tpu.memory_space<hbm>> -> memref<96xi32, #tpu.memory_space<hbm>>
    %dma_start3A_493 = tpu.memref_slice %arg4[%add3A_491] : memref<331872xi32, #tpu.memory_space<hbm>> -> memref<96xi32, #tpu.memory_space<hbm>>
    tpu.enqueue_dma source(%dma_start3A_493 : memref<96xi32, #tpu.memory_space<hbm>>) target(%arg12 : memref<96xi32, #tpu.memory_space<vmem>>) target_semaphore(%arg24 : memref<!tpu.dma_semaphore, #tpu.memory_space<semaphore_mem>>)
    %dma_start3A_494 = tpu.memref_slice %arg5[%add3A_491] : memref<331872xi32, #tpu.memory_space<hbm>> -> memref<96xi32, #tpu.memory_space<hbm>>
    %dma_start3A_495 = tpu.memref_slice %arg5[%add3A_491] : memref<331872xi32, #tpu.memory_space<hbm>> -> memref<96xi32, #tpu.memory_space<hbm>>
    tpu.enqueue_dma source(%dma_start3A_495 : memref<96xi32, #tpu.memory_space<hbm>>) target(%arg14 : memref<96xi32, #tpu.memory_space<vmem>>) target_semaphore(%arg26 : memref<!tpu.dma_semaphore, #tpu.memory_space<semaphore_mem>>)
    %scan3A_496 = arith.constant 0 : i32
    %scan3A_497 = arith.constant 0 : i32
    %scan3A_498 = arith.constant 53 : i32
    %scan3A_499 = arith.addi %scan3A_497, %scan3A_498 : i32
    %scan3A_500 = arith.constant 1 : i32
    %scan3A_501 = scf.for %scan3A_536 = %scan3A_497 to %scan3A_499 step %scan3A_500 iter_args(%scan3A_537 = %scan3A_496) -> (i32)  : i32 {
      %mul3A_538 = arith.constant 2 : i32
      %mul3A_539 = arith.muli %mul3A_538, %scan3A_536 : i32
      %add3A_540 = arith.constant 1 : i32
      %add3A_541 = arith.addi %mul3A_539, %add3A_540 : i32
      %sub3A = arith.constant 1 : i32
      %sub3A_542 = arith.subi %add3A_541, %sub3A : i32
      %dma_wait3A_543 = arith.constant 0 : i32
      %dma_wait3A_544 = tpu.memref_slice %arg9[%dma_wait3A_543] : memref<10240xf32, #tpu.memory_space<vmem_shared>> -> memref<10240xf32, #tpu.memory_space<vmem_shared>>
      tpu.wait_indirect_dma semaphore(%arg30 : memref<!tpu.dma_semaphore, #tpu.memory_space<semaphore_mem>>) src(%arg20 : memref<96xf32, #tpu.memory_space<vmem>>) dst(%dma_wait3A_544 : memref<10240xf32, #tpu.memory_space<vmem_shared>>)
      %dma_wait3A_545 = arith.constant 0 : i32
      %dma_wait3A_546 = arith.constant 0 : i32
      %dma_wait3A_547 = tpu.memref_slice %arg8[%dma_wait3A_545, %dma_wait3A_546] : memref<10240x128xf32, #tpu.memory_space<vmem_shared>> -> memref<10240x128xf32, #tpu.memory_space<vmem_shared>>
      tpu.wait_indirect_dma semaphore(%arg28 : memref<!tpu.dma_semaphore, #tpu.memory_space<semaphore_mem>>) src(%arg18 : memref<96x128xf32, #tpu.memory_space<vmem>>) dst(%dma_wait3A_547 : memref<10240x128xf32, #tpu.memory_space<vmem_shared>>)
      %add3A_548 = arith.constant 1 : i32
      %add3A_549 = arith.addi %add3A_541, %add3A_548 : i32
      %mul3A_550 = arith.constant 96 : i32
      %mul3A_551 = arith.muli %add3A_549, %mul3A_550 : i32
      %add3A_552 = arith.addi %mul3A_2, %mul3A_551 : i32
      %dma_wait3A_553 = tpu.memref_slice %arg4[%add3A_552] : memref<331872xi32, #tpu.memory_space<hbm>> -> memref<96xi32, #tpu.memory_space<hbm>>
      %dma_wait3A_554 = tpu.memref_slice %arg4[%add3A_552] : memref<331872xi32, #tpu.memory_space<hbm>> -> memref<96xi32, #tpu.memory_space<hbm>>
      tpu.wait_dma2 semaphore(%arg24 : memref<!tpu.dma_semaphore, #tpu.memory_space<semaphore_mem>>) src(%dma_wait3A_554 : memref<96xi32, #tpu.memory_space<hbm>>) dst(%arg12 : memref<96xi32, #tpu.memory_space<vmem>>)
      %dma_wait3A_555 = tpu.memref_slice %arg5[%add3A_552] : memref<331872xi32, #tpu.memory_space<hbm>> -> memref<96xi32, #tpu.memory_space<hbm>>
      %dma_wait3A_556 = tpu.memref_slice %arg5[%add3A_552] : memref<331872xi32, #tpu.memory_space<hbm>> -> memref<96xi32, #tpu.memory_space<hbm>>
      tpu.wait_dma2 semaphore(%arg26 : memref<!tpu.dma_semaphore, #tpu.memory_space<semaphore_mem>>) src(%dma_wait3A_556 : memref<96xi32, #tpu.memory_space<hbm>>) dst(%arg14 : memref<96xi32, #tpu.memory_space<vmem>>)
      %add3A_557 = arith.constant 1 : i32
      %add3A_558 = arith.addi %add3A_541, %add3A_557 : i32
      %dma_start3A_559 = arith.constant 0 : i32
      %dma_start3A_560 = arith.constant 0 : i32
      %dma_start3A_561 = tpu.memref_slice %arg2[%dma_start3A_559, %dma_start3A_560] : memref<10240x128xf32, #tpu.memory_space<hbm>> -> memref<10240x128xf32, #tpu.memory_space<hbm>>
      tpu.enqueue_indirect_dma source(%dma_start3A_561 : memref<10240x128xf32, #tpu.memory_space<hbm>>) target(%arg18 : memref<96x128xf32, #tpu.memory_space<vmem>>) offsets(%arg12 : memref<96xi32, #tpu.memory_space<vmem>>) semaphore(%arg22 : memref<!tpu.dma_semaphore, #tpu.memory_space<semaphore_mem>>)
      %dma_wait3A_562 = arith.constant 0 : i32
      %dma_wait3A_563 = arith.constant 0 : i32
      %dma_wait3A_564 = tpu.memref_slice %arg2[%dma_wait3A_562, %dma_wait3A_563] : memref<10240x128xf32, #tpu.memory_space<hbm>> -> memref<10240x128xf32, #tpu.memory_space<hbm>>
      tpu.wait_indirect_dma semaphore(%arg23 : memref<!tpu.dma_semaphore, #tpu.memory_space<semaphore_mem>>) src(%dma_wait3A_564 : memref<10240x128xf32, #tpu.memory_space<hbm>>) dst(%arg19 : memref<96x128xf32, #tpu.memory_space<vmem>>)
      %parallel_loop3A_565 = arith.constant 0 : i32
      %parallel_loop3A_566 = arith.constant 6 : i32
      %parallel_loop3A_567 = arith.constant 1 : i32
      scf.for %parallel_loop3A_634 = %parallel_loop3A_565 to %parallel_loop3A_566 step %parallel_loop3A_567  : i32 {
        %parallel_loop3A_635 = arith.constant 16 : i32
        %parallel_loop3A_636 = arith.muli %parallel_loop3A_634, %parallel_loop3A_635 : i32
        %parallel_loop3A_637 = arith.index_cast %parallel_loop3A_636 : i32 to index
        %parallel_loop3A_638 = tpu.vector_load %arg13[%parallel_loop3A_637] {strides = array<i32>} : memref<96xi32, #tpu.memory_space<vmem>>, vector<16xi32>,
        %parallel_loop3A_639 = arith.constant 16 : i32
        %parallel_loop3A_640 = arith.muli %parallel_loop3A_634, %parallel_loop3A_639 : i32
        %parallel_loop3A_641 = arith.index_cast %parallel_loop3A_640 : i32 to index
        %parallel_loop3A_642 = tpu.vector_load %arg15[%parallel_loop3A_641] {strides = array<i32>} : memref<96xi32, #tpu.memory_space<vmem>>, vector<16xi32>,
        %parallel_loop3A_643 = tpu.vector_load_idx %arg10[%parallel_loop3A_638] : memref<10240xf32, #tpu.memory_space<vmem>>[vector<16xi32>], vector<16xf32>,
        %parallel_loop3A_644 = tpu.vector_load_idx %arg11[%parallel_loop3A_642] : memref<10240xf32, #tpu.memory_space<vmem>>[vector<16xi32>], vector<16xf32>,
        %parallel_loop3A_645 = arith.addf %parallel_loop3A_643, %parallel_loop3A_644 : vector<16xf32>
        %parallel_loop3A_646 = arith.constant 2.000000e-01 : f32
        %parallel_loop3A_647 = vector.broadcast %parallel_loop3A_646 : f32 to vector<16xf32>
        %parallel_loop3A_648 = arith.mulf %parallel_loop3A_647, %parallel_loop3A_645 : vector<16xf32>
        %parallel_loop3A_649 = arith.maximumf %parallel_loop3A_645, %parallel_loop3A_648 : vector<16xf32>
        %parallel_loop3A_650 = math.exp %parallel_loop3A_649 : vector<16xf32>
        %parallel_loop3A_651 = arith.constant 16 : i32
        %parallel_loop3A_652 = arith.muli %parallel_loop3A_634, %parallel_loop3A_651 : i32
        %parallel_loop3A_653 = arith.index_cast %parallel_loop3A_652 : i32 to index
        %parallel_loop3A_654 = tpu.vector_load %arg21[%parallel_loop3A_653] {strides = array<i32>} : memref<96xf32, #tpu.memory_space<vmem>>, vector<16xf32>,
        tpu.vector_store %arg21[%parallel_loop3A_653], %parallel_loop3A_650 {strides = array<i32>} : memref<96xf32, #tpu.memory_space<vmem>>, vector<16xf32>,
        %parallel_loop3A_655 = arith.constant 16 : i32
        %parallel_loop3A_656 = arith.muli %parallel_loop3A_634, %parallel_loop3A_655 : i32
        %parallel_loop3A_657 = arith.index_cast %parallel_loop3A_656 : i32 to index
        %parallel_loop3A_658 = tpu.vector_load %arg17[%parallel_loop3A_657] {strides = array<i32>} : memref<96xi32, #tpu.memory_space<vmem>>, vector<16xi32>,
        tpu.vector_store %arg17[%parallel_loop3A_657], %parallel_loop3A_642 {strides = array<i32>} : memref<96xi32, #tpu.memory_space<vmem>>, vector<16xi32>,
      } {sc.loop_unroll_factor = 4 : i64, sc.parallel_access}
      %dma_start3A_568 = arith.constant 0 : i32
      %dma_start3A_569 = tpu.memref_slice %arg9[%dma_start3A_568] : memref<10240xf32, #tpu.memory_space<vmem_shared>> -> memref<10240xf32, #tpu.memory_space<vmem_shared>>
      tpu.enqueue_indirect_dma source(%arg21 : memref<96xf32, #tpu.memory_space<vmem>>) target(%dma_start3A_569 : memref<10240xf32, #tpu.memory_space<vmem_shared>>) offsets(%arg17 : memref<96xi32, #tpu.memory_space<vmem>>) semaphore(%arg31 : memref<!tpu.dma_semaphore, #tpu.memory_space<semaphore_mem>>) {add = true}
      %parallel_loop3A_570 = arith.constant 0 : i32
      %parallel_loop3A_571 = arith.constant 96 : i32
      %parallel_loop3A_572 = arith.constant 1 : i32
      scf.for %parallel_loop3A_634 = %parallel_loop3A_570 to %parallel_loop3A_571 step %parallel_loop3A_572  : i32 {
        %parallel_loop3A_635 = arith.constant 0 : i32
        %parallel_loop3A_636 = vector.broadcast %parallel_loop3A_635 : i32 to vector<16xi32>
        %parallel_loop3A_637 = vector.broadcast %parallel_loop3A_634 : i32 to vector<16xi32>
        %parallel_loop3A_638 = arith.addi %parallel_loop3A_636, %parallel_loop3A_637 : vector<16xi32>
        %parallel_loop3A_639 = tpu.vector_load_idx %arg21[%parallel_loop3A_638] : memref<96xf32, #tpu.memory_space<vmem>>[vector<16xi32>], vector<16xf32>,
        %parallel_loop3A_640 = arith.index_cast %parallel_loop3A_634 : i32 to index
        %parallel_loop3A_641 = arith.constant 0 : index
        %parallel_loop3A_642 = tpu.vector_load %arg19[%parallel_loop3A_640, %parallel_loop3A_641] {strides = array<i32>} : memref<96x128xf32, #tpu.memory_space<vmem>>, vector<16xf32>,
        %parallel_loop3A_643 = arith.mulf %parallel_loop3A_642, %parallel_loop3A_639 : vector<16xf32>
        %parallel_loop3A_644 = arith.index_cast %parallel_loop3A_634 : i32 to index
        %parallel_loop3A_645 = arith.constant 0 : index
        %parallel_loop3A_646 = tpu.vector_load %arg19[%parallel_loop3A_644, %parallel_loop3A_645] {strides = array<i32>} : memref<96x128xf32, #tpu.memory_space<vmem>>, vector<16xf32>,
        tpu.vector_store %arg19[%parallel_loop3A_644, %parallel_loop3A_645], %parallel_loop3A_643 {strides = array<i32>} : memref<96x128xf32, #tpu.memory_space<vmem>>, vector<16xf32>,
        %parallel_loop3A_647 = arith.index_cast %parallel_loop3A_634 : i32 to index
        %parallel_loop3A_648 = arith.constant 16 : index
        %parallel_loop3A_649 = tpu.vector_load %arg19[%parallel_loop3A_647, %parallel_loop3A_648] {strides = array<i32>} : memref<96x128xf32, #tpu.memory_space<vmem>>, vector<16xf32>,
        %parallel_loop3A_650 = arith.mulf %parallel_loop3A_649, %parallel_loop3A_639 : vector<16xf32>
        %parallel_loop3A_651 = arith.index_cast %parallel_loop3A_634 : i32 to index
        %parallel_loop3A_652 = arith.constant 16 : index
        %parallel_loop3A_653 = tpu.vector_load %arg19[%parallel_loop3A_651, %parallel_loop3A_652] {strides = array<i32>} : memref<96x128xf32, #tpu.memory_space<vmem>>, vector<16xf32>,
        tpu.vector_store %arg19[%parallel_loop3A_651, %parallel_loop3A_652], %parallel_loop3A_650 {strides = array<i32>} : memref<96x128xf32, #tpu.memory_space<vmem>>, vector<16xf32>,
        %parallel_loop3A_654 = arith.index_cast %parallel_loop3A_634 : i32 to index
        %parallel_loop3A_655 = arith.constant 32 : index
        %parallel_loop3A_656 = tpu.vector_load %arg19[%parallel_loop3A_654, %parallel_loop3A_655] {strides = array<i32>} : memref<96x128xf32, #tpu.memory_space<vmem>>, vector<16xf32>,
        %parallel_loop3A_657 = arith.mulf %parallel_loop3A_656, %parallel_loop3A_639 : vector<16xf32>
        %parallel_loop3A_658 = arith.index_cast %parallel_loop3A_634 : i32 to index
        %parallel_loop3A_659 = arith.constant 32 : index
        %parallel_loop3A_660 = tpu.vector_load %arg19[%parallel_loop3A_658, %parallel_loop3A_659] {strides = array<i32>} : memref<96x128xf32, #tpu.memory_space<vmem>>, vector<16xf32>,
        tpu.vector_store %arg19[%parallel_loop3A_658, %parallel_loop3A_659], %parallel_loop3A_657 {strides = array<i32>} : memref<96x128xf32, #tpu.memory_space<vmem>>, vector<16xf32>,
        %parallel_loop3A_661 = arith.index_cast %parallel_loop3A_634 : i32 to index
        %parallel_loop3A_662 = arith.constant 48 : index
        %parallel_loop3A_663 = tpu.vector_load %arg19[%parallel_loop3A_661, %parallel_loop3A_662] {strides = array<i32>} : memref<96x128xf32, #tpu.memory_space<vmem>>, vector<16xf32>,
        %parallel_loop3A_664 = arith.mulf %parallel_loop3A_663, %parallel_loop3A_639 : vector<16xf32>
        %parallel_loop3A_665 = arith.index_cast %parallel_loop3A_634 : i32 to index
        %parallel_loop3A_666 = arith.constant 48 : index
        %parallel_loop3A_667 = tpu.vector_load %arg19[%parallel_loop3A_665, %parallel_loop3A_666] {strides = array<i32>} : memref<96x128xf32, #tpu.memory_space<vmem>>, vector<16xf32>,
        tpu.vector_store %arg19[%parallel_loop3A_665, %parallel_loop3A_666], %parallel_loop3A_664 {strides = array<i32>} : memref<96x128xf32, #tpu.memory_space<vmem>>, vector<16xf32>,
        %parallel_loop3A_668 = arith.index_cast %parallel_loop3A_634 : i32 to index
        %parallel_loop3A_669 = arith.constant 64 : index
        %parallel_loop3A_670 = tpu.vector_load %arg19[%parallel_loop3A_668, %parallel_loop3A_669] {strides = array<i32>} : memref<96x128xf32, #tpu.memory_space<vmem>>, vector<16xf32>,
        %parallel_loop3A_671 = arith.mulf %parallel_loop3A_670, %parallel_loop3A_639 : vector<16xf32>
        %parallel_loop3A_672 = arith.index_cast %parallel_loop3A_634 : i32 to index
        %parallel_loop3A_673 = arith.constant 64 : index
        %parallel_loop3A_674 = tpu.vector_load %arg19[%parallel_loop3A_672, %parallel_loop3A_673] {strides = array<i32>} : memref<96x128xf32, #tpu.memory_space<vmem>>, vector<16xf32>,
        tpu.vector_store %arg19[%parallel_loop3A_672, %parallel_loop3A_673], %parallel_loop3A_671 {strides = array<i32>} : memref<96x128xf32, #tpu.memory_space<vmem>>, vector<16xf32>,
        %parallel_loop3A_675 = arith.index_cast %parallel_loop3A_634 : i32 to index
        %parallel_loop3A_676 = arith.constant 80 : index
        %parallel_loop3A_677 = tpu.vector_load %arg19[%parallel_loop3A_675, %parallel_loop3A_676] {strides = array<i32>} : memref<96x128xf32, #tpu.memory_space<vmem>>, vector<16xf32>,
        %parallel_loop3A_678 = arith.mulf %parallel_loop3A_677, %parallel_loop3A_639 : vector<16xf32>
        %parallel_loop3A_679 = arith.index_cast %parallel_loop3A_634 : i32 to index
        %parallel_loop3A_680 = arith.constant 80 : index
        %parallel_loop3A_681 = tpu.vector_load %arg19[%parallel_loop3A_679, %parallel_loop3A_680] {strides = array<i32>} : memref<96x128xf32, #tpu.memory_space<vmem>>, vector<16xf32>,
        tpu.vector_store %arg19[%parallel_loop3A_679, %parallel_loop3A_680], %parallel_loop3A_678 {strides = array<i32>} : memref<96x128xf32, #tpu.memory_space<vmem>>, vector<16xf32>,
        %parallel_loop3A_682 = arith.index_cast %parallel_loop3A_634 : i32 to index
        %parallel_loop3A_683 = arith.constant 96 : index
        %parallel_loop3A_684 = tpu.vector_load %arg19[%parallel_loop3A_682, %parallel_loop3A_683] {strides = array<i32>} : memref<96x128xf32, #tpu.memory_space<vmem>>, vector<16xf32>,
        %parallel_loop3A_685 = arith.mulf %parallel_loop3A_684, %parallel_loop3A_639 : vector<16xf32>
        %parallel_loop3A_686 = arith.index_cast %parallel_loop3A_634 : i32 to index
        %parallel_loop3A_687 = arith.constant 96 : index
        %parallel_loop3A_688 = tpu.vector_load %arg19[%parallel_loop3A_686, %parallel_loop3A_687] {strides = array<i32>} : memref<96x128xf32, #tpu.memory_space<vmem>>, vector<16xf32>,
        tpu.vector_store %arg19[%parallel_loop3A_686, %parallel_loop3A_687], %parallel_loop3A_685 {strides = array<i32>} : memref<96x128xf32, #tpu.memory_space<vmem>>, vector<16xf32>,
        %parallel_loop3A_689 = arith.index_cast %parallel_loop3A_634 : i32 to index
        %parallel_loop3A_690 = arith.constant 112 : index
        %parallel_loop3A_691 = tpu.vector_load %arg19[%parallel_loop3A_689, %parallel_loop3A_690] {strides = array<i32>} : memref<96x128xf32, #tpu.memory_space<vmem>>, vector<16xf32>,
        %parallel_loop3A_692 = arith.mulf %parallel_loop3A_691, %parallel_loop3A_639 : vector<16xf32>
        %parallel_loop3A_693 = arith.index_cast %parallel_loop3A_634 : i32 to index
        %parallel_loop3A_694 = arith.constant 112 : index
        %parallel_loop3A_695 = tpu.vector_load %arg19[%parallel_loop3A_693, %parallel_loop3A_694] {strides = array<i32>} : memref<96x128xf32, #tpu.memory_space<vmem>>, vector<16xf32>,
        tpu.vector_store %arg19[%parallel_loop3A_693, %parallel_loop3A_694], %parallel_loop3A_692 {strides = array<i32>} : memref<96x128xf32, #tpu.memory_space<vmem>>, vector<16xf32>,
      } {sc.loop_unroll_factor = 4 : i64, sc.parallel_access}
      %dma_start3A_573 = arith.constant 0 : i32
      %dma_start3A_574 = arith.constant 0 : i32
      %dma_start3A_575 = tpu.memref_slice %arg8[%dma_start3A_573, %dma_start3A_574] : memref<10240x128xf32, #tpu.memory_space<vmem_shared>> -> memref<10240x128xf32, #tpu.memory_space<vmem_shared>>
      tpu.enqueue_indirect_dma source(%arg19 : memref<96x128xf32, #tpu.memory_space<vmem>>) target(%dma_start3A_575 : memref<10240x128xf32, #tpu.memory_space<vmem_shared>>) offsets(%arg17 : memref<96xi32, #tpu.memory_space<vmem>>) semaphore(%arg29 : memref<!tpu.dma_semaphore, #tpu.memory_space<semaphore_mem>>) {add = true}
      %add3A_576 = arith.constant 2 : i32
      %add3A_577 = arith.addi %add3A_541, %add3A_576 : i32
      %mul3A_578 = arith.constant 96 : i32
      %mul3A_579 = arith.muli %add3A_577, %mul3A_578 : i32
      %add3A_580 = arith.addi %mul3A_2, %mul3A_579 : i32
      %dma_start3A_581 = tpu.memref_slice %arg4[%add3A_580] : memref<331872xi32, #tpu.memory_space<hbm>> -> memref<96xi32, #tpu.memory_space<hbm>>
      %dma_start3A_582 = tpu.memref_slice %arg4[%add3A_580] : memref<331872xi32, #tpu.memory_space<hbm>> -> memref<96xi32, #tpu.memory_space<hbm>>
      tpu.enqueue_dma source(%dma_start3A_582 : memref<96xi32, #tpu.memory_space<hbm>>) target(%arg13 : memref<96xi32, #tpu.memory_space<vmem>>) target_semaphore(%arg25 : memref<!tpu.dma_semaphore, #tpu.memory_space<semaphore_mem>>)
      %dma_start3A_583 = tpu.memref_slice %arg5[%add3A_580] : memref<331872xi32, #tpu.memory_space<hbm>> -> memref<96xi32, #tpu.memory_space<hbm>>
      %dma_start3A_584 = tpu.memref_slice %arg5[%add3A_580] : memref<331872xi32, #tpu.memory_space<hbm>> -> memref<96xi32, #tpu.memory_space<hbm>>
      tpu.enqueue_dma source(%dma_start3A_584 : memref<96xi32, #tpu.memory_space<hbm>>) target(%arg15 : memref<96xi32, #tpu.memory_space<vmem>>) target_semaphore(%arg27 : memref<!tpu.dma_semaphore, #tpu.memory_space<semaphore_mem>>)
      %mul3A_585 = arith.constant 2 : i32
      %mul3A_586 = arith.muli %mul3A_585, %scan3A_536 : i32
      %add3A_587 = arith.constant 2 : i32
      %add3A_588 = arith.addi %mul3A_586, %add3A_587 : i32
      %sub3A_589 = arith.constant 1 : i32
      %sub3A_590 = arith.subi %add3A_588, %sub3A_589 : i32
      %dma_wait3A_591 = arith.constant 0 : i32
      %dma_wait3A_592 = tpu.memref_slice %arg9[%dma_wait3A_591] : memref<10240xf32, #tpu.memory_space<vmem_shared>> -> memref<10240xf32, #tpu.memory_space<vmem_shared>>
      tpu.wait_indirect_dma semaphore(%arg31 : memref<!tpu.dma_semaphore, #tpu.memory_space<semaphore_mem>>) src(%arg21 : memref<96xf32, #tpu.memory_space<vmem>>) dst(%dma_wait3A_592 : memref<10240xf32, #tpu.memory_space<vmem_shared>>)
      %dma_wait3A_593 = arith.constant 0 : i32
      %dma_wait3A_594 = arith.constant 0 : i32
      %dma_wait3A_595 = tpu.memref_slice %arg8[%dma_wait3A_593, %dma_wait3A_594] : memref<10240x128xf32, #tpu.memory_space<vmem_shared>> -> memref<10240x128xf32, #tpu.memory_space<vmem_shared>>
      tpu.wait_indirect_dma semaphore(%arg29 : memref<!tpu.dma_semaphore, #tpu.memory_space<semaphore_mem>>) src(%arg19 : memref<96x128xf32, #tpu.memory_space<vmem>>) dst(%dma_wait3A_595 : memref<10240x128xf32, #tpu.memory_space<vmem_shared>>)
      %add3A_596 = arith.constant 1 : i32
      %add3A_597 = arith.addi %add3A_588, %add3A_596 : i32
      %mul3A_598 = arith.constant 96 : i32
      %mul3A_599 = arith.muli %add3A_597, %mul3A_598 : i32
      %add3A_600 = arith.addi %mul3A_2, %mul3A_599 : i32
      %dma_wait3A_601 = tpu.memref_slice %arg4[%add3A_600] : memref<331872xi32, #tpu.memory_space<hbm>> -> memref<96xi32, #tpu.memory_space<hbm>>
      %dma_wait3A_602 = tpu.memref_slice %arg4[%add3A_600] : memref<331872xi32, #tpu.memory_space<hbm>> -> memref<96xi32, #tpu.memory_space<hbm>>
      tpu.wait_dma2 semaphore(%arg25 : memref<!tpu.dma_semaphore, #tpu.memory_space<semaphore_mem>>) src(%dma_wait3A_602 : memref<96xi32, #tpu.memory_space<hbm>>) dst(%arg13 : memref<96xi32, #tpu.memory_space<vmem>>)
      %dma_wait3A_603 = tpu.memref_slice %arg5[%add3A_600] : memref<331872xi32, #tpu.memory_space<hbm>> -> memref<96xi32, #tpu.memory_space<hbm>>
      %dma_wait3A_604 = tpu.memref_slice %arg5[%add3A_600] : memref<331872xi32, #tpu.memory_space<hbm>> -> memref<96xi32, #tpu.memory_space<hbm>>
      tpu.wait_dma2 semaphore(%arg27 : memref<!tpu.dma_semaphore, #tpu.memory_space<semaphore_mem>>) src(%dma_wait3A_604 : memref<96xi32, #tpu.memory_space<hbm>>) dst(%arg15 : memref<96xi32, #tpu.memory_space<vmem>>)
      %add3A_605 = arith.constant 1 : i32
      %add3A_606 = arith.addi %add3A_588, %add3A_605 : i32
      %dma_start3A_607 = arith.constant 0 : i32
      %dma_start3A_608 = arith.constant 0 : i32
      %dma_start3A_609 = tpu.memref_slice %arg2[%dma_start3A_607, %dma_start3A_608] : memref<10240x128xf32, #tpu.memory_space<hbm>> -> memref<10240x128xf32, #tpu.memory_space<hbm>>
      tpu.enqueue_indirect_dma source(%dma_start3A_609 : memref<10240x128xf32, #tpu.memory_space<hbm>>) target(%arg19 : memref<96x128xf32, #tpu.memory_space<vmem>>) offsets(%arg13 : memref<96xi32, #tpu.memory_space<vmem>>) semaphore(%arg23 : memref<!tpu.dma_semaphore, #tpu.memory_space<semaphore_mem>>)
      %dma_wait3A_610 = arith.constant 0 : i32
      %dma_wait3A_611 = arith.constant 0 : i32
      %dma_wait3A_612 = tpu.memref_slice %arg2[%dma_wait3A_610, %dma_wait3A_611] : memref<10240x128xf32, #tpu.memory_space<hbm>> -> memref<10240x128xf32, #tpu.memory_space<hbm>>
      tpu.wait_indirect_dma semaphore(%arg22 : memref<!tpu.dma_semaphore, #tpu.memory_space<semaphore_mem>>) src(%dma_wait3A_612 : memref<10240x128xf32, #tpu.memory_space<hbm>>) dst(%arg18 : memref<96x128xf32, #tpu.memory_space<vmem>>)
      %parallel_loop3A_613 = arith.constant 0 : i32
      %parallel_loop3A_614 = arith.constant 6 : i32
      %parallel_loop3A_615 = arith.constant 1 : i32
      scf.for %parallel_loop3A_634 = %parallel_loop3A_613 to %parallel_loop3A_614 step %parallel_loop3A_615  : i32 {
        %parallel_loop3A_635 = arith.constant 16 : i32
        %parallel_loop3A_636 = arith.muli %parallel_loop3A_634, %parallel_loop3A_635 : i32
        %parallel_loop3A_637 = arith.index_cast %parallel_loop3A_636 : i32 to index
        %parallel_loop3A_638 = tpu.vector_load %arg12[%parallel_loop3A_637] {strides = array<i32>} : memref<96xi32, #tpu.memory_space<vmem>>, vector<16xi32>,
        %parallel_loop3A_639 = arith.constant 16 : i32
        %parallel_loop3A_640 = arith.muli %parallel_loop3A_634, %parallel_loop3A_639 : i32
        %parallel_loop3A_641 = arith.index_cast %parallel_loop3A_640 : i32 to index
        %parallel_loop3A_642 = tpu.vector_load %arg14[%parallel_loop3A_641] {strides = array<i32>} : memref<96xi32, #tpu.memory_space<vmem>>, vector<16xi32>,
        %parallel_loop3A_643 = tpu.vector_load_idx %arg10[%parallel_loop3A_638] : memref<10240xf32, #tpu.memory_space<vmem>>[vector<16xi32>], vector<16xf32>,
        %parallel_loop3A_644 = tpu.vector_load_idx %arg11[%parallel_loop3A_642] : memref<10240xf32, #tpu.memory_space<vmem>>[vector<16xi32>], vector<16xf32>,
        %parallel_loop3A_645 = arith.addf %parallel_loop3A_643, %parallel_loop3A_644 : vector<16xf32>
        %parallel_loop3A_646 = arith.constant 2.000000e-01 : f32
        %parallel_loop3A_647 = vector.broadcast %parallel_loop3A_646 : f32 to vector<16xf32>
        %parallel_loop3A_648 = arith.mulf %parallel_loop3A_647, %parallel_loop3A_645 : vector<16xf32>
        %parallel_loop3A_649 = arith.maximumf %parallel_loop3A_645, %parallel_loop3A_648 : vector<16xf32>
        %parallel_loop3A_650 = math.exp %parallel_loop3A_649 : vector<16xf32>
        %parallel_loop3A_651 = arith.constant 16 : i32
        %parallel_loop3A_652 = arith.muli %parallel_loop3A_634, %parallel_loop3A_651 : i32
        %parallel_loop3A_653 = arith.index_cast %parallel_loop3A_652 : i32 to index
        %parallel_loop3A_654 = tpu.vector_load %arg20[%parallel_loop3A_653] {strides = array<i32>} : memref<96xf32, #tpu.memory_space<vmem>>, vector<16xf32>,
        tpu.vector_store %arg20[%parallel_loop3A_653], %parallel_loop3A_650 {strides = array<i32>} : memref<96xf32, #tpu.memory_space<vmem>>, vector<16xf32>,
        %parallel_loop3A_655 = arith.constant 16 : i32
        %parallel_loop3A_656 = arith.muli %parallel_loop3A_634, %parallel_loop3A_655 : i32
        %parallel_loop3A_657 = arith.index_cast %parallel_loop3A_656 : i32 to index
        %parallel_loop3A_658 = tpu.vector_load %arg16[%parallel_loop3A_657] {strides = array<i32>} : memref<96xi32, #tpu.memory_space<vmem>>, vector<16xi32>,
        tpu.vector_store %arg16[%parallel_loop3A_657], %parallel_loop3A_642 {strides = array<i32>} : memref<96xi32, #tpu.memory_space<vmem>>, vector<16xi32>,
      } {sc.loop_unroll_factor = 4 : i64, sc.parallel_access}
      %dma_start3A_616 = arith.constant 0 : i32
      %dma_start3A_617 = tpu.memref_slice %arg9[%dma_start3A_616] : memref<10240xf32, #tpu.memory_space<vmem_shared>> -> memref<10240xf32, #tpu.memory_space<vmem_shared>>
      tpu.enqueue_indirect_dma source(%arg20 : memref<96xf32, #tpu.memory_space<vmem>>) target(%dma_start3A_617 : memref<10240xf32, #tpu.memory_space<vmem_shared>>) offsets(%arg16 : memref<96xi32, #tpu.memory_space<vmem>>) semaphore(%arg30 : memref<!tpu.dma_semaphore, #tpu.memory_space<semaphore_mem>>) {add = true}
      %parallel_loop3A_618 = arith.constant 0 : i32
      %parallel_loop3A_619 = arith.constant 96 : i32
      %parallel_loop3A_620 = arith.constant 1 : i32
      scf.for %parallel_loop3A_634 = %parallel_loop3A_618 to %parallel_loop3A_619 step %parallel_loop3A_620  : i32 {
        %parallel_loop3A_635 = arith.constant 0 : i32
        %parallel_loop3A_636 = vector.broadcast %parallel_loop3A_635 : i32 to vector<16xi32>
        %parallel_loop3A_637 = vector.broadcast %parallel_loop3A_634 : i32 to vector<16xi32>
        %parallel_loop3A_638 = arith.addi %parallel_loop3A_636, %parallel_loop3A_637 : vector<16xi32>
        %parallel_loop3A_639 = tpu.vector_load_idx %arg20[%parallel_loop3A_638] : memref<96xf32, #tpu.memory_space<vmem>>[vector<16xi32>], vector<16xf32>,
        %parallel_loop3A_640 = arith.index_cast %parallel_loop3A_634 : i32 to index
        %parallel_loop3A_641 = arith.constant 0 : index
        %parallel_loop3A_642 = tpu.vector_load %arg18[%parallel_loop3A_640, %parallel_loop3A_641] {strides = array<i32>} : memref<96x128xf32, #tpu.memory_space<vmem>>, vector<16xf32>,
        %parallel_loop3A_643 = arith.mulf %parallel_loop3A_642, %parallel_loop3A_639 : vector<16xf32>
        %parallel_loop3A_644 = arith.index_cast %parallel_loop3A_634 : i32 to index
        %parallel_loop3A_645 = arith.constant 0 : index
        %parallel_loop3A_646 = tpu.vector_load %arg18[%parallel_loop3A_644, %parallel_loop3A_645] {strides = array<i32>} : memref<96x128xf32, #tpu.memory_space<vmem>>, vector<16xf32>,
        tpu.vector_store %arg18[%parallel_loop3A_644, %parallel_loop3A_645], %parallel_loop3A_643 {strides = array<i32>} : memref<96x128xf32, #tpu.memory_space<vmem>>, vector<16xf32>,
        %parallel_loop3A_647 = arith.index_cast %parallel_loop3A_634 : i32 to index
        %parallel_loop3A_648 = arith.constant 16 : index
        %parallel_loop3A_649 = tpu.vector_load %arg18[%parallel_loop3A_647, %parallel_loop3A_648] {strides = array<i32>} : memref<96x128xf32, #tpu.memory_space<vmem>>, vector<16xf32>,
        %parallel_loop3A_650 = arith.mulf %parallel_loop3A_649, %parallel_loop3A_639 : vector<16xf32>
        %parallel_loop3A_651 = arith.index_cast %parallel_loop3A_634 : i32 to index
        %parallel_loop3A_652 = arith.constant 16 : index
        %parallel_loop3A_653 = tpu.vector_load %arg18[%parallel_loop3A_651, %parallel_loop3A_652] {strides = array<i32>} : memref<96x128xf32, #tpu.memory_space<vmem>>, vector<16xf32>,
        tpu.vector_store %arg18[%parallel_loop3A_651, %parallel_loop3A_652], %parallel_loop3A_650 {strides = array<i32>} : memref<96x128xf32, #tpu.memory_space<vmem>>, vector<16xf32>,
        %parallel_loop3A_654 = arith.index_cast %parallel_loop3A_634 : i32 to index
        %parallel_loop3A_655 = arith.constant 32 : index
        %parallel_loop3A_656 = tpu.vector_load %arg18[%parallel_loop3A_654, %parallel_loop3A_655] {strides = array<i32>} : memref<96x128xf32, #tpu.memory_space<vmem>>, vector<16xf32>,
        %parallel_loop3A_657 = arith.mulf %parallel_loop3A_656, %parallel_loop3A_639 : vector<16xf32>
        %parallel_loop3A_658 = arith.index_cast %parallel_loop3A_634 : i32 to index
        %parallel_loop3A_659 = arith.constant 32 : index
        %parallel_loop3A_660 = tpu.vector_load %arg18[%parallel_loop3A_658, %parallel_loop3A_659] {strides = array<i32>} : memref<96x128xf32, #tpu.memory_space<vmem>>, vector<16xf32>,
        tpu.vector_store %arg18[%parallel_loop3A_658, %parallel_loop3A_659], %parallel_loop3A_657 {strides = array<i32>} : memref<96x128xf32, #tpu.memory_space<vmem>>, vector<16xf32>,
        %parallel_loop3A_661 = arith.index_cast %parallel_loop3A_634 : i32 to index
        %parallel_loop3A_662 = arith.constant 48 : index
        %parallel_loop3A_663 = tpu.vector_load %arg18[%parallel_loop3A_661, %parallel_loop3A_662] {strides = array<i32>} : memref<96x128xf32, #tpu.memory_space<vmem>>, vector<16xf32>,
        %parallel_loop3A_664 = arith.mulf %parallel_loop3A_663, %parallel_loop3A_639 : vector<16xf32>
        %parallel_loop3A_665 = arith.index_cast %parallel_loop3A_634 : i32 to index
        %parallel_loop3A_666 = arith.constant 48 : index
        %parallel_loop3A_667 = tpu.vector_load %arg18[%parallel_loop3A_665, %parallel_loop3A_666] {strides = array<i32>} : memref<96x128xf32, #tpu.memory_space<vmem>>, vector<16xf32>,
        tpu.vector_store %arg18[%parallel_loop3A_665, %parallel_loop3A_666], %parallel_loop3A_664 {strides = array<i32>} : memref<96x128xf32, #tpu.memory_space<vmem>>, vector<16xf32>,
        %parallel_loop3A_668 = arith.index_cast %parallel_loop3A_634 : i32 to index
        %parallel_loop3A_669 = arith.constant 64 : index
        %parallel_loop3A_670 = tpu.vector_load %arg18[%parallel_loop3A_668, %parallel_loop3A_669] {strides = array<i32>} : memref<96x128xf32, #tpu.memory_space<vmem>>, vector<16xf32>,
        %parallel_loop3A_671 = arith.mulf %parallel_loop3A_670, %parallel_loop3A_639 : vector<16xf32>
        %parallel_loop3A_672 = arith.index_cast %parallel_loop3A_634 : i32 to index
        %parallel_loop3A_673 = arith.constant 64 : index
        %parallel_loop3A_674 = tpu.vector_load %arg18[%parallel_loop3A_672, %parallel_loop3A_673] {strides = array<i32>} : memref<96x128xf32, #tpu.memory_space<vmem>>, vector<16xf32>,
        tpu.vector_store %arg18[%parallel_loop3A_672, %parallel_loop3A_673], %parallel_loop3A_671 {strides = array<i32>} : memref<96x128xf32, #tpu.memory_space<vmem>>, vector<16xf32>,
        %parallel_loop3A_675 = arith.index_cast %parallel_loop3A_634 : i32 to index
        %parallel_loop3A_676 = arith.constant 80 : index
        %parallel_loop3A_677 = tpu.vector_load %arg18[%parallel_loop3A_675, %parallel_loop3A_676] {strides = array<i32>} : memref<96x128xf32, #tpu.memory_space<vmem>>, vector<16xf32>,
        %parallel_loop3A_678 = arith.mulf %parallel_loop3A_677, %parallel_loop3A_639 : vector<16xf32>
        %parallel_loop3A_679 = arith.index_cast %parallel_loop3A_634 : i32 to index
        %parallel_loop3A_680 = arith.constant 80 : index
        %parallel_loop3A_681 = tpu.vector_load %arg18[%parallel_loop3A_679, %parallel_loop3A_680] {strides = array<i32>} : memref<96x128xf32, #tpu.memory_space<vmem>>, vector<16xf32>,
        tpu.vector_store %arg18[%parallel_loop3A_679, %parallel_loop3A_680], %parallel_loop3A_678 {strides = array<i32>} : memref<96x128xf32, #tpu.memory_space<vmem>>, vector<16xf32>,
        %parallel_loop3A_682 = arith.index_cast %parallel_loop3A_634 : i32 to index
        %parallel_loop3A_683 = arith.constant 96 : index
        %parallel_loop3A_684 = tpu.vector_load %arg18[%parallel_loop3A_682, %parallel_loop3A_683] {strides = array<i32>} : memref<96x128xf32, #tpu.memory_space<vmem>>, vector<16xf32>,
        %parallel_loop3A_685 = arith.mulf %parallel_loop3A_684, %parallel_loop3A_639 : vector<16xf32>
        %parallel_loop3A_686 = arith.index_cast %parallel_loop3A_634 : i32 to index
        %parallel_loop3A_687 = arith.constant 96 : index
        %parallel_loop3A_688 = tpu.vector_load %arg18[%parallel_loop3A_686, %parallel_loop3A_687] {strides = array<i32>} : memref<96x128xf32, #tpu.memory_space<vmem>>, vector<16xf32>,
        tpu.vector_store %arg18[%parallel_loop3A_686, %parallel_loop3A_687], %parallel_loop3A_685 {strides = array<i32>} : memref<96x128xf32, #tpu.memory_space<vmem>>, vector<16xf32>,
        %parallel_loop3A_689 = arith.index_cast %parallel_loop3A_634 : i32 to index
        %parallel_loop3A_690 = arith.constant 112 : index
        %parallel_loop3A_691 = tpu.vector_load %arg18[%parallel_loop3A_689, %parallel_loop3A_690] {strides = array<i32>} : memref<96x128xf32, #tpu.memory_space<vmem>>, vector<16xf32>,
        %parallel_loop3A_692 = arith.mulf %parallel_loop3A_691, %parallel_loop3A_639 : vector<16xf32>
        %parallel_loop3A_693 = arith.index_cast %parallel_loop3A_634 : i32 to index
        %parallel_loop3A_694 = arith.constant 112 : index
        %parallel_loop3A_695 = tpu.vector_load %arg18[%parallel_loop3A_693, %parallel_loop3A_694] {strides = array<i32>} : memref<96x128xf32, #tpu.memory_space<vmem>>, vector<16xf32>,
        tpu.vector_store %arg18[%parallel_loop3A_693, %parallel_loop3A_694], %parallel_loop3A_692 {strides = array<i32>} : memref<96x128xf32, #tpu.memory_space<vmem>>, vector<16xf32>,
      } {sc.loop_unroll_factor = 4 : i64, sc.parallel_access}
      %dma_start3A_621 = arith.constant 0 : i32
      %dma_start3A_622 = arith.constant 0 : i32
      %dma_start3A_623 = tpu.memref_slice %arg8[%dma_start3A_621, %dma_start3A_622] : memref<10240x128xf32, #tpu.memory_space<vmem_shared>> -> memref<10240x128xf32, #tpu.memory_space<vmem_shared>>
      tpu.enqueue_indirect_dma source(%arg18 : memref<96x128xf32, #tpu.memory_space<vmem>>) target(%dma_start3A_623 : memref<10240x128xf32, #tpu.memory_space<vmem_shared>>) offsets(%arg16 : memref<96xi32, #tpu.memory_space<vmem>>) semaphore(%arg28 : memref<!tpu.dma_semaphore, #tpu.memory_space<semaphore_mem>>) {add = true}
      %add3A_624 = arith.constant 2 : i32
      %add3A_625 = arith.addi %add3A_588, %add3A_624 : i32
      %mul3A_626 = arith.constant 96 : i32
      %mul3A_627 = arith.muli %add3A_625, %mul3A_626 : i32
      %add3A_628 = arith.addi %mul3A_2, %mul3A_627 : i32
      %dma_start3A_629 = tpu.memref_slice %arg4[%add3A_628] : memref<331872xi32, #tpu.memory_space<hbm>> -> memref<96xi32, #tpu.memory_space<hbm>>
      %dma_start3A_630 = tpu.memref_slice %arg4[%add3A_628] : memref<331872xi32, #tpu.memory_space<hbm>> -> memref<96xi32, #tpu.memory_space<hbm>>
      tpu.enqueue_dma source(%dma_start3A_630 : memref<96xi32, #tpu.memory_space<hbm>>) target(%arg12 : memref<96xi32, #tpu.memory_space<vmem>>) target_semaphore(%arg24 : memref<!tpu.dma_semaphore, #tpu.memory_space<semaphore_mem>>)
      %dma_start3A_631 = tpu.memref_slice %arg5[%add3A_628] : memref<331872xi32, #tpu.memory_space<hbm>> -> memref<96xi32, #tpu.memory_space<hbm>>
      %dma_start3A_632 = tpu.memref_slice %arg5[%add3A_628] : memref<331872xi32, #tpu.memory_space<hbm>> -> memref<96xi32, #tpu.memory_space<hbm>>
      tpu.enqueue_dma source(%dma_start3A_632 : memref<96xi32, #tpu.memory_space<hbm>>) target(%arg14 : memref<96xi32, #tpu.memory_space<vmem>>) target_semaphore(%arg26 : memref<!tpu.dma_semaphore, #tpu.memory_space<semaphore_mem>>)
      %scan3A_633 = arith.constant 0 : i32
      scf.yield %scan3A_633 : i32
    }
    %scan3A_502 = arith.constant 53 : i32
    %dma_wait3A_503 = arith.constant 0 : i32
    %dma_wait3A_504 = tpu.memref_slice %arg9[%dma_wait3A_503] : memref<10240xf32, #tpu.memory_space<vmem_shared>> -> memref<10240xf32, #tpu.memory_space<vmem_shared>>
    tpu.wait_indirect_dma semaphore(%arg30 : memref<!tpu.dma_semaphore, #tpu.memory_space<semaphore_mem>>) src(%arg20 : memref<96xf32, #tpu.memory_space<vmem>>) dst(%dma_wait3A_504 : memref<10240xf32, #tpu.memory_space<vmem_shared>>)
    %dma_wait3A_505 = arith.constant 0 : i32
    %dma_wait3A_506 = arith.constant 0 : i32
    %dma_wait3A_507 = tpu.memref_slice %arg8[%dma_wait3A_505, %dma_wait3A_506] : memref<10240x128xf32, #tpu.memory_space<vmem_shared>> -> memref<10240x128xf32, #tpu.memory_space<vmem_shared>>
    tpu.wait_indirect_dma semaphore(%arg28 : memref<!tpu.dma_semaphore, #tpu.memory_space<semaphore_mem>>) src(%arg18 : memref<96x128xf32, #tpu.memory_space<vmem>>) dst(%dma_wait3A_507 : memref<10240x128xf32, #tpu.memory_space<vmem_shared>>)
    %dma_wait3A_508 = arith.constant 0 : i32
    %dma_wait3A_509 = arith.constant 0 : i32
    %dma_wait3A_510 = tpu.memref_slice %arg2[%dma_wait3A_508, %dma_wait3A_509] : memref<10240x128xf32, #tpu.memory_space<hbm>> -> memref<10240x128xf32, #tpu.memory_space<hbm>>
    tpu.wait_indirect_dma semaphore(%arg23 : memref<!tpu.dma_semaphore, #tpu.memory_space<semaphore_mem>>) src(%dma_wait3A_510 : memref<10240x128xf32, #tpu.memory_space<hbm>>) dst(%arg19 : memref<96x128xf32, #tpu.memory_space<vmem>>)
    %parallel_loop3A_511 = arith.constant 0 : i32
    %parallel_loop3A_512 = arith.constant 6 : i32
    %parallel_loop3A_513 = arith.constant 1 : i32
    scf.for %parallel_loop3A_536 = %parallel_loop3A_511 to %parallel_loop3A_512 step %parallel_loop3A_513  : i32 {
      %parallel_loop3A_537 = arith.constant 16 : i32
      %parallel_loop3A_538 = arith.muli %parallel_loop3A_536, %parallel_loop3A_537 : i32
      %parallel_loop3A_539 = arith.index_cast %parallel_loop3A_538 : i32 to index
      %parallel_loop3A_540 = tpu.vector_load %arg13[%parallel_loop3A_539] {strides = array<i32>} : memref<96xi32, #tpu.memory_space<vmem>>, vector<16xi32>,
      %parallel_loop3A_541 = arith.constant 16 : i32
      %parallel_loop3A_542 = arith.muli %parallel_loop3A_536, %parallel_loop3A_541 : i32
      %parallel_loop3A_543 = arith.index_cast %parallel_loop3A_542 : i32 to index
      %parallel_loop3A_544 = tpu.vector_load %arg15[%parallel_loop3A_543] {strides = array<i32>} : memref<96xi32, #tpu.memory_space<vmem>>, vector<16xi32>,
      %parallel_loop3A_545 = tpu.vector_load_idx %arg10[%parallel_loop3A_540] : memref<10240xf32, #tpu.memory_space<vmem>>[vector<16xi32>], vector<16xf32>,
      %parallel_loop3A_546 = tpu.vector_load_idx %arg11[%parallel_loop3A_544] : memref<10240xf32, #tpu.memory_space<vmem>>[vector<16xi32>], vector<16xf32>,
      %parallel_loop3A_547 = arith.addf %parallel_loop3A_545, %parallel_loop3A_546 : vector<16xf32>
      %parallel_loop3A_548 = arith.constant 2.000000e-01 : f32
      %parallel_loop3A_549 = vector.broadcast %parallel_loop3A_548 : f32 to vector<16xf32>
      %parallel_loop3A_550 = arith.mulf %parallel_loop3A_549, %parallel_loop3A_547 : vector<16xf32>
      %parallel_loop3A_551 = arith.maximumf %parallel_loop3A_547, %parallel_loop3A_550 : vector<16xf32>
      %parallel_loop3A_552 = math.exp %parallel_loop3A_551 : vector<16xf32>
      %parallel_loop3A_553 = arith.constant 16 : i32
      %parallel_loop3A_554 = arith.muli %parallel_loop3A_536, %parallel_loop3A_553 : i32
      %parallel_loop3A_555 = arith.index_cast %parallel_loop3A_554 : i32 to index
      %parallel_loop3A_556 = tpu.vector_load %arg21[%parallel_loop3A_555] {strides = array<i32>} : memref<96xf32, #tpu.memory_space<vmem>>, vector<16xf32>,
      tpu.vector_store %arg21[%parallel_loop3A_555], %parallel_loop3A_552 {strides = array<i32>} : memref<96xf32, #tpu.memory_space<vmem>>, vector<16xf32>,
      %parallel_loop3A_557 = arith.constant 16 : i32
      %parallel_loop3A_558 = arith.muli %parallel_loop3A_536, %parallel_loop3A_557 : i32
      %parallel_loop3A_559 = arith.index_cast %parallel_loop3A_558 : i32 to index
      %parallel_loop3A_560 = tpu.vector_load %arg17[%parallel_loop3A_559] {strides = array<i32>} : memref<96xi32, #tpu.memory_space<vmem>>, vector<16xi32>,
      tpu.vector_store %arg17[%parallel_loop3A_559], %parallel_loop3A_544 {strides = array<i32>} : memref<96xi32, #tpu.memory_space<vmem>>, vector<16xi32>,
    } {sc.loop_unroll_factor = 4 : i64, sc.parallel_access}
    %dma_start3A_514 = arith.constant 0 : i32
    %dma_start3A_515 = tpu.memref_slice %arg9[%dma_start3A_514] : memref<10240xf32, #tpu.memory_space<vmem_shared>> -> memref<10240xf32, #tpu.memory_space<vmem_shared>>
    tpu.enqueue_indirect_dma source(%arg21 : memref<96xf32, #tpu.memory_space<vmem>>) target(%dma_start3A_515 : memref<10240xf32, #tpu.memory_space<vmem_shared>>) offsets(%arg17 : memref<96xi32, #tpu.memory_space<vmem>>) semaphore(%arg31 : memref<!tpu.dma_semaphore, #tpu.memory_space<semaphore_mem>>) {add = true}
    %parallel_loop3A_516 = arith.constant 0 : i32
    %parallel_loop3A_517 = arith.constant 96 : i32
    %parallel_loop3A_518 = arith.constant 1 : i32
    scf.for %parallel_loop3A_536 = %parallel_loop3A_516 to %parallel_loop3A_517 step %parallel_loop3A_518  : i32 {
      %parallel_loop3A_537 = arith.constant 0 : i32
      %parallel_loop3A_538 = vector.broadcast %parallel_loop3A_537 : i32 to vector<16xi32>
      %parallel_loop3A_539 = vector.broadcast %parallel_loop3A_536 : i32 to vector<16xi32>
      %parallel_loop3A_540 = arith.addi %parallel_loop3A_538, %parallel_loop3A_539 : vector<16xi32>
      %parallel_loop3A_541 = tpu.vector_load_idx %arg21[%parallel_loop3A_540] : memref<96xf32, #tpu.memory_space<vmem>>[vector<16xi32>], vector<16xf32>,
      %parallel_loop3A_542 = arith.index_cast %parallel_loop3A_536 : i32 to index
      %parallel_loop3A_543 = arith.constant 0 : index
      %parallel_loop3A_544 = tpu.vector_load %arg19[%parallel_loop3A_542, %parallel_loop3A_543] {strides = array<i32>} : memref<96x128xf32, #tpu.memory_space<vmem>>, vector<16xf32>,
      %parallel_loop3A_545 = arith.mulf %parallel_loop3A_544, %parallel_loop3A_541 : vector<16xf32>
      %parallel_loop3A_546 = arith.index_cast %parallel_loop3A_536 : i32 to index
      %parallel_loop3A_547 = arith.constant 0 : index
      %parallel_loop3A_548 = tpu.vector_load %arg19[%parallel_loop3A_546, %parallel_loop3A_547] {strides = array<i32>} : memref<96x128xf32, #tpu.memory_space<vmem>>, vector<16xf32>,
      tpu.vector_store %arg19[%parallel_loop3A_546, %parallel_loop3A_547], %parallel_loop3A_545 {strides = array<i32>} : memref<96x128xf32, #tpu.memory_space<vmem>>, vector<16xf32>,
      %parallel_loop3A_549 = arith.index_cast %parallel_loop3A_536 : i32 to index
      %parallel_loop3A_550 = arith.constant 16 : index
      %parallel_loop3A_551 = tpu.vector_load %arg19[%parallel_loop3A_549, %parallel_loop3A_550] {strides = array<i32>} : memref<96x128xf32, #tpu.memory_space<vmem>>, vector<16xf32>,
      %parallel_loop3A_552 = arith.mulf %parallel_loop3A_551, %parallel_loop3A_541 : vector<16xf32>
      %parallel_loop3A_553 = arith.index_cast %parallel_loop3A_536 : i32 to index
      %parallel_loop3A_554 = arith.constant 16 : index
      %parallel_loop3A_555 = tpu.vector_load %arg19[%parallel_loop3A_553, %parallel_loop3A_554] {strides = array<i32>} : memref<96x128xf32, #tpu.memory_space<vmem>>, vector<16xf32>,
      tpu.vector_store %arg19[%parallel_loop3A_553, %parallel_loop3A_554], %parallel_loop3A_552 {strides = array<i32>} : memref<96x128xf32, #tpu.memory_space<vmem>>, vector<16xf32>,
      %parallel_loop3A_556 = arith.index_cast %parallel_loop3A_536 : i32 to index
      %parallel_loop3A_557 = arith.constant 32 : index
      %parallel_loop3A_558 = tpu.vector_load %arg19[%parallel_loop3A_556, %parallel_loop3A_557] {strides = array<i32>} : memref<96x128xf32, #tpu.memory_space<vmem>>, vector<16xf32>,
      %parallel_loop3A_559 = arith.mulf %parallel_loop3A_558, %parallel_loop3A_541 : vector<16xf32>
      %parallel_loop3A_560 = arith.index_cast %parallel_loop3A_536 : i32 to index
      %parallel_loop3A_561 = arith.constant 32 : index
      %parallel_loop3A_562 = tpu.vector_load %arg19[%parallel_loop3A_560, %parallel_loop3A_561] {strides = array<i32>} : memref<96x128xf32, #tpu.memory_space<vmem>>, vector<16xf32>,
      tpu.vector_store %arg19[%parallel_loop3A_560, %parallel_loop3A_561], %parallel_loop3A_559 {strides = array<i32>} : memref<96x128xf32, #tpu.memory_space<vmem>>, vector<16xf32>,
      %parallel_loop3A_563 = arith.index_cast %parallel_loop3A_536 : i32 to index
      %parallel_loop3A_564 = arith.constant 48 : index
      %parallel_loop3A_565 = tpu.vector_load %arg19[%parallel_loop3A_563, %parallel_loop3A_564] {strides = array<i32>} : memref<96x128xf32, #tpu.memory_space<vmem>>, vector<16xf32>,
      %parallel_loop3A_566 = arith.mulf %parallel_loop3A_565, %parallel_loop3A_541 : vector<16xf32>
      %parallel_loop3A_567 = arith.index_cast %parallel_loop3A_536 : i32 to index
      %parallel_loop3A_568 = arith.constant 48 : index
      %parallel_loop3A_569 = tpu.vector_load %arg19[%parallel_loop3A_567, %parallel_loop3A_568] {strides = array<i32>} : memref<96x128xf32, #tpu.memory_space<vmem>>, vector<16xf32>,
      tpu.vector_store %arg19[%parallel_loop3A_567, %parallel_loop3A_568], %parallel_loop3A_566 {strides = array<i32>} : memref<96x128xf32, #tpu.memory_space<vmem>>, vector<16xf32>,
      %parallel_loop3A_570 = arith.index_cast %parallel_loop3A_536 : i32 to index
      %parallel_loop3A_571 = arith.constant 64 : index
      %parallel_loop3A_572 = tpu.vector_load %arg19[%parallel_loop3A_570, %parallel_loop3A_571] {strides = array<i32>} : memref<96x128xf32, #tpu.memory_space<vmem>>, vector<16xf32>,
      %parallel_loop3A_573 = arith.mulf %parallel_loop3A_572, %parallel_loop3A_541 : vector<16xf32>
      %parallel_loop3A_574 = arith.index_cast %parallel_loop3A_536 : i32 to index
      %parallel_loop3A_575 = arith.constant 64 : index
      %parallel_loop3A_576 = tpu.vector_load %arg19[%parallel_loop3A_574, %parallel_loop3A_575] {strides = array<i32>} : memref<96x128xf32, #tpu.memory_space<vmem>>, vector<16xf32>,
      tpu.vector_store %arg19[%parallel_loop3A_574, %parallel_loop3A_575], %parallel_loop3A_573 {strides = array<i32>} : memref<96x128xf32, #tpu.memory_space<vmem>>, vector<16xf32>,
      %parallel_loop3A_577 = arith.index_cast %parallel_loop3A_536 : i32 to index
      %parallel_loop3A_578 = arith.constant 80 : index
      %parallel_loop3A_579 = tpu.vector_load %arg19[%parallel_loop3A_577, %parallel_loop3A_578] {strides = array<i32>} : memref<96x128xf32, #tpu.memory_space<vmem>>, vector<16xf32>,
      %parallel_loop3A_580 = arith.mulf %parallel_loop3A_579, %parallel_loop3A_541 : vector<16xf32>
      %parallel_loop3A_581 = arith.index_cast %parallel_loop3A_536 : i32 to index
      %parallel_loop3A_582 = arith.constant 80 : index
      %parallel_loop3A_583 = tpu.vector_load %arg19[%parallel_loop3A_581, %parallel_loop3A_582] {strides = array<i32>} : memref<96x128xf32, #tpu.memory_space<vmem>>, vector<16xf32>,
      tpu.vector_store %arg19[%parallel_loop3A_581, %parallel_loop3A_582], %parallel_loop3A_580 {strides = array<i32>} : memref<96x128xf32, #tpu.memory_space<vmem>>, vector<16xf32>,
      %parallel_loop3A_584 = arith.index_cast %parallel_loop3A_536 : i32 to index
      %parallel_loop3A_585 = arith.constant 96 : index
      %parallel_loop3A_586 = tpu.vector_load %arg19[%parallel_loop3A_584, %parallel_loop3A_585] {strides = array<i32>} : memref<96x128xf32, #tpu.memory_space<vmem>>, vector<16xf32>,
      %parallel_loop3A_587 = arith.mulf %parallel_loop3A_586, %parallel_loop3A_541 : vector<16xf32>
      %parallel_loop3A_588 = arith.index_cast %parallel_loop3A_536 : i32 to index
      %parallel_loop3A_589 = arith.constant 96 : index
      %parallel_loop3A_590 = tpu.vector_load %arg19[%parallel_loop3A_588, %parallel_loop3A_589] {strides = array<i32>} : memref<96x128xf32, #tpu.memory_space<vmem>>, vector<16xf32>,
      tpu.vector_store %arg19[%parallel_loop3A_588, %parallel_loop3A_589], %parallel_loop3A_587 {strides = array<i32>} : memref<96x128xf32, #tpu.memory_space<vmem>>, vector<16xf32>,
      %parallel_loop3A_591 = arith.index_cast %parallel_loop3A_536 : i32 to index
      %parallel_loop3A_592 = arith.constant 112 : index
      %parallel_loop3A_593 = tpu.vector_load %arg19[%parallel_loop3A_591, %parallel_loop3A_592] {strides = array<i32>} : memref<96x128xf32, #tpu.memory_space<vmem>>, vector<16xf32>,
      %parallel_loop3A_594 = arith.mulf %parallel_loop3A_593, %parallel_loop3A_541 : vector<16xf32>
      %parallel_loop3A_595 = arith.index_cast %parallel_loop3A_536 : i32 to index
      %parallel_loop3A_596 = arith.constant 112 : index
      %parallel_loop3A_597 = tpu.vector_load %arg19[%parallel_loop3A_595, %parallel_loop3A_596] {strides = array<i32>} : memref<96x128xf32, #tpu.memory_space<vmem>>, vector<16xf32>,
      tpu.vector_store %arg19[%parallel_loop3A_595, %parallel_loop3A_596], %parallel_loop3A_594 {strides = array<i32>} : memref<96x128xf32, #tpu.memory_space<vmem>>, vector<16xf32>,
    } {sc.loop_unroll_factor = 4 : i64, sc.parallel_access}
    %dma_start3A_519 = arith.constant 0 : i32
    %dma_start3A_520 = arith.constant 0 : i32
    %dma_start3A_521 = tpu.memref_slice %arg8[%dma_start3A_519, %dma_start3A_520] : memref<10240x128xf32, #tpu.memory_space<vmem_shared>> -> memref<10240x128xf32, #tpu.memory_space<vmem_shared>>
    tpu.enqueue_indirect_dma source(%arg19 : memref<96x128xf32, #tpu.memory_space<vmem>>) target(%dma_start3A_521 : memref<10240x128xf32, #tpu.memory_space<vmem_shared>>) offsets(%arg17 : memref<96xi32, #tpu.memory_space<vmem>>) semaphore(%arg29 : memref<!tpu.dma_semaphore, #tpu.memory_space<semaphore_mem>>) {add = true}
    %dma_wait3A_522 = arith.constant 0 : i32
    %dma_wait3A_523 = tpu.memref_slice %arg9[%dma_wait3A_522] : memref<10240xf32, #tpu.memory_space<vmem_shared>> -> memref<10240xf32, #tpu.memory_space<vmem_shared>>
    tpu.wait_indirect_dma semaphore(%arg31 : memref<!tpu.dma_semaphore, #tpu.memory_space<semaphore_mem>>) src(%arg21 : memref<96xf32, #tpu.memory_space<vmem>>) dst(%dma_wait3A_523 : memref<10240xf32, #tpu.memory_space<vmem_shared>>)
    %dma_wait3A_524 = arith.constant 0 : i32
    %dma_wait3A_525 = arith.constant 0 : i32
    %dma_wait3A_526 = tpu.memref_slice %arg8[%dma_wait3A_524, %dma_wait3A_525] : memref<10240x128xf32, #tpu.memory_space<vmem_shared>> -> memref<10240x128xf32, #tpu.memory_space<vmem_shared>>
    tpu.wait_indirect_dma semaphore(%arg29 : memref<!tpu.dma_semaphore, #tpu.memory_space<semaphore_mem>>) src(%arg19 : memref<96x128xf32, #tpu.memory_space<vmem>>) dst(%dma_wait3A_526 : memref<10240x128xf32, #tpu.memory_space<vmem_shared>>)
    %add3A_527 = arith.constant 10368 : i32
    %add3A_528 = arith.addi %mul3A_2, %add3A_527 : i32
    %dma_wait3A_529 = tpu.memref_slice %arg4[%add3A_528] : memref<331872xi32, #tpu.memory_space<hbm>> -> memref<96xi32, #tpu.memory_space<hbm>>
    %dma_wait3A_530 = tpu.memref_slice %arg4[%add3A_528] : memref<331872xi32, #tpu.memory_space<hbm>> -> memref<96xi32, #tpu.memory_space<hbm>>
    tpu.wait_dma2 semaphore(%arg24 : memref<!tpu.dma_semaphore, #tpu.memory_space<semaphore_mem>>) src(%dma_wait3A_530 : memref<96xi32, #tpu.memory_space<hbm>>) dst(%arg12 : memref<96xi32, #tpu.memory_space<vmem>>)
    %dma_wait3A_531 = tpu.memref_slice %arg5[%add3A_528] : memref<331872xi32, #tpu.memory_space<hbm>> -> memref<96xi32, #tpu.memory_space<hbm>>
    %dma_wait3A_532 = tpu.memref_slice %arg5[%add3A_528] : memref<331872xi32, #tpu.memory_space<hbm>> -> memref<96xi32, #tpu.memory_space<hbm>>
    tpu.wait_dma2 semaphore(%arg26 : memref<!tpu.dma_semaphore, #tpu.memory_space<semaphore_mem>>) src(%dma_wait3A_532 : memref<96xi32, #tpu.memory_space<hbm>>) dst(%arg14 : memref<96xi32, #tpu.memory_space<vmem>>)
    %barrier3A_533 = arith.constant 0 : index
    tpu.barrier barrier_id(%barrier3A_533)
    %mul3A_534 = arith.constant 640 : i32
    %mul3A_535 = arith.muli %arg1, %mul3A_534 : i32
    "tpu.region"() ({
      %run_scoped3A = tpu.sem_alloc : memref<!tpu.dma_semaphore, #tpu.memory_space<semaphore_mem>>
      %dma_start3A_536 = arith.constant 0 : i32
      %dma_start3A_537 = tpu.memref_slice %arg6[%arg0, %mul3A_535, %dma_start3A_536] : memref<2x10240x128xf32, #tpu.memory_space<hbm>> -> memref<1x640x128xf32, #tpu.memory_space<hbm>>
      %dma_start3A_538 = tpu.memref_squeeze %dma_start3A_537 : memref<1x640x128xf32, #tpu.memory_space<hbm>> -> memref<640x128xf32, #tpu.memory_space<hbm>>
      %dma_start3A_539 = arith.constant 0 : i32
      %dma_start3A_540 = tpu.memref_slice %arg8[%mul3A_535, %dma_start3A_539] : memref<10240x128xf32, #tpu.memory_space<vmem_shared>> -> memref<640x128xf32, #tpu.memory_space<vmem_shared>>
      tpu.enqueue_dma source(%dma_start3A_540 : memref<640x128xf32, #tpu.memory_space<vmem_shared>>) target(%dma_start3A_538 : memref<640x128xf32, #tpu.memory_space<hbm>>) target_semaphore(%run_scoped3A : memref<!tpu.dma_semaphore, #tpu.memory_space<semaphore_mem>>)
      %dma_wait3A_541 = arith.constant 0 : i32
      %dma_wait3A_542 = tpu.memref_slice %arg6[%arg0, %mul3A_535, %dma_wait3A_541] : memref<2x10240x128xf32, #tpu.memory_space<hbm>> -> memref<1x640x128xf32, #tpu.memory_space<hbm>>
      %dma_wait3A_543 = tpu.memref_squeeze %dma_wait3A_542 : memref<1x640x128xf32, #tpu.memory_space<hbm>> -> memref<640x128xf32, #tpu.memory_space<hbm>>
      %dma_wait3A_544 = arith.constant 0 : i32
      %dma_wait3A_545 = tpu.memref_slice %arg8[%mul3A_535, %dma_wait3A_544] : memref<10240x128xf32, #tpu.memory_space<vmem_shared>> -> memref<640x128xf32, #tpu.memory_space<vmem_shared>>
      tpu.wait_dma2 semaphore(%run_scoped3A : memref<!tpu.dma_semaphore, #tpu.memory_space<semaphore_mem>>) src(%dma_wait3A_545 : memref<640x128xf32, #tpu.memory_space<vmem_shared>>) dst(%dma_wait3A_543 : memref<640x128xf32, #tpu.memory_space<hbm>>)
      tpu.yield
    }) : () -> ()
    "tpu.region"() ({
      %run_scoped3A = tpu.sem_alloc : memref<!tpu.dma_semaphore, #tpu.memory_space<semaphore_mem>>
      %dma_start3A_536 = tpu.memref_slice %arg7[%arg0, %mul3A_535] : memref<2x10240xf32, #tpu.memory_space<hbm>> -> memref<1x640xf32, #tpu.memory_space<hbm>>
      %dma_start3A_537 = tpu.memref_squeeze %dma_start3A_536 : memref<1x640xf32, #tpu.memory_space<hbm>> -> memref<640xf32, #tpu.memory_space<hbm>>
      %dma_start3A_538 = tpu.memref_slice %arg9[%mul3A_535] : memref<10240xf32, #tpu.memory_space<vmem_shared>> -> memref<640xf32, #tpu.memory_space<vmem_shared>>
      tpu.enqueue_dma source(%dma_start3A_538 : memref<640xf32, #tpu.memory_space<vmem_shared>>) target(%dma_start3A_537 : memref<640xf32, #tpu.memory_space<hbm>>) target_semaphore(%run_scoped3A : memref<!tpu.dma_semaphore, #tpu.memory_space<semaphore_mem>>)
      %dma_wait3A_539 = tpu.memref_slice %arg7[%arg0, %mul3A_535] : memref<2x10240xf32, #tpu.memory_space<hbm>> -> memref<1x640xf32, #tpu.memory_space<hbm>>
      %dma_wait3A_540 = tpu.memref_squeeze %dma_wait3A_539 : memref<1x640xf32, #tpu.memory_space<hbm>> -> memref<640xf32, #tpu.memory_space<hbm>>
      %dma_wait3A_541 = tpu.memref_slice %arg9[%mul3A_535] : memref<10240xf32, #tpu.memory_space<vmem_shared>> -> memref<640xf32, #tpu.memory_space<vmem_shared>>
      tpu.wait_dma2 semaphore(%run_scoped3A : memref<!tpu.dma_semaphore, #tpu.memory_space<semaphore_mem>>) src(%dma_wait3A_541 : memref<640xf32, #tpu.memory_space<vmem_shared>>) dst(%dma_wait3A_540 : memref<640xf32, #tpu.memory_space<hbm>>)
      tpu.yield
    }) : () -> ()
    return
  }
}

module attributes {stable_mosaic.version = 14 : i64} {
  func.func @_tc_prep_body(%arg0: i32, %arg1: memref<1024x128xf32, #tpu.memory_space<vmem>>, %arg2: memref<128x128xf32, #tpu.memory_space<vmem>>, %arg3: memref<128xf32, #tpu.memory_space<vmem>>, %arg4: memref<128xf32, #tpu.memory_space<vmem>>, %arg5: memref<1024x128xf32, #tpu.memory_space<vmem>>, %arg6: memref<8x1024xf32, #tpu.memory_space<vmem>>) attributes {dimension_semantics = [#tpu.dimension_semantics<arbitrary>], iteration_bounds = array<i64: 10>, scalar_prefetch = 0 : i64, scratch_operands = 0 : i64, tpu.core_type = #tpu.core_type<tc>, window_params = [{transform_indices = @transform_0, window_bounds = array<i64: 1024, 128>}, {pipeline_mode = #tpu.pipeline_mode<synchronous>, transform_indices = @transform_1, window_bounds = array<i64: 128, 128>}, {pipeline_mode = #tpu.pipeline_mode<synchronous>, transform_indices = @transform_2, window_bounds = array<i64: 128>}, {pipeline_mode = #tpu.pipeline_mode<synchronous>, transform_indices = @transform_3, window_bounds = array<i64: 128>}, {transform_indices = @transform_4, window_bounds = array<i64: 1024, 128>}, {transform_indices = @transform_5, window_bounds = array<i64: 8, 1024>}]} {
    %get3A = arith.constant 0 : index
    %get3A_0 = arith.constant 0 : index
    %get3A_1 = vector.load %arg1[%get3A, %get3A_0] : memref<1024x128xf32, #tpu.memory_space<vmem>>, vector<1024x128xf32>
    %get3A_2 = arith.constant 0 : index
    %get3A_3 = arith.constant 0 : index
    %get3A_4 = vector.load %arg2[%get3A_2, %get3A_3] : memref<128x128xf32, #tpu.memory_space<vmem>>, vector<128x128xf32>
    %dot_general3A = arith.constant dense<0.000000e+00> : vector<1024x128xf32>
    %dot_general3A_5 = tpu.matmul %get3A_1, %get3A_4, %dot_general3A {dimension_numbers = #tpu.dot_dimension_numbers<[1], [0], [0], [1], [0, 0, 1, 1], [], []>, transpose_lhs_hint = false} : vector<1024x128xf32>, vector<128x128xf32>, vector<1024x128xf32> -> vector<1024x128xf32>
    %swap3A = arith.constant 0 : index
    %swap3A_6 = arith.constant 0 : index
    %swap3A_7 = vector.load %arg5[%swap3A, %swap3A_6] : memref<1024x128xf32, #tpu.memory_space<vmem>>, vector<1024x128xf32>
    tpu.vector_store %arg5[%swap3A, %swap3A_6], %dot_general3A_5 {strides = array<i32>} : memref<1024x128xf32, #tpu.memory_space<vmem>>, vector<1024x128xf32>,
    %get3A_8 = arith.constant 0 : index
    %get3A_9 = vector.load %arg3[%get3A_8] : memref<128xf32, #tpu.memory_space<vmem>>, vector<128xf32>
    %broadcast_in_dim3A = vector.shape_cast %get3A_9 : vector<128xf32> to vector<1x128xf32>
    %mul3A = vector.broadcast %broadcast_in_dim3A : vector<1x128xf32> to vector<1024x128xf32>
    %mul3A_10 = arith.mulf %dot_general3A_5, %mul3A : vector<1024x128xf32>
    %reduce_sum3A = arith.constant dense<0.000000e+00> : vector<1024xf32>
    %reduce_sum3A_11 = vector.multi_reduction <add>, %mul3A_10, %reduce_sum3A [1] : vector<1024x128xf32> to vector<1024xf32>
    %get3A_12 = arith.constant 0 : index
    %get3A_13 = vector.load %arg4[%get3A_12] : memref<128xf32, #tpu.memory_space<vmem>>, vector<128xf32>
    %broadcast_in_dim3A_14 = vector.shape_cast %get3A_13 : vector<128xf32> to vector<1x128xf32>
    %mul3A_15 = vector.broadcast %broadcast_in_dim3A_14 : vector<1x128xf32> to vector<1024x128xf32>
    %mul3A_16 = arith.mulf %dot_general3A_5, %mul3A_15 : vector<1024x128xf32>
    %reduce_sum3A_17 = arith.constant dense<0.000000e+00> : vector<1024xf32>
    %reduce_sum3A_18 = vector.multi_reduction <add>, %mul3A_16, %reduce_sum3A_17 [1] : vector<1024x128xf32> to vector<1024xf32>
    %broadcast_in_dim3A_19 = vector.shape_cast %reduce_sum3A_11 : vector<1024xf32> to vector<1x1024xf32>
    %broadcast_in_dim3A_20 = vector.shape_cast %reduce_sum3A_18 : vector<1024xf32> to vector<1x1024xf32>
    %broadcast_in_dim3A_21 = arith.constant 0.000000e+00 : f32
    %broadcast_in_dim3A_22 = vector.broadcast %broadcast_in_dim3A_21 : f32 to vector<6x1024xf32>
    %concatenate3A = tpu.concatenate %broadcast_in_dim3A_19, %broadcast_in_dim3A_20, %broadcast_in_dim3A_22 in 0 : vector<1x1024xf32>, vector<1x1024xf32>, vector<6x1024xf32> -> vector<8x1024xf32>
    %swap3A_23 = arith.constant 0 : index
    %swap3A_24 = arith.constant 0 : index
    %swap3A_25 = vector.load %arg6[%swap3A_23, %swap3A_24] : memref<8x1024xf32, #tpu.memory_space<vmem>>, vector<8x1024xf32>
    tpu.vector_store %arg6[%swap3A_23, %swap3A_24], %concatenate3A {strides = array<i32>} : memref<8x1024xf32, #tpu.memory_space<vmem>>, vector<8x1024xf32>,
    return
  }
  func.func @transform_0(%arg0: i32) -> (i32, i32) {
    %c0_i32 = arith.constant 0 : i32
    %c0_i32_0 = arith.constant 0 : i32
    return %arg0, %c0_i32 : i32, i32
  }
  func.func @transform_1(%arg0: i32) -> (i32, i32) {
    %c0_i32 = arith.constant 0 : i32
    %c0_i32_0 = arith.constant 0 : i32
    %c0_i32_1 = arith.constant 0 : i32
    return %c0_i32, %c0_i32_0 : i32, i32
  }
  func.func @transform_2(%arg0: i32) -> i32 {
    %c0_i32 = arith.constant 0 : i32
    %c0_i32_0 = arith.constant 0 : i32
    return %c0_i32 : i32
  }
  func.func @transform_3(%arg0: i32) -> i32 {
    %c0_i32 = arith.constant 0 : i32
    %c0_i32_0 = arith.constant 0 : i32
    return %c0_i32 : i32
  }
  func.func @transform_4(%arg0: i32) -> (i32, i32) {
    %c0_i32 = arith.constant 0 : i32
    %c0_i32_0 = arith.constant 0 : i32
    return %arg0, %c0_i32 : i32, i32
  }
  func.func @transform_5(%arg0: i32) -> (i32, i32) {
    %c0_i32 = arith.constant 0 : i32
    %c0_i32_0 = arith.constant 0 : i32
    return %c0_i32, %arg0 : i32, i32
  }
}

module attributes {stable_mosaic.version = 14 : i64} {
  func.func @_tc_mid_body(%arg0: i32, %arg1: memref<2x1024x128xf32, #tpu.memory_space<vmem>>, %arg2: memref<2x1024xf32, #tpu.memory_space<vmem>>, %arg3: memref<128xf32, #tpu.memory_space<vmem>>, %arg4: memref<128x128xf32, #tpu.memory_space<vmem>>, %arg5: memref<128xf32, #tpu.memory_space<vmem>>, %arg6: memref<128xf32, #tpu.memory_space<vmem>>, %arg7: memref<1024x128xf32, #tpu.memory_space<vmem>>, %arg8: memref<8x1024xf32, #tpu.memory_space<vmem>>) attributes {dimension_semantics = [#tpu.dimension_semantics<arbitrary>], iteration_bounds = array<i64: 10>, scalar_prefetch = 0 : i64, scratch_operands = 0 : i64, tpu.core_type = #tpu.core_type<tc>, window_params = [{transform_indices = @transform_0, window_bounds = array<i64: 2, 1024, 128>}, {transform_indices = @transform_1, window_bounds = array<i64: 2, 1024>}, {pipeline_mode = #tpu.pipeline_mode<synchronous>, transform_indices = @transform_2, window_bounds = array<i64: 128>}, {pipeline_mode = #tpu.pipeline_mode<synchronous>, transform_indices = @transform_3, window_bounds = array<i64: 128, 128>}, {pipeline_mode = #tpu.pipeline_mode<synchronous>, transform_indices = @transform_4, window_bounds = array<i64: 128>}, {pipeline_mode = #tpu.pipeline_mode<synchronous>, transform_indices = @transform_5, window_bounds = array<i64: 128>}, {transform_indices = @transform_6, window_bounds = array<i64: 1024, 128>}, {transform_indices = @transform_7, window_bounds = array<i64: 8, 1024>}]} {
    %get3A = arith.constant 0 : index
    %get3A_0 = arith.constant 0 : index
    %get3A_1 = arith.constant 0 : index
    %get3A_2 = vector.load %arg1[%get3A, %get3A_0, %get3A_1] : memref<2x1024x128xf32, #tpu.memory_space<vmem>>, vector<1x1024x128xf32>
    %get3A_3 = vector.shape_cast %get3A_2 : vector<1x1024x128xf32> to vector<1024x128xf32>
    %get3A_4 = arith.constant 1 : index
    %get3A_5 = arith.constant 0 : index
    %get3A_6 = arith.constant 0 : index
    %get3A_7 = vector.load %arg1[%get3A_4, %get3A_5, %get3A_6] : memref<2x1024x128xf32, #tpu.memory_space<vmem>>, vector<1x1024x128xf32>
    %get3A_8 = vector.shape_cast %get3A_7 : vector<1x1024x128xf32> to vector<1024x128xf32>
    %add3A = arith.addf %get3A_3, %get3A_8 : vector<1024x128xf32>
    %get3A_9 = arith.constant 0 : index
    %get3A_10 = arith.constant 0 : index
    %get3A_11 = vector.load %arg2[%get3A_9, %get3A_10] : memref<2x1024xf32, #tpu.memory_space<vmem>>, vector<2x1024xf32>
    %reduce_sum3A = arith.constant dense<0.000000e+00> : vector<1024xf32>
    %reduce_sum3A_12 = vector.multi_reduction <add>, %get3A_11, %reduce_sum3A [0] : vector<2x1024xf32> to vector<1024xf32>
    %broadcast_in_dim3A = vector.shape_cast %reduce_sum3A_12 : vector<1024xf32> to vector<1024x1xf32>
    %add3A_13 = arith.constant 1.000000e-16 : f32
    %add3A_14 = vector.broadcast %add3A_13 : f32 to vector<1024x1xf32>
    %add3A_15 = arith.addf %broadcast_in_dim3A, %add3A_14 : vector<1024x1xf32>
    %div3A = vector.broadcast %add3A_15 : vector<1024x1xf32> to vector<1024x128xf32>
    %div3A_16 = arith.divf %add3A, %div3A : vector<1024x128xf32>
    %get3A_17 = arith.constant 0 : index
    %get3A_18 = vector.load %arg3[%get3A_17] : memref<128xf32, #tpu.memory_space<vmem>>, vector<128xf32>
    %broadcast_in_dim3A_19 = vector.shape_cast %get3A_18 : vector<128xf32> to vector<1x128xf32>
    %add3A_20 = vector.broadcast %broadcast_in_dim3A_19 : vector<1x128xf32> to vector<1024x128xf32>
    %add3A_21 = arith.addf %div3A_16, %add3A_20 : vector<1024x128xf32>
    %mul3A = arith.mulf %add3A_21, %add3A_21 : vector<1024x128xf32>
    %reduce_sum3A_22 = arith.constant dense<0.000000e+00> : vector<1024xf32>
    %reduce_sum3A_23 = vector.multi_reduction <add>, %mul3A, %reduce_sum3A_22 [1] : vector<1024x128xf32> to vector<1024xf32>
    %broadcast_in_dim3A_24 = vector.shape_cast %reduce_sum3A_23 : vector<1024xf32> to vector<1024x1xf32>
    %sqrt3A = math.sqrt %broadcast_in_dim3A_24 : vector<1024x1xf32>
    %max3A = arith.constant 9.99999996E-13 : f32
    %max3A_25 = vector.broadcast %max3A : f32 to vector<1024x1xf32>
    %max3A_26 = arith.maximumf %sqrt3A, %max3A_25 : vector<1024x1xf32>
    %div3A_27 = vector.broadcast %max3A_26 : vector<1024x1xf32> to vector<1024x128xf32>
    %div3A_28 = arith.divf %add3A_21, %div3A_27 : vector<1024x128xf32>
    %max3A_29 = arith.constant 0.000000e+00 : f32
    %max3A_30 = vector.broadcast %max3A_29 : f32 to vector<1024x128xf32>
    %max3A_31 = arith.maximumf %div3A_28, %max3A_30 : vector<1024x128xf32>
    %get3A_32 = arith.constant 0 : index
    %get3A_33 = arith.constant 0 : index
    %get3A_34 = vector.load %arg4[%get3A_32, %get3A_33] : memref<128x128xf32, #tpu.memory_space<vmem>>, vector<128x128xf32>
    %dot_general3A = arith.constant dense<0.000000e+00> : vector<1024x128xf32>
    %dot_general3A_35 = tpu.matmul %max3A_31, %get3A_34, %dot_general3A {dimension_numbers = #tpu.dot_dimension_numbers<[1], [0], [0], [1], [0, 0, 1, 1], [], []>, transpose_lhs_hint = false} : vector<1024x128xf32>, vector<128x128xf32>, vector<1024x128xf32> -> vector<1024x128xf32>
    %swap3A = arith.constant 0 : index
    %swap3A_36 = arith.constant 0 : index
    %swap3A_37 = vector.load %arg7[%swap3A, %swap3A_36] : memref<1024x128xf32, #tpu.memory_space<vmem>>, vector<1024x128xf32>
    tpu.vector_store %arg7[%swap3A, %swap3A_36], %dot_general3A_35 {strides = array<i32>} : memref<1024x128xf32, #tpu.memory_space<vmem>>, vector<1024x128xf32>,
    %get3A_38 = arith.constant 0 : index
    %get3A_39 = vector.load %arg5[%get3A_38] : memref<128xf32, #tpu.memory_space<vmem>>, vector<128xf32>
    %broadcast_in_dim3A_40 = vector.shape_cast %get3A_39 : vector<128xf32> to vector<1x128xf32>
    %mul3A_41 = vector.broadcast %broadcast_in_dim3A_40 : vector<1x128xf32> to vector<1024x128xf32>
    %mul3A_42 = arith.mulf %dot_general3A_35, %mul3A_41 : vector<1024x128xf32>
    %reduce_sum3A_43 = arith.constant dense<0.000000e+00> : vector<1024xf32>
    %reduce_sum3A_44 = vector.multi_reduction <add>, %mul3A_42, %reduce_sum3A_43 [1] : vector<1024x128xf32> to vector<1024xf32>
    %get3A_45 = arith.constant 0 : index
    %get3A_46 = vector.load %arg6[%get3A_45] : memref<128xf32, #tpu.memory_space<vmem>>, vector<128xf32>
    %broadcast_in_dim3A_47 = vector.shape_cast %get3A_46 : vector<128xf32> to vector<1x128xf32>
    %mul3A_48 = vector.broadcast %broadcast_in_dim3A_47 : vector<1x128xf32> to vector<1024x128xf32>
    %mul3A_49 = arith.mulf %dot_general3A_35, %mul3A_48 : vector<1024x128xf32>
    %reduce_sum3A_50 = arith.constant dense<0.000000e+00> : vector<1024xf32>
    %reduce_sum3A_51 = vector.multi_reduction <add>, %mul3A_49, %reduce_sum3A_50 [1] : vector<1024x128xf32> to vector<1024xf32>
    %broadcast_in_dim3A_52 = vector.shape_cast %reduce_sum3A_44 : vector<1024xf32> to vector<1x1024xf32>
    %broadcast_in_dim3A_53 = vector.shape_cast %reduce_sum3A_51 : vector<1024xf32> to vector<1x1024xf32>
    %broadcast_in_dim3A_54 = arith.constant 0.000000e+00 : f32
    %broadcast_in_dim3A_55 = vector.broadcast %broadcast_in_dim3A_54 : f32 to vector<6x1024xf32>
    %concatenate3A = tpu.concatenate %broadcast_in_dim3A_52, %broadcast_in_dim3A_53, %broadcast_in_dim3A_55 in 0 : vector<1x1024xf32>, vector<1x1024xf32>, vector<6x1024xf32> -> vector<8x1024xf32>
    %swap3A_56 = arith.constant 0 : index
    %swap3A_57 = arith.constant 0 : index
    %swap3A_58 = vector.load %arg8[%swap3A_56, %swap3A_57] : memref<8x1024xf32, #tpu.memory_space<vmem>>, vector<8x1024xf32>
    tpu.vector_store %arg8[%swap3A_56, %swap3A_57], %concatenate3A {strides = array<i32>} : memref<8x1024xf32, #tpu.memory_space<vmem>>, vector<8x1024xf32>,
    return
  }
  func.func @transform_0(%arg0: i32) -> (i32, i32, i32) {
    %c0_i32 = arith.constant 0 : i32
    %c0_i32_0 = arith.constant 0 : i32
    %c0_i32_1 = arith.constant 0 : i32
    return %c0_i32, %arg0, %c0_i32_0 : i32, i32, i32
  }
  func.func @transform_1(%arg0: i32) -> (i32, i32) {
    %c0_i32 = arith.constant 0 : i32
    %c0_i32_0 = arith.constant 0 : i32
    return %c0_i32, %arg0 : i32, i32
  }
  func.func @transform_2(%arg0: i32) -> i32 {
    %c0_i32 = arith.constant 0 : i32
    %c0_i32_0 = arith.constant 0 : i32
    return %c0_i32 : i32
  }
  func.func @transform_3(%arg0: i32) -> (i32, i32) {
    %c0_i32 = arith.constant 0 : i32
    %c0_i32_0 = arith.constant 0 : i32
    %c0_i32_1 = arith.constant 0 : i32
    return %c0_i32, %c0_i32_0 : i32, i32
  }
  func.func @transform_4(%arg0: i32) -> i32 {
    %c0_i32 = arith.constant 0 : i32
    %c0_i32_0 = arith.constant 0 : i32
    return %c0_i32 : i32
  }
  func.func @transform_5(%arg0: i32) -> i32 {
    %c0_i32 = arith.constant 0 : i32
    %c0_i32_0 = arith.constant 0 : i32
    return %c0_i32 : i32
  }
  func.func @transform_6(%arg0: i32) -> (i32, i32) {
    %c0_i32 = arith.constant 0 : i32
    %c0_i32_0 = arith.constant 0 : i32
    return %arg0, %c0_i32 : i32, i32
  }
  func.func @transform_7(%arg0: i32) -> (i32, i32) {
    %c0_i32 = arith.constant 0 : i32
    %c0_i32_0 = arith.constant 0 : i32
    return %c0_i32, %arg0 : i32, i32
  }
}

module attributes {stable_mosaic.version = 14 : i64} {
  func.func @_tc_final_body(%arg0: i32, %arg1: memref<2x1024x128xf32, #tpu.memory_space<vmem>>, %arg2: memref<2x1024xf32, #tpu.memory_space<vmem>>, %arg3: memref<128xf32, #tpu.memory_space<vmem>>, %arg4: memref<1024x128xf32, #tpu.memory_space<vmem>>) attributes {dimension_semantics = [#tpu.dimension_semantics<arbitrary>], iteration_bounds = array<i64: 10>, scalar_prefetch = 0 : i64, scratch_operands = 0 : i64, tpu.core_type = #tpu.core_type<tc>, window_params = [{transform_indices = @transform_0, window_bounds = array<i64: 2, 1024, 128>}, {transform_indices = @transform_1, window_bounds = array<i64: 2, 1024>}, {pipeline_mode = #tpu.pipeline_mode<synchronous>, transform_indices = @transform_2, window_bounds = array<i64: 128>}, {transform_indices = @transform_3, window_bounds = array<i64: 1024, 128>}]} {
    %get3A = arith.constant 0 : index
    %get3A_0 = arith.constant 0 : index
    %get3A_1 = arith.constant 0 : index
    %get3A_2 = vector.load %arg1[%get3A, %get3A_0, %get3A_1] : memref<2x1024x128xf32, #tpu.memory_space<vmem>>, vector<1x1024x128xf32>
    %get3A_3 = vector.shape_cast %get3A_2 : vector<1x1024x128xf32> to vector<1024x128xf32>
    %get3A_4 = arith.constant 1 : index
    %get3A_5 = arith.constant 0 : index
    %get3A_6 = arith.constant 0 : index
    %get3A_7 = vector.load %arg1[%get3A_4, %get3A_5, %get3A_6] : memref<2x1024x128xf32, #tpu.memory_space<vmem>>, vector<1x1024x128xf32>
    %get3A_8 = vector.shape_cast %get3A_7 : vector<1x1024x128xf32> to vector<1024x128xf32>
    %add3A = arith.addf %get3A_3, %get3A_8 : vector<1024x128xf32>
    %get3A_9 = arith.constant 0 : index
    %get3A_10 = arith.constant 0 : index
    %get3A_11 = vector.load %arg2[%get3A_9, %get3A_10] : memref<2x1024xf32, #tpu.memory_space<vmem>>, vector<2x1024xf32>
    %reduce_sum3A = arith.constant dense<0.000000e+00> : vector<1024xf32>
    %reduce_sum3A_12 = vector.multi_reduction <add>, %get3A_11, %reduce_sum3A [0] : vector<2x1024xf32> to vector<1024xf32>
    %broadcast_in_dim3A = vector.shape_cast %reduce_sum3A_12 : vector<1024xf32> to vector<1024x1xf32>
    %add3A_13 = arith.constant 1.000000e-16 : f32
    %add3A_14 = vector.broadcast %add3A_13 : f32 to vector<1024x1xf32>
    %add3A_15 = arith.addf %broadcast_in_dim3A, %add3A_14 : vector<1024x1xf32>
    %div3A = vector.broadcast %add3A_15 : vector<1024x1xf32> to vector<1024x128xf32>
    %div3A_16 = arith.divf %add3A, %div3A : vector<1024x128xf32>
    %get3A_17 = arith.constant 0 : index
    %get3A_18 = vector.load %arg3[%get3A_17] : memref<128xf32, #tpu.memory_space<vmem>>, vector<128xf32>
    %broadcast_in_dim3A_19 = vector.shape_cast %get3A_18 : vector<128xf32> to vector<1x128xf32>
    %add3A_20 = vector.broadcast %broadcast_in_dim3A_19 : vector<1x128xf32> to vector<1024x128xf32>
    %add3A_21 = arith.addf %div3A_16, %add3A_20 : vector<1024x128xf32>
    %swap3A = arith.constant 0 : index
    %swap3A_22 = arith.constant 0 : index
    %swap3A_23 = vector.load %arg4[%swap3A, %swap3A_22] : memref<1024x128xf32, #tpu.memory_space<vmem>>, vector<1024x128xf32>
    tpu.vector_store %arg4[%swap3A, %swap3A_22], %add3A_21 {strides = array<i32>} : memref<1024x128xf32, #tpu.memory_space<vmem>>, vector<1024x128xf32>,
    return
  }
  func.func @transform_0(%arg0: i32) -> (i32, i32, i32) {
    %c0_i32 = arith.constant 0 : i32
    %c0_i32_0 = arith.constant 0 : i32
    %c0_i32_1 = arith.constant 0 : i32
    return %c0_i32, %arg0, %c0_i32_0 : i32, i32, i32
  }
  func.func @transform_1(%arg0: i32) -> (i32, i32) {
    %c0_i32 = arith.constant 0 : i32
    %c0_i32_0 = arith.constant 0 : i32
    return %c0_i32, %arg0 : i32, i32
  }
  func.func @transform_2(%arg0: i32) -> i32 {
    %c0_i32 = arith.constant 0 : i32
    %c0_i32_0 = arith.constant 0 : i32
    return %c0_i32 : i32
  }
  func.func @transform_3(%arg0: i32) -> (i32, i32) {
    %c0_i32 = arith.constant 0 : i32
    %c0_i32_0 = arith.constant 0 : i32
    return %arg0, %c0_i32 : i32, i32
  }
}

</mosaic_0001>

<sc_bundles>
// kernel: kernel.10.cloned.1.call-start
scs
__scs_entry_jumppad:
0x0: {  	(pc) =	sbr.rel $0x88, $3  }
0x1: {  	(tag) =	ssettag $0x0;
	lr =	simm.s32 $0x1  }
0x2: {  	[smem:$0x3F97] =	sst lr;
	_ =	strace $0xD0000000  }
0x3: {  	_ = 	snop  }
0x4: {  	_ = 	snop  }
0x5: {  	_ = 	snop  }
0x6: {  	_ = 	snop  }
0x7: {  	_ = 	snop  }
__scs_overlays_trampoline_lowered:
0x8: {  	[smem:$0x3FA6] =	sst s0  }
0x9: {  	[smem:$0x3FA7] =	sst s1  }
0xa: {  	[smem:$0x3FA8] =	sst s2  }
0xb: {  	[smem:$0x3FA9] =	sst s3  }
0xc: {  	[smem:$0x3FAA] =	sst s4  }
0xd: {  	[smem:$0x3FAB] =	sst s5  }
0xe: {  	[smem:$0x3FAC] =	sst s6  }
0xf: {  	[smem:$0x3FAD] =	sst s7  }
0x10: {  	[smem:$0x3FAE] =	sst s8  }
0x11: {  	[smem:$0x3FAF] =	sst s9;
	s0 =	simm.s32 @!p0 $0x0  }
0x12: {  	s1 =	sld [smem:$0x3F95];
	s0 =	simm.s32 @p0 $0x1  }
0x13: {  	[smem:$0x3FB0] =	sst s0;
	s0 =	simm.s32 @!p1 $0x0  }
0x14: {  	s2 =	sld [smem:$0x3F94];
	s0 =	simm.s32 @p1 $0x1  }
0x15: {  	[smem:$0x3FB1] =	sst s0;
	s0 =	simm.s32 @!p2 $0x0  }
0x16: {  	s3 =	sld [smem:$0x3FDB];
	s0 =	simm.s32 @p2 $0x1  }
0x17: {  	s4 =	simm.s32 $0x1BF5;
	[smem:$0x3FB3] =	sst s0  }
0x18: {  	s0 =	sld [smem:$0x3F96];
	_ =	swait.ge [sflag:s4], $0x0  }
0x19: {  	s7 =	sld [smem:$0x3F97]  }
0x1a: {  	s8 =	sadd.s32 $0xFFFFE003, lr  }
0x1b: {  	s9 =	sadd.s32 $0xFFFFFEF7, lr;
	s5 =	simm.s32 $0xFFFFFFFF;
	p2 =	slt.u32 s8, $0xFFFFF086  }
0x1c: {  	p1 =	slt.u32 s9, $0xF7A;
	s5 =	simm.s32 @!p2 $0x0  }
0x1d: {  	s5 =	simm.s32 @p1 $0x1;
	p0 =	seq.s32 s7, s2  }
0x1e: {  	s7 =	smul.u32 @!p0 $0xF7A, s2;
	p2 =	seq.s32 @!p0 s5, $0x0  }
0x1f: {  	s9 =	smul.u32 $0xF7A, s1;
	s8 =	simm.s32 @!p0 $0x1BF5;
	p2 =	por !p2, p0  }
0x20: {  	[sflag:s8] =	ssyncset.s32 @!p0 $0xFFFFF086;
	s6 =	sadd.s32 @!p0 s3, s7;
	s7 =	simm.s32 @!p0 $0x108  }
0x21: {  	s3 =	sadd.s32 s3, s9;
	s6 =	sadd.s32 @!p0 $0x88, s6;
	s7 =	simm.s32 @p2 $0x1082  }
0x22: {  	[simem:s7], [sflag:s8] =	dma.local @!p0 [hbm:s6], $0xF7A  }
0x23: {  	s9 =	sor.u32 $0xD0000000, s2;
	s6 =	simm.s32 $0x108;
	_ =	swait.ge @!p0 [sflag:s8], $0x0  }
0x24: {  	s3 =	sadd.s32 $0x88, s3;
	s6 =	simm.s32 @!p1 $0x1082;
	[sflag:s4] =	ssyncset.s32 $0xFFFFF086  }
0x25: {  	[simem:s6], [sflag:s4] =	dma.local [hbm:s3], $0xF7A  }
0x26: {  	[smem:$0x3F97] =	sst s1;
	(tag) =	ssettag s2;
	_ =	strace s9  }
0x27: {  	s1 =	sld [smem:$0x3FA7]  }
0x28: {  	s2 =	sld [smem:$0x3FA8]  }
0x29: {  	s4 =	sld [smem:$0x3FAA]  }
0x2a: {  	p0 =	seq.s32 s5, $0x0;
	s5 =	sld [smem:$0x3FAB]  }
0x2b: {  	s6 =	sld [smem:$0x3FAC]  }
0x2c: {  	s7 =	sld [smem:$0x3FAD]  }
0x2d: {  	s3 =	simm.s32 $0x108;
	s8 =	sld [smem:$0x3FAE]  }
0x2e: {  	s3 =	simm.s32 @!p0 $0x1082;
	s9 =	sld [smem:$0x3FAF]  }
0x2f: {  	lr =	sadd.s32 s0, s3;
	s0 =	sld [smem:$0x3FA6]  }
0x30: {  	s3 =	sld [smem:$0x3FA9]  }
0x31: {  	[smem:$0x3FB2] =	sst s10  }
0x32: {  	s10 =	sld [smem:$0x3FB0];
	_ =	sdelay $0x3  }
0x33: {  	p0 =	seq.s32 s10, $0x1;
	s10 =	sld [smem:$0x3FB2];
	_ =	sdelay $0x3  }
0x34: {  	[smem:$0x3FB2] =	sst s10  }
0x35: {  	s10 =	sld [smem:$0x3FB1];
	_ =	sdelay $0x3  }
0x36: {  	p1 =	seq.s32 s10, $0x1;
	s10 =	sld [smem:$0x3FB2];
	_ =	sdelay $0x3  }
0x37: {  	[smem:$0x3FB2] =	sst s10  }
0x38: {  	s10 =	sld [smem:$0x3FB3]  }
0x39: {  	_ = 	snop;
	(pc) =	sbr.ind lr, $3  }
0x3a: {  	_ = 	snop  }
0x3b: {  	_ = 	snop  }
0x3c: {  	p2 =	seq.s32 s10, $0x1;
	s10 =	sld [smem:$0x3FB2]  }
0x3d: {  	_ =	shalt  }
0x3e: {  	_ =	shalt  }
0x3f: {  	_ =	shalt  }
0x40: {  	_ =	shalt  }
0x41: {  	_ =	shalt  }
0x42: {  	_ =	shalt  }
0x43: {  	_ =	shalt  }
0x44: {  	_ =	shalt  }
0x45: {  	_ =	shalt  }
0x46: {  	_ =	shalt  }
0x47: {  	_ =	shalt  }
0x48: {  	_ =	shalt  }
0x49: {  	_ =	shalt  }
0x4a: {  	_ =	shalt  }
0x4b: {  	_ =	shalt  }
0x4c: {  	_ =	shalt  }
0x4d: {  	_ =	shalt  }
0x4e: {  	_ =	shalt  }
0x4f: {  	_ =	shalt  }
0x50: {  	_ =	shalt  }
0x51: {  	_ =	shalt  }
0x52: {  	_ =	shalt  }
0x53: {  	_ =	shalt  }
0x54: {  	_ =	shalt  }
0x55: {  	_ =	shalt  }
0x56: {  	_ =	shalt  }
0x57: {  	_ =	shalt  }
0x58: {  	_ =	shalt  }
0x59: {  	_ =	shalt  }
0x5a: {  	_ =	shalt  }
0x5b: {  	_ =	shalt  }
0x5c: {  	_ =	shalt  }
0x5d: {  	_ =	shalt  }
0x5e: {  	_ =	shalt  }
0x5f: {  	_ =	shalt  }
0x60: {  	_ =	shalt  }
0x61: {  	_ =	shalt  }
0x62: {  	_ =	shalt  }
0x63: {  	_ =	shalt  }
0x64: {  	_ =	shalt  }
0x65: {  	_ =	shalt  }
0x66: {  	_ =	shalt  }
0x67: {  	_ =	shalt  }
0x68: {  	_ =	shalt  }
0x69: {  	_ =	shalt  }
0x6a: {  	_ =	shalt  }
0x6b: {  	_ =	shalt  }
0x6c: {  	_ =	shalt  }
0x6d: {  	_ =	shalt  }
0x6e: {  	_ =	shalt  }
0x6f: {  	_ =	shalt  }
0x70: {  	_ =	shalt  }
0x71: {  	_ =	shalt  }
0x72: {  	_ =	shalt  }
0x73: {  	_ =	shalt  }
0x74: {  	_ =	shalt  }
0x75: {  	_ =	shalt  }
0x76: {  	_ =	shalt  }
0x77: {  	_ =	shalt  }
0x78: {  	_ =	shalt  }
0x79: {  	_ =	shalt  }
0x7a: {  	_ =	shalt  }
0x7b: {  	_ =	shalt  }
0x7c: {  	_ =	shalt  }
0x7d: {  	_ =	shalt  }
0x7e: {  	_ =	shalt  }
0x7f: {  	_ =	shalt  }
0x80: {  	_ =	shalt  }
0x81: {  	_ =	shalt  }
0x82: {  	_ =	shalt  }
0x83: {  	_ =	shalt  }
0x84: {  	_ =	shalt  }
0x85: {  	_ =	shalt  }
0x86: {  	_ =	shalt  }
0x87: {  	_ =	shalt  }
.Lfunc_end0:
.L_simem_size_0:
called_computation.1_lowered:
.L_overlay_start_0:
0x88: {  	s2 =	sld [smem:$0x3FD9]  }
0x89: {  	s3 =	sld [smem:$0x3FFE];
	_ =	sdelay $0x1  }
0x8a: {  	s1 =	srdreg.scid  }
0x8b: {  	s0 =	sand.u32 $0x1, s1  }
0x8c: {  	s17 =	sshll.u32 s0, $0xA;
	s2 =	sadd.s32 s3, s2  }
0x8d: {  	s2 =	sadd.s32 s2, s17  }
0x8e: {  	[smem:$0x3FBE] =	sst s2  }
0x8f: {  	_ = 	snop  }
0x90: {  	s2 =	sld [smem:$0x3FD0];
	(tm) =	ssettm $0x1  }
0x91: {  	s18 =	sld [smem:$0x3FFB];
	_ =	sdelay $0x3  }
0x92: {  	_ =	strace s18  }
0x93: {  	s3 =	sld [smem:$0x3FFC];
	_ =	sdelay $0x3  }
0x94: {  	_ =	strace s3  }
0x95: {  	s3 =	sld [smem:$0x3FFD];
	_ =	sdelay $0x3  }
0x96: {  	_ =	strace s3  }
0x97: {  	_ =	strace $0x8FFFFFFF  }
0x98: {  	s19 =	sld [smem:$0x3FDB];
	_ =	sdelay $0x1  }
0x99: {  	s4 =	simm.s32 $_scs_section_size  }
0x9a: {  	s5 =	simm.s32 $_size__tile_overlayer_lowered;
	s6 =	simm.s32 $_tile_overlayer_lowered  }
0x9b: {  	s22 =	simm.s32 $0x1BFF;
	s21 =	sshll.u32 s6, $0x1;
	s3 =	sadd.s32 s4, s19  }
0x9c: {  	s7 =	simm.s32 $0x0;
	s20 =	sshll.u32 s5, $0x1;
	s5 =	sadd.s32 s21, s3  }
0x9d: {  	[timem:s7], [sflag:s22] =	dma.local [hbm:s5], s20  }
0x9e: {  	_ =	swait.ge [sflag:s22], s20  }
0x9f: {  	s4 =	ssub.s32 $0x0, s20;
	[sflag:s22] =	ssyncset.done $0x0  }
0xa0: {  	[sflag:s22] =	ssyncadd.s32 s4;
	_ =	sdelay $0x1  }
0xa1: {  	s23 =	simm.s32 $0x1B8B  }
0xa2: {  	_ =	swait.ge [sflag:s23], $0x1  }
0xa3: {  	[sflag:s23] =	ssyncset.done $0x0  }
0xa4: {  	s25 =	simm.s32 $0x1B8E;
	s24 =	sld [smem:$0x3FFE];
	[sflag:s23] =	ssyncadd.s32 $0xFFFFFFFF  }
0xa5: {  	s26 =	simm.s32 $execute0_lowered;
	[smem:$0x3FD2] =	sst s25  }
0xa6: {  	s5 =	sshll.u32 s26, $0x1;
	_ =	strace $0x80000049;
	[dreg:$0x1] =	wrdreg $0xFFFFFFFF  }
0xa7: {  	s28 =	simm.s32 $_size_execute0_lowered;
	s3 =	sadd.s32 s3, s5;
	[dreg:$0x0] =	wrdreg $0x0  }
0xa8: {  	s5 =	sshll.u32 s28, $0x1;
	[dreg:$0x2] =	wrdreg s3  }
0xa9: {  	[dreg:$0x3] =	wrdreg s5  }
0xaa: {  	[dreg:$0x4] =	wrdreg $0xC0  }
0xab: {  	_ =	task [dreg:s7], $0x5FFFF  }
0xac: {  	[dreg:$0x1] =	wrdreg $0xFFFFFFFF  }
0xad: {  	[dreg:$0x0] =	wrdreg $0x60  }
0xae: {  	[dreg:$0x2] =	wrdreg s24  }
0xaf: {  	[dreg:$0x3] =	wrdreg s2  }
0xb0: {  	[dreg:$0x4] =	wrdreg $0x0  }
0xb1: {  	[dreg:$0x5] =	wrdreg $0x140000  }
0xb2: {  	[dreg:$0x6] =	wrdreg $0x9  }
0xb3: {  	_ =	task.clear_ibuf [dreg:s7], $0x7FFFF;
	_ =	strace $0x90000049  }
0xb4: {  	s29 =	simm.s32 $0x9;
	_ =	strace $0x8000004B  }
0xb5: {  	_ =	swait.ge [sflag:s29], $0x1  }
0xb6: {  	[sflag:s29] =	ssyncadd.s32 $0xFFFFFFFF  }
0xb7: {  	_ =	strace $0x9000004B  }
0xb8: {  	_ =	sfence  }
0xb9: {  	s30 =	sld [smem:$0x0];
	_ =	sdelay $0x2  }
0xba: {  	s31 =	sshll.u32 s1, $0xD;
	s1 =	sshrl.u32 s1, $0x2  }
0xbb: {  	s3 =	sand.u32 $0x4000, s31;
	s1 =	sadd.s32 s1, s30  }
0xbc: {  	s0 =	sor.u32 s3, s0;
	s1 =	sshll.u32 s1, $0x11  }
0xbd: {  	s0 =	sor.u32 s1, s0  }
0xbe: {  	s0 =	sadd.s32 $0x8F2B, s0  }
0xbf: {  	[sflag:s0] =	ssyncadd.remote.s32 $0x1  }
0xc0: {  	_ =	sfence.sel $0xFFFF  }
0xc1: {  	[dreg:$0x0] =	wrdreg $0xFFFFFFFF;
	(pc) =	sbr.abs _section_cstart, $3  }
0xc2: {  	[dreg:$0x1] =	wrdreg $0xFFFFFFFF  }
0xc3: {  	_ =	task.clear_ibuf [dreg:s7], $0x2FFFF;
	_ =	strace $0x9FFFFFFF  }
0xc4: {  	(tm) =	ssettm $0x7FFFFFFF  }
0xc5: {  	_ =	shalt  }
tec
execute0_lowered:
.L_overlay_start_1:
0x0: {  	(tag) =	ssettag $0x1  }
0x1: {  	s0 =	rddreg [dreg:$0x0]  }
0x2: {  	s11 =	rddreg [dreg:$0x1]  }
0x3: {  	s1 =	srdreg.scid;
	s9 =	stileid.u32  }
0x4: {  	s4 =	rddreg [dreg:$0x2];
	s3 =	smul.u32 $0x14000, s9  }
0x5: {  	s12 =	rddreg [dreg:$0x3];
	s25 =	smul.u32 $0x500, s9  }
0x6: {  	s5 =	simm.s32 $0x0;
	s31 =	simm.s32 $0x3;
	s6 =	smul.u32 $0x280, s9  }
0x7: {  	s2 =	sand.u32 $0x1, s1;
	s8 =	sshll.u32 s9, $0x1;
	s9 =	smul.u32 $0x50000, s9  }
0x8: {  	[smem:$0x7FF] =	sst s5;
	s29 =	sadd.s32 $0x2E00, s0;
	s1 =	smul.u32 $0x140000, s2  }
0x9: {  	s26 =	sshll.u32 s2, $0x7;
	s30 =	ssub.s32 $0x2, s2;
	s2 =	sor.u32 s2, s8  }
0xa: {  	_ =	strace $0x8000004A;
	s7 =	sshrl.u32 s30, $0x1;
	s2 =	smul.u32 $0x2880, s2  }
0xb: {  	s8 =	sshrl.u32 s9, $0x2;
	s9 =	sor.u32 $0x40, s6;
	s13 =	sadd.s32 $0x80, s6  }
0xc: {  	s17 =	sadd.s32 $0x100, s6;
	s20 =	sadd.s32 $0x140, s6;
	s22 =	sadd.s32 $0x180, s6  }
0xd: {  	s23 =	sadd.s32 $0x1C0, s6;
	s1 =	sadd.s32 s3, s1;
	s3 =	sor.u32 s26, s25  }
0xe: {  	s5 =	ssub.s32 s30, s7;
	s28 =	sadd.s32 s8, s4;
	s10 =	sshll.u32 s9, $0x7  }
0xf: {  	s14 =	sshll.u32 s13, $0x7;
	s8 =	sadd.s32 s9, s12;
	s16 =	sadd.s32 s13, s12  }
0x10: {  	s19 =	sshll.u32 s17, $0x7;
	s21 =	sshll.u32 s20, $0x7;
	[dreg:$0x7] =	wrdreg s8  }
0x11: {  	s9 =	sadd.s32 s20, s12;
	s24 =	sshll.u32 s22, $0x7;
	[dreg:$0x9] =	wrdreg s16  }
0x12: {  	s25 =	sshll.u32 s23, $0x7;
	s30 =	sadd.s32 $0x200, s6;
	[dreg:$0xf] =	wrdreg s9  }
0x13: {  	s1 =	sshrl.u32 s1, $0x3;
	s7 =	sadd.s32 s10, s4;
	[dreg:$0x5] =	wrdreg s28  }
0x14: {  	s3 =	sshrl.u32 s3, $0x3;
	s8 =	sadd.s32 s19, s4;
	[dreg:$0x6] =	wrdreg s7  }
0x15: {  	s10 =	sadd.s32 $0xC0, s6;
	s9 =	sadd.s32 s24, s4;
	[dreg:$0xc] =	wrdreg s8  }
0x16: {  	s26 =	sadd.s32 s25, s4;
	s1 =	sadd.s32 s1, s0;
	[dreg:$0x10] =	wrdreg s9  }
0x17: {  	s3 =	sadd.s32 s3, s0;
	s7 =	sadd.s32 s14, s4;
	[dreg:$0x12] =	wrdreg s26  }
0x18: {  	s15 =	sshll.u32 s10, $0x7;
	s18 =	sadd.s32 s10, s12;
	[dreg:$0x8] =	wrdreg s7  }
0x19: {  	s10 =	sadd.s32 s6, s12;
	s8 =	sadd.s32 s23, s12;
	[dreg:$0xb] =	wrdreg s18  }
0x1a: {  	s6 =	sadd.s32 $0x240, s6;
	s23 =	sadd.s32 $0x180, s2;
	[dreg:$0x14] =	wrdreg s8  }
0x1b: {  	s9 =	sshll.u32 s30, $0x7;
	s26 =	sadd.s32 $0xD200, s0;
	[smem:$0x7FA] =	sst s23  }
0x1c: {  	s14 =	sshrl.u32 s2, $0x3;
	s7 =	sadd.s32 s15, s4;
	[dreg:$0x13] =	wrdreg s10  }
0x1d: {  	s13 =	sshll.u32 s6, $0x7;
	s8 =	sadd.s32 s9, s4;
	[dreg:$0xa] =	wrdreg s7  }
0x1e: {  	s6 =	sadd.s32 s6, s12;
	s15 =	sadd.s32 $0x35200, s0;
	[dreg:$0x15] =	wrdreg s8  }
0x1f: {  	s16 =	sor.u32 $0xC, s14;
	s0 =	sadd.s32 $0x35210, s0;
	[dreg:$0x18] =	wrdreg s6  }
0x20: {  	s19 =	sadd.s32 s11, s14;
	s20 =	sadd.s32 s29, s14;
	[dreg:$0x19] =	wrdreg s15  }
0x21: {  	s24 =	sadd.s32 $0x37A00, s1;
	s25 =	sadd.s32 $0x87A00, s3;
	[dreg:$0x1a] =	wrdreg s0  }
0x22: {  	s23 =	simm.s32 $0x2;
	s9 =	simm.s32 $0x1C580;
	[dreg:$0x1d] =	wrdreg s19  }
0x23: {  	s3 =	simm.s32 $0x0;
	s7 =	sadd.s32 s17, s12;
	[dreg:$0x1e] =	wrdreg s20  }
0x24: {  	s17 =	sadd.s32 s11, s16;
	s18 =	sadd.s32 s29, s16;
	[smem:$0x7FB] =	sst s24  }
0x25: {  	[smem:$0x7FC] =	sst s25;
	s15 =	simm.s32 $0x19580;
	s16 =	simm.s32 $0x1F580  }
0x26: {  	s19 =	simm.s32 $0x7;
	s24 =	simm.s32 $0x19280;
	[dreg:$0xd] =	wrdreg s7  }
0x27: {  	s8 =	simm.s32 $0x6;
	s20 =	simm.s32 $0x8;
	[dreg:$0x1b] =	wrdreg s17  }
0x28: {  	s7 =	sadd.s32 s21, s4;
	s4 =	sadd.s32 s13, s4;
	[dreg:$0x1c] =	wrdreg s18  }
0x29: {  	s21 =	sadd.s32 $0x18, s14;
	s18 =	simm.s32 $0x14280;
	s17 =	simm.s32 $0x16A80  }
0x2a: {  	s13 =	simm.s32 $0x19500;
	s14 =	simm.s32 $0x1F600;
	[dreg:$0xe] =	wrdreg s7  }
0x2b: {  	s7 =	sadd.s32 s22, s12;
	[dreg:$0x17] =	wrdreg s4;
	s6 =	sadd.s32 s11, s21  }
0x2c: {  	s0 =	sadd.s32 s29, s21;
	s22 =	sadd.s32 $0x120, s2;
	[dreg:$0x11] =	wrdreg s7  }
0x2d: {  	s21 =	simm.s32 $0x9;
	s4 =	simm.s32 $0x19300;
	[dreg:$0x1f] =	wrdreg s6  }
0x2e: {  	s2 =	simm.s32 $0x5;
	s7 =	sadd.s32 s30, s12;
	[smem:$0x7F8] =	sst s0  }
0x2f: {  	[smem:$0x7F9] =	sst s22;
	s30 =	smax.u32 s5, $0x1;
	s22 =	simm.s32 $0x1  }
0x30: {  	s0 =	simm.s32 $0x60;
	s12 =	simm.s32 $0x19480;
	[dreg:$0x16] =	wrdreg s7  }
0x31: {  	v0 =	vimm.f32 $0.0e+00;
	s6 =	simm.s32 $0xA;
	[smem:$0x7FD] =	sst s30;
	s7 =	simm.s32 $0x4  }
.LBB2_1:
0x32: {  	[smem:$0x7F7] =	sst s3;
	s1 =	simm.s32 $0x0;
	s3 =	simm.s32 $0x200  }
.LBB2_2:
0x33: {  	p0 =	sne.s32 s3, $0xBE00;
	[tilespmem:s1+$0x195F0] =	vst v0  }
0x34: {  	[tilespmem:s1+$0x19580] =	vst v0  }
0x35: {  	[tilespmem:s1+$0x19590] =	vst v0  }
.Ltmp0:
0x36: {  	[tilespmem:s1+$0x195A0] =	vst v0;
	(pc) =	sbr.rel @p0 .LBB2_2-.Ltmp0, $4  }
0x37: {  	[tilespmem:s1+$0x195B0] =	vst v0  }
0x38: {  	[tilespmem:s1+$0x195C0] =	vst v0  }
0x39: {  	[tilespmem:s1+$0x195D0] =	vst v0  }
0x3a: {  	[tilespmem:s1+$0x195E0] =	vst v0;
	s1 =	sshra.s32 s3, $0x2;
	s3 =	sadd.s32 $0x200, s3  }
0x3b: {  	[tilespmem:s1+$0x195F0] =	vst v0  }
0x3c: {  	[tilespmem:s1+$0x19580] =	vst v0  }
0x3d: {  	[tilespmem:s1+$0x19590] =	vst v0  }
0x3e: {  	[tilespmem:s1+$0x195A0] =	vst v0  }
0x3f: {  	[tilespmem:s1+$0x195B0] =	vst v0  }
0x40: {  	[tilespmem:s1+$0x195C0] =	vst v0  }
0x41: {  	[tilespmem:s1+$0x195D0] =	vst v0  }
0x42: {  	[tilespmem:s1+$0x195E0] =	vst v0  }
0x43: {  	[tilespmem:$0x1F580] =	vst v0  }
0x44: {  	[tilespmem:$0x1F590] =	vst v0  }
0x45: {  	[tilespmem:$0x1F5A0] =	vst v0  }
0x46: {  	[tilespmem:$0x1F5B0] =	vst v0  }
0x47: {  	[tilespmem:$0x1F5C0] =	vst v0  }
0x48: {  	[tilespmem:$0x1F5D0] =	vst v0  }
0x49: {  	[spmem:s28] =	stream.linear.scatter [tilespmem:s15], [sflag:$0x7], $0x2000, $0x38;
	[tilespmem:$0x1F680] =	vst v63  }
0x4a: {  	_ = 	snop  }
0x4b: {  	[spmem:s10] =	stream.linear.scatter [tilespmem:s16], [sflag:$0x9], $0x40, $0x38;
	[tilespmem:$0x1F680] =	vst v63  }
0x4c: {  	s5 =	rddreg [dreg:$0x6]  }
0x4d: {  	[spmem:s5] =	stream.linear.scatter [tilespmem:s15], [sflag:$0x7], $0x2000, $0x38;
	[tilespmem:$0x1F680] =	vst v63  }
0x4e: {  	s10 =	rddreg [dreg:$0x7]  }
0x4f: {  	[spmem:s10] =	stream.linear.scatter [tilespmem:s16], [sflag:$0x9], $0x40, $0x38;
	[tilespmem:$0x1F680] =	vst v63  }
0x50: {  	s11 =	rddreg [dreg:$0x8]  }
0x51: {  	[spmem:s11] =	stream.linear.scatter [tilespmem:s15], [sflag:$0x7], $0x2000, $0x38;
	[tilespmem:$0x1F680] =	vst v63  }
0x52: {  	s25 =	rddreg [dreg:$0x9]  }
0x53: {  	[spmem:s25] =	stream.linear.scatter [tilespmem:s16], [sflag:$0x9], $0x40, $0x38;
	[tilespmem:$0x1F680] =	vst v63  }
0x54: {  	s28 =	rddreg [dreg:$0xa]  }
0x55: {  	[spmem:s28] =	stream.linear.scatter [tilespmem:s15], [sflag:$0x7], $0x2000, $0x38;
	[tilespmem:$0x1F680] =	vst v63  }
0x56: {  	s30 =	rddreg [dreg:$0xb]  }
0x57: {  	[spmem:s30] =	stream.linear.scatter [tilespmem:s16], [sflag:$0x9], $0x40, $0x38;
	[tilespmem:$0x1F680] =	vst v63  }
0x58: {  	s3 =	rddreg [dreg:$0xc]  }
0x59: {  	[spmem:s3] =	stream.linear.scatter [tilespmem:s15], [sflag:$0x7], $0x2000, $0x38;
	[tilespmem:$0x1F680] =	vst v63  }
0x5a: {  	s5 =	rddreg [dreg:$0xd]  }
0x5b: {  	[spmem:s5] =	stream.linear.scatter [tilespmem:s16], [sflag:$0x9], $0x40, $0x38;
	[tilespmem:$0x1F680] =	vst v63  }
0x5c: {  	s10 =	rddreg [dreg:$0xe]  }
0x5d: {  	[spmem:s10] =	stream.linear.scatter [tilespmem:s15], [sflag:$0x7], $0x2000, $0x38;
	[tilespmem:$0x1F680] =	vst v63  }
0x5e: {  	s11 =	rddreg [dreg:$0xf]  }
0x5f: {  	[spmem:s11] =	stream.linear.scatter [tilespmem:s16], [sflag:$0x9], $0x40, $0x38;
	[tilespmem:$0x1F680] =	vst v63  }
0x60: {  	s25 =	rddreg [dreg:$0x10]  }
0x61: {  	[spmem:s25] =	stream.linear.scatter [tilespmem:s15], [sflag:$0x7], $0x2000, $0x38;
	[tilespmem:$0x1F680] =	vst v63  }
0x62: {  	s28 =	rddreg [dreg:$0x11]  }
0x63: {  	[spmem:s28] =	stream.linear.scatter [tilespmem:s16], [sflag:$0x9], $0x40, $0x38;
	[tilespmem:$0x1F680] =	vst v63  }
0x64: {  	s30 =	rddreg [dreg:$0x12]  }
0x65: {  	[spmem:s30] =	stream.linear.scatter [tilespmem:s15], [sflag:$0x7], $0x2000, $0x38;
	[tilespmem:$0x1F680] =	vst v63  }
0x66: {  	s3 =	rddreg [dreg:$0x14]  }
0x67: {  	[spmem:s3] =	stream.linear.scatter [tilespmem:s16], [sflag:$0x9], $0x40, $0x38;
	[tilespmem:$0x1F680] =	vst v63  }
0x68: {  	s5 =	rddreg [dreg:$0x15]  }
0x69: {  	[spmem:s5] =	stream.linear.scatter [tilespmem:s15], [sflag:$0x7], $0x2000, $0x38;
	[tilespmem:$0x1F680] =	vst v63  }
0x6a: {  	s10 =	rddreg [dreg:$0x16]  }
0x6b: {  	[spmem:s10] =	stream.linear.scatter [tilespmem:s16], [sflag:$0x9], $0x40, $0x38;
	[tilespmem:$0x1F680] =	vst v63  }
0x6c: {  	s11 =	rddreg [dreg:$0x17]  }
0x6d: {  	[spmem:s11] =	stream.linear.scatter [tilespmem:s15], [sflag:$0x7], $0x2000, $0x38;
	[tilespmem:$0x1F680] =	vst v63  }
0x6e: {  	s25 =	rddreg [dreg:$0x18]  }
0x6f: {  	[spmem:s25] =	stream.linear.scatter [tilespmem:s16], [sflag:$0x9], $0x40, $0x38;
	[tilespmem:$0x1F680] =	vst v63  }
0x70: {  	s28 =	rddreg [dreg:$0x19];
	s3 =	simm.s32 $0x80;
	s5 =	simm.s32 $0x400  }
0x71: {  	[tilespmem:s18], [sflag:$0x1] =	stream.strided.gather [hbm4b:s28+s3], $0x2800, s5, s3, $0x38;
	[tilespmem:$0x1F680] =	vst v63  }
0x72: {  	s30 =	rddreg [dreg:$0x1a]  }
0x73: {  	[tilespmem:s17], [sflag:$0x2] =	stream.strided.gather [hbm4b:s30+s3], $0x2800, s5, s3, $0x38;
	[tilespmem:$0x1F680] =	vst v63  }
0x74: {  	_ =	swait.ge [sflag:s19], $0x2000  }
0x75: {  	[sflag:s19] =	ssyncset.done $0x0  }
0x76: {  	[sflag:s19] =	ssyncadd.s32 $0xFFFFE000  }
0x77: {  	_ =	swait.ge [sflag:s21], $0x40  }
0x78: {  	[sflag:s21] =	ssyncset.done $0x0  }
0x79: {  	[sflag:s21] =	ssyncadd.s32 $0xFFFFFFC0  }
0x7a: {  	_ =	swait.ge [sflag:s19], $0x2000  }
0x7b: {  	[sflag:s19] =	ssyncset.done $0x0  }
0x7c: {  	[sflag:s19] =	ssyncadd.s32 $0xFFFFE000  }
0x7d: {  	_ =	swait.ge [sflag:s21], $0x40  }
0x7e: {  	[sflag:s21] =	ssyncset.done $0x0  }
0x7f: {  	[sflag:s21] =	ssyncadd.s32 $0xFFFFFFC0  }
0x80: {  	_ =	swait.ge [sflag:s19], $0x2000  }
0x81: {  	[sflag:s19] =	ssyncset.done $0x0  }
0x82: {  	[sflag:s19] =	ssyncadd.s32 $0xFFFFE000  }
0x83: {  	_ =	swait.ge [sflag:s21], $0x40  }
0x84: {  	[sflag:s21] =	ssyncset.done $0x0  }
0x85: {  	[sflag:s21] =	ssyncadd.s32 $0xFFFFFFC0  }
0x86: {  	_ =	swait.ge [sflag:s19], $0x2000  }
0x87: {  	[sflag:s19] =	ssyncset.done $0x0  }
0x88: {  	[sflag:s19] =	ssyncadd.s32 $0xFFFFE000  }
0x89: {  	_ =	swait.ge [sflag:s21], $0x40  }
0x8a: {  	[sflag:s21] =	ssyncset.done $0x0  }
0x8b: {  	[sflag:s21] =	ssyncadd.s32 $0xFFFFFFC0  }
0x8c: {  	_ =	swait.ge [sflag:s19], $0x2000  }
0x8d: {  	[sflag:s19] =	ssyncset.done $0x0  }
0x8e: {  	[sflag:s19] =	ssyncadd.s32 $0xFFFFE000  }
0x8f: {  	_ =	swait.ge [sflag:s21], $0x40  }
0x90: {  	[sflag:s21] =	ssyncset.done $0x0  }
0x91: {  	[sflag:s21] =	ssyncadd.s32 $0xFFFFFFC0  }
0x92: {  	_ =	swait.ge [sflag:s19], $0x2000  }
0x93: {  	[sflag:s19] =	ssyncset.done $0x0  }
0x94: {  	[sflag:s19] =	ssyncadd.s32 $0xFFFFE000  }
0x95: {  	_ =	swait.ge [sflag:s21], $0x40  }
0x96: {  	[sflag:s21] =	ssyncset.done $0x0  }
0x97: {  	[sflag:s21] =	ssyncadd.s32 $0xFFFFFFC0  }
0x98: {  	_ =	swait.ge [sflag:s19], $0x2000  }
0x99: {  	[sflag:s19] =	ssyncset.done $0x0  }
0x9a: {  	[sflag:s19] =	ssyncadd.s32 $0xFFFFE000  }
0x9b: {  	_ =	swait.ge [sflag:s21], $0x40  }
0x9c: {  	[sflag:s21] =	ssyncset.done $0x0  }
0x9d: {  	[sflag:s21] =	ssyncadd.s32 $0xFFFFFFC0  }
0x9e: {  	_ =	swait.ge [sflag:s19], $0x2000  }
0x9f: {  	[sflag:s19] =	ssyncset.done $0x0  }
0xa0: {  	[sflag:s19] =	ssyncadd.s32 $0xFFFFE000  }
0xa1: {  	_ =	swait.ge [sflag:s21], $0x40  }
0xa2: {  	[sflag:s21] =	ssyncset.done $0x0  }
0xa3: {  	[sflag:s21] =	ssyncadd.s32 $0xFFFFFFC0  }
0xa4: {  	_ =	swait.ge [sflag:s19], $0x2000  }
0xa5: {  	[sflag:s19] =	ssyncset.done $0x0  }
0xa6: {  	[sflag:s19] =	ssyncadd.s32 $0xFFFFE000  }
0xa7: {  	_ =	swait.ge [sflag:s21], $0x40  }
0xa8: {  	[sflag:s21] =	ssyncset.done $0x0  }
0xa9: {  	[sflag:s21] =	ssyncadd.s32 $0xFFFFFFC0  }
0xaa: {  	_ =	swait.ge [sflag:s19], $0x2000  }
0xab: {  	[sflag:s19] =	ssyncset.done $0x0  }
0xac: {  	[sflag:s19] =	ssyncadd.s32 $0xFFFFE000  }
0xad: {  	_ =	swait.ge [sflag:s21], $0x40  }
0xae: {  	[sflag:s21] =	ssyncset.done $0x0  }
0xaf: {  	[sflag:s21] =	ssyncadd.s32 $0xFFFFFFC0  }
0xb0: {  	_ =	swait.ge [sflag:s22], $0x2800  }
0xb1: {  	[sflag:s22] =	ssyncset.done $0x0  }
0xb2: {  	[sflag:s22] =	ssyncadd.s32 $0xFFFFD800  }
0xb3: {  	_ =	swait.ge [sflag:s23], $0x2800  }
0xb4: {  	[sflag:s23] =	ssyncset.done $0x0  }
0xb5: {  	[sflag:s23] =	ssyncadd.s32 $0xFFFFD800  }
0xb6: {  	[bflag:$0x0] =	sbarrier.arrive $0xFFFF  }
0xb7: {  	s1 =	simm.s32 $0x0;
	s5 =	rddreg [dreg:$0x1d]  }
0xb8: {  	[tilespmem:s24], [sflag:$0x3] =	stream.linear.gather [hbm4b:s5+s1], $0x60, $0x38;
	[tilespmem:$0x1F680] =	vst v63  }
0xb9: {  	s11 =	simm.s32 $0x19380;
	s10 =	rddreg [dreg:$0x1e]  }
0xba: {  	[tilespmem:s11], [sflag:$0x5] =	stream.linear.gather [hbm4b:s10+s1], $0x60, $0x38;
	[tilespmem:$0x1F680] =	vst v63  }
0xbb: {  	s25 =	rddreg [dreg:$0x1b]  }
0xbc: {  	[tilespmem:s4], [sflag:$0x4] =	stream.linear.gather [hbm4b:s25+s1], $0x60, $0x38;
	[tilespmem:$0x1F680] =	vst v63  }
0xbd: {  	s30 =	simm.s32 $0x19400;
	s28 =	rddreg [dreg:$0x1c]  }
0xbe: {  	[tilespmem:s30], [sflag:$0x6] =	stream.linear.gather [hbm4b:s28+s1], $0x60, $0x38;
	[tilespmem:$0x1F680] =	vst v63  }
0xbf: {  	_ =	swait.ge [sflag:s31], $0x60  }
0xc0: {  	[sflag:s31] =	ssyncset.done $0x0  }
0xc1: {  	[sflag:s31] =	ssyncadd.s32 $0xFFFFFFA0  }
0xc2: {  	_ =	swait.ge [sflag:s2], $0x60  }
0xc3: {  	[sflag:s2] =	ssyncset.done $0x0  }
0xc4: {  	[sflag:s2] =	ssyncadd.s32 $0xFFFFFFA0  }
0xc5: {  	[tilespmem:s15], [sflag:$0x1] =	stream.indirect.gather [hbm4b:s26+s0], $0x80, s24, s0, $0xb8;
	[tilespmem:$0x1F680] =	vst v63  }
0xc6: {  	_ =	swait.ge [sflag:s7], $0x60  }
0xc7: {  	[sflag:s7] =	ssyncset.done $0x0  }
0xc8: {  	[sflag:s7] =	ssyncadd.s32 $0xFFFFFFA0  }
0xc9: {  	_ =	swait.ge [sflag:s8], $0x60  }
0xca: {  	[sflag:s8] =	ssyncset.done $0x0  }
0xcb: {  	[sflag:s8] =	ssyncadd.s32 $0xFFFFFFA0  }
0xcc: {  	[tilespmem:s9], [sflag:$0x2] =	stream.indirect.gather [hbm4b:s26+s0], $0x80, s4, s0, $0xb8;
	[tilespmem:$0x1F680] =	vst v63  }
0xcd: {  	_ =	swait.ge [sflag:s22], $0x3000  }
0xce: {  	[sflag:s22] =	ssyncset.done $0x0  }
0xcf: {  	[sflag:s22] =	ssyncadd.s32 $0xFFFFD000  }
0xd0: {  	v1 =	vld [tilespmem:$0x19280]  }
0xd1: {  	v2 =	vld [tilespmem:$0x19380]  }
0xd2: {  	v3 =	vld [tilespmem:$0x19290]  }
0xd3: {  	v4 =	vld [tilespmem:$0x19390]  }
0xd4: {  	v5 =	vld [tilespmem:$0x192A0]  }
0xd5: {  	v6 =	vld [tilespmem:$0x193A0]  }
0xd6: {  	v7 =	vld [tilespmem:$0x192B0]  }
0xd7: {  	v8 =	vld [tilespmem:$0x193B0]  }
0xd8: {  	v1 =	vld.idx.msk [tilespmem:v1+s18+$0x0], $0xffff  }
0xd9: {  	v9 =	vld.idx.msk [tilespmem:v2+s17+$0x0], $0xffff  }
0xda: {  	v3 =	vld.idx.msk [tilespmem:v3+s18+$0x0], $0xffff  }
0xdb: {  	v10 =	vld.idx.msk [tilespmem:v4+s17+$0x0], $0xffff  }
0xdc: {  	v5 =	vld.idx.msk [tilespmem:v5+s18+$0x0], $0xffff  }
0xdd: {  	v11 =	vld.idx.msk [tilespmem:v6+s17+$0x0], $0xffff  }
0xde: {  	v7 =	vld.idx.msk [tilespmem:v7+s18+$0x0], $0xffff;
	v1 =	vadd.f32 v9, v1  }
0xdf: {  	v59 =	vld.idx.msk [tilespmem:v8+s17+$0x0], $0xffff  }
0xe0: {  	v3 =	vadd.f32 v10, v3;
	v60 =	vmul.f32 $2.000000030e-01, v1;
	_ =	sdelay $0x1  }
0xe1: {  	v5 =	vadd.f32 v11, v5;
	v61 =	vmul.f32 $2.000000030e-01, v3;
	v1 =	vmax.f32 v1, v60  }
0xe2: {  	v1 =	vmul.f32 $1.442695020e+00, v1  }
0xe3: {  	v7 =	vadd.f32 v59, v7;
	v62 =	vmul.f32 $2.000000030e-01, v5;
	v3 =	vmax.f32 v3, v61  }
0xe4: {  	(erf) = vpow2.f32 v1;
	v1 =	vmul.f32 $1.442695020e+00, v3  }
0xe5: {  	v63 =	vmul.f32 $2.000000030e-01, v7;
	v3 =	vmax.f32 v5, v62  }
0xe6: {  	(erf) = vpow2.f32 v1;
	v1 =	vmul.f32 $1.442695020e+00, v3  }
0xe7: {  	v3 =	vmax.f32 v7, v63  }
0xe8: {  	(erf) = vpow2.f32 v1;
	v1 =	vmul.f32 $1.442695020e+00, v3;
	_ =	sdelay $0x1  }
0xe9: {  	(erf) = vpow2.f32 v1;
	_ =	sdelay $0x2  }
0xea: {  	[tilespmem:$0x19480] =	vst v2  }
0xeb: {  	[tilespmem:$0x19490] =	vst v4  }
0xec: {  	[tilespmem:$0x194A0] =	vst v6  }
0xed: {  	[tilespmem:$0x194B0] =	vst v8;
	v1 =	vpop (erf)  }
0xee: {  	[tilespmem:$0x1F580] =	vst v1;
	v1 =	vpop (erf)  }
0xef: {  	[tilespmem:$0x1F590] =	vst v1;
	v1 =	vpop (erf)  }
0xf0: {  	[tilespmem:$0x1F5A0] =	vst v1;
	v1 =	vpop (erf)  }
0xf1: {  	[tilespmem:$0x1F5B0] =	vst v1  }
.LBB2_4:
0xf2: {  	s3 =	sshra.s32 s1, $0x2  }
0xf3: {  	v1 =	vld [tilespmem:s3+$0x192C0]  }
0xf4: {  	v2 =	vld [tilespmem:s3+$0x193C0];
	_ =	sdelay $0x6  }
0xf5: {  	v1 =	vld.idx.msk [tilespmem:v1+s18+$0x0], $0xffff  }
0xf6: {  	v3 =	vld.idx.msk [tilespmem:v2+s17+$0x0], $0xffff;
	_ =	sdelay $0x4  }
0xf7: {  	v1 =	vadd.f32 v3, v1;
	_ =	sdelay $0x1  }
0xf8: {  	v3 =	vmul.f32 $2.000000030e-01, v1;
	_ =	sdelay $0x1  }
0xf9: {  	v1 =	vmax.f32 v1, v3  }
0xfa: {  	v1 =	vmul.f32 $1.442695020e+00, v1;
	_ =	sdelay $0x1  }
0xfb: {  	(erf) = vpow2.f32 v1;
	_ =	sdelay $0x4  }
0xfc: {  	p0 =	sne.s32 s1, $0x40  }
.Ltmp1:
0xfd: {  	_ = 	snop;
	(pc) =	sbr.rel @p0 .LBB2_4-.Ltmp1, $3  }
0xfe: {  	_ =	sdelay $0x1  }
0xff: {  	[tilespmem:s3+$0x194C0] =	vst v2;
	v1 =	vpop (erf)  }
0x100: {  	s1 =	sadd.s32 $0x40, s1;
	[tilespmem:s3+$0x1F5C0] =	vst v1  }
0x101: {  	s1 =	simm.s32 $0x0  }
0x102: {  	s3 =	simm.s32 $0x2;
	v1 =	vmov s1  }
0x103: {  	v2 =	vmov s3;
	v1 =	vand.u32 $0xFFFFFFFC, v1  }
0x104: {  	s5 =	rddreg [dreg:$0x3];
	s25 =	simm.s32 $0x19680;
	v2 =	vand.u32 $0xFFFFFFFE, v2;
	v1 =	vbroadcast v1, $0x0  }
0x105: {  	[spmem:s5] =	stream.indirect.scatter.add.f32 [tilespmem:s16], [sflag:$0x9], $0x1, s12, s0, $0xb8;
	v2 =	vbroadcast v2, $0x0;
	[tilespmem:$0x1F680] =	vst v63  }
0x106: {  	v4 =	vld [tilespmem:s25+$0x70]  }
0x107: {  	v5 =	vld [tilespmem:s25+$0xFFFFFF00]  }
0x108: {  	s10 =	simm.s32 $0x1;
	v6 =	vld [tilespmem:s25+$0xFFFFFF10]  }
0x109: {  	v3 =	vmov s10;
	v7 =	vld [tilespmem:s25+$0xFFFFFF20]  }
0x10a: {  	v3 =	vand.u32 $0xFFFFFFFD, v3;
	v1 =	vld.idx.msk [tilespmem:v1+s16+$0x0], $0xffff  }
0x10b: {  	v3 =	vbroadcast v3, $0x0;
	v2 =	vld.idx.msk [tilespmem:v2+s16+$0x0], $0xffff  }
0x10c: {  	v8 =	vld [tilespmem:s25+$0xFFFFFF30]  }
0x10d: {  	v9 =	vld [tilespmem:s25+$0xFFFFFF40]  }
0x10e: {  	v10 =	vld [tilespmem:s25+$0xFFFFFF50]  }
0x10f: {  	v11 =	vld [tilespmem:s25+$0xFFFFFF60];
	v5 =	vmul.f32 v5, v1  }
0x110: {  	v13 =	vld [tilespmem:s25+$0x40];
	v4 =	vmul.f32 v4, v2  }
0x111: {  	v3 =	vld.idx.msk [tilespmem:v3+s16+$0x0], $0xffff;
	[tilespmem:s25+$0xFFFFFF00] =	vst v5;
	v5 =	vmul.f32 v6, v1  }
0x112: {  	v6 =	vld [tilespmem:s25+$0xFFFFFF70];
	[tilespmem:s25+$0x70] =	vst v4;
	v4 =	vmul.f32 v7, v1  }
0x113: {  	v7 =	vld [tilespmem:s25+$0xFFFFFF80];
	[tilespmem:s25+$0xFFFFFF10] =	vst v5;
	v5 =	vmul.f32 v8, v1  }
0x114: {  	v8 =	vld [tilespmem:s25+$0xFFFFFF90];
	[tilespmem:s25+$0xFFFFFF20] =	vst v4;
	v4 =	vmul.f32 v9, v1  }
0x115: {  	v9 =	vld [tilespmem:s25+$0xFFFFFFA0];
	[tilespmem:s25+$0xFFFFFF30] =	vst v5;
	v5 =	vmul.f32 v10, v1  }
0x116: {  	v10 =	vld [tilespmem:s25+$0xFFFFFFB0];
	[tilespmem:s25+$0xFFFFFF40] =	vst v4;
	v4 =	vmul.f32 v11, v1  }
0x117: {  	v11 =	vld [tilespmem:s25+$0xFFFFFFC0];
	v6 =	vmul.f32 v6, v1;
	[tilespmem:s25+$0xFFFFFF50] =	vst v5  }
0x118: {  	v5 =	vmul.f32 v7, v3;
	v7 =	vld [tilespmem:s25+$0xFFFFFFD0];
	[tilespmem:s25+$0xFFFFFF60] =	vst v4  }
0x119: {  	s11 =	simm.s32 $0x3;
	v4 =	vld [tilespmem:s25+$0xFFFFFFE0];
	v8 =	vmul.f32 v8, v3;
	[tilespmem:s25+$0xFFFFFF70] =	vst v6  }
0x11a: {  	v12 =	vmov s11;
	v6 =	vld [tilespmem:s25+$0xFFFFFFF0];
	[tilespmem:s25+$0xFFFFFF80] =	vst v5;
	v5 =	vmul.f32 v9, v3  }
0x11b: {  	v9 =	vld [tilespmem:s25+$0x0];
	[tilespmem:s25+$0xFFFFFF90] =	vst v8;
	v8 =	vmul.f32 v10, v3  }
0x11c: {  	v10 =	vld [tilespmem:s25+$0x10];
	[tilespmem:s25+$0xFFFFFFA0] =	vst v5;
	v5 =	vmul.f32 v11, v3  }
0x11d: {  	[tilespmem:s25+$0xFFFFFFB0] =	vst v8;
	v7 =	vmul.f32 v7, v3;
	v8 =	vld [tilespmem:s25+$0x20]  }
0x11e: {  	v11 =	vld [tilespmem:s25+$0x30];
	v4 =	vmul.f32 v4, v3;
	[tilespmem:s25+$0xFFFFFFC0] =	vst v5  }
0x11f: {  	v1 =	vld.idx.msk [tilespmem:v12+s16+$0x0], $0xffff;
	v3 =	vmul.f32 v6, v3;
	[tilespmem:s25+$0xFFFFFFD0] =	vst v7  }
0x120: {  	[tilespmem:s25+$0xFFFFFFE0] =	vst v4;
	v5 =	vmul.f32 v9, v2;
	v4 =	vld [tilespmem:s25+$0x50]  }
0x121: {  	s28 =	simm.s32 $0x4;
	[tilespmem:s25+$0xFFFFFFF0] =	vst v3;
	v6 =	vmul.f32 v10, v2;
	v3 =	vld [tilespmem:s25+$0x60]  }
0x122: {  	s30 =	simm.s32 $0x7;
	v7 =	vmov s28;
	[tilespmem:s25+$0x0] =	vst v5;
	v9 =	vmul.f32 v8, v2;
	v8 =	vld [tilespmem:s25+$0x80]  }
0x123: {  	s3 =	simm.s32 $0x5;
	v12 =	vand.u32 $0xFFFFFFFC, v7;
	v7 =	vld [tilespmem:s25+$0x90];
	v5 =	vmov s30;
	v10 =	vmul.f32 v11, v2;
	[tilespmem:s25+$0x10] =	vst v6  }
0x124: {  	s5 =	simm.s32 $0x8;
	s1 =	simm.s32 $0x19680;
	v11 =	vmul.f32 v13, v2;
	v6 =	vbroadcast v12, $0x0;
	v12 =	vmov s3;
	s3 =	simm.s32 $0x6;
	[tilespmem:s25+$0x20] =	vst v9;
	v9 =	vld [tilespmem:s25+$0xA0]  }
.LBB2_6:
0x125: {  	p0 =	slt.u32 s5, $0x5C;
	v12 =	vand.u32 $0xFFFFFFFD, v12;
	v13 =	vmov s3;
	[tilespmem:s25+$0x30] =	vst v10;
	v4 =	vmul.f32 v4, v2;
	v10 =	vld [tilespmem:s25+$0xB0]  }
0x126: {  	v12 =	vbroadcast v12, $0x0;
	v13 =	vand.u32 $0xFFFFFFFE, v13;
	[tilespmem:s25+$0x40] =	vst v11;
	v2 =	vmul.f32 v3, v2;
	v3 =	vld [tilespmem:s25+$0xC0]  }
0x127: {  	v11 =	vbroadcast v13, $0x0;
	[tilespmem:s25+$0x50] =	vst v4;
	v4 =	vmul.f32 v8, v1;
	v8 =	vld [tilespmem:s25+$0xD0]  }
0x128: {  	[tilespmem:s25+$0x60] =	vst v2;
	v2 =	vmul.f32 v7, v1;
	v7 =	vld [tilespmem:s25+$0xE0]  }
0x129: {  	[tilespmem:s25+$0x80] =	vst v4;
	v4 =	vmul.f32 v9, v1;
	v9 =	vld [tilespmem:s25+$0xF0]  }
0x12a: {  	v5 =	vld.idx.msk [tilespmem:v5+s16+$0x0], $0xffff;
	[tilespmem:s25+$0x90] =	vst v2;
	v2 =	vmul.f32 v10, v1  }
0x12b: {  	v6 =	vld.idx.msk [tilespmem:v6+s16+$0x0], $0xffff;
	[tilespmem:s25+$0xA0] =	vst v4;
	v3 =	vmul.f32 v3, v1  }
0x12c: {  	v4 =	vld.idx.msk [tilespmem:v12+s16+$0x0], $0xffff;
	[tilespmem:s25+$0xB0] =	vst v2;
	v8 =	vmul.f32 v8, v1  }
0x12d: {  	s25 =	sadd.s32 $0x200, s25;
	v2 =	vld.idx.msk [tilespmem:v11+s16+$0x0], $0xffff;
	[tilespmem:s1+$0xC0] =	vst v3;
	v3 =	vmul.f32 v7, v1  }
0x12e: {  	v7 =	vld [tilespmem:s25+$0x70];
	[tilespmem:s1+$0xD0] =	vst v8;
	v9 =	vmul.f32 v9, v1  }
0x12f: {  	v8 =	vld [tilespmem:s25+$0xFFFFFF00];
	[tilespmem:s1+$0xE0] =	vst v3  }
0x130: {  	v1 =	vmov v5;
	v3 =	vld [tilespmem:s25+$0xFFFFFF10];
	[tilespmem:s1+$0xF0] =	vst v9;
	s1 =	smov.u32 s25  }
0x131: {  	v5 =	vld [tilespmem:s25+$0xFFFFFF20]  }
0x132: {  	v9 =	vld [tilespmem:s25+$0xFFFFFF30]  }
0x133: {  	v10 =	vld [tilespmem:s25+$0xFFFFFF40];
	v7 =	vmul.f32 v7, v2  }
0x134: {  	v8 =	vmul.f32 v8, v6;
	v11 =	vld [tilespmem:s25+$0xFFFFFF50]  }
0x135: {  	v3 =	vmul.f32 v3, v6;
	v12 =	vld [tilespmem:s25+$0xFFFFFF60];
	[tilespmem:s25+$0x70] =	vst v7  }
0x136: {  	[tilespmem:s25+$0xFFFFFF00] =	vst v8;
	v5 =	vmul.f32 v5, v6;
	v7 =	vld [tilespmem:s25+$0xFFFFFF70]  }
0x137: {  	[tilespmem:s25+$0xFFFFFF10] =	vst v3;
	v3 =	vmul.f32 v9, v6;
	v8 =	vld [tilespmem:s25+$0xFFFFFF80]  }
0x138: {  	[tilespmem:s25+$0xFFFFFF20] =	vst v5;
	v5 =	vmul.f32 v10, v6;
	v9 =	vld [tilespmem:s25+$0xFFFFFF90]  }
0x139: {  	[tilespmem:s25+$0xFFFFFF30] =	vst v3;
	v3 =	vmul.f32 v11, v6;
	v10 =	vld [tilespmem:s25+$0xFFFFFFA0]  }
0x13a: {  	[tilespmem:s25+$0xFFFFFF40] =	vst v5;
	v5 =	vmul.f32 v12, v6;
	v11 =	vld [tilespmem:s25+$0xFFFFFFB0]  }
0x13b: {  	[tilespmem:s25+$0xFFFFFF50] =	vst v3;
	v3 =	vmul.f32 v7, v6;
	v6 =	vld [tilespmem:s25+$0xFFFFFFC0]  }
0x13c: {  	[tilespmem:s25+$0xFFFFFF60] =	vst v5;
	v5 =	vmul.f32 v8, v4;
	v7 =	vld [tilespmem:s25+$0xFFFFFFD0]  }
0x13d: {  	[tilespmem:s25+$0xFFFFFF70] =	vst v3;
	v3 =	vmul.f32 v9, v4;
	v8 =	vld [tilespmem:s25+$0xFFFFFFE0]  }
0x13e: {  	[tilespmem:s25+$0xFFFFFF80] =	vst v5;
	v5 =	vmul.f32 v10, v4;
	v9 =	vld [tilespmem:s25+$0xFFFFFFF0]  }
0x13f: {  	[tilespmem:s25+$0xFFFFFF90] =	vst v3;
	v3 =	vmul.f32 v11, v4;
	v10 =	vld [tilespmem:s25+$0x0]  }
0x140: {  	[tilespmem:s25+$0xFFFFFFA0] =	vst v5;
	v5 =	vmul.f32 v6, v4;
	v6 =	vld [tilespmem:s25+$0x10]  }
0x141: {  	[tilespmem:s25+$0xFFFFFFB0] =	vst v3;
	v3 =	vmul.f32 v7, v4;
	v7 =	vld [tilespmem:s25+$0x20]  }
0x142: {  	[tilespmem:s25+$0xFFFFFFC0] =	vst v5;
	v5 =	vmul.f32 v8, v4;
	v11 =	vld [tilespmem:s25+$0x30]  }
0x143: {  	[tilespmem:s25+$0xFFFFFFD0] =	vst v3;
	v3 =	vmul.f32 v9, v4;
	v9 =	vld [tilespmem:s25+$0x40]  }
.Ltmp2:
0x144: {  	[tilespmem:s25+$0xFFFFFFE0] =	vst v5;
	v5 =	vmul.f32 v10, v2;
	v4 =	vld [tilespmem:s25+$0x50];
	(pc) =	sbr.rel @p0 .LBB2_6-.Ltmp2, $4  }
0x145: {  	[tilespmem:s25+$0xFFFFFFF0] =	vst v3;
	v6 =	vmul.f32 v6, v2;
	v3 =	vld [tilespmem:s25+$0x60]  }
0x146: {  	s3 =	sadd.s32 $0x3, s5;
	v10 =	vmov s5;
	[tilespmem:s25+$0x0] =	vst v5;
	v13 =	vmul.f32 v7, v2;
	v8 =	vld [tilespmem:s25+$0x80]  }
0x147: {  	s10 =	sadd.s32 $0x1, s5;
	v12 =	vand.u32 $0xFFFFFFFC, v10;
	v5 =	vmov s3;
	[tilespmem:s25+$0x10] =	vst v6;
	v10 =	vmul.f32 v11, v2;
	v7 =	vld [tilespmem:s25+$0x90]  }
0x148: {  	s3 =	sadd.s32 $0x2, s5;
	s5 =	sadd.s32 $0x4, s5;
	v6 =	vbroadcast v12, $0x0;
	v12 =	vmov s10;
	[tilespmem:s25+$0x20] =	vst v13;
	v11 =	vmul.f32 v9, v2;
	v9 =	vld [tilespmem:s25+$0xA0]  }
0x149: {  	v13 =	vld [tilespmem:s25+$0xB0]  }
0x14a: {  	v15 =	vld [tilespmem:s25+$0xC0]  }
0x14b: {  	v16 =	vld [tilespmem:s25+$0xD0]  }
0x14c: {  	v17 =	vld [tilespmem:s25+$0xE0]  }
0x14d: {  	v29 =	vld [tilespmem:s25+$0xF0];
	[tilespmem:s25+$0x30] =	vst v10;
	v4 =	vmul.f32 v4, v2  }
0x14e: {  	v5 =	vld.idx.msk [tilespmem:v5+s16+$0x0], $0xffff;
	[tilespmem:s25+$0x40] =	vst v11;
	v2 =	vmul.f32 v3, v2  }
0x14f: {  	s5 =	sadd.s32 $0x200, s25;
	v3 =	vld.idx.msk [tilespmem:v6+s16+$0x0], $0xffff;
	v8 =	vmul.f32 v8, v1;
	[tilespmem:s25+$0x50] =	vst v4  }
0x150: {  	v14 =	vmov s3;
	v34 =	vld [tilespmem:s5+$0x70];
	v30 =	vmul.f32 v7, v1;
	[tilespmem:s25+$0x60] =	vst v2  }
0x151: {  	v14 =	vand.u32 $0xFFFFFFFE, v14;
	v35 =	vld [tilespmem:s5+$0xFFFFFF00];
	[tilespmem:s25+$0x80] =	vst v8;
	v2 =	vmul.f32 v9, v1  }
0x152: {  	v37 =	vld [tilespmem:s5+$0xFFFFFF10];
	v14 =	vbroadcast v14, $0x0;
	[tilespmem:s25+$0x90] =	vst v30;
	v33 =	vmul.f32 v13, v1  }
0x153: {  	v38 =	vld [tilespmem:s5+$0xFFFFFF20];
	[tilespmem:s25+$0xA0] =	vst v2;
	v2 =	vmul.f32 v15, v1  }
0x154: {  	v12 =	vand.u32 $0xFFFFFFFD, v12;
	v39 =	vld [tilespmem:s5+$0xFFFFFF30];
	v36 =	vmul.f32 v16, v1;
	[tilespmem:s25+$0xB0] =	vst v33  }
0x155: {  	v12 =	vbroadcast v12, $0x0;
	v41 =	vld [tilespmem:s5+$0xFFFFFF50];
	[tilespmem:s1+$0xC0] =	vst v2;
	v2 =	vmul.f32 v17, v1  }
0x156: {  	v43 =	vld [tilespmem:s5+$0xFFFFFF60];
	[tilespmem:s1+$0xD0] =	vst v36;
	v1 =	vmul.f32 v29, v1  }
0x157: {  	v42 =	vmul.f32 v37, v3;
	[tilespmem:s1+$0xE0] =	vst v2;
	v2 =	vld [tilespmem:s5+$0xFFFFFF40]  }
0x158: {  	v32 =	vld.idx.msk [tilespmem:v14+s16+$0x0], $0xffff;
	[tilespmem:s1+$0xF0] =	vst v1;
	v1 =	vmul.f32 v35, v3  }
0x159: {  	v44 =	vld [tilespmem:s5+$0xFFFFFF70];
	v4 =	vmul.f32 v39, v3;
	[tilespmem:s5+$0xFFFFFF10] =	vst v42  }
0x15a: {  	v45 =	vld [tilespmem:s5+$0xFFFFFF80];
	[tilespmem:s5+$0xFFFFFF00] =	vst v1;
	v1 =	vmul.f32 v38, v3  }
0x15b: {  	v46 =	vmul.f32 v41, v3;
	v31 =	vld.idx.msk [tilespmem:v12+s16+$0x0], $0xffff;
	[tilespmem:s5+$0xFFFFFF30] =	vst v4  }
0x15c: {  	[tilespmem:s5+$0xFFFFFF20] =	vst v1;
	v1 =	vmul.f32 v2, v3;
	v2 =	vld [tilespmem:s5+$0xFFFFFF90]  }
0x15d: {  	v47 =	vld [tilespmem:s5+$0xFFFFFFA0];
	[tilespmem:s5+$0xFFFFFF50] =	vst v46;
	v40 =	vmul.f32 v34, v32  }
0x15e: {  	v48 =	vld [tilespmem:s5+$0xFFFFFFB0];
	[tilespmem:s5+$0xFFFFFF40] =	vst v1;
	v1 =	vmul.f32 v43, v3  }
0x15f: {  	v49 =	vld [tilespmem:s5+$0xFFFFFFC0];
	[tilespmem:s5+$0x70] =	vst v40;
	v3 =	vmul.f32 v44, v3  }
0x160: {  	v50 =	vld [tilespmem:s5+$0xFFFFFFD0];
	[tilespmem:s5+$0xFFFFFF60] =	vst v1;
	v1 =	vmul.f32 v45, v31  }
0x161: {  	[tilespmem:s5+$0xFFFFFF70] =	vst v3;
	v3 =	vld [tilespmem:s5+$0xFFFFFFE0];
	v2 =	vmul.f32 v2, v31  }
0x162: {  	v51 =	vld [tilespmem:s5+$0xFFFFFFF0];
	[tilespmem:s5+$0xFFFFFF80] =	vst v1;
	v1 =	vmul.f32 v47, v31  }
0x163: {  	v52 =	vld [tilespmem:s5+$0x0];
	[tilespmem:s5+$0xFFFFFF90] =	vst v2;
	v2 =	vmul.f32 v48, v31  }
0x164: {  	v53 =	vld [tilespmem:s5+$0x10];
	[tilespmem:s5+$0xFFFFFFA0] =	vst v1;
	v1 =	vmul.f32 v49, v31  }
0x165: {  	v54 =	vld [tilespmem:s5+$0x20];
	[tilespmem:s5+$0xFFFFFFB0] =	vst v2;
	v2 =	vmul.f32 v50, v31  }
0x166: {  	[tilespmem:s5+$0xFFFFFFC0] =	vst v1;
	v1 =	vmul.f32 v3, v31;
	v3 =	vld [tilespmem:s5+$0x30]  }
0x167: {  	v55 =	vld [tilespmem:s5+$0x40];
	[tilespmem:s5+$0xFFFFFFD0] =	vst v2;
	v2 =	vmul.f32 v51, v31  }
0x168: {  	v56 =	vld [tilespmem:s5+$0x50];
	[tilespmem:s5+$0xFFFFFFE0] =	vst v1;
	v1 =	vmul.f32 v52, v32  }
0x169: {  	v57 =	vld [tilespmem:s5+$0x60];
	[tilespmem:s5+$0xFFFFFFF0] =	vst v2;
	v2 =	vmul.f32 v53, v32  }
0x16a: {  	v58 =	vld [tilespmem:s5+$0x80];
	[tilespmem:s5+$0x0] =	vst v1;
	v1 =	vmul.f32 v54, v32  }
0x16b: {  	[tilespmem:s5+$0x10] =	vst v2;
	v2 =	vmul.f32 v3, v32;
	v3 =	vld [tilespmem:s5+$0x90]  }
0x16c: {  	v59 =	vld [tilespmem:s5+$0xA0];
	[tilespmem:s5+$0x20] =	vst v1;
	v1 =	vmul.f32 v55, v32  }
0x16d: {  	v60 =	vld [tilespmem:s5+$0xB0];
	[tilespmem:s5+$0x30] =	vst v2;
	v2 =	vmul.f32 v56, v32  }
0x16e: {  	v61 =	vld [tilespmem:s5+$0xC0];
	[tilespmem:s5+$0x40] =	vst v1;
	v1 =	vmul.f32 v57, v32  }
0x16f: {  	v62 =	vld [tilespmem:s5+$0xD0];
	[tilespmem:s5+$0x50] =	vst v2;
	v2 =	vmul.f32 v58, v5  }
0x170: {  	[tilespmem:s5+$0x60] =	vst v1;
	v1 =	vmul.f32 v3, v5;
	v3 =	vld [tilespmem:s5+$0xE0]  }
0x171: {  	v63 =	vld [tilespmem:s5+$0xF0];
	[tilespmem:s5+$0x80] =	vst v2;
	v2 =	vmul.f32 v59, v5  }
0x172: {  	[tilespmem:s5+$0x90] =	vst v1;
	v1 =	vmul.f32 v60, v5  }
0x173: {  	[tilespmem:s5+$0xA0] =	vst v2;
	v2 =	vmul.f32 v61, v5  }
0x174: {  	[tilespmem:s5+$0xB0] =	vst v1;
	v1 =	vmul.f32 v62, v5  }
0x175: {  	[tilespmem:s5+$0xC0] =	vst v2;
	v2 =	vmul.f32 v3, v5  }
0x176: {  	[tilespmem:s5+$0xD0] =	vst v1;
	v1 =	vmul.f32 v63, v5  }
0x177: {  	[tilespmem:s5+$0xE0] =	vst v2  }
0x178: {  	s10 =	rddreg [dreg:$0x2];
	[tilespmem:s5+$0xF0] =	vst v1  }
0x179: {  	[spmem:s10] =	stream.indirect.scatter.add.f32 [tilespmem:s15], [sflag:$0x7], $0x80, s12, s0, $0xb8;
	[tilespmem:$0x1F680] =	vst v63  }
0x17a: {  	s11 =	rddreg [dreg:$0x1f]  }
0x17b: {  	s30 =	simm.s32 $0x0;
	s25 =	sld [smem:$0x7F8]  }
0x17c: {  	[tilespmem:s24], [sflag:$0x3] =	stream.linear.gather [hbm4b:s11+s30], $0x60, $0x38;
	[tilespmem:$0x1F680] =	vst v63  }
0x17d: {  	s28 =	simm.s32 $0x19380  }
0x17e: {  	[tilespmem:s28], [sflag:$0x5] =	stream.linear.gather [hbm4b:s25+s30], $0x60, $0x38;
	[tilespmem:$0x1F680] =	vst v63  }
.LBB2_8:
0x17f: {  	_ =	swait.ge [sflag:s21], $0x60  }
0x180: {  	[sflag:s21] =	ssyncset.done $0x0  }
0x181: {  	[sflag:s21] =	ssyncadd.s32 $0xFFFFFFA0  }
0x182: {  	_ =	swait.ge [sflag:s19], $0x3000  }
0x183: {  	[sflag:s19] =	ssyncset.done $0x0  }
0x184: {  	[sflag:s19] =	ssyncadd.s32 $0xFFFFD000  }
0x185: {  	_ =	swait.ge [sflag:s31], $0x60  }
0x186: {  	[sflag:s31] =	ssyncset.done $0x0  }
0x187: {  	[sflag:s31] =	ssyncadd.s32 $0xFFFFFFA0  }
0x188: {  	_ =	swait.ge [sflag:s2], $0x60  }
0x189: {  	[sflag:s2] =	ssyncset.done $0x0  }
0x18a: {  	[sflag:s2] =	ssyncadd.s32 $0xFFFFFFA0  }
0x18b: {  	[tilespmem:s15], [sflag:$0x1] =	stream.indirect.gather [hbm4b:s26+s0], $0x80, s24, s0, $0xb8;
	[tilespmem:$0x1F680] =	vst v63  }
0x18c: {  	_ =	swait.ge [sflag:s23], $0x3000  }
0x18d: {  	[sflag:s23] =	ssyncset.done $0x0  }
0x18e: {  	[sflag:s23] =	ssyncadd.s32 $0xFFFFD000  }
0x18f: {  	v1 =	vld [tilespmem:$0x19300]  }
0x190: {  	v2 =	vld [tilespmem:$0x19400]  }
0x191: {  	v3 =	vld [tilespmem:$0x19310]  }
0x192: {  	v4 =	vld [tilespmem:$0x19410]  }
0x193: {  	v5 =	vld [tilespmem:$0x19320]  }
0x194: {  	v6 =	vld [tilespmem:$0x19420]  }
0x195: {  	v7 =	vld [tilespmem:$0x19330]  }
0x196: {  	v8 =	vld [tilespmem:$0x19430]  }
0x197: {  	v1 =	vld.idx.msk [tilespmem:v1+s18+$0x0], $0xffff  }
0x198: {  	v9 =	vld.idx.msk [tilespmem:v2+s17+$0x0], $0xffff  }
0x199: {  	v3 =	vld.idx.msk [tilespmem:v3+s18+$0x0], $0xffff  }
0x19a: {  	v10 =	vld.idx.msk [tilespmem:v4+s17+$0x0], $0xffff  }
0x19b: {  	v5 =	vld.idx.msk [tilespmem:v5+s18+$0x0], $0xffff  }
0x19c: {  	v11 =	vld.idx.msk [tilespmem:v6+s17+$0x0], $0xffff  }
0x19d: {  	v7 =	vld.idx.msk [tilespmem:v7+s18+$0x0], $0xffff;
	v1 =	vadd.f32 v9, v1  }
0x19e: {  	v59 =	vld.idx.msk [tilespmem:v8+s17+$0x0], $0xffff  }
0x19f: {  	v3 =	vadd.f32 v10, v3;
	v60 =	vmul.f32 $2.000000030e-01, v1;
	_ =	sdelay $0x1  }
0x1a0: {  	v5 =	vadd.f32 v11, v5;
	v61 =	vmul.f32 $2.000000030e-01, v3;
	v1 =	vmax.f32 v1, v60  }
0x1a1: {  	v1 =	vmul.f32 $1.442695020e+00, v1  }
0x1a2: {  	v7 =	vadd.f32 v59, v7;
	v62 =	vmul.f32 $2.000000030e-01, v5;
	v3 =	vmax.f32 v3, v61  }
0x1a3: {  	(erf) = vpow2.f32 v1;
	v1 =	vmul.f32 $1.442695020e+00, v3  }
0x1a4: {  	v63 =	vmul.f32 $2.000000030e-01, v7;
	v3 =	vmax.f32 v5, v62  }
0x1a5: {  	(erf) = vpow2.f32 v1;
	v1 =	vmul.f32 $1.442695020e+00, v3  }
0x1a6: {  	v3 =	vmax.f32 v7, v63  }
0x1a7: {  	(erf) = vpow2.f32 v1;
	v1 =	vmul.f32 $1.442695020e+00, v3;
	_ =	sdelay $0x1  }
0x1a8: {  	(erf) = vpow2.f32 v1;
	_ =	sdelay $0x2  }
0x1a9: {  	[tilespmem:$0x19500] =	vst v2  }
0x1aa: {  	[tilespmem:$0x19510] =	vst v4  }
0x1ab: {  	[tilespmem:$0x19520] =	vst v6  }
0x1ac: {  	[tilespmem:$0x19530] =	vst v8;
	v1 =	vpop (erf)  }
0x1ad: {  	[tilespmem:$0x1F600] =	vst v1;
	v1 =	vpop (erf)  }
0x1ae: {  	[tilespmem:$0x1F610] =	vst v1;
	v1 =	vpop (erf)  }
0x1af: {  	[tilespmem:$0x1F620] =	vst v1;
	v1 =	vpop (erf)  }
0x1b0: {  	s1 =	simm.s32 $0x0;
	[tilespmem:$0x1F630] =	vst v1  }
.LBB2_9:
0x1b1: {  	s3 =	sshra.s32 s1, $0x2  }
0x1b2: {  	v1 =	vld [tilespmem:s3+$0x19340]  }
0x1b3: {  	v2 =	vld [tilespmem:s3+$0x19440];
	_ =	sdelay $0x6  }
0x1b4: {  	v1 =	vld.idx.msk [tilespmem:v1+s18+$0x0], $0xffff  }
0x1b5: {  	v3 =	vld.idx.msk [tilespmem:v2+s17+$0x0], $0xffff;
	_ =	sdelay $0x4  }
0x1b6: {  	v1 =	vadd.f32 v3, v1;
	_ =	sdelay $0x1  }
0x1b7: {  	v3 =	vmul.f32 $2.000000030e-01, v1;
	_ =	sdelay $0x1  }
0x1b8: {  	v1 =	vmax.f32 v1, v3  }
0x1b9: {  	v1 =	vmul.f32 $1.442695020e+00, v1;
	_ =	sdelay $0x1  }
0x1ba: {  	(erf) = vpow2.f32 v1;
	_ =	sdelay $0x4  }
0x1bb: {  	p0 =	sne.s32 s1, $0x40  }
.Ltmp3:
0x1bc: {  	_ = 	snop;
	(pc) =	sbr.rel @p0 .LBB2_9-.Ltmp3, $3  }
0x1bd: {  	_ =	sdelay $0x1  }
0x1be: {  	[tilespmem:s3+$0x19540] =	vst v2;
	v1 =	vpop (erf)  }
0x1bf: {  	s1 =	sadd.s32 $0x40, s1;
	[tilespmem:s3+$0x1F640] =	vst v1  }
0x1c0: {  	s1 =	simm.s32 $0x0  }
0x1c1: {  	s28 =	simm.s32 $0x2;
	v1 =	vmov s1  }
0x1c2: {  	v2 =	vmov s28;
	v1 =	vand.u32 $0xFFFFFFFC, v1  }
0x1c3: {  	s3 =	rddreg [dreg:$0x3];
	s25 =	simm.s32 $0x1C680;
	v2 =	vand.u32 $0xFFFFFFFE, v2;
	v1 =	vbroadcast v1, $0x0  }
0x1c4: {  	[spmem:s3] =	stream.indirect.scatter.add.f32 [tilespmem:s14], [sflag:$0xA], $0x1, s13, s0, $0xb8;
	v2 =	vbroadcast v2, $0x0;
	[tilespmem:$0x1F680] =	vst v63  }
0x1c5: {  	v4 =	vld [tilespmem:s25+$0x70]  }
0x1c6: {  	v5 =	vld [tilespmem:s25+$0xFFFFFF00]  }
0x1c7: {  	s5 =	simm.s32 $0x1;
	v6 =	vld [tilespmem:s25+$0xFFFFFF10]  }
0x1c8: {  	v3 =	vmov s5;
	v7 =	vld [tilespmem:s25+$0xFFFFFF20]  }
0x1c9: {  	v3 =	vand.u32 $0xFFFFFFFD, v3;
	v1 =	vld.idx.msk [tilespmem:v1+s14+$0x0], $0xffff  }
0x1ca: {  	v3 =	vbroadcast v3, $0x0;
	v2 =	vld.idx.msk [tilespmem:v2+s14+$0x0], $0xffff  }
0x1cb: {  	v8 =	vld [tilespmem:s25+$0xFFFFFF30]  }
0x1cc: {  	v9 =	vld [tilespmem:s25+$0xFFFFFF40]  }
0x1cd: {  	v10 =	vld [tilespmem:s25+$0xFFFFFF50]  }
0x1ce: {  	v11 =	vld [tilespmem:s25+$0xFFFFFF60];
	v5 =	vmul.f32 v5, v1  }
0x1cf: {  	v13 =	vld [tilespmem:s25+$0x40];
	v4 =	vmul.f32 v4, v2  }
0x1d0: {  	v3 =	vld.idx.msk [tilespmem:v3+s14+$0x0], $0xffff;
	[tilespmem:s25+$0xFFFFFF00] =	vst v5;
	v5 =	vmul.f32 v6, v1  }
0x1d1: {  	v6 =	vld [tilespmem:s25+$0xFFFFFF70];
	[tilespmem:s25+$0x70] =	vst v4;
	v4 =	vmul.f32 v7, v1  }
0x1d2: {  	v7 =	vld [tilespmem:s25+$0xFFFFFF80];
	[tilespmem:s25+$0xFFFFFF10] =	vst v5;
	v5 =	vmul.f32 v8, v1  }
0x1d3: {  	v8 =	vld [tilespmem:s25+$0xFFFFFF90];
	[tilespmem:s25+$0xFFFFFF20] =	vst v4;
	v4 =	vmul.f32 v9, v1  }
0x1d4: {  	v9 =	vld [tilespmem:s25+$0xFFFFFFA0];
	[tilespmem:s25+$0xFFFFFF30] =	vst v5;
	v5 =	vmul.f32 v10, v1  }
0x1d5: {  	v10 =	vld [tilespmem:s25+$0xFFFFFFB0];
	[tilespmem:s25+$0xFFFFFF40] =	vst v4;
	v4 =	vmul.f32 v11, v1  }
0x1d6: {  	v11 =	vld [tilespmem:s25+$0xFFFFFFC0];
	v6 =	vmul.f32 v6, v1;
	[tilespmem:s25+$0xFFFFFF50] =	vst v5  }
0x1d7: {  	v5 =	vmul.f32 v7, v3;
	v7 =	vld [tilespmem:s25+$0xFFFFFFD0];
	[tilespmem:s25+$0xFFFFFF60] =	vst v4  }
0x1d8: {  	s10 =	simm.s32 $0x3;
	v4 =	vld [tilespmem:s25+$0xFFFFFFE0];
	v8 =	vmul.f32 v8, v3;
	[tilespmem:s25+$0xFFFFFF70] =	vst v6  }
0x1d9: {  	v12 =	vmov s10;
	v6 =	vld [tilespmem:s25+$0xFFFFFFF0];
	[tilespmem:s25+$0xFFFFFF80] =	vst v5;
	v5 =	vmul.f32 v9, v3  }
0x1da: {  	v9 =	vld [tilespmem:s25+$0x0];
	[tilespmem:s25+$0xFFFFFF90] =	vst v8;
	v8 =	vmul.f32 v10, v3  }
0x1db: {  	v10 =	vld [tilespmem:s25+$0x10];
	[tilespmem:s25+$0xFFFFFFA0] =	vst v5;
	v5 =	vmul.f32 v11, v3  }
0x1dc: {  	[tilespmem:s25+$0xFFFFFFB0] =	vst v8;
	v7 =	vmul.f32 v7, v3;
	v8 =	vld [tilespmem:s25+$0x20]  }
0x1dd: {  	v11 =	vld [tilespmem:s25+$0x30];
	v4 =	vmul.f32 v4, v3;
	[tilespmem:s25+$0xFFFFFFC0] =	vst v5  }
0x1de: {  	v1 =	vld.idx.msk [tilespmem:v12+s14+$0x0], $0xffff;
	v3 =	vmul.f32 v6, v3;
	[tilespmem:s25+$0xFFFFFFD0] =	vst v7  }
0x1df: {  	[tilespmem:s25+$0xFFFFFFE0] =	vst v4;
	v5 =	vmul.f32 v9, v2;
	v4 =	vld [tilespmem:s25+$0x50]  }
0x1e0: {  	s11 =	simm.s32 $0x4;
	[tilespmem:s25+$0xFFFFFFF0] =	vst v3;
	v6 =	vmul.f32 v10, v2;
	v3 =	vld [tilespmem:s25+$0x60]  }
0x1e1: {  	s28 =	simm.s32 $0x7;
	v7 =	vmov s11;
	[tilespmem:s25+$0x0] =	vst v5;
	v9 =	vmul.f32 v8, v2;
	v8 =	vld [tilespmem:s25+$0x80]  }
0x1e2: {  	s3 =	simm.s32 $0x5;
	v12 =	vand.u32 $0xFFFFFFFC, v7;
	v7 =	vld [tilespmem:s25+$0x90];
	v5 =	vmov s28;
	v10 =	vmul.f32 v11, v2;
	[tilespmem:s25+$0x10] =	vst v6  }
0x1e3: {  	s5 =	simm.s32 $0x8;
	s1 =	simm.s32 $0x1C680;
	v11 =	vmul.f32 v13, v2;
	v6 =	vbroadcast v12, $0x0;
	v12 =	vmov s3;
	s3 =	simm.s32 $0x6;
	[tilespmem:s25+$0x20] =	vst v9;
	v9 =	vld [tilespmem:s25+$0xA0]  }
.LBB2_11:
0x1e4: {  	p0 =	slt.u32 s5, $0x5C;
	v12 =	vand.u32 $0xFFFFFFFD, v12;
	v13 =	vmov s3;
	[tilespmem:s25+$0x30] =	vst v10;
	v4 =	vmul.f32 v4, v2;
	v10 =	vld [tilespmem:s25+$0xB0]  }
0x1e5: {  	v12 =	vbroadcast v12, $0x0;
	v13 =	vand.u32 $0xFFFFFFFE, v13;
	[tilespmem:s25+$0x40] =	vst v11;
	v2 =	vmul.f32 v3, v2;
	v3 =	vld [tilespmem:s25+$0xC0]  }
0x1e6: {  	v11 =	vbroadcast v13, $0x0;
	[tilespmem:s25+$0x50] =	vst v4;
	v4 =	vmul.f32 v8, v1;
	v8 =	vld [tilespmem:s25+$0xD0]  }
0x1e7: {  	[tilespmem:s25+$0x60] =	vst v2;
	v2 =	vmul.f32 v7, v1;
	v7 =	vld [tilespmem:s25+$0xE0]  }
0x1e8: {  	[tilespmem:s25+$0x80] =	vst v4;
	v4 =	vmul.f32 v9, v1;
	v9 =	vld [tilespmem:s25+$0xF0]  }
0x1e9: {  	v5 =	vld.idx.msk [tilespmem:v5+s14+$0x0], $0xffff;
	[tilespmem:s25+$0x90] =	vst v2;
	v2 =	vmul.f32 v10, v1  }
0x1ea: {  	v6 =	vld.idx.msk [tilespmem:v6+s14+$0x0], $0xffff;
	[tilespmem:s25+$0xA0] =	vst v4;
	v3 =	vmul.f32 v3, v1  }
0x1eb: {  	v4 =	vld.idx.msk [tilespmem:v12+s14+$0x0], $0xffff;
	[tilespmem:s25+$0xB0] =	vst v2;
	v8 =	vmul.f32 v8, v1  }
0x1ec: {  	s25 =	sadd.s32 $0x200, s25;
	v2 =	vld.idx.msk [tilespmem:v11+s14+$0x0], $0xffff;
	[tilespmem:s1+$0xC0] =	vst v3;
	v3 =	vmul.f32 v7, v1  }
0x1ed: {  	v7 =	vld [tilespmem:s25+$0x70];
	[tilespmem:s1+$0xD0] =	vst v8;
	v9 =	vmul.f32 v9, v1  }
0x1ee: {  	v8 =	vld [tilespmem:s25+$0xFFFFFF00];
	[tilespmem:s1+$0xE0] =	vst v3  }
0x1ef: {  	v1 =	vmov v5;
	v3 =	vld [tilespmem:s25+$0xFFFFFF10];
	[tilespmem:s1+$0xF0] =	vst v9;
	s1 =	smov.u32 s25  }
0x1f0: {  	v5 =	vld [tilespmem:s25+$0xFFFFFF20]  }
0x1f1: {  	v9 =	vld [tilespmem:s25+$0xFFFFFF30]  }
0x1f2: {  	v10 =	vld [tilespmem:s25+$0xFFFFFF40];
	v7 =	vmul.f32 v7, v2  }
0x1f3: {  	v8 =	vmul.f32 v8, v6;
	v11 =	vld [tilespmem:s25+$0xFFFFFF50]  }
0x1f4: {  	v3 =	vmul.f32 v3, v6;
	v12 =	vld [tilespmem:s25+$0xFFFFFF60];
	[tilespmem:s25+$0x70] =	vst v7  }
0x1f5: {  	[tilespmem:s25+$0xFFFFFF00] =	vst v8;
	v5 =	vmul.f32 v5, v6;
	v7 =	vld [tilespmem:s25+$0xFFFFFF70]  }
0x1f6: {  	[tilespmem:s25+$0xFFFFFF10] =	vst v3;
	v3 =	vmul.f32 v9, v6;
	v8 =	vld [tilespmem:s25+$0xFFFFFF80]  }
0x1f7: {  	[tilespmem:s25+$0xFFFFFF20] =	vst v5;
	v5 =	vmul.f32 v10, v6;
	v9 =	vld [tilespmem:s25+$0xFFFFFF90]  }
0x1f8: {  	[tilespmem:s25+$0xFFFFFF30] =	vst v3;
	v3 =	vmul.f32 v11, v6;
	v10 =	vld [tilespmem:s25+$0xFFFFFFA0]  }
0x1f9: {  	[tilespmem:s25+$0xFFFFFF40] =	vst v5;
	v5 =	vmul.f32 v12, v6;
	v11 =	vld [tilespmem:s25+$0xFFFFFFB0]  }
0x1fa: {  	[tilespmem:s25+$0xFFFFFF50] =	vst v3;
	v3 =	vmul.f32 v7, v6;
	v6 =	vld [tilespmem:s25+$0xFFFFFFC0]  }
0x1fb: {  	[tilespmem:s25+$0xFFFFFF60] =	vst v5;
	v5 =	vmul.f32 v8, v4;
	v7 =	vld [tilespmem:s25+$0xFFFFFFD0]  }
0x1fc: {  	[tilespmem:s25+$0xFFFFFF70] =	vst v3;
	v3 =	vmul.f32 v9, v4;
	v8 =	vld [tilespmem:s25+$0xFFFFFFE0]  }
0x1fd: {  	[tilespmem:s25+$0xFFFFFF80] =	vst v5;
	v5 =	vmul.f32 v10, v4;
	v9 =	vld [tilespmem:s25+$0xFFFFFFF0]  }
0x1fe: {  	[tilespmem:s25+$0xFFFFFF90] =	vst v3;
	v3 =	vmul.f32 v11, v4;
	v10 =	vld [tilespmem:s25+$0x0]  }
0x1ff: {  	[tilespmem:s25+$0xFFFFFFA0] =	vst v5;
	v5 =	vmul.f32 v6, v4;
	v6 =	vld [tilespmem:s25+$0x10]  }
0x200: {  	[tilespmem:s25+$0xFFFFFFB0] =	vst v3;
	v3 =	vmul.f32 v7, v4;
	v7 =	vld [tilespmem:s25+$0x20]  }
0x201: {  	[tilespmem:s25+$0xFFFFFFC0] =	vst v5;
	v5 =	vmul.f32 v8, v4;
	v11 =	vld [tilespmem:s25+$0x30]  }
0x202: {  	[tilespmem:s25+$0xFFFFFFD0] =	vst v3;
	v3 =	vmul.f32 v9, v4;
	v9 =	vld [tilespmem:s25+$0x40]  }
.Ltmp4:
0x203: {  	[tilespmem:s25+$0xFFFFFFE0] =	vst v5;
	v5 =	vmul.f32 v10, v2;
	v4 =	vld [tilespmem:s25+$0x50];
	(pc) =	sbr.rel @p0 .LBB2_11-.Ltmp4, $4  }
0x204: {  	[tilespmem:s25+$0xFFFFFFF0] =	vst v3;
	v6 =	vmul.f32 v6, v2;
	v3 =	vld [tilespmem:s25+$0x60]  }
0x205: {  	s3 =	sadd.s32 $0x3, s5;
	v10 =	vmov s5;
	[tilespmem:s25+$0x0] =	vst v5;
	v13 =	vmul.f32 v7, v2;
	v8 =	vld [tilespmem:s25+$0x80]  }
0x206: {  	s10 =	sadd.s32 $0x1, s5;
	v12 =	vand.u32 $0xFFFFFFFC, v10;
	v5 =	vmov s3;
	[tilespmem:s25+$0x10] =	vst v6;
	v10 =	vmul.f32 v11, v2;
	v7 =	vld [tilespmem:s25+$0x90]  }
0x207: {  	s3 =	sadd.s32 $0x2, s5;
	s5 =	sadd.s32 $0x4, s5;
	v6 =	vbroadcast v12, $0x0;
	v12 =	vmov s10;
	[tilespmem:s25+$0x20] =	vst v13;
	v11 =	vmul.f32 v9, v2;
	v9 =	vld [tilespmem:s25+$0xA0]  }
0x208: {  	v13 =	vld [tilespmem:s25+$0xB0]  }
0x209: {  	v15 =	vld [tilespmem:s25+$0xC0]  }
0x20a: {  	v16 =	vld [tilespmem:s25+$0xD0]  }
0x20b: {  	v17 =	vld [tilespmem:s25+$0xE0]  }
0x20c: {  	v63 =	vld [tilespmem:s25+$0xF0];
	[tilespmem:s25+$0x30] =	vst v10;
	v4 =	vmul.f32 v4, v2  }
0x20d: {  	v5 =	vld.idx.msk [tilespmem:v5+s14+$0x0], $0xffff;
	[tilespmem:s25+$0x40] =	vst v11;
	v2 =	vmul.f32 v3, v2  }
0x20e: {  	s28 =	sadd.s32 $0x200, s25;
	v3 =	vld.idx.msk [tilespmem:v6+s14+$0x0], $0xffff;
	v8 =	vmul.f32 v8, v1;
	[tilespmem:s25+$0x50] =	vst v4  }
0x20f: {  	v14 =	vmov s3;
	v22 =	vld [tilespmem:s28+$0x70];
	v18 =	vmul.f32 v7, v1;
	[tilespmem:s25+$0x60] =	vst v2  }
0x210: {  	v14 =	vand.u32 $0xFFFFFFFE, v14;
	v23 =	vld [tilespmem:s28+$0xFFFFFF00];
	[tilespmem:s25+$0x80] =	vst v8;
	v2 =	vmul.f32 v9, v1  }
0x211: {  	v25 =	vld [tilespmem:s28+$0xFFFFFF10];
	v14 =	vbroadcast v14, $0x0;
	[tilespmem:s25+$0x90] =	vst v18;
	v21 =	vmul.f32 v13, v1  }
0x212: {  	v26 =	vld [tilespmem:s28+$0xFFFFFF20];
	[tilespmem:s25+$0xA0] =	vst v2;
	v2 =	vmul.f32 v15, v1  }
0x213: {  	v12 =	vand.u32 $0xFFFFFFFD, v12;
	v27 =	vld [tilespmem:s28+$0xFFFFFF30];
	v24 =	vmul.f32 v16, v1;
	[tilespmem:s25+$0xB0] =	vst v21  }
0x214: {  	v12 =	vbroadcast v12, $0x0;
	v29 =	vld [tilespmem:s28+$0xFFFFFF50];
	[tilespmem:s1+$0xC0] =	vst v2;
	v2 =	vmul.f32 v17, v1  }
0x215: {  	v31 =	vld [tilespmem:s28+$0xFFFFFF60];
	[tilespmem:s1+$0xD0] =	vst v24;
	v1 =	vmul.f32 v63, v1  }
0x216: {  	v30 =	vmul.f32 v25, v3;
	[tilespmem:s1+$0xE0] =	vst v2;
	v2 =	vld [tilespmem:s28+$0xFFFFFF40]  }
0x217: {  	v20 =	vld.idx.msk [tilespmem:v14+s14+$0x0], $0xffff;
	[tilespmem:s1+$0xF0] =	vst v1;
	v1 =	vmul.f32 v23, v3  }
0x218: {  	v32 =	vld [tilespmem:s28+$0xFFFFFF70];
	v4 =	vmul.f32 v27, v3;
	[tilespmem:s28+$0xFFFFFF10] =	vst v30  }
0x219: {  	v33 =	vld [tilespmem:s28+$0xFFFFFF80];
	[tilespmem:s28+$0xFFFFFF00] =	vst v1;
	v1 =	vmul.f32 v26, v3  }
0x21a: {  	v34 =	vmul.f32 v29, v3;
	v19 =	vld.idx.msk [tilespmem:v12+s14+$0x0], $0xffff;
	[tilespmem:s28+$0xFFFFFF30] =	vst v4  }
0x21b: {  	[tilespmem:s28+$0xFFFFFF20] =	vst v1;
	v1 =	vmul.f32 v2, v3;
	v2 =	vld [tilespmem:s28+$0xFFFFFF90]  }
0x21c: {  	v35 =	vld [tilespmem:s28+$0xFFFFFFA0];
	[tilespmem:s28+$0xFFFFFF50] =	vst v34;
	v28 =	vmul.f32 v22, v20  }
0x21d: {  	v36 =	vld [tilespmem:s28+$0xFFFFFFB0];
	[tilespmem:s28+$0xFFFFFF40] =	vst v1;
	v1 =	vmul.f32 v31, v3  }
0x21e: {  	v37 =	vld [tilespmem:s28+$0xFFFFFFC0];
	[tilespmem:s28+$0x70] =	vst v28;
	v3 =	vmul.f32 v32, v3  }
0x21f: {  	v38 =	vld [tilespmem:s28+$0xFFFFFFD0];
	[tilespmem:s28+$0xFFFFFF60] =	vst v1;
	v1 =	vmul.f32 v33, v19  }
0x220: {  	[tilespmem:s28+$0xFFFFFF70] =	vst v3;
	v3 =	vld [tilespmem:s28+$0xFFFFFFE0];
	v2 =	vmul.f32 v2, v19  }
0x221: {  	v39 =	vld [tilespmem:s28+$0xFFFFFFF0];
	[tilespmem:s28+$0xFFFFFF80] =	vst v1;
	v1 =	vmul.f32 v35, v19  }
0x222: {  	v40 =	vld [tilespmem:s28+$0x0];
	[tilespmem:s28+$0xFFFFFF90] =	vst v2;
	v2 =	vmul.f32 v36, v19  }
0x223: {  	v41 =	vld [tilespmem:s28+$0x10];
	[tilespmem:s28+$0xFFFFFFA0] =	vst v1;
	v1 =	vmul.f32 v37, v19  }
0x224: {  	v42 =	vld [tilespmem:s28+$0x20];
	[tilespmem:s28+$0xFFFFFFB0] =	vst v2;
	v2 =	vmul.f32 v38, v19  }
0x225: {  	[tilespmem:s28+$0xFFFFFFC0] =	vst v1;
	v1 =	vmul.f32 v3, v19;
	v3 =	vld [tilespmem:s28+$0x30]  }
0x226: {  	v43 =	vld [tilespmem:s28+$0x40];
	[tilespmem:s28+$0xFFFFFFD0] =	vst v2;
	v2 =	vmul.f32 v39, v19  }
0x227: {  	v44 =	vld [tilespmem:s28+$0x50];
	[tilespmem:s28+$0xFFFFFFE0] =	vst v1;
	v1 =	vmul.f32 v40, v20  }
0x228: {  	v45 =	vld [tilespmem:s28+$0x60];
	[tilespmem:s28+$0xFFFFFFF0] =	vst v2;
	v2 =	vmul.f32 v41, v20  }
0x229: {  	v46 =	vld [tilespmem:s28+$0x80];
	[tilespmem:s28+$0x0] =	vst v1;
	v1 =	vmul.f32 v42, v20  }
0x22a: {  	[tilespmem:s28+$0x10] =	vst v2;
	v2 =	vmul.f32 v3, v20;
	v3 =	vld [tilespmem:s28+$0x90]  }
0x22b: {  	v47 =	vld [tilespmem:s28+$0xA0];
	[tilespmem:s28+$0x20] =	vst v1;
	v1 =	vmul.f32 v43, v20  }
0x22c: {  	v48 =	vld [tilespmem:s28+$0xB0];
	[tilespmem:s28+$0x30] =	vst v2;
	v2 =	vmul.f32 v44, v20  }
0x22d: {  	v49 =	vld [tilespmem:s28+$0xC0];
	[tilespmem:s28+$0x40] =	vst v1;
	v1 =	vmul.f32 v45, v20  }
0x22e: {  	v50 =	vld [tilespmem:s28+$0xD0];
	[tilespmem:s28+$0x50] =	vst v2;
	v2 =	vmul.f32 v46, v5  }
0x22f: {  	[tilespmem:s28+$0x60] =	vst v1;
	v1 =	vmul.f32 v3, v5;
	v3 =	vld [tilespmem:s28+$0xE0]  }
0x230: {  	v51 =	vld [tilespmem:s28+$0xF0];
	[tilespmem:s28+$0x80] =	vst v2;
	v2 =	vmul.f32 v47, v5  }
0x231: {  	[tilespmem:s28+$0x90] =	vst v1;
	v1 =	vmul.f32 v48, v5  }
0x232: {  	[tilespmem:s28+$0xA0] =	vst v2;
	v2 =	vmul.f32 v49, v5  }
0x233: {  	[tilespmem:s28+$0xB0] =	vst v1;
	v1 =	vmul.f32 v50, v5  }
0x234: {  	[tilespmem:s28+$0xC0] =	vst v2;
	v2 =	vmul.f32 v3, v5  }
0x235: {  	[tilespmem:s28+$0xD0] =	vst v1;
	v1 =	vmul.f32 v51, v5  }
0x236: {  	[tilespmem:s28+$0xE0] =	vst v2  }
0x237: {  	[tilespmem:s28+$0xF0] =	vst v1  }
0x238: {  	s5 =	sld [smem:$0x7F9]  }
0x239: {  	s3 =	rddreg [dreg:$0x2];
	s25 =	smul.u32 $0xC0, s30  }
0x23a: {  	[spmem:s3] =	stream.indirect.scatter.add.f32 [tilespmem:s9], [sflag:$0x8], $0x80, s13, s0, $0xb8;
	[tilespmem:$0x1F680] =	vst v63  }
0x23b: {  	s1 =	sadd.s32 s25, s5  }
0x23c: {  	s11 =	rddreg [dreg:$0x1];
	s10 =	sshrl.u32 s1, $0x3  }
0x23d: {  	s1 =	simm.s32 $0x0;
	s5 =	sadd.s32 s11, s10  }
0x23e: {  	[tilespmem:s4], [sflag:$0x4] =	stream.linear.gather [hbm4b:s5+s1], $0x60, $0x38;
	[tilespmem:$0x1F680] =	vst v63  }
0x23f: {  	s28 =	simm.s32 $0x19400;
	s3 =	sadd.s32 s29, s10  }
0x240: {  	[tilespmem:s28], [sflag:$0x6] =	stream.linear.gather [hbm4b:s3+s1], $0x60, $0x38;
	[tilespmem:$0x1F680] =	vst v63  }
0x241: {  	_ =	swait.ge [sflag:s6], $0x60  }
0x242: {  	[sflag:s6] =	ssyncset.done $0x0  }
0x243: {  	[sflag:s6] =	ssyncadd.s32 $0xFFFFFFA0  }
0x244: {  	_ =	swait.ge [sflag:s20], $0x3000  }
0x245: {  	[sflag:s20] =	ssyncset.done $0x0  }
0x246: {  	[sflag:s20] =	ssyncadd.s32 $0xFFFFD000  }
0x247: {  	_ =	swait.ge [sflag:s7], $0x60  }
0x248: {  	[sflag:s7] =	ssyncset.done $0x0  }
0x249: {  	[sflag:s7] =	ssyncadd.s32 $0xFFFFFFA0  }
0x24a: {  	_ =	swait.ge [sflag:s8], $0x60  }
0x24b: {  	[sflag:s8] =	ssyncset.done $0x0  }
0x24c: {  	[sflag:s8] =	ssyncadd.s32 $0xFFFFFFA0  }
0x24d: {  	[tilespmem:s9], [sflag:$0x2] =	stream.indirect.gather [hbm4b:s26+s0], $0x80, s4, s0, $0xb8;
	[tilespmem:$0x1F680] =	vst v63  }
0x24e: {  	_ =	swait.ge [sflag:s22], $0x3000  }
0x24f: {  	[sflag:s22] =	ssyncset.done $0x0  }
0x250: {  	[sflag:s22] =	ssyncadd.s32 $0xFFFFD000  }
0x251: {  	v1 =	vld [tilespmem:$0x19280]  }
0x252: {  	v2 =	vld [tilespmem:$0x19380]  }
0x253: {  	v3 =	vld [tilespmem:$0x19290]  }
0x254: {  	v52 =	vld [tilespmem:$0x19390]  }
0x255: {  	v53 =	vld [tilespmem:$0x192A0]  }
0x256: {  	v54 =	vld [tilespmem:$0x193A0]  }
0x257: {  	v55 =	vld [tilespmem:$0x192B0]  }
0x258: {  	v56 =	vld [tilespmem:$0x193B0]  }
0x259: {  	v1 =	vld.idx.msk [tilespmem:v1+s18+$0x0], $0xffff  }
0x25a: {  	v57 =	vld.idx.msk [tilespmem:v2+s17+$0x0], $0xffff  }
0x25b: {  	v3 =	vld.idx.msk [tilespmem:v3+s18+$0x0], $0xffff  }
0x25c: {  	v58 =	vld.idx.msk [tilespmem:v52+s17+$0x0], $0xffff  }
0x25d: {  	v5 =	vld.idx.msk [tilespmem:v53+s18+$0x0], $0xffff  }
0x25e: {  	v59 =	vld.idx.msk [tilespmem:v54+s17+$0x0], $0xffff  }
0x25f: {  	v7 =	vld.idx.msk [tilespmem:v55+s18+$0x0], $0xffff;
	v1 =	vadd.f32 v57, v1  }
0x260: {  	v60 =	vld.idx.msk [tilespmem:v56+s17+$0x0], $0xffff  }
0x261: {  	v3 =	vadd.f32 v58, v3;
	v61 =	vmul.f32 $2.000000030e-01, v1;
	_ =	sdelay $0x1  }
0x262: {  	v5 =	vadd.f32 v59, v5;
	v10 =	vmul.f32 $2.000000030e-01, v3;
	v1 =	vmax.f32 v1, v61  }
0x263: {  	v1 =	vmul.f32 $1.442695020e+00, v1  }
0x264: {  	v7 =	vadd.f32 v60, v7;
	v62 =	vmul.f32 $2.000000030e-01, v5;
	v3 =	vmax.f32 v3, v10  }
0x265: {  	(erf) = vpow2.f32 v1;
	v1 =	vmul.f32 $1.442695020e+00, v3  }
0x266: {  	v63 =	vmul.f32 $2.000000030e-01, v7;
	v3 =	vmax.f32 v5, v62  }
0x267: {  	(erf) = vpow2.f32 v1;
	v1 =	vmul.f32 $1.442695020e+00, v3  }
0x268: {  	v3 =	vmax.f32 v7, v63  }
0x269: {  	(erf) = vpow2.f32 v1;
	v1 =	vmul.f32 $1.442695020e+00, v3;
	_ =	sdelay $0x1  }
0x26a: {  	(erf) = vpow2.f32 v1;
	_ =	sdelay $0x2  }
0x26b: {  	[tilespmem:$0x19480] =	vst v2  }
0x26c: {  	[tilespmem:$0x19490] =	vst v52  }
0x26d: {  	[tilespmem:$0x194A0] =	vst v54  }
0x26e: {  	[tilespmem:$0x194B0] =	vst v56;
	v1 =	vpop (erf)  }
0x26f: {  	[tilespmem:$0x1F580] =	vst v1;
	v1 =	vpop (erf)  }
0x270: {  	[tilespmem:$0x1F590] =	vst v1;
	v1 =	vpop (erf)  }
0x271: {  	[tilespmem:$0x1F5A0] =	vst v1;
	v1 =	vpop (erf)  }
0x272: {  	[tilespmem:$0x1F5B0] =	vst v1  }
.LBB2_13:
0x273: {  	s3 =	sshra.s32 s1, $0x2  }
0x274: {  	v1 =	vld [tilespmem:s3+$0x192C0]  }
0x275: {  	v2 =	vld [tilespmem:s3+$0x193C0];
	_ =	sdelay $0x6  }
0x276: {  	v1 =	vld.idx.msk [tilespmem:v1+s18+$0x0], $0xffff  }
0x277: {  	v3 =	vld.idx.msk [tilespmem:v2+s17+$0x0], $0xffff;
	_ =	sdelay $0x4  }
0x278: {  	v1 =	vadd.f32 v3, v1;
	_ =	sdelay $0x1  }
0x279: {  	v3 =	vmul.f32 $2.000000030e-01, v1;
	_ =	sdelay $0x1  }
0x27a: {  	v1 =	vmax.f32 v1, v3  }
0x27b: {  	v1 =	vmul.f32 $1.442695020e+00, v1;
	_ =	sdelay $0x1  }
0x27c: {  	(erf) = vpow2.f32 v1;
	_ =	sdelay $0x4  }
0x27d: {  	p0 =	sne.s32 s1, $0x40  }
.Ltmp5:
0x27e: {  	_ = 	snop;
	(pc) =	sbr.rel @p0 .LBB2_13-.Ltmp5, $3  }
0x27f: {  	_ =	sdelay $0x1  }
0x280: {  	[tilespmem:s3+$0x194C0] =	vst v2;
	v1 =	vpop (erf)  }
0x281: {  	s1 =	sadd.s32 $0x40, s1;
	[tilespmem:s3+$0x1F5C0] =	vst v1  }
0x282: {  	s1 =	simm.s32 $0x0  }
0x283: {  	s3 =	simm.s32 $0x2;
	v1 =	vmov s1  }
0x284: {  	s5 =	rddreg [dreg:$0x3];
	v2 =	vmov s3;
	v1 =	vand.u32 $0xFFFFFFFC, v1  }
0x285: {  	[spmem:s5] =	stream.indirect.scatter.add.f32 [tilespmem:s16], [sflag:$0x9], $0x1, s12, s0, $0xb8;
	v2 =	vand.u32 $0xFFFFFFFE, v2;
	v1 =	vbroadcast v1, $0x0;
	[tilespmem:$0x1F680] =	vst v63  }
0x286: {  	s1 =	simm.s32 $0x19680;
	v2 =	vbroadcast v2, $0x0  }
0x287: {  	v4 =	vld [tilespmem:s1+$0x70]  }
0x288: {  	v5 =	vld [tilespmem:s1+$0xFFFFFF00]  }
0x289: {  	s3 =	simm.s32 $0x1;
	v6 =	vld [tilespmem:s1+$0xFFFFFF10]  }
0x28a: {  	v3 =	vmov s3;
	v7 =	vld [tilespmem:s1+$0xFFFFFF20]  }
0x28b: {  	v3 =	vand.u32 $0xFFFFFFFD, v3;
	v1 =	vld.idx.msk [tilespmem:v1+s16+$0x0], $0xffff  }
0x28c: {  	v3 =	vbroadcast v3, $0x0;
	v2 =	vld.idx.msk [tilespmem:v2+s16+$0x0], $0xffff  }
0x28d: {  	v8 =	vld [tilespmem:s1+$0xFFFFFF30]  }
0x28e: {  	v9 =	vld [tilespmem:s1+$0xFFFFFF40]  }
0x28f: {  	v10 =	vld [tilespmem:s1+$0xFFFFFF50]  }
0x290: {  	v11 =	vld [tilespmem:s1+$0xFFFFFF60];
	v5 =	vmul.f32 v5, v1  }
0x291: {  	v13 =	vld [tilespmem:s1+$0x40];
	v4 =	vmul.f32 v4, v2  }
0x292: {  	v3 =	vld.idx.msk [tilespmem:v3+s16+$0x0], $0xffff;
	[tilespmem:s1+$0xFFFFFF00] =	vst v5;
	v5 =	vmul.f32 v6, v1  }
0x293: {  	v6 =	vld [tilespmem:s1+$0xFFFFFF70];
	[tilespmem:s1+$0x70] =	vst v4;
	v4 =	vmul.f32 v7, v1  }
0x294: {  	v7 =	vld [tilespmem:s1+$0xFFFFFF80];
	[tilespmem:s1+$0xFFFFFF10] =	vst v5;
	v5 =	vmul.f32 v8, v1  }
0x295: {  	v8 =	vld [tilespmem:s1+$0xFFFFFF90];
	[tilespmem:s1+$0xFFFFFF20] =	vst v4;
	v4 =	vmul.f32 v9, v1  }
0x296: {  	v9 =	vld [tilespmem:s1+$0xFFFFFFA0];
	[tilespmem:s1+$0xFFFFFF30] =	vst v5;
	v5 =	vmul.f32 v10, v1  }
0x297: {  	v10 =	vld [tilespmem:s1+$0xFFFFFFB0];
	[tilespmem:s1+$0xFFFFFF40] =	vst v4;
	v4 =	vmul.f32 v11, v1  }
0x298: {  	v11 =	vld [tilespmem:s1+$0xFFFFFFC0];
	v6 =	vmul.f32 v6, v1;
	[tilespmem:s1+$0xFFFFFF50] =	vst v5  }
0x299: {  	v5 =	vmul.f32 v7, v3;
	v7 =	vld [tilespmem:s1+$0xFFFFFFD0];
	[tilespmem:s1+$0xFFFFFF60] =	vst v4  }
0x29a: {  	s10 =	simm.s32 $0x3;
	v4 =	vld [tilespmem:s1+$0xFFFFFFE0];
	v8 =	vmul.f32 v8, v3;
	[tilespmem:s1+$0xFFFFFF70] =	vst v6  }
0x29b: {  	v12 =	vmov s10;
	v6 =	vld [tilespmem:s1+$0xFFFFFFF0];
	[tilespmem:s1+$0xFFFFFF80] =	vst v5;
	v5 =	vmul.f32 v9, v3  }
0x29c: {  	v9 =	vld [tilespmem:s1+$0x0];
	[tilespmem:s1+$0xFFFFFF90] =	vst v8;
	v8 =	vmul.f32 v10, v3  }
0x29d: {  	v10 =	vld [tilespmem:s1+$0x10];
	[tilespmem:s1+$0xFFFFFFA0] =	vst v5;
	v5 =	vmul.f32 v11, v3  }
0x29e: {  	[tilespmem:s1+$0xFFFFFFB0] =	vst v8;
	v7 =	vmul.f32 v7, v3;
	v8 =	vld [tilespmem:s1+$0x20]  }
0x29f: {  	v11 =	vld [tilespmem:s1+$0x30];
	v4 =	vmul.f32 v4, v3;
	[tilespmem:s1+$0xFFFFFFC0] =	vst v5  }
0x2a0: {  	v1 =	vld.idx.msk [tilespmem:v12+s16+$0x0], $0xffff;
	v3 =	vmul.f32 v6, v3;
	[tilespmem:s1+$0xFFFFFFD0] =	vst v7  }
0x2a1: {  	[tilespmem:s1+$0xFFFFFFE0] =	vst v4;
	v5 =	vmul.f32 v9, v2;
	v4 =	vld [tilespmem:s1+$0x50]  }
0x2a2: {  	s11 =	simm.s32 $0x4;
	[tilespmem:s1+$0xFFFFFFF0] =	vst v3;
	v6 =	vmul.f32 v10, v2;
	v3 =	vld [tilespmem:s1+$0x60]  }
0x2a3: {  	s28 =	simm.s32 $0x7;
	v7 =	vmov s11;
	[tilespmem:s1+$0x0] =	vst v5;
	v9 =	vmul.f32 v8, v2;
	v8 =	vld [tilespmem:s1+$0x80]  }
0x2a4: {  	s5 =	simm.s32 $0x5;
	v12 =	vand.u32 $0xFFFFFFFC, v7;
	v7 =	vld [tilespmem:s1+$0x90];
	v5 =	vmov s28;
	v10 =	vmul.f32 v11, v2;
	[tilespmem:s1+$0x10] =	vst v6  }
0x2a5: {  	s10 =	simm.s32 $0x6;
	s3 =	simm.s32 $0x8;
	v11 =	vmul.f32 v13, v2;
	v6 =	vbroadcast v12, $0x0;
	v12 =	vmov s5;
	s5 =	simm.s32 $0x19680;
	[tilespmem:s1+$0x20] =	vst v9;
	v9 =	vld [tilespmem:s1+$0xA0]  }
.LBB2_15:
0x2a6: {  	p0 =	slt.u32 s3, $0x5C;
	v12 =	vand.u32 $0xFFFFFFFD, v12;
	v13 =	vmov s10;
	[tilespmem:s1+$0x30] =	vst v10;
	v4 =	vmul.f32 v4, v2;
	v10 =	vld [tilespmem:s1+$0xB0]  }
0x2a7: {  	v12 =	vbroadcast v12, $0x0;
	v13 =	vand.u32 $0xFFFFFFFE, v13;
	[tilespmem:s1+$0x40] =	vst v11;
	v2 =	vmul.f32 v3, v2;
	v3 =	vld [tilespmem:s1+$0xC0]  }
0x2a8: {  	v11 =	vbroadcast v13, $0x0;
	[tilespmem:s1+$0x50] =	vst v4;
	v4 =	vmul.f32 v8, v1;
	v8 =	vld [tilespmem:s1+$0xD0]  }
0x2a9: {  	[tilespmem:s1+$0x60] =	vst v2;
	v2 =	vmul.f32 v7, v1;
	v7 =	vld [tilespmem:s1+$0xE0]  }
0x2aa: {  	[tilespmem:s1+$0x80] =	vst v4;
	v4 =	vmul.f32 v9, v1;
	v9 =	vld [tilespmem:s1+$0xF0]  }
0x2ab: {  	v5 =	vld.idx.msk [tilespmem:v5+s16+$0x0], $0xffff;
	[tilespmem:s1+$0x90] =	vst v2;
	v2 =	vmul.f32 v10, v1  }
0x2ac: {  	v6 =	vld.idx.msk [tilespmem:v6+s16+$0x0], $0xffff;
	[tilespmem:s1+$0xA0] =	vst v4;
	v3 =	vmul.f32 v3, v1  }
0x2ad: {  	v4 =	vld.idx.msk [tilespmem:v12+s16+$0x0], $0xffff;
	[tilespmem:s1+$0xB0] =	vst v2;
	v8 =	vmul.f32 v8, v1  }
0x2ae: {  	s1 =	sadd.s32 $0x200, s1;
	v2 =	vld.idx.msk [tilespmem:v11+s16+$0x0], $0xffff;
	[tilespmem:s5+$0xC0] =	vst v3;
	v3 =	vmul.f32 v7, v1  }
0x2af: {  	v7 =	vld [tilespmem:s1+$0x70];
	[tilespmem:s5+$0xD0] =	vst v8;
	v9 =	vmul.f32 v9, v1  }
0x2b0: {  	v8 =	vld [tilespmem:s1+$0xFFFFFF00];
	[tilespmem:s5+$0xE0] =	vst v3  }
0x2b1: {  	v1 =	vmov v5;
	v3 =	vld [tilespmem:s1+$0xFFFFFF10];
	[tilespmem:s5+$0xF0] =	vst v9;
	s5 =	smov.u32 s1  }
0x2b2: {  	v5 =	vld [tilespmem:s1+$0xFFFFFF20]  }
0x2b3: {  	v9 =	vld [tilespmem:s1+$0xFFFFFF30]  }
0x2b4: {  	v10 =	vld [tilespmem:s1+$0xFFFFFF40];
	v7 =	vmul.f32 v7, v2  }
0x2b5: {  	v8 =	vmul.f32 v8, v6;
	v11 =	vld [tilespmem:s1+$0xFFFFFF50]  }
0x2b6: {  	v3 =	vmul.f32 v3, v6;
	v12 =	vld [tilespmem:s1+$0xFFFFFF60];
	[tilespmem:s1+$0x70] =	vst v7  }
0x2b7: {  	[tilespmem:s1+$0xFFFFFF00] =	vst v8;
	v5 =	vmul.f32 v5, v6;
	v7 =	vld [tilespmem:s1+$0xFFFFFF70]  }
0x2b8: {  	[tilespmem:s1+$0xFFFFFF10] =	vst v3;
	v3 =	vmul.f32 v9, v6;
	v8 =	vld [tilespmem:s1+$0xFFFFFF80]  }
0x2b9: {  	[tilespmem:s1+$0xFFFFFF20] =	vst v5;
	v5 =	vmul.f32 v10, v6;
	v9 =	vld [tilespmem:s1+$0xFFFFFF90]  }
0x2ba: {  	[tilespmem:s1+$0xFFFFFF30] =	vst v3;
	v3 =	vmul.f32 v11, v6;
	v10 =	vld [tilespmem:s1+$0xFFFFFFA0]  }
0x2bb: {  	[tilespmem:s1+$0xFFFFFF40] =	vst v5;
	v5 =	vmul.f32 v12, v6;
	v11 =	vld [tilespmem:s1+$0xFFFFFFB0]  }
0x2bc: {  	[tilespmem:s1+$0xFFFFFF50] =	vst v3;
	v3 =	vmul.f32 v7, v6;
	v6 =	vld [tilespmem:s1+$0xFFFFFFC0]  }
0x2bd: {  	[tilespmem:s1+$0xFFFFFF60] =	vst v5;
	v5 =	vmul.f32 v8, v4;
	v7 =	vld [tilespmem:s1+$0xFFFFFFD0]  }
0x2be: {  	[tilespmem:s1+$0xFFFFFF70] =	vst v3;
	v3 =	vmul.f32 v9, v4;
	v8 =	vld [tilespmem:s1+$0xFFFFFFE0]  }
0x2bf: {  	[tilespmem:s1+$0xFFFFFF80] =	vst v5;
	v5 =	vmul.f32 v10, v4;
	v9 =	vld [tilespmem:s1+$0xFFFFFFF0]  }
0x2c0: {  	[tilespmem:s1+$0xFFFFFF90] =	vst v3;
	v3 =	vmul.f32 v11, v4;
	v10 =	vld [tilespmem:s1+$0x0]  }
0x2c1: {  	[tilespmem:s1+$0xFFFFFFA0] =	vst v5;
	v5 =	vmul.f32 v6, v4;
	v6 =	vld [tilespmem:s1+$0x10]  }
0x2c2: {  	[tilespmem:s1+$0xFFFFFFB0] =	vst v3;
	v3 =	vmul.f32 v7, v4;
	v7 =	vld [tilespmem:s1+$0x20]  }
0x2c3: {  	[tilespmem:s1+$0xFFFFFFC0] =	vst v5;
	v5 =	vmul.f32 v8, v4;
	v11 =	vld [tilespmem:s1+$0x30]  }
0x2c4: {  	[tilespmem:s1+$0xFFFFFFD0] =	vst v3;
	v3 =	vmul.f32 v9, v4;
	v9 =	vld [tilespmem:s1+$0x40]  }
.Ltmp6:
0x2c5: {  	[tilespmem:s1+$0xFFFFFFE0] =	vst v5;
	v5 =	vmul.f32 v10, v2;
	v4 =	vld [tilespmem:s1+$0x50];
	(pc) =	sbr.rel @p0 .LBB2_15-.Ltmp6, $4  }
0x2c6: {  	[tilespmem:s1+$0xFFFFFFF0] =	vst v3;
	v6 =	vmul.f32 v6, v2;
	v3 =	vld [tilespmem:s1+$0x60]  }
0x2c7: {  	s10 =	sadd.s32 $0x3, s3;
	v10 =	vmov s3;
	[tilespmem:s1+$0x0] =	vst v5;
	v13 =	vmul.f32 v7, v2;
	v8 =	vld [tilespmem:s1+$0x80]  }
0x2c8: {  	s11 =	sadd.s32 $0x1, s3;
	v12 =	vand.u32 $0xFFFFFFFC, v10;
	v5 =	vmov s10;
	[tilespmem:s1+$0x10] =	vst v6;
	v10 =	vmul.f32 v11, v2;
	v7 =	vld [tilespmem:s1+$0x90]  }
0x2c9: {  	s10 =	sadd.s32 $0x2, s3;
	s3 =	sadd.s32 $0x4, s3;
	v6 =	vbroadcast v12, $0x0;
	v12 =	vmov s11;
	[tilespmem:s1+$0x20] =	vst v13;
	v11 =	vmul.f32 v9, v2;
	v9 =	vld [tilespmem:s1+$0xA0]  }
0x2ca: {  	v13 =	vld [tilespmem:s1+$0xB0]  }
0x2cb: {  	v15 =	vld [tilespmem:s1+$0xC0]  }
0x2cc: {  	v16 =	vld [tilespmem:s1+$0xD0]  }
0x2cd: {  	v17 =	vld [tilespmem:s1+$0xE0]  }
0x2ce: {  	v29 =	vld [tilespmem:s1+$0xF0];
	[tilespmem:s1+$0x30] =	vst v10;
	v4 =	vmul.f32 v4, v2  }
0x2cf: {  	v5 =	vld.idx.msk [tilespmem:v5+s16+$0x0], $0xffff;
	[tilespmem:s1+$0x40] =	vst v11;
	v2 =	vmul.f32 v3, v2  }
0x2d0: {  	s3 =	sadd.s32 $0x200, s1;
	v3 =	vld.idx.msk [tilespmem:v6+s16+$0x0], $0xffff;
	v8 =	vmul.f32 v8, v1;
	[tilespmem:s1+$0x50] =	vst v4  }
0x2d1: {  	v14 =	vmov s10;
	v34 =	vld [tilespmem:s3+$0x70];
	v30 =	vmul.f32 v7, v1;
	[tilespmem:s1+$0x60] =	vst v2  }
0x2d2: {  	v14 =	vand.u32 $0xFFFFFFFE, v14;
	v35 =	vld [tilespmem:s3+$0xFFFFFF00];
	[tilespmem:s1+$0x80] =	vst v8;
	v2 =	vmul.f32 v9, v1  }
0x2d3: {  	v37 =	vld [tilespmem:s3+$0xFFFFFF10];
	v14 =	vbroadcast v14, $0x0;
	[tilespmem:s1+$0x90] =	vst v30;
	v33 =	vmul.f32 v13, v1  }
0x2d4: {  	v38 =	vld [tilespmem:s3+$0xFFFFFF20];
	[tilespmem:s1+$0xA0] =	vst v2;
	v2 =	vmul.f32 v15, v1  }
0x2d5: {  	v12 =	vand.u32 $0xFFFFFFFD, v12;
	v39 =	vld [tilespmem:s3+$0xFFFFFF30];
	v36 =	vmul.f32 v16, v1;
	[tilespmem:s1+$0xB0] =	vst v33  }
0x2d6: {  	v12 =	vbroadcast v12, $0x0;
	v41 =	vld [tilespmem:s3+$0xFFFFFF50];
	[tilespmem:s5+$0xC0] =	vst v2;
	v2 =	vmul.f32 v17, v1  }
0x2d7: {  	v43 =	vld [tilespmem:s3+$0xFFFFFF60];
	[tilespmem:s5+$0xD0] =	vst v36;
	v1 =	vmul.f32 v29, v1  }
0x2d8: {  	v42 =	vmul.f32 v37, v3;
	[tilespmem:s5+$0xE0] =	vst v2;
	v2 =	vld [tilespmem:s3+$0xFFFFFF40]  }
0x2d9: {  	v32 =	vld.idx.msk [tilespmem:v14+s16+$0x0], $0xffff;
	[tilespmem:s5+$0xF0] =	vst v1;
	v1 =	vmul.f32 v35, v3  }
0x2da: {  	v44 =	vld [tilespmem:s3+$0xFFFFFF70];
	v4 =	vmul.f32 v39, v3;
	[tilespmem:s3+$0xFFFFFF10] =	vst v42  }
0x2db: {  	v45 =	vld [tilespmem:s3+$0xFFFFFF80];
	[tilespmem:s3+$0xFFFFFF00] =	vst v1;
	v1 =	vmul.f32 v38, v3  }
0x2dc: {  	v46 =	vmul.f32 v41, v3;
	v31 =	vld.idx.msk [tilespmem:v12+s16+$0x0], $0xffff;
	[tilespmem:s3+$0xFFFFFF30] =	vst v4  }
0x2dd: {  	[tilespmem:s3+$0xFFFFFF20] =	vst v1;
	v1 =	vmul.f32 v2, v3;
	v2 =	vld [tilespmem:s3+$0xFFFFFF90]  }
0x2de: {  	v47 =	vld [tilespmem:s3+$0xFFFFFFA0];
	[tilespmem:s3+$0xFFFFFF50] =	vst v46;
	v40 =	vmul.f32 v34, v32  }
0x2df: {  	v48 =	vld [tilespmem:s3+$0xFFFFFFB0];
	[tilespmem:s3+$0xFFFFFF40] =	vst v1;
	v1 =	vmul.f32 v43, v3  }
0x2e0: {  	v49 =	vld [tilespmem:s3+$0xFFFFFFC0];
	[tilespmem:s3+$0x70] =	vst v40;
	v3 =	vmul.f32 v44, v3  }
0x2e1: {  	v50 =	vld [tilespmem:s3+$0xFFFFFFD0];
	[tilespmem:s3+$0xFFFFFF60] =	vst v1;
	v1 =	vmul.f32 v45, v31  }
0x2e2: {  	[tilespmem:s3+$0xFFFFFF70] =	vst v3;
	v3 =	vld [tilespmem:s3+$0xFFFFFFE0];
	v2 =	vmul.f32 v2, v31  }
0x2e3: {  	v51 =	vld [tilespmem:s3+$0xFFFFFFF0];
	[tilespmem:s3+$0xFFFFFF80] =	vst v1;
	v1 =	vmul.f32 v47, v31  }
0x2e4: {  	v52 =	vld [tilespmem:s3+$0x0];
	[tilespmem:s3+$0xFFFFFF90] =	vst v2;
	v2 =	vmul.f32 v48, v31  }
0x2e5: {  	v53 =	vld [tilespmem:s3+$0x10];
	[tilespmem:s3+$0xFFFFFFA0] =	vst v1;
	v1 =	vmul.f32 v49, v31  }
0x2e6: {  	v54 =	vld [tilespmem:s3+$0x20];
	[tilespmem:s3+$0xFFFFFFB0] =	vst v2;
	v2 =	vmul.f32 v50, v31  }
0x2e7: {  	[tilespmem:s3+$0xFFFFFFC0] =	vst v1;
	v1 =	vmul.f32 v3, v31;
	v3 =	vld [tilespmem:s3+$0x30]  }
0x2e8: {  	v55 =	vld [tilespmem:s3+$0x40];
	[tilespmem:s3+$0xFFFFFFD0] =	vst v2;
	v2 =	vmul.f32 v51, v31  }
0x2e9: {  	v56 =	vld [tilespmem:s3+$0x50];
	[tilespmem:s3+$0xFFFFFFE0] =	vst v1;
	v1 =	vmul.f32 v52, v32  }
0x2ea: {  	v57 =	vld [tilespmem:s3+$0x60];
	[tilespmem:s3+$0xFFFFFFF0] =	vst v2;
	v2 =	vmul.f32 v53, v32  }
0x2eb: {  	v58 =	vld [tilespmem:s3+$0x80];
	[tilespmem:s3+$0x0] =	vst v1;
	v1 =	vmul.f32 v54, v32  }
0x2ec: {  	[tilespmem:s3+$0x10] =	vst v2;
	v2 =	vmul.f32 v3, v32;
	v3 =	vld [tilespmem:s3+$0x90]  }
0x2ed: {  	v59 =	vld [tilespmem:s3+$0xA0];
	[tilespmem:s3+$0x20] =	vst v1;
	v1 =	vmul.f32 v55, v32  }
0x2ee: {  	v60 =	vld [tilespmem:s3+$0xB0];
	[tilespmem:s3+$0x30] =	vst v2;
	v2 =	vmul.f32 v56, v32  }
0x2ef: {  	v61 =	vld [tilespmem:s3+$0xC0];
	[tilespmem:s3+$0x40] =	vst v1;
	v1 =	vmul.f32 v57, v32  }
0x2f0: {  	v62 =	vld [tilespmem:s3+$0xD0];
	[tilespmem:s3+$0x50] =	vst v2;
	v2 =	vmul.f32 v58, v5  }
0x2f1: {  	[tilespmem:s3+$0x60] =	vst v1;
	v1 =	vmul.f32 v3, v5;
	v3 =	vld [tilespmem:s3+$0xE0]  }
0x2f2: {  	v63 =	vld [tilespmem:s3+$0xF0];
	[tilespmem:s3+$0x80] =	vst v2;
	v2 =	vmul.f32 v59, v5  }
0x2f3: {  	[tilespmem:s3+$0x90] =	vst v1;
	v1 =	vmul.f32 v60, v5  }
0x2f4: {  	[tilespmem:s3+$0xA0] =	vst v2;
	v2 =	vmul.f32 v61, v5  }
0x2f5: {  	[tilespmem:s3+$0xB0] =	vst v1;
	v1 =	vmul.f32 v62, v5  }
0x2f6: {  	[tilespmem:s3+$0xC0] =	vst v2;
	v2 =	vmul.f32 v3, v5  }
0x2f7: {  	[tilespmem:s3+$0xD0] =	vst v1;
	v1 =	vmul.f32 v63, v5  }
0x2f8: {  	[tilespmem:s3+$0xE0] =	vst v2  }
0x2f9: {  	[tilespmem:s3+$0xF0] =	vst v1  }
0x2fa: {  	s10 =	sld [smem:$0x7FA]  }
0x2fb: {  	s30 =	sadd.s32 $0x1, s30;
	s5 =	rddreg [dreg:$0x2]  }
0x2fc: {  	[spmem:s5] =	stream.indirect.scatter.add.f32 [tilespmem:s15], [sflag:$0x7], $0x80, s12, s0, $0xb8;
	[tilespmem:$0x1F680] =	vst v63  }
0x2fd: {  	p0 =	sne.s32 s30, $0x35;
	s1 =	sadd.s32 s25, s10  }
.Ltmp7:
0x2fe: {  	s11 =	rddreg [dreg:$0x1];
	s1 =	sshrl.u32 s1, $0x3;
	(pc) =	sbr.rel @p0 .LBB2_8-.Ltmp7, $4  }
0x2ff: {  	s25 =	simm.s32 $0x0;
	s3 =	sadd.s32 s11, s1  }
0x300: {  	[tilespmem:s24], [sflag:$0x3] =	stream.linear.gather [hbm4b:s3+s25], $0x60, $0x38;
	[tilespmem:$0x1F680] =	vst v63  }
0x301: {  	s28 =	simm.s32 $0x19380;
	s1 =	sadd.s32 s29, s1  }
0x302: {  	[tilespmem:s28], [sflag:$0x5] =	stream.linear.gather [hbm4b:s1+s25], $0x60, $0x38;
	[tilespmem:$0x1F680] =	vst v63  }
0x303: {  	_ =	swait.ge [sflag:s21], $0x60  }
0x304: {  	[sflag:s21] =	ssyncset.done $0x0  }
0x305: {  	[sflag:s21] =	ssyncadd.s32 $0xFFFFFFA0  }
0x306: {  	_ =	swait.ge [sflag:s19], $0x3000  }
0x307: {  	[sflag:s19] =	ssyncset.done $0x0  }
0x308: {  	[sflag:s19] =	ssyncadd.s32 $0xFFFFD000  }
0x309: {  	_ =	swait.ge [sflag:s23], $0x3000  }
0x30a: {  	[sflag:s23] =	ssyncset.done $0x0  }
0x30b: {  	[sflag:s23] =	ssyncadd.s32 $0xFFFFD000  }
0x30c: {  	v1 =	vld [tilespmem:$0x19300]  }
0x30d: {  	v2 =	vld [tilespmem:$0x19400]  }
0x30e: {  	v3 =	vld [tilespmem:$0x19310]  }
0x30f: {  	v4 =	vld [tilespmem:$0x19410]  }
0x310: {  	v5 =	vld [tilespmem:$0x19320]  }
0x311: {  	v6 =	vld [tilespmem:$0x19420]  }
0x312: {  	v7 =	vld [tilespmem:$0x19330]  }
0x313: {  	v8 =	vld [tilespmem:$0x19430]  }
0x314: {  	v1 =	vld.idx.msk [tilespmem:v1+s18+$0x0], $0xffff  }
0x315: {  	v9 =	vld.idx.msk [tilespmem:v2+s17+$0x0], $0xffff  }
0x316: {  	v3 =	vld.idx.msk [tilespmem:v3+s18+$0x0], $0xffff  }
0x317: {  	v10 =	vld.idx.msk [tilespmem:v4+s17+$0x0], $0xffff  }
0x318: {  	v5 =	vld.idx.msk [tilespmem:v5+s18+$0x0], $0xffff  }
0x319: {  	v11 =	vld.idx.msk [tilespmem:v6+s17+$0x0], $0xffff  }
0x31a: {  	v7 =	vld.idx.msk [tilespmem:v7+s18+$0x0], $0xffff;
	v1 =	vadd.f32 v9, v1  }
0x31b: {  	v59 =	vld.idx.msk [tilespmem:v8+s17+$0x0], $0xffff  }
0x31c: {  	v3 =	vadd.f32 v10, v3;
	v60 =	vmul.f32 $2.000000030e-01, v1;
	_ =	sdelay $0x1  }
0x31d: {  	v5 =	vadd.f32 v11, v5;
	v61 =	vmul.f32 $2.000000030e-01, v3;
	v1 =	vmax.f32 v1, v60  }
0x31e: {  	v1 =	vmul.f32 $1.442695020e+00, v1  }
0x31f: {  	v7 =	vadd.f32 v59, v7;
	v62 =	vmul.f32 $2.000000030e-01, v5;
	v3 =	vmax.f32 v3, v61  }
0x320: {  	(erf) = vpow2.f32 v1;
	v1 =	vmul.f32 $1.442695020e+00, v3  }
0x321: {  	v63 =	vmul.f32 $2.000000030e-01, v7;
	v3 =	vmax.f32 v5, v62  }
0x322: {  	(erf) = vpow2.f32 v1;
	v1 =	vmul.f32 $1.442695020e+00, v3  }
0x323: {  	v3 =	vmax.f32 v7, v63  }
0x324: {  	(erf) = vpow2.f32 v1;
	v1 =	vmul.f32 $1.442695020e+00, v3;
	_ =	sdelay $0x1  }
0x325: {  	(erf) = vpow2.f32 v1;
	_ =	sdelay $0x2  }
0x326: {  	[tilespmem:$0x19500] =	vst v2  }
0x327: {  	[tilespmem:$0x19510] =	vst v4  }
0x328: {  	[tilespmem:$0x19520] =	vst v6  }
0x329: {  	[tilespmem:$0x19530] =	vst v8;
	v1 =	vpop (erf)  }
0x32a: {  	[tilespmem:$0x1F600] =	vst v1;
	v1 =	vpop (erf)  }
0x32b: {  	[tilespmem:$0x1F610] =	vst v1;
	v1 =	vpop (erf)  }
0x32c: {  	[tilespmem:$0x1F620] =	vst v1;
	v1 =	vpop (erf)  }
0x32d: {  	s1 =	simm.s32 $0x0;
	s25 =	rddreg [dreg:$0x5];
	[tilespmem:$0x1F630] =	vst v1  }
.LBB2_18:
0x32e: {  	s3 =	sshra.s32 s1, $0x2  }
0x32f: {  	v1 =	vld [tilespmem:s3+$0x19340]  }
0x330: {  	v2 =	vld [tilespmem:s3+$0x19440];
	_ =	sdelay $0x6  }
0x331: {  	v1 =	vld.idx.msk [tilespmem:v1+s18+$0x0], $0xffff  }
0x332: {  	v3 =	vld.idx.msk [tilespmem:v2+s17+$0x0], $0xffff;
	_ =	sdelay $0x4  }
0x333: {  	v1 =	vadd.f32 v3, v1;
	_ =	sdelay $0x1  }
0x334: {  	v3 =	vmul.f32 $2.000000030e-01, v1;
	_ =	sdelay $0x1  }
0x335: {  	v1 =	vmax.f32 v1, v3  }
0x336: {  	v1 =	vmul.f32 $1.442695020e+00, v1;
	_ =	sdelay $0x1  }
0x337: {  	(erf) = vpow2.f32 v1;
	_ =	sdelay $0x4  }
0x338: {  	p0 =	sne.s32 s1, $0x40  }
.Ltmp8:
0x339: {  	_ = 	snop;
	(pc) =	sbr.rel @p0 .LBB2_18-.Ltmp8, $3  }
0x33a: {  	_ =	sdelay $0x1  }
0x33b: {  	[tilespmem:s3+$0x19540] =	vst v2;
	v1 =	vpop (erf)  }
0x33c: {  	s1 =	sadd.s32 $0x40, s1;
	[tilespmem:s3+$0x1F640] =	vst v1  }
0x33d: {  	s1 =	simm.s32 $0x0  }
0x33e: {  	s5 =	simm.s32 $0x2;
	v1 =	vmov s1  }
0x33f: {  	s10 =	rddreg [dreg:$0x3];
	v2 =	vmov s5;
	v1 =	vand.u32 $0xFFFFFFFC, v1  }
0x340: {  	[spmem:s10] =	stream.indirect.scatter.add.f32 [tilespmem:s14], [sflag:$0xA], $0x1, s13, s0, $0xb8;
	v2 =	vand.u32 $0xFFFFFFFE, v2;
	v1 =	vbroadcast v1, $0x0;
	[tilespmem:$0x1F680] =	vst v63  }
0x341: {  	s1 =	simm.s32 $0x1C680;
	v2 =	vbroadcast v2, $0x0  }
0x342: {  	v4 =	vld [tilespmem:s1+$0x70]  }
0x343: {  	v5 =	vld [tilespmem:s1+$0xFFFFFF00]  }
0x344: {  	s3 =	simm.s32 $0x1;
	v6 =	vld [tilespmem:s1+$0xFFFFFF10]  }
0x345: {  	v3 =	vmov s3;
	v7 =	vld [tilespmem:s1+$0xFFFFFF20]  }
0x346: {  	v3 =	vand.u32 $0xFFFFFFFD, v3;
	v1 =	vld.idx.msk [tilespmem:v1+s14+$0x0], $0xffff  }
0x347: {  	v3 =	vbroadcast v3, $0x0;
	v2 =	vld.idx.msk [tilespmem:v2+s14+$0x0], $0xffff  }
0x348: {  	v8 =	vld [tilespmem:s1+$0xFFFFFF30]  }
0x349: {  	v9 =	vld [tilespmem:s1+$0xFFFFFF40]  }
0x34a: {  	v10 =	vld [tilespmem:s1+$0xFFFFFF50]  }
0x34b: {  	v11 =	vld [tilespmem:s1+$0xFFFFFF60];
	v5 =	vmul.f32 v5, v1  }
0x34c: {  	v13 =	vld [tilespmem:s1+$0x40];
	v4 =	vmul.f32 v4, v2  }
0x34d: {  	v3 =	vld.idx.msk [tilespmem:v3+s14+$0x0], $0xffff;
	[tilespmem:s1+$0xFFFFFF00] =	vst v5;
	v5 =	vmul.f32 v6, v1  }
0x34e: {  	v6 =	vld [tilespmem:s1+$0xFFFFFF70];
	[tilespmem:s1+$0x70] =	vst v4;
	v4 =	vmul.f32 v7, v1  }
0x34f: {  	v7 =	vld [tilespmem:s1+$0xFFFFFF80];
	[tilespmem:s1+$0xFFFFFF10] =	vst v5;
	v5 =	vmul.f32 v8, v1  }
0x350: {  	v8 =	vld [tilespmem:s1+$0xFFFFFF90];
	[tilespmem:s1+$0xFFFFFF20] =	vst v4;
	v4 =	vmul.f32 v9, v1  }
0x351: {  	v9 =	vld [tilespmem:s1+$0xFFFFFFA0];
	[tilespmem:s1+$0xFFFFFF30] =	vst v5;
	v5 =	vmul.f32 v10, v1  }
0x352: {  	v10 =	vld [tilespmem:s1+$0xFFFFFFB0];
	[tilespmem:s1+$0xFFFFFF40] =	vst v4;
	v4 =	vmul.f32 v11, v1  }
0x353: {  	v11 =	vld [tilespmem:s1+$0xFFFFFFC0];
	v6 =	vmul.f32 v6, v1;
	[tilespmem:s1+$0xFFFFFF50] =	vst v5  }
0x354: {  	v5 =	vmul.f32 v7, v3;
	v7 =	vld [tilespmem:s1+$0xFFFFFFD0];
	[tilespmem:s1+$0xFFFFFF60] =	vst v4  }
0x355: {  	s11 =	simm.s32 $0x3;
	v4 =	vld [tilespmem:s1+$0xFFFFFFE0];
	v8 =	vmul.f32 v8, v3;
	[tilespmem:s1+$0xFFFFFF70] =	vst v6  }
0x356: {  	v12 =	vmov s11;
	v6 =	vld [tilespmem:s1+$0xFFFFFFF0];
	[tilespmem:s1+$0xFFFFFF80] =	vst v5;
	v5 =	vmul.f32 v9, v3  }
0x357: {  	v9 =	vld [tilespmem:s1+$0x0];
	[tilespmem:s1+$0xFFFFFF90] =	vst v8;
	v8 =	vmul.f32 v10, v3  }
0x358: {  	v10 =	vld [tilespmem:s1+$0x10];
	[tilespmem:s1+$0xFFFFFFA0] =	vst v5;
	v5 =	vmul.f32 v11, v3  }
0x359: {  	[tilespmem:s1+$0xFFFFFFB0] =	vst v8;
	v7 =	vmul.f32 v7, v3;
	v8 =	vld [tilespmem:s1+$0x20]  }
0x35a: {  	v11 =	vld [tilespmem:s1+$0x30];
	v4 =	vmul.f32 v4, v3;
	[tilespmem:s1+$0xFFFFFFC0] =	vst v5  }
0x35b: {  	v1 =	vld.idx.msk [tilespmem:v12+s14+$0x0], $0xffff;
	v3 =	vmul.f32 v6, v3;
	[tilespmem:s1+$0xFFFFFFD0] =	vst v7  }
0x35c: {  	[tilespmem:s1+$0xFFFFFFE0] =	vst v4;
	v5 =	vmul.f32 v9, v2;
	v4 =	vld [tilespmem:s1+$0x50]  }
0x35d: {  	s28 =	simm.s32 $0x4;
	[tilespmem:s1+$0xFFFFFFF0] =	vst v3;
	v6 =	vmul.f32 v10, v2;
	v3 =	vld [tilespmem:s1+$0x60]  }
0x35e: {  	s30 =	simm.s32 $0x7;
	v7 =	vmov s28;
	[tilespmem:s1+$0x0] =	vst v5;
	v9 =	vmul.f32 v8, v2;
	v8 =	vld [tilespmem:s1+$0x80]  }
0x35f: {  	s5 =	simm.s32 $0x5;
	v12 =	vand.u32 $0xFFFFFFFC, v7;
	v7 =	vld [tilespmem:s1+$0x90];
	v5 =	vmov s30;
	v10 =	vmul.f32 v11, v2;
	[tilespmem:s1+$0x10] =	vst v6  }
0x360: {  	s10 =	simm.s32 $0x6;
	s3 =	simm.s32 $0x8;
	v11 =	vmul.f32 v13, v2;
	v6 =	vbroadcast v12, $0x0;
	v12 =	vmov s5;
	s5 =	simm.s32 $0x1C680;
	[tilespmem:s1+$0x20] =	vst v9;
	v9 =	vld [tilespmem:s1+$0xA0]  }
.LBB2_20:
0x361: {  	p0 =	slt.u32 s3, $0x5C;
	v12 =	vand.u32 $0xFFFFFFFD, v12;
	v13 =	vmov s10;
	[tilespmem:s1+$0x30] =	vst v10;
	v4 =	vmul.f32 v4, v2;
	v10 =	vld [tilespmem:s1+$0xB0]  }
0x362: {  	v12 =	vbroadcast v12, $0x0;
	v13 =	vand.u32 $0xFFFFFFFE, v13;
	[tilespmem:s1+$0x40] =	vst v11;
	v2 =	vmul.f32 v3, v2;
	v3 =	vld [tilespmem:s1+$0xC0]  }
0x363: {  	v11 =	vbroadcast v13, $0x0;
	[tilespmem:s1+$0x50] =	vst v4;
	v4 =	vmul.f32 v8, v1;
	v8 =	vld [tilespmem:s1+$0xD0]  }
0x364: {  	[tilespmem:s1+$0x60] =	vst v2;
	v2 =	vmul.f32 v7, v1;
	v7 =	vld [tilespmem:s1+$0xE0]  }
0x365: {  	[tilespmem:s1+$0x80] =	vst v4;
	v4 =	vmul.f32 v9, v1;
	v9 =	vld [tilespmem:s1+$0xF0]  }
0x366: {  	v5 =	vld.idx.msk [tilespmem:v5+s14+$0x0], $0xffff;
	[tilespmem:s1+$0x90] =	vst v2;
	v2 =	vmul.f32 v10, v1  }
0x367: {  	v6 =	vld.idx.msk [tilespmem:v6+s14+$0x0], $0xffff;
	[tilespmem:s1+$0xA0] =	vst v4;
	v3 =	vmul.f32 v3, v1  }
0x368: {  	v4 =	vld.idx.msk [tilespmem:v12+s14+$0x0], $0xffff;
	[tilespmem:s1+$0xB0] =	vst v2;
	v8 =	vmul.f32 v8, v1  }
0x369: {  	s1 =	sadd.s32 $0x200, s1;
	v2 =	vld.idx.msk [tilespmem:v11+s14+$0x0], $0xffff;
	[tilespmem:s5+$0xC0] =	vst v3;
	v3 =	vmul.f32 v7, v1  }
0x36a: {  	v7 =	vld [tilespmem:s1+$0x70];
	[tilespmem:s5+$0xD0] =	vst v8;
	v9 =	vmul.f32 v9, v1  }
0x36b: {  	v8 =	vld [tilespmem:s1+$0xFFFFFF00];
	[tilespmem:s5+$0xE0] =	vst v3  }
0x36c: {  	v1 =	vmov v5;
	v3 =	vld [tilespmem:s1+$0xFFFFFF10];
	[tilespmem:s5+$0xF0] =	vst v9;
	s5 =	smov.u32 s1  }
0x36d: {  	v5 =	vld [tilespmem:s1+$0xFFFFFF20]  }
0x36e: {  	v9 =	vld [tilespmem:s1+$0xFFFFFF30]  }
0x36f: {  	v10 =	vld [tilespmem:s1+$0xFFFFFF40];
	v7 =	vmul.f32 v7, v2  }
0x370: {  	v8 =	vmul.f32 v8, v6;
	v11 =	vld [tilespmem:s1+$0xFFFFFF50]  }
0x371: {  	v3 =	vmul.f32 v3, v6;
	v12 =	vld [tilespmem:s1+$0xFFFFFF60];
	[tilespmem:s1+$0x70] =	vst v7  }
0x372: {  	[tilespmem:s1+$0xFFFFFF00] =	vst v8;
	v5 =	vmul.f32 v5, v6;
	v7 =	vld [tilespmem:s1+$0xFFFFFF70]  }
0x373: {  	[tilespmem:s1+$0xFFFFFF10] =	vst v3;
	v3 =	vmul.f32 v9, v6;
	v8 =	vld [tilespmem:s1+$0xFFFFFF80]  }
0x374: {  	[tilespmem:s1+$0xFFFFFF20] =	vst v5;
	v5 =	vmul.f32 v10, v6;
	v9 =	vld [tilespmem:s1+$0xFFFFFF90]  }
0x375: {  	[tilespmem:s1+$0xFFFFFF30] =	vst v3;
	v3 =	vmul.f32 v11, v6;
	v10 =	vld [tilespmem:s1+$0xFFFFFFA0]  }
0x376: {  	[tilespmem:s1+$0xFFFFFF40] =	vst v5;
	v5 =	vmul.f32 v12, v6;
	v11 =	vld [tilespmem:s1+$0xFFFFFFB0]  }
0x377: {  	[tilespmem:s1+$0xFFFFFF50] =	vst v3;
	v3 =	vmul.f32 v7, v6;
	v6 =	vld [tilespmem:s1+$0xFFFFFFC0]  }
0x378: {  	[tilespmem:s1+$0xFFFFFF60] =	vst v5;
	v5 =	vmul.f32 v8, v4;
	v7 =	vld [tilespmem:s1+$0xFFFFFFD0]  }
0x379: {  	[tilespmem:s1+$0xFFFFFF70] =	vst v3;
	v3 =	vmul.f32 v9, v4;
	v8 =	vld [tilespmem:s1+$0xFFFFFFE0]  }
0x37a: {  	[tilespmem:s1+$0xFFFFFF80] =	vst v5;
	v5 =	vmul.f32 v10, v4;
	v9 =	vld [tilespmem:s1+$0xFFFFFFF0]  }
0x37b: {  	[tilespmem:s1+$0xFFFFFF90] =	vst v3;
	v3 =	vmul.f32 v11, v4;
	v10 =	vld [tilespmem:s1+$0x0]  }
0x37c: {  	[tilespmem:s1+$0xFFFFFFA0] =	vst v5;
	v5 =	vmul.f32 v6, v4;
	v6 =	vld [tilespmem:s1+$0x10]  }
0x37d: {  	[tilespmem:s1+$0xFFFFFFB0] =	vst v3;
	v3 =	vmul.f32 v7, v4;
	v7 =	vld [tilespmem:s1+$0x20]  }
0x37e: {  	[tilespmem:s1+$0xFFFFFFC0] =	vst v5;
	v5 =	vmul.f32 v8, v4;
	v11 =	vld [tilespmem:s1+$0x30]  }
0x37f: {  	[tilespmem:s1+$0xFFFFFFD0] =	vst v3;
	v3 =	vmul.f32 v9, v4;
	v9 =	vld [tilespmem:s1+$0x40]  }
.Ltmp9:
0x380: {  	[tilespmem:s1+$0xFFFFFFE0] =	vst v5;
	v5 =	vmul.f32 v10, v2;
	v4 =	vld [tilespmem:s1+$0x50];
	(pc) =	sbr.rel @p0 .LBB2_20-.Ltmp9, $4  }
0x381: {  	[tilespmem:s1+$0xFFFFFFF0] =	vst v3;
	v6 =	vmul.f32 v6, v2;
	v3 =	vld [tilespmem:s1+$0x60]  }
0x382: {  	s10 =	sadd.s32 $0x3, s3;
	v10 =	vmov s3;
	[tilespmem:s1+$0x0] =	vst v5;
	v13 =	vmul.f32 v7, v2;
	v8 =	vld [tilespmem:s1+$0x80]  }
0x383: {  	s11 =	sadd.s32 $0x1, s3;
	v12 =	vand.u32 $0xFFFFFFFC, v10;
	v5 =	vmov s10;
	[tilespmem:s1+$0x10] =	vst v6;
	v10 =	vmul.f32 v11, v2;
	v7 =	vld [tilespmem:s1+$0x90]  }
0x384: {  	s10 =	sadd.s32 $0x2, s3;
	s3 =	sadd.s32 $0x4, s3;
	v6 =	vbroadcast v12, $0x0;
	v12 =	vmov s11;
	[tilespmem:s1+$0x20] =	vst v13;
	v11 =	vmul.f32 v9, v2;
	v9 =	vld [tilespmem:s1+$0xA0]  }
0x385: {  	v13 =	vld [tilespmem:s1+$0xB0]  }
0x386: {  	v15 =	vld [tilespmem:s1+$0xC0]  }
0x387: {  	v16 =	vld [tilespmem:s1+$0xD0]  }
0x388: {  	v17 =	vld [tilespmem:s1+$0xE0]  }
0x389: {  	v29 =	vld [tilespmem:s1+$0xF0];
	[tilespmem:s1+$0x30] =	vst v10;
	v4 =	vmul.f32 v4, v2  }
0x38a: {  	v5 =	vld.idx.msk [tilespmem:v5+s14+$0x0], $0xffff;
	[tilespmem:s1+$0x40] =	vst v11;
	v2 =	vmul.f32 v3, v2  }
0x38b: {  	s3 =	sadd.s32 $0x200, s1;
	v3 =	vld.idx.msk [tilespmem:v6+s14+$0x0], $0xffff;
	v8 =	vmul.f32 v8, v1;
	[tilespmem:s1+$0x50] =	vst v4  }
0x38c: {  	v14 =	vmov s10;
	v34 =	vld [tilespmem:s3+$0x70];
	v30 =	vmul.f32 v7, v1;
	[tilespmem:s1+$0x60] =	vst v2  }
0x38d: {  	v14 =	vand.u32 $0xFFFFFFFE, v14;
	v35 =	vld [tilespmem:s3+$0xFFFFFF00];
	[tilespmem:s1+$0x80] =	vst v8;
	v2 =	vmul.f32 v9, v1  }
0x38e: {  	v37 =	vld [tilespmem:s3+$0xFFFFFF10];
	v14 =	vbroadcast v14, $0x0;
	[tilespmem:s1+$0x90] =	vst v30;
	v33 =	vmul.f32 v13, v1  }
0x38f: {  	v38 =	vld [tilespmem:s3+$0xFFFFFF20];
	[tilespmem:s1+$0xA0] =	vst v2;
	v2 =	vmul.f32 v15, v1  }
0x390: {  	v12 =	vand.u32 $0xFFFFFFFD, v12;
	v39 =	vld [tilespmem:s3+$0xFFFFFF30];
	v36 =	vmul.f32 v16, v1;
	[tilespmem:s1+$0xB0] =	vst v33  }
0x391: {  	v12 =	vbroadcast v12, $0x0;
	v41 =	vld [tilespmem:s3+$0xFFFFFF50];
	[tilespmem:s5+$0xC0] =	vst v2;
	v2 =	vmul.f32 v17, v1  }
0x392: {  	v43 =	vld [tilespmem:s3+$0xFFFFFF60];
	[tilespmem:s5+$0xD0] =	vst v36;
	v1 =	vmul.f32 v29, v1  }
0x393: {  	v42 =	vmul.f32 v37, v3;
	[tilespmem:s5+$0xE0] =	vst v2;
	v2 =	vld [tilespmem:s3+$0xFFFFFF40]  }
0x394: {  	v32 =	vld.idx.msk [tilespmem:v14+s14+$0x0], $0xffff;
	[tilespmem:s5+$0xF0] =	vst v1;
	v1 =	vmul.f32 v35, v3  }
0x395: {  	v44 =	vld [tilespmem:s3+$0xFFFFFF70];
	v4 =	vmul.f32 v39, v3;
	[tilespmem:s3+$0xFFFFFF10] =	vst v42  }
0x396: {  	v45 =	vld [tilespmem:s3+$0xFFFFFF80];
	[tilespmem:s3+$0xFFFFFF00] =	vst v1;
	v1 =	vmul.f32 v38, v3  }
0x397: {  	v46 =	vmul.f32 v41, v3;
	v31 =	vld.idx.msk [tilespmem:v12+s14+$0x0], $0xffff;
	[tilespmem:s3+$0xFFFFFF30] =	vst v4  }
0x398: {  	[tilespmem:s3+$0xFFFFFF20] =	vst v1;
	v1 =	vmul.f32 v2, v3;
	v2 =	vld [tilespmem:s3+$0xFFFFFF90]  }
0x399: {  	v47 =	vld [tilespmem:s3+$0xFFFFFFA0];
	[tilespmem:s3+$0xFFFFFF50] =	vst v46;
	v40 =	vmul.f32 v34, v32  }
0x39a: {  	v48 =	vld [tilespmem:s3+$0xFFFFFFB0];
	[tilespmem:s3+$0xFFFFFF40] =	vst v1;
	v1 =	vmul.f32 v43, v3  }
0x39b: {  	v49 =	vld [tilespmem:s3+$0xFFFFFFC0];
	[tilespmem:s3+$0x70] =	vst v40;
	v3 =	vmul.f32 v44, v3  }
0x39c: {  	v50 =	vld [tilespmem:s3+$0xFFFFFFD0];
	[tilespmem:s3+$0xFFFFFF60] =	vst v1;
	v1 =	vmul.f32 v45, v31  }
0x39d: {  	[tilespmem:s3+$0xFFFFFF70] =	vst v3;
	v3 =	vld [tilespmem:s3+$0xFFFFFFE0];
	v2 =	vmul.f32 v2, v31  }
0x39e: {  	v51 =	vld [tilespmem:s3+$0xFFFFFFF0];
	[tilespmem:s3+$0xFFFFFF80] =	vst v1;
	v1 =	vmul.f32 v47, v31  }
0x39f: {  	v52 =	vld [tilespmem:s3+$0x0];
	[tilespmem:s3+$0xFFFFFF90] =	vst v2;
	v2 =	vmul.f32 v48, v31  }
0x3a0: {  	v53 =	vld [tilespmem:s3+$0x10];
	[tilespmem:s3+$0xFFFFFFA0] =	vst v1;
	v1 =	vmul.f32 v49, v31  }
0x3a1: {  	v54 =	vld [tilespmem:s3+$0x20];
	[tilespmem:s3+$0xFFFFFFB0] =	vst v2;
	v2 =	vmul.f32 v50, v31  }
0x3a2: {  	[tilespmem:s3+$0xFFFFFFC0] =	vst v1;
	v1 =	vmul.f32 v3, v31;
	v3 =	vld [tilespmem:s3+$0x30]  }
0x3a3: {  	v55 =	vld [tilespmem:s3+$0x40];
	[tilespmem:s3+$0xFFFFFFD0] =	vst v2;
	v2 =	vmul.f32 v51, v31  }
0x3a4: {  	v56 =	vld [tilespmem:s3+$0x50];
	[tilespmem:s3+$0xFFFFFFE0] =	vst v1;
	v1 =	vmul.f32 v52, v32  }
0x3a5: {  	v57 =	vld [tilespmem:s3+$0x60];
	[tilespmem:s3+$0xFFFFFFF0] =	vst v2;
	v2 =	vmul.f32 v53, v32  }
0x3a6: {  	v58 =	vld [tilespmem:s3+$0x80];
	[tilespmem:s3+$0x0] =	vst v1;
	v1 =	vmul.f32 v54, v32  }
0x3a7: {  	[tilespmem:s3+$0x10] =	vst v2;
	v2 =	vmul.f32 v3, v32;
	v3 =	vld [tilespmem:s3+$0x90]  }
0x3a8: {  	v59 =	vld [tilespmem:s3+$0xA0];
	[tilespmem:s3+$0x20] =	vst v1;
	v1 =	vmul.f32 v55, v32  }
0x3a9: {  	v60 =	vld [tilespmem:s3+$0xB0];
	[tilespmem:s3+$0x30] =	vst v2;
	v2 =	vmul.f32 v56, v32  }
0x3aa: {  	v61 =	vld [tilespmem:s3+$0xC0];
	[tilespmem:s3+$0x40] =	vst v1;
	v1 =	vmul.f32 v57, v32  }
0x3ab: {  	v62 =	vld [tilespmem:s3+$0xD0];
	[tilespmem:s3+$0x50] =	vst v2;
	v2 =	vmul.f32 v58, v5  }
0x3ac: {  	[tilespmem:s3+$0x60] =	vst v1;
	v1 =	vmul.f32 v3, v5;
	v3 =	vld [tilespmem:s3+$0xE0]  }
0x3ad: {  	v63 =	vld [tilespmem:s3+$0xF0];
	[tilespmem:s3+$0x80] =	vst v2;
	v2 =	vmul.f32 v59, v5  }
0x3ae: {  	[tilespmem:s3+$0x90] =	vst v1;
	v1 =	vmul.f32 v60, v5  }
0x3af: {  	[tilespmem:s3+$0xA0] =	vst v2;
	v2 =	vmul.f32 v61, v5  }
0x3b0: {  	[tilespmem:s3+$0xB0] =	vst v1;
	v1 =	vmul.f32 v62, v5  }
0x3b1: {  	[tilespmem:s3+$0xC0] =	vst v2;
	v2 =	vmul.f32 v3, v5  }
0x3b2: {  	[tilespmem:s3+$0xD0] =	vst v1;
	v1 =	vmul.f32 v63, v5  }
0x3b3: {  	[tilespmem:s3+$0xE0] =	vst v2  }
0x3b4: {  	[tilespmem:s3+$0xF0] =	vst v1;
	s3 =	rddreg [dreg:$0x2]  }
0x3b5: {  	[spmem:s3] =	stream.indirect.scatter.add.f32 [tilespmem:s9], [sflag:$0x8], $0x80, s13, s0, $0xb8;
	[tilespmem:$0x1F680] =	vst v63  }
0x3b6: {  	_ =	swait.ge [sflag:s6], $0x60  }
0x3b7: {  	[sflag:s6] =	ssyncset.done $0x0  }
0x3b8: {  	[sflag:s6] =	ssyncadd.s32 $0xFFFFFFA0  }
0x3b9: {  	_ =	swait.ge [sflag:s20], $0x3000  }
0x3ba: {  	[sflag:s20] =	ssyncset.done $0x0  }
0x3bb: {  	[sflag:s20] =	ssyncadd.s32 $0xFFFFD000  }
0x3bc: {  	_ =	swait.ge [sflag:s31], $0x60  }
0x3bd: {  	[sflag:s31] =	ssyncset.done $0x0  }
0x3be: {  	[sflag:s31] =	ssyncadd.s32 $0xFFFFFFA0  }
0x3bf: {  	_ =	swait.ge [sflag:s2], $0x60  }
0x3c0: {  	[sflag:s2] =	ssyncset.done $0x0  }
0x3c1: {  	[sflag:s2] =	ssyncadd.s32 $0xFFFFFFA0  }
0x3c2: {  	[bflag:$0x0] =	sbarrier.arrive $0xFFFF  }
0x3c3: {  	s5 =	stileid.u32;
	s11 =	sld [smem:$0x7FB]  }
0x3c4: {  	s1 =	sshll.u32 s5, $0x6  }
0x3c5: {  	s10 =	sshrl.u32 s25, $0x3;
	s1 =	sor.u32 $0x1C0B, s1  }
0x3c6: {  	[hbm:s11], [sflag:s1] =	dma.local [spmem:s10], $0x2800  }
0x3c7: {  	s11 =	simm.s32 $0xB  }
0x3c8: {  	_ =	swait.ge [sflag:s11], $0x2800  }
0x3c9: {  	s28 =	smov.u32 s25;
	s5 =	sld [smem:$0x7FC]  }
0x3ca: {  	s30 =	simm.s32 $0x20;
	[sflag:s11] =	ssyncset.done $0x0;
	s10 =	rddreg [dreg:$0x13]  }
0x3cb: {  	s25 =	simm.s32 $0x10;
	[sflag:s11] =	ssyncadd.s32 $0xFFFFD800;
	s3 =	sshrl.u32 s10, $0x3  }
0x3cc: {  	[hbm:s5@s30], [sflag:s1] =	dma.strided [spmem:s3@s25], $0x50, s22, $0x10   }
0x3cd: {  	_ =	swait.ge [sflag:s11], $0x50  }
0x3ce: {  	s25 =	sld [smem:$0x7F7]  }
0x3cf: {  	s30 =	sld [smem:$0x7FD];
	_ =	sdelay $0x1  }
0x3d0: {  	s3 =	sadd.s32 $0x1, s25  }
0x3d1: {  	p0 =	sne.s32 s3, s30  }
.Ltmp10:
0x3d2: {  	_ = 	snop;
	(pc) =	sbr.rel @p0 .LBB2_1-.Ltmp10, $3  }
0x3d3: {  	_ =	sdelay $0x1  }
0x3d4: {  	[sflag:s11] =	ssyncset.done $0x0  }
0x3d5: {  	[sflag:s11] =	ssyncadd.s32 $0xFFFFFFB0  }
0x3d6: {  	_ =	sfence.sel $0x180000  }
0x3d7: {  	[bflag:$0x0] =	sbarrier.arrive $0xFFFF  }
0x3d8: {  	_ =	strace $0x9000004A  }
0x3d9: {  	s0 =	stileid.u32;
	[bflag:$0x2] =	sbarrier.arrive $0xFFFF  }
0x3da: {  	p0 =	sne.s32 s0, $0x0;
	s0 =	rddreg [dreg:$0x4]  }
0x3db: {  	s0 =	sadd.s32 @!p0 $0x100000, s0  }
0x3dc: {  	[sflag:s0] =	ssyncadd.tile.s32 @!p0 $0x1;
	_ =	shalt  }
.Lfunc_end2:
_tile_overlayer_lowered:
.L_overlay_start_2:
0x3dd: {  	(tag) =	ssettag $0x2  }
0x3de: {  	s0 =	rddreg [dreg:$0x0];
	s2 =	stileid.u32  }
0x3df: {  	s1 =	rddreg [dreg:$0x1];
	p0 =	sne.s32 s2, $0x0  }
0x3e0: {  	s3 =	rddreg [dreg:$0x2];
	[bflag:$0x3] =	sbarrier.arrive $0xFFFF;
	s2 =	simm.s32 @!p0 $0x1C0B  }
0x3e1: {  	[timem:s3], [sflag:s2] =	dma.local @!p0 [hbm:s0], s1  }
0x3e2: {  	s0 =	simm.s32 @!p0 $0xB  }
0x3e3: {  	_ =	swait.ge @!p0 [sflag:s0], s1  }
0x3e4: {  	s1 =	ssub.s32 @!p0 $0x0, s1;
	[sflag:s0] =	ssyncset.done @!p0 $0x0  }
0x3e5: {  	[sflag:s0] =	ssyncadd.s32 @!p0 s1  }
0x3e6: {  	[bflag:$0x3] =	sbarrier.arrive $0xFFFF  }
0x3e7: {  	_ =	shalt  }

// kernel: kernel.7.cloned.1.call-start
scs
__scs_entry_jumppad:
0x0: {  	(pc) =	sbr.rel $0x88, $3  }
0x1: {  	(tag) =	ssettag $0x0;
	lr =	simm.s32 $0x1  }
0x2: {  	[smem:$0x3F97] =	sst lr;
	_ =	strace $0xD0000000  }
0x3: {  	_ = 	snop  }
0x4: {  	_ = 	snop  }
0x5: {  	_ = 	snop  }
0x6: {  	_ = 	snop  }
0x7: {  	_ = 	snop  }
__scs_overlays_trampoline_lowered:
0x8: {  	[smem:$0x3FA6] =	sst s0  }
0x9: {  	[smem:$0x3FA7] =	sst s1  }
0xa: {  	[smem:$0x3FA8] =	sst s2  }
0xb: {  	[smem:$0x3FA9] =	sst s3  }
0xc: {  	[smem:$0x3FAA] =	sst s4  }
0xd: {  	[smem:$0x3FAB] =	sst s5  }
0xe: {  	[smem:$0x3FAC] =	sst s6  }
0xf: {  	[smem:$0x3FAD] =	sst s7  }
0x10: {  	[smem:$0x3FAE] =	sst s8  }
0x11: {  	[smem:$0x3FAF] =	sst s9;
	s0 =	simm.s32 @!p0 $0x0  }
0x12: {  	s1 =	sld [smem:$0x3F95];
	s0 =	simm.s32 @p0 $0x1  }
0x13: {  	[smem:$0x3FB0] =	sst s0;
	s0 =	simm.s32 @!p1 $0x0  }
0x14: {  	s2 =	sld [smem:$0x3F94];
	s0 =	simm.s32 @p1 $0x1  }
0x15: {  	[smem:$0x3FB1] =	sst s0;
	s0 =	simm.s32 @!p2 $0x0  }
0x16: {  	s3 =	sld [smem:$0x3FDB];
	s0 =	simm.s32 @p2 $0x1  }
0x17: {  	s4 =	simm.s32 $0x1BF5;
	[smem:$0x3FB3] =	sst s0  }
0x18: {  	s0 =	sld [smem:$0x3F96];
	_ =	swait.ge [sflag:s4], $0x0  }
0x19: {  	s7 =	sld [smem:$0x3F97]  }
0x1a: {  	s8 =	sadd.s32 $0xFFFFE003, lr  }
0x1b: {  	s9 =	sadd.s32 $0xFFFFFEF7, lr;
	s5 =	simm.s32 $0xFFFFFFFF;
	p2 =	slt.u32 s8, $0xFFFFF086  }
0x1c: {  	p1 =	slt.u32 s9, $0xF7A;
	s5 =	simm.s32 @!p2 $0x0  }
0x1d: {  	s5 =	simm.s32 @p1 $0x1;
	p0 =	seq.s32 s7, s2  }
0x1e: {  	s7 =	smul.u32 @!p0 $0xF7A, s2;
	p2 =	seq.s32 @!p0 s5, $0x0  }
0x1f: {  	s9 =	smul.u32 $0xF7A, s1;
	s8 =	simm.s32 @!p0 $0x1BF5;
	p2 =	por !p2, p0  }
0x20: {  	[sflag:s8] =	ssyncset.s32 @!p0 $0xFFFFF086;
	s6 =	sadd.s32 @!p0 s3, s7;
	s7 =	simm.s32 @!p0 $0x108  }
0x21: {  	s3 =	sadd.s32 s3, s9;
	s6 =	sadd.s32 @!p0 $0x88, s6;
	s7 =	simm.s32 @p2 $0x1082  }
0x22: {  	[simem:s7], [sflag:s8] =	dma.local @!p0 [hbm:s6], $0xF7A  }
0x23: {  	s9 =	sor.u32 $0xD0000000, s2;
	s6 =	simm.s32 $0x108;
	_ =	swait.ge @!p0 [sflag:s8], $0x0  }
0x24: {  	s3 =	sadd.s32 $0x88, s3;
	s6 =	simm.s32 @!p1 $0x1082;
	[sflag:s4] =	ssyncset.s32 $0xFFFFF086  }
0x25: {  	[simem:s6], [sflag:s4] =	dma.local [hbm:s3], $0xF7A  }
0x26: {  	[smem:$0x3F97] =	sst s1;
	(tag) =	ssettag s2;
	_ =	strace s9  }
0x27: {  	s1 =	sld [smem:$0x3FA7]  }
0x28: {  	s2 =	sld [smem:$0x3FA8]  }
0x29: {  	s4 =	sld [smem:$0x3FAA]  }
0x2a: {  	p0 =	seq.s32 s5, $0x0;
	s5 =	sld [smem:$0x3FAB]  }
0x2b: {  	s6 =	sld [smem:$0x3FAC]  }
0x2c: {  	s7 =	sld [smem:$0x3FAD]  }
0x2d: {  	s3 =	simm.s32 $0x108;
	s8 =	sld [smem:$0x3FAE]  }
0x2e: {  	s3 =	simm.s32 @!p0 $0x1082;
	s9 =	sld [smem:$0x3FAF]  }
0x2f: {  	lr =	sadd.s32 s0, s3;
	s0 =	sld [smem:$0x3FA6]  }
0x30: {  	s3 =	sld [smem:$0x3FA9]  }
0x31: {  	[smem:$0x3FB2] =	sst s10  }
0x32: {  	s10 =	sld [smem:$0x3FB0];
	_ =	sdelay $0x3  }
0x33: {  	p0 =	seq.s32 s10, $0x1;
	s10 =	sld [smem:$0x3FB2];
	_ =	sdelay $0x3  }
0x34: {  	[smem:$0x3FB2] =	sst s10  }
0x35: {  	s10 =	sld [smem:$0x3FB1];
	_ =	sdelay $0x3  }
0x36: {  	p1 =	seq.s32 s10, $0x1;
	s10 =	sld [smem:$0x3FB2];
	_ =	sdelay $0x3  }
0x37: {  	[smem:$0x3FB2] =	sst s10  }
0x38: {  	s10 =	sld [smem:$0x3FB3]  }
0x39: {  	_ = 	snop;
	(pc) =	sbr.ind lr, $3  }
0x3a: {  	_ = 	snop  }
0x3b: {  	_ = 	snop  }
0x3c: {  	p2 =	seq.s32 s10, $0x1;
	s10 =	sld [smem:$0x3FB2]  }
0x3d: {  	_ =	shalt  }
0x3e: {  	_ =	shalt  }
0x3f: {  	_ =	shalt  }
0x40: {  	_ =	shalt  }
0x41: {  	_ =	shalt  }
0x42: {  	_ =	shalt  }
0x43: {  	_ =	shalt  }
0x44: {  	_ =	shalt  }
0x45: {  	_ =	shalt  }
0x46: {  	_ =	shalt  }
0x47: {  	_ =	shalt  }
0x48: {  	_ =	shalt  }
0x49: {  	_ =	shalt  }
0x4a: {  	_ =	shalt  }
0x4b: {  	_ =	shalt  }
0x4c: {  	_ =	shalt  }
0x4d: {  	_ =	shalt  }
0x4e: {  	_ =	shalt  }
0x4f: {  	_ =	shalt  }
0x50: {  	_ =	shalt  }
0x51: {  	_ =	shalt  }
0x52: {  	_ =	shalt  }
0x53: {  	_ =	shalt  }
0x54: {  	_ =	shalt  }
0x55: {  	_ =	shalt  }
0x56: {  	_ =	shalt  }
0x57: {  	_ =	shalt  }
0x58: {  	_ =	shalt  }
0x59: {  	_ =	shalt  }
0x5a: {  	_ =	shalt  }
0x5b: {  	_ =	shalt  }
0x5c: {  	_ =	shalt  }
0x5d: {  	_ =	shalt  }
0x5e: {  	_ =	shalt  }
0x5f: {  	_ =	shalt  }
0x60: {  	_ =	shalt  }
0x61: {  	_ =	shalt  }
0x62: {  	_ =	shalt  }
0x63: {  	_ =	shalt  }
0x64: {  	_ =	shalt  }
0x65: {  	_ =	shalt  }
0x66: {  	_ =	shalt  }
0x67: {  	_ =	shalt  }
0x68: {  	_ =	shalt  }
0x69: {  	_ =	shalt  }
0x6a: {  	_ =	shalt  }
0x6b: {  	_ =	shalt  }
0x6c: {  	_ =	shalt  }
0x6d: {  	_ =	shalt  }
0x6e: {  	_ =	shalt  }
0x6f: {  	_ =	shalt  }
0x70: {  	_ =	shalt  }
0x71: {  	_ =	shalt  }
0x72: {  	_ =	shalt  }
0x73: {  	_ =	shalt  }
0x74: {  	_ =	shalt  }
0x75: {  	_ =	shalt  }
0x76: {  	_ =	shalt  }
0x77: {  	_ =	shalt  }
0x78: {  	_ =	shalt  }
0x79: {  	_ =	shalt  }
0x7a: {  	_ =	shalt  }
0x7b: {  	_ =	shalt  }
0x7c: {  	_ =	shalt  }
0x7d: {  	_ =	shalt  }
0x7e: {  	_ =	shalt  }
0x7f: {  	_ =	shalt  }
0x80: {  	_ =	shalt  }
0x81: {  	_ =	shalt  }
0x82: {  	_ =	shalt  }
0x83: {  	_ =	shalt  }
0x84: {  	_ =	shalt  }
0x85: {  	_ =	shalt  }
0x86: {  	_ =	shalt  }
0x87: {  	_ =	shalt  }
.Lfunc_end0:
.L_simem_size_0:
called_computation_lowered:
.L_overlay_start_0:
0x88: {  	s2 =	sld [smem:$0x3FD9]  }
0x89: {  	s3 =	sld [smem:$0x3FFE];
	_ =	sdelay $0x1  }
0x8a: {  	s1 =	srdreg.scid  }
0x8b: {  	s0 =	sand.u32 $0x1, s1  }
0x8c: {  	s17 =	sshll.u32 s0, $0xA;
	s2 =	sadd.s32 s3, s2  }
0x8d: {  	s2 =	sadd.s32 s2, s17  }
0x8e: {  	[smem:$0x3FBE] =	sst s2  }
0x8f: {  	_ = 	snop  }
0x90: {  	s2 =	sld [smem:$0x3FD0];
	(tm) =	ssettm $0x1  }
0x91: {  	s18 =	sld [smem:$0x3FFB];
	_ =	sdelay $0x3  }
0x92: {  	_ =	strace s18  }
0x93: {  	s3 =	sld [smem:$0x3FFC];
	_ =	sdelay $0x3  }
0x94: {  	_ =	strace s3  }
0x95: {  	s3 =	sld [smem:$0x3FFD];
	_ =	sdelay $0x3  }
0x96: {  	_ =	strace s3  }
0x97: {  	_ =	strace $0x8FFFFFFF  }
0x98: {  	s19 =	sld [smem:$0x3FDB];
	_ =	sdelay $0x1  }
0x99: {  	s4 =	simm.s32 $_scs_section_size  }
0x9a: {  	s5 =	simm.s32 $_size__tile_overlayer_lowered;
	s6 =	simm.s32 $_tile_overlayer_lowered  }
0x9b: {  	s22 =	simm.s32 $0x1BFF;
	s21 =	sshll.u32 s6, $0x1;
	s3 =	sadd.s32 s4, s19  }
0x9c: {  	s7 =	simm.s32 $0x0;
	s20 =	sshll.u32 s5, $0x1;
	s5 =	sadd.s32 s21, s3  }
0x9d: {  	[timem:s7], [sflag:s22] =	dma.local [hbm:s5], s20  }
0x9e: {  	_ =	swait.ge [sflag:s22], s20  }
0x9f: {  	s4 =	ssub.s32 $0x0, s20;
	[sflag:s22] =	ssyncset.done $0x0  }
0xa0: {  	[sflag:s22] =	ssyncadd.s32 s4;
	_ =	sdelay $0x1  }
0xa1: {  	s23 =	simm.s32 $0x1B8B  }
0xa2: {  	_ =	swait.ge [sflag:s23], $0x1  }
0xa3: {  	[sflag:s23] =	ssyncset.done $0x0  }
0xa4: {  	s25 =	simm.s32 $0x1B8E;
	s24 =	sld [smem:$0x3FFE];
	[sflag:s23] =	ssyncadd.s32 $0xFFFFFFFF  }
0xa5: {  	s26 =	simm.s32 $execute0_lowered;
	[smem:$0x3FD2] =	sst s25  }
0xa6: {  	s5 =	sshll.u32 s26, $0x1;
	_ =	strace $0x80000046;
	[dreg:$0x1] =	wrdreg $0xFFFFFFFF  }
0xa7: {  	s28 =	simm.s32 $_size_execute0_lowered;
	s3 =	sadd.s32 s3, s5;
	[dreg:$0x0] =	wrdreg $0x0  }
0xa8: {  	s5 =	sshll.u32 s28, $0x1;
	[dreg:$0x2] =	wrdreg s3  }
0xa9: {  	[dreg:$0x3] =	wrdreg s5  }
0xaa: {  	[dreg:$0x4] =	wrdreg $0xC0  }
0xab: {  	_ =	task [dreg:s7], $0x5FFFF  }
0xac: {  	[dreg:$0x1] =	wrdreg $0xFFFFFFFF  }
0xad: {  	[dreg:$0x0] =	wrdreg $0x60  }
0xae: {  	[dreg:$0x2] =	wrdreg s24  }
0xaf: {  	[dreg:$0x3] =	wrdreg s2  }
0xb0: {  	[dreg:$0x4] =	wrdreg $0x0  }
0xb1: {  	[dreg:$0x5] =	wrdreg $0x140000  }
0xb2: {  	[dreg:$0x6] =	wrdreg $0x9  }
0xb3: {  	_ =	task.clear_ibuf [dreg:s7], $0x7FFFF;
	_ =	strace $0x90000046  }
0xb4: {  	s29 =	simm.s32 $0x9;
	_ =	strace $0x80000048  }
0xb5: {  	_ =	swait.ge [sflag:s29], $0x1  }
0xb6: {  	[sflag:s29] =	ssyncadd.s32 $0xFFFFFFFF  }
0xb7: {  	_ =	strace $0x90000048  }
0xb8: {  	_ =	sfence  }
0xb9: {  	s30 =	sld [smem:$0x0];
	_ =	sdelay $0x2  }
0xba: {  	s31 =	sshll.u32 s1, $0xD;
	s1 =	sshrl.u32 s1, $0x2  }
0xbb: {  	s3 =	sand.u32 $0x4000, s31;
	s1 =	sadd.s32 s1, s30  }
0xbc: {  	s0 =	sor.u32 s3, s0;
	s1 =	sshll.u32 s1, $0x11  }
0xbd: {  	s0 =	sor.u32 s1, s0  }
0xbe: {  	s0 =	sadd.s32 $0x8F2B, s0  }
0xbf: {  	[sflag:s0] =	ssyncadd.remote.s32 $0x1  }
0xc0: {  	_ =	sfence.sel $0xFFFF  }
0xc1: {  	[dreg:$0x0] =	wrdreg $0xFFFFFFFF;
	(pc) =	sbr.abs _section_cstart, $3  }
0xc2: {  	[dreg:$0x1] =	wrdreg $0xFFFFFFFF  }
0xc3: {  	_ =	task.clear_ibuf [dreg:s7], $0x2FFFF;
	_ =	strace $0x9FFFFFFF  }
0xc4: {  	(tm) =	ssettm $0x7FFFFFFF  }
0xc5: {  	_ =	shalt  }
tec
execute0_lowered:
.L_overlay_start_1:
0x0: {  	(tag) =	ssettag $0x1  }
0x1: {  	s0 =	rddreg [dreg:$0x0]  }
0x2: {  	s11 =	rddreg [dreg:$0x1]  }
0x3: {  	s1 =	srdreg.scid;
	s9 =	stileid.u32  }
0x4: {  	s4 =	rddreg [dreg:$0x2];
	s3 =	smul.u32 $0x14000, s9  }
0x5: {  	s12 =	rddreg [dreg:$0x3];
	s25 =	smul.u32 $0x500, s9  }
0x6: {  	s5 =	simm.s32 $0x0;
	s31 =	simm.s32 $0x3;
	s6 =	smul.u32 $0x280, s9  }
0x7: {  	s2 =	sand.u32 $0x1, s1;
	s8 =	sshll.u32 s9, $0x1;
	s9 =	smul.u32 $0x50000, s9  }
0x8: {  	[smem:$0x7FF] =	sst s5;
	s29 =	sadd.s32 $0x2E00, s0;
	s1 =	smul.u32 $0x140000, s2  }
0x9: {  	s26 =	sshll.u32 s2, $0x7;
	s30 =	ssub.s32 $0x2, s2;
	s2 =	sor.u32 s2, s8  }
0xa: {  	_ =	strace $0x80000047;
	s7 =	sshrl.u32 s30, $0x1;
	s2 =	smul.u32 $0x2880, s2  }
0xb: {  	s8 =	sshrl.u32 s9, $0x2;
	s9 =	sor.u32 $0x40, s6;
	s13 =	sadd.s32 $0x80, s6  }
0xc: {  	s17 =	sadd.s32 $0x100, s6;
	s20 =	sadd.s32 $0x140, s6;
	s22 =	sadd.s32 $0x180, s6  }
0xd: {  	s23 =	sadd.s32 $0x1C0, s6;
	s1 =	sadd.s32 s3, s1;
	s3 =	sor.u32 s26, s25  }
0xe: {  	s5 =	ssub.s32 s30, s7;
	s28 =	sadd.s32 s8, s4;
	s10 =	sshll.u32 s9, $0x7  }
0xf: {  	s14 =	sshll.u32 s13, $0x7;
	s8 =	sadd.s32 s9, s12;
	s16 =	sadd.s32 s13, s12  }
0x10: {  	s19 =	sshll.u32 s17, $0x7;
	s21 =	sshll.u32 s20, $0x7;
	[dreg:$0x7] =	wrdreg s8  }
0x11: {  	s9 =	sadd.s32 s20, s12;
	s24 =	sshll.u32 s22, $0x7;
	[dreg:$0x9] =	wrdreg s16  }
0x12: {  	s25 =	sshll.u32 s23, $0x7;
	s30 =	sadd.s32 $0x200, s6;
	[dreg:$0xf] =	wrdreg s9  }
0x13: {  	s1 =	sshrl.u32 s1, $0x3;
	s7 =	sadd.s32 s10, s4;
	[dreg:$0x5] =	wrdreg s28  }
0x14: {  	s3 =	sshrl.u32 s3, $0x3;
	s8 =	sadd.s32 s19, s4;
	[dreg:$0x6] =	wrdreg s7  }
0x15: {  	s10 =	sadd.s32 $0xC0, s6;
	s9 =	sadd.s32 s24, s4;
	[dreg:$0xc] =	wrdreg s8  }
0x16: {  	s26 =	sadd.s32 s25, s4;
	s1 =	sadd.s32 s1, s0;
	[dreg:$0x10] =	wrdreg s9  }
0x17: {  	s3 =	sadd.s32 s3, s0;
	s7 =	sadd.s32 s14, s4;
	[dreg:$0x12] =	wrdreg s26  }
0x18: {  	s15 =	sshll.u32 s10, $0x7;
	s18 =	sadd.s32 s10, s12;
	[dreg:$0x8] =	wrdreg s7  }
0x19: {  	s10 =	sadd.s32 s6, s12;
	s8 =	sadd.s32 s23, s12;
	[dreg:$0xb] =	wrdreg s18  }
0x1a: {  	s6 =	sadd.s32 $0x240, s6;
	s23 =	sadd.s32 $0x180, s2;
	[dreg:$0x14] =	wrdreg s8  }
0x1b: {  	s9 =	sshll.u32 s30, $0x7;
	s26 =	sadd.s32 $0xD200, s0;
	[smem:$0x7FA] =	sst s23  }
0x1c: {  	s14 =	sshrl.u32 s2, $0x3;
	s7 =	sadd.s32 s15, s4;
	[dreg:$0x13] =	wrdreg s10  }
0x1d: {  	s13 =	sshll.u32 s6, $0x7;
	s8 =	sadd.s32 s9, s4;
	[dreg:$0xa] =	wrdreg s7  }
0x1e: {  	s6 =	sadd.s32 s6, s12;
	s15 =	sadd.s32 $0x35200, s0;
	[dreg:$0x15] =	wrdreg s8  }
0x1f: {  	s16 =	sor.u32 $0xC, s14;
	s0 =	sadd.s32 $0x35210, s0;
	[dreg:$0x18] =	wrdreg s6  }
0x20: {  	s19 =	sadd.s32 s11, s14;
	s20 =	sadd.s32 s29, s14;
	[dreg:$0x19] =	wrdreg s15  }
0x21: {  	s24 =	sadd.s32 $0x37A00, s1;
	s25 =	sadd.s32 $0x87A00, s3;
	[dreg:$0x1a] =	wrdreg s0  }
0x22: {  	s23 =	simm.s32 $0x2;
	s9 =	simm.s32 $0x1C580;
	[dreg:$0x1d] =	wrdreg s19  }
0x23: {  	s3 =	simm.s32 $0x0;
	s7 =	sadd.s32 s17, s12;
	[dreg:$0x1e] =	wrdreg s20  }
0x24: {  	s17 =	sadd.s32 s11, s16;
	s18 =	sadd.s32 s29, s16;
	[smem:$0x7FB] =	sst s24  }
0x25: {  	[smem:$0x7FC] =	sst s25;
	s15 =	simm.s32 $0x19580;
	s16 =	simm.s32 $0x1F580  }
0x26: {  	s19 =	simm.s32 $0x7;
	s24 =	simm.s32 $0x19280;
	[dreg:$0xd] =	wrdreg s7  }
0x27: {  	s8 =	simm.s32 $0x6;
	s20 =	simm.s32 $0x8;
	[dreg:$0x1b] =	wrdreg s17  }
0x28: {  	s7 =	sadd.s32 s21, s4;
	s4 =	sadd.s32 s13, s4;
	[dreg:$0x1c] =	wrdreg s18  }
0x29: {  	s21 =	sadd.s32 $0x18, s14;
	s18 =	simm.s32 $0x14280;
	s17 =	simm.s32 $0x16A80  }
0x2a: {  	s13 =	simm.s32 $0x19500;
	s14 =	simm.s32 $0x1F600;
	[dreg:$0xe] =	wrdreg s7  }
0x2b: {  	s7 =	sadd.s32 s22, s12;
	[dreg:$0x17] =	wrdreg s4;
	s6 =	sadd.s32 s11, s21  }
0x2c: {  	s0 =	sadd.s32 s29, s21;
	s22 =	sadd.s32 $0x120, s2;
	[dreg:$0x11] =	wrdreg s7  }
0x2d: {  	s21 =	simm.s32 $0x9;
	s4 =	simm.s32 $0x19300;
	[dreg:$0x1f] =	wrdreg s6  }
0x2e: {  	s2 =	simm.s32 $0x5;
	s7 =	sadd.s32 s30, s12;
	[smem:$0x7F8] =	sst s0  }
0x2f: {  	[smem:$0x7F9] =	sst s22;
	s30 =	smax.u32 s5, $0x1;
	s22 =	simm.s32 $0x1  }
0x30: {  	s0 =	simm.s32 $0x60;
	s12 =	simm.s32 $0x19480;
	[dreg:$0x16] =	wrdreg s7  }
0x31: {  	v0 =	vimm.f32 $0.0e+00;
	s6 =	simm.s32 $0xA;
	[smem:$0x7FD] =	sst s30;
	s7 =	simm.s32 $0x4  }
.LBB2_1:
0x32: {  	[smem:$0x7F7] =	sst s3;
	s1 =	simm.s32 $0x0;
	s3 =	simm.s32 $0x200  }
.LBB2_2:
0x33: {  	p0 =	sne.s32 s3, $0xBE00;
	[tilespmem:s1+$0x195F0] =	vst v0  }
0x34: {  	[tilespmem:s1+$0x19580] =	vst v0  }
0x35: {  	[tilespmem:s1+$0x19590] =	vst v0  }
.Ltmp0:
0x36: {  	[tilespmem:s1+$0x195A0] =	vst v0;
	(pc) =	sbr.rel @p0 .LBB2_2-.Ltmp0, $4  }
0x37: {  	[tilespmem:s1+$0x195B0] =	vst v0  }
0x38: {  	[tilespmem:s1+$0x195C0] =	vst v0  }
0x39: {  	[tilespmem:s1+$0x195D0] =	vst v0  }
0x3a: {  	[tilespmem:s1+$0x195E0] =	vst v0;
	s1 =	sshra.s32 s3, $0x2;
	s3 =	sadd.s32 $0x200, s3  }
0x3b: {  	[tilespmem:s1+$0x195F0] =	vst v0  }
0x3c: {  	[tilespmem:s1+$0x19580] =	vst v0  }
0x3d: {  	[tilespmem:s1+$0x19590] =	vst v0  }
0x3e: {  	[tilespmem:s1+$0x195A0] =	vst v0  }
0x3f: {  	[tilespmem:s1+$0x195B0] =	vst v0  }
0x40: {  	[tilespmem:s1+$0x195C0] =	vst v0  }
0x41: {  	[tilespmem:s1+$0x195D0] =	vst v0  }
0x42: {  	[tilespmem:s1+$0x195E0] =	vst v0  }
0x43: {  	[tilespmem:$0x1F580] =	vst v0  }
0x44: {  	[tilespmem:$0x1F590] =	vst v0  }
0x45: {  	[tilespmem:$0x1F5A0] =	vst v0  }
0x46: {  	[tilespmem:$0x1F5B0] =	vst v0  }
0x47: {  	[tilespmem:$0x1F5C0] =	vst v0  }
0x48: {  	[tilespmem:$0x1F5D0] =	vst v0  }
0x49: {  	[spmem:s28] =	stream.linear.scatter [tilespmem:s15], [sflag:$0x7], $0x2000, $0x38;
	[tilespmem:$0x1F680] =	vst v63  }
0x4a: {  	_ = 	snop  }
0x4b: {  	[spmem:s10] =	stream.linear.scatter [tilespmem:s16], [sflag:$0x9], $0x40, $0x38;
	[tilespmem:$0x1F680] =	vst v63  }
0x4c: {  	s5 =	rddreg [dreg:$0x6]  }
0x4d: {  	[spmem:s5] =	stream.linear.scatter [tilespmem:s15], [sflag:$0x7], $0x2000, $0x38;
	[tilespmem:$0x1F680] =	vst v63  }
0x4e: {  	s10 =	rddreg [dreg:$0x7]  }
0x4f: {  	[spmem:s10] =	stream.linear.scatter [tilespmem:s16], [sflag:$0x9], $0x40, $0x38;
	[tilespmem:$0x1F680] =	vst v63  }
0x50: {  	s11 =	rddreg [dreg:$0x8]  }
0x51: {  	[spmem:s11] =	stream.linear.scatter [tilespmem:s15], [sflag:$0x7], $0x2000, $0x38;
	[tilespmem:$0x1F680] =	vst v63  }
0x52: {  	s25 =	rddreg [dreg:$0x9]  }
0x53: {  	[spmem:s25] =	stream.linear.scatter [tilespmem:s16], [sflag:$0x9], $0x40, $0x38;
	[tilespmem:$0x1F680] =	vst v63  }
0x54: {  	s28 =	rddreg [dreg:$0xa]  }
0x55: {  	[spmem:s28] =	stream.linear.scatter [tilespmem:s15], [sflag:$0x7], $0x2000, $0x38;
	[tilespmem:$0x1F680] =	vst v63  }
0x56: {  	s30 =	rddreg [dreg:$0xb]  }
0x57: {  	[spmem:s30] =	stream.linear.scatter [tilespmem:s16], [sflag:$0x9], $0x40, $0x38;
	[tilespmem:$0x1F680] =	vst v63  }
0x58: {  	s3 =	rddreg [dreg:$0xc]  }
0x59: {  	[spmem:s3] =	stream.linear.scatter [tilespmem:s15], [sflag:$0x7], $0x2000, $0x38;
	[tilespmem:$0x1F680] =	vst v63  }
0x5a: {  	s5 =	rddreg [dreg:$0xd]  }
0x5b: {  	[spmem:s5] =	stream.linear.scatter [tilespmem:s16], [sflag:$0x9], $0x40, $0x38;
	[tilespmem:$0x1F680] =	vst v63  }
0x5c: {  	s10 =	rddreg [dreg:$0xe]  }
0x5d: {  	[spmem:s10] =	stream.linear.scatter [tilespmem:s15], [sflag:$0x7], $0x2000, $0x38;
	[tilespmem:$0x1F680] =	vst v63  }
0x5e: {  	s11 =	rddreg [dreg:$0xf]  }
0x5f: {  	[spmem:s11] =	stream.linear.scatter [tilespmem:s16], [sflag:$0x9], $0x40, $0x38;
	[tilespmem:$0x1F680] =	vst v63  }
0x60: {  	s25 =	rddreg [dreg:$0x10]  }
0x61: {  	[spmem:s25] =	stream.linear.scatter [tilespmem:s15], [sflag:$0x7], $0x2000, $0x38;
	[tilespmem:$0x1F680] =	vst v63  }
0x62: {  	s28 =	rddreg [dreg:$0x11]  }
0x63: {  	[spmem:s28] =	stream.linear.scatter [tilespmem:s16], [sflag:$0x9], $0x40, $0x38;
	[tilespmem:$0x1F680] =	vst v63  }
0x64: {  	s30 =	rddreg [dreg:$0x12]  }
0x65: {  	[spmem:s30] =	stream.linear.scatter [tilespmem:s15], [sflag:$0x7], $0x2000, $0x38;
	[tilespmem:$0x1F680] =	vst v63  }
0x66: {  	s3 =	rddreg [dreg:$0x14]  }
0x67: {  	[spmem:s3] =	stream.linear.scatter [tilespmem:s16], [sflag:$0x9], $0x40, $0x38;
	[tilespmem:$0x1F680] =	vst v63  }
0x68: {  	s5 =	rddreg [dreg:$0x15]  }
0x69: {  	[spmem:s5] =	stream.linear.scatter [tilespmem:s15], [sflag:$0x7], $0x2000, $0x38;
	[tilespmem:$0x1F680] =	vst v63  }
0x6a: {  	s10 =	rddreg [dreg:$0x16]  }
0x6b: {  	[spmem:s10] =	stream.linear.scatter [tilespmem:s16], [sflag:$0x9], $0x40, $0x38;
	[tilespmem:$0x1F680] =	vst v63  }
0x6c: {  	s11 =	rddreg [dreg:$0x17]  }
0x6d: {  	[spmem:s11] =	stream.linear.scatter [tilespmem:s15], [sflag:$0x7], $0x2000, $0x38;
	[tilespmem:$0x1F680] =	vst v63  }
0x6e: {  	s25 =	rddreg [dreg:$0x18]  }
0x6f: {  	[spmem:s25] =	stream.linear.scatter [tilespmem:s16], [sflag:$0x9], $0x40, $0x38;
	[tilespmem:$0x1F680] =	vst v63  }
0x70: {  	s28 =	rddreg [dreg:$0x19];
	s3 =	simm.s32 $0x80;
	s5 =	simm.s32 $0x400  }
0x71: {  	[tilespmem:s18], [sflag:$0x1] =	stream.strided.gather [hbm4b:s28+s3], $0x2800, s5, s3, $0x38;
	[tilespmem:$0x1F680] =	vst v63  }
0x72: {  	s30 =	rddreg [dreg:$0x1a]  }
0x73: {  	[tilespmem:s17], [sflag:$0x2] =	stream.strided.gather [hbm4b:s30+s3], $0x2800, s5, s3, $0x38;
	[tilespmem:$0x1F680] =	vst v63  }
0x74: {  	_ =	swait.ge [sflag:s19], $0x2000  }
0x75: {  	[sflag:s19] =	ssyncset.done $0x0  }
0x76: {  	[sflag:s19] =	ssyncadd.s32 $0xFFFFE000  }
0x77: {  	_ =	swait.ge [sflag:s21], $0x40  }
0x78: {  	[sflag:s21] =	ssyncset.done $0x0  }
0x79: {  	[sflag:s21] =	ssyncadd.s32 $0xFFFFFFC0  }
0x7a: {  	_ =	swait.ge [sflag:s19], $0x2000  }
0x7b: {  	[sflag:s19] =	ssyncset.done $0x0  }
0x7c: {  	[sflag:s19] =	ssyncadd.s32 $0xFFFFE000  }
0x7d: {  	_ =	swait.ge [sflag:s21], $0x40  }
0x7e: {  	[sflag:s21] =	ssyncset.done $0x0  }
0x7f: {  	[sflag:s21] =	ssyncadd.s32 $0xFFFFFFC0  }
0x80: {  	_ =	swait.ge [sflag:s19], $0x2000  }
0x81: {  	[sflag:s19] =	ssyncset.done $0x0  }
0x82: {  	[sflag:s19] =	ssyncadd.s32 $0xFFFFE000  }
0x83: {  	_ =	swait.ge [sflag:s21], $0x40  }
0x84: {  	[sflag:s21] =	ssyncset.done $0x0  }
0x85: {  	[sflag:s21] =	ssyncadd.s32 $0xFFFFFFC0  }
0x86: {  	_ =	swait.ge [sflag:s19], $0x2000  }
0x87: {  	[sflag:s19] =	ssyncset.done $0x0  }
0x88: {  	[sflag:s19] =	ssyncadd.s32 $0xFFFFE000  }
0x89: {  	_ =	swait.ge [sflag:s21], $0x40  }
0x8a: {  	[sflag:s21] =	ssyncset.done $0x0  }
0x8b: {  	[sflag:s21] =	ssyncadd.s32 $0xFFFFFFC0  }
0x8c: {  	_ =	swait.ge [sflag:s19], $0x2000  }
0x8d: {  	[sflag:s19] =	ssyncset.done $0x0  }
0x8e: {  	[sflag:s19] =	ssyncadd.s32 $0xFFFFE000  }
0x8f: {  	_ =	swait.ge [sflag:s21], $0x40  }
0x90: {  	[sflag:s21] =	ssyncset.done $0x0  }
0x91: {  	[sflag:s21] =	ssyncadd.s32 $0xFFFFFFC0  }
0x92: {  	_ =	swait.ge [sflag:s19], $0x2000  }
0x93: {  	[sflag:s19] =	ssyncset.done $0x0  }
0x94: {  	[sflag:s19] =	ssyncadd.s32 $0xFFFFE000  }
0x95: {  	_ =	swait.ge [sflag:s21], $0x40  }
0x96: {  	[sflag:s21] =	ssyncset.done $0x0  }
0x97: {  	[sflag:s21] =	ssyncadd.s32 $0xFFFFFFC0  }
0x98: {  	_ =	swait.ge [sflag:s19], $0x2000  }
0x99: {  	[sflag:s19] =	ssyncset.done $0x0  }
0x9a: {  	[sflag:s19] =	ssyncadd.s32 $0xFFFFE000  }
0x9b: {  	_ =	swait.ge [sflag:s21], $0x40  }
0x9c: {  	[sflag:s21] =	ssyncset.done $0x0  }
0x9d: {  	[sflag:s21] =	ssyncadd.s32 $0xFFFFFFC0  }
0x9e: {  	_ =	swait.ge [sflag:s19], $0x2000  }
0x9f: {  	[sflag:s19] =	ssyncset.done $0x0  }
0xa0: {  	[sflag:s19] =	ssyncadd.s32 $0xFFFFE000  }
0xa1: {  	_ =	swait.ge [sflag:s21], $0x40  }
0xa2: {  	[sflag:s21] =	ssyncset.done $0x0  }
0xa3: {  	[sflag:s21] =	ssyncadd.s32 $0xFFFFFFC0  }
0xa4: {  	_ =	swait.ge [sflag:s19], $0x2000  }
0xa5: {  	[sflag:s19] =	ssyncset.done $0x0  }
0xa6: {  	[sflag:s19] =	ssyncadd.s32 $0xFFFFE000  }
0xa7: {  	_ =	swait.ge [sflag:s21], $0x40  }
0xa8: {  	[sflag:s21] =	ssyncset.done $0x0  }
0xa9: {  	[sflag:s21] =	ssyncadd.s32 $0xFFFFFFC0  }
0xaa: {  	_ =	swait.ge [sflag:s19], $0x2000  }
0xab: {  	[sflag:s19] =	ssyncset.done $0x0  }
0xac: {  	[sflag:s19] =	ssyncadd.s32 $0xFFFFE000  }
0xad: {  	_ =	swait.ge [sflag:s21], $0x40  }
0xae: {  	[sflag:s21] =	ssyncset.done $0x0  }
0xaf: {  	[sflag:s21] =	ssyncadd.s32 $0xFFFFFFC0  }
0xb0: {  	_ =	swait.ge [sflag:s22], $0x2800  }
0xb1: {  	[sflag:s22] =	ssyncset.done $0x0  }
0xb2: {  	[sflag:s22] =	ssyncadd.s32 $0xFFFFD800  }
0xb3: {  	_ =	swait.ge [sflag:s23], $0x2800  }
0xb4: {  	[sflag:s23] =	ssyncset.done $0x0  }
0xb5: {  	[sflag:s23] =	ssyncadd.s32 $0xFFFFD800  }
0xb6: {  	[bflag:$0x0] =	sbarrier.arrive $0xFFFF  }
0xb7: {  	s1 =	simm.s32 $0x0;
	s5 =	rddreg [dreg:$0x1d]  }
0xb8: {  	[tilespmem:s24], [sflag:$0x3] =	stream.linear.gather [hbm4b:s5+s1], $0x60, $0x38;
	[tilespmem:$0x1F680] =	vst v63  }
0xb9: {  	s11 =	simm.s32 $0x19380;
	s10 =	rddreg [dreg:$0x1e]  }
0xba: {  	[tilespmem:s11], [sflag:$0x5] =	stream.linear.gather [hbm4b:s10+s1], $0x60, $0x38;
	[tilespmem:$0x1F680] =	vst v63  }
0xbb: {  	s25 =	rddreg [dreg:$0x1b]  }
0xbc: {  	[tilespmem:s4], [sflag:$0x4] =	stream.linear.gather [hbm4b:s25+s1], $0x60, $0x38;
	[tilespmem:$0x1F680] =	vst v63  }
0xbd: {  	s30 =	simm.s32 $0x19400;
	s28 =	rddreg [dreg:$0x1c]  }
0xbe: {  	[tilespmem:s30], [sflag:$0x6] =	stream.linear.gather [hbm4b:s28+s1], $0x60, $0x38;
	[tilespmem:$0x1F680] =	vst v63  }
0xbf: {  	_ =	swait.ge [sflag:s31], $0x60  }
0xc0: {  	[sflag:s31] =	ssyncset.done $0x0  }
0xc1: {  	[sflag:s31] =	ssyncadd.s32 $0xFFFFFFA0  }
0xc2: {  	_ =	swait.ge [sflag:s2], $0x60  }
0xc3: {  	[sflag:s2] =	ssyncset.done $0x0  }
0xc4: {  	[sflag:s2] =	ssyncadd.s32 $0xFFFFFFA0  }
0xc5: {  	[tilespmem:s15], [sflag:$0x1] =	stream.indirect.gather [hbm4b:s26+s0], $0x80, s24, s0, $0xb8;
	[tilespmem:$0x1F680] =	vst v63  }
0xc6: {  	_ =	swait.ge [sflag:s7], $0x60  }
0xc7: {  	[sflag:s7] =	ssyncset.done $0x0  }
0xc8: {  	[sflag:s7] =	ssyncadd.s32 $0xFFFFFFA0  }
0xc9: {  	_ =	swait.ge [sflag:s8], $0x60  }
0xca: {  	[sflag:s8] =	ssyncset.done $0x0  }
0xcb: {  	[sflag:s8] =	ssyncadd.s32 $0xFFFFFFA0  }
0xcc: {  	[tilespmem:s9], [sflag:$0x2] =	stream.indirect.gather [hbm4b:s26+s0], $0x80, s4, s0, $0xb8;
	[tilespmem:$0x1F680] =	vst v63  }
0xcd: {  	_ =	swait.ge [sflag:s22], $0x3000  }
0xce: {  	[sflag:s22] =	ssyncset.done $0x0  }
0xcf: {  	[sflag:s22] =	ssyncadd.s32 $0xFFFFD000  }
0xd0: {  	v1 =	vld [tilespmem:$0x19280]  }
0xd1: {  	v2 =	vld [tilespmem:$0x19380]  }
0xd2: {  	v3 =	vld [tilespmem:$0x19290]  }
0xd3: {  	v4 =	vld [tilespmem:$0x19390]  }
0xd4: {  	v5 =	vld [tilespmem:$0x192A0]  }
0xd5: {  	v6 =	vld [tilespmem:$0x193A0]  }
0xd6: {  	v7 =	vld [tilespmem:$0x192B0]  }
0xd7: {  	v8 =	vld [tilespmem:$0x193B0]  }
0xd8: {  	v1 =	vld.idx.msk [tilespmem:v1+s18+$0x0], $0xffff  }
0xd9: {  	v9 =	vld.idx.msk [tilespmem:v2+s17+$0x0], $0xffff  }
0xda: {  	v3 =	vld.idx.msk [tilespmem:v3+s18+$0x0], $0xffff  }
0xdb: {  	v10 =	vld.idx.msk [tilespmem:v4+s17+$0x0], $0xffff  }
0xdc: {  	v5 =	vld.idx.msk [tilespmem:v5+s18+$0x0], $0xffff  }
0xdd: {  	v11 =	vld.idx.msk [tilespmem:v6+s17+$0x0], $0xffff  }
0xde: {  	v7 =	vld.idx.msk [tilespmem:v7+s18+$0x0], $0xffff;
	v1 =	vadd.f32 v9, v1  }
0xdf: {  	v59 =	vld.idx.msk [tilespmem:v8+s17+$0x0], $0xffff  }
0xe0: {  	v3 =	vadd.f32 v10, v3;
	v60 =	vmul.f32 $2.000000030e-01, v1;
	_ =	sdelay $0x1  }
0xe1: {  	v5 =	vadd.f32 v11, v5;
	v61 =	vmul.f32 $2.000000030e-01, v3;
	v1 =	vmax.f32 v1, v60  }
0xe2: {  	v1 =	vmul.f32 $1.442695020e+00, v1  }
0xe3: {  	v7 =	vadd.f32 v59, v7;
	v62 =	vmul.f32 $2.000000030e-01, v5;
	v3 =	vmax.f32 v3, v61  }
0xe4: {  	(erf) = vpow2.f32 v1;
	v1 =	vmul.f32 $1.442695020e+00, v3  }
0xe5: {  	v63 =	vmul.f32 $2.000000030e-01, v7;
	v3 =	vmax.f32 v5, v62  }
0xe6: {  	(erf) = vpow2.f32 v1;
	v1 =	vmul.f32 $1.442695020e+00, v3  }
0xe7: {  	v3 =	vmax.f32 v7, v63  }
0xe8: {  	(erf) = vpow2.f32 v1;
	v1 =	vmul.f32 $1.442695020e+00, v3;
	_ =	sdelay $0x1  }
0xe9: {  	(erf) = vpow2.f32 v1;
	_ =	sdelay $0x2  }
0xea: {  	[tilespmem:$0x19480] =	vst v2  }
0xeb: {  	[tilespmem:$0x19490] =	vst v4  }
0xec: {  	[tilespmem:$0x194A0] =	vst v6  }
0xed: {  	[tilespmem:$0x194B0] =	vst v8;
	v1 =	vpop (erf)  }
0xee: {  	[tilespmem:$0x1F580] =	vst v1;
	v1 =	vpop (erf)  }
0xef: {  	[tilespmem:$0x1F590] =	vst v1;
	v1 =	vpop (erf)  }
0xf0: {  	[tilespmem:$0x1F5A0] =	vst v1;
	v1 =	vpop (erf)  }
0xf1: {  	[tilespmem:$0x1F5B0] =	vst v1  }
.LBB2_4:
0xf2: {  	s3 =	sshra.s32 s1, $0x2  }
0xf3: {  	v1 =	vld [tilespmem:s3+$0x192C0]  }
0xf4: {  	v2 =	vld [tilespmem:s3+$0x193C0];
	_ =	sdelay $0x6  }
0xf5: {  	v1 =	vld.idx.msk [tilespmem:v1+s18+$0x0], $0xffff  }
0xf6: {  	v3 =	vld.idx.msk [tilespmem:v2+s17+$0x0], $0xffff;
	_ =	sdelay $0x4  }
0xf7: {  	v1 =	vadd.f32 v3, v1;
	_ =	sdelay $0x1  }
0xf8: {  	v3 =	vmul.f32 $2.000000030e-01, v1;
	_ =	sdelay $0x1  }
0xf9: {  	v1 =	vmax.f32 v1, v3  }
0xfa: {  	v1 =	vmul.f32 $1.442695020e+00, v1;
	_ =	sdelay $0x1  }
0xfb: {  	(erf) = vpow2.f32 v1;
	_ =	sdelay $0x4  }
0xfc: {  	p0 =	sne.s32 s1, $0x40  }
.Ltmp1:
0xfd: {  	_ = 	snop;
	(pc) =	sbr.rel @p0 .LBB2_4-.Ltmp1, $3  }
0xfe: {  	_ =	sdelay $0x1  }
0xff: {  	[tilespmem:s3+$0x194C0] =	vst v2;
	v1 =	vpop (erf)  }
0x100: {  	s1 =	sadd.s32 $0x40, s1;
	[tilespmem:s3+$0x1F5C0] =	vst v1  }
0x101: {  	s1 =	simm.s32 $0x0  }
0x102: {  	s3 =	simm.s32 $0x2;
	v1 =	vmov s1  }
0x103: {  	v2 =	vmov s3;
	v1 =	vand.u32 $0xFFFFFFFC, v1  }
0x104: {  	s5 =	rddreg [dreg:$0x3];
	s25 =	simm.s32 $0x19680;
	v2 =	vand.u32 $0xFFFFFFFE, v2;
	v1 =	vbroadcast v1, $0x0  }
0x105: {  	[spmem:s5] =	stream.indirect.scatter.add.f32 [tilespmem:s16], [sflag:$0x9], $0x1, s12, s0, $0xb8;
	v2 =	vbroadcast v2, $0x0;
	[tilespmem:$0x1F680] =	vst v63  }
0x106: {  	v4 =	vld [tilespmem:s25+$0x70]  }
0x107: {  	v5 =	vld [tilespmem:s25+$0xFFFFFF00]  }
0x108: {  	s10 =	simm.s32 $0x1;
	v6 =	vld [tilespmem:s25+$0xFFFFFF10]  }
0x109: {  	v3 =	vmov s10;
	v7 =	vld [tilespmem:s25+$0xFFFFFF20]  }
0x10a: {  	v3 =	vand.u32 $0xFFFFFFFD, v3;
	v1 =	vld.idx.msk [tilespmem:v1+s16+$0x0], $0xffff  }
0x10b: {  	v3 =	vbroadcast v3, $0x0;
	v2 =	vld.idx.msk [tilespmem:v2+s16+$0x0], $0xffff  }
0x10c: {  	v8 =	vld [tilespmem:s25+$0xFFFFFF30]  }
0x10d: {  	v9 =	vld [tilespmem:s25+$0xFFFFFF40]  }
0x10e: {  	v10 =	vld [tilespmem:s25+$0xFFFFFF50]  }
0x10f: {  	v11 =	vld [tilespmem:s25+$0xFFFFFF60];
	v5 =	vmul.f32 v5, v1  }
0x110: {  	v13 =	vld [tilespmem:s25+$0x40];
	v4 =	vmul.f32 v4, v2  }
0x111: {  	v3 =	vld.idx.msk [tilespmem:v3+s16+$0x0], $0xffff;
	[tilespmem:s25+$0xFFFFFF00] =	vst v5;
	v5 =	vmul.f32 v6, v1  }
0x112: {  	v6 =	vld [tilespmem:s25+$0xFFFFFF70];
	[tilespmem:s25+$0x70] =	vst v4;
	v4 =	vmul.f32 v7, v1  }
0x113: {  	v7 =	vld [tilespmem:s25+$0xFFFFFF80];
	[tilespmem:s25+$0xFFFFFF10] =	vst v5;
	v5 =	vmul.f32 v8, v1  }
0x114: {  	v8 =	vld [tilespmem:s25+$0xFFFFFF90];
	[tilespmem:s25+$0xFFFFFF20] =	vst v4;
	v4 =	vmul.f32 v9, v1  }
0x115: {  	v9 =	vld [tilespmem:s25+$0xFFFFFFA0];
	[tilespmem:s25+$0xFFFFFF30] =	vst v5;
	v5 =	vmul.f32 v10, v1  }
0x116: {  	v10 =	vld [tilespmem:s25+$0xFFFFFFB0];
	[tilespmem:s25+$0xFFFFFF40] =	vst v4;
	v4 =	vmul.f32 v11, v1  }
0x117: {  	v11 =	vld [tilespmem:s25+$0xFFFFFFC0];
	v6 =	vmul.f32 v6, v1;
	[tilespmem:s25+$0xFFFFFF50] =	vst v5  }
0x118: {  	v5 =	vmul.f32 v7, v3;
	v7 =	vld [tilespmem:s25+$0xFFFFFFD0];
	[tilespmem:s25+$0xFFFFFF60] =	vst v4  }
0x119: {  	s11 =	simm.s32 $0x3;
	v4 =	vld [tilespmem:s25+$0xFFFFFFE0];
	v8 =	vmul.f32 v8, v3;
	[tilespmem:s25+$0xFFFFFF70] =	vst v6  }
0x11a: {  	v12 =	vmov s11;
	v6 =	vld [tilespmem:s25+$0xFFFFFFF0];
	[tilespmem:s25+$0xFFFFFF80] =	vst v5;
	v5 =	vmul.f32 v9, v3  }
0x11b: {  	v9 =	vld [tilespmem:s25+$0x0];
	[tilespmem:s25+$0xFFFFFF90] =	vst v8;
	v8 =	vmul.f32 v10, v3  }
0x11c: {  	v10 =	vld [tilespmem:s25+$0x10];
	[tilespmem:s25+$0xFFFFFFA0] =	vst v5;
	v5 =	vmul.f32 v11, v3  }
0x11d: {  	[tilespmem:s25+$0xFFFFFFB0] =	vst v8;
	v7 =	vmul.f32 v7, v3;
	v8 =	vld [tilespmem:s25+$0x20]  }
0x11e: {  	v11 =	vld [tilespmem:s25+$0x30];
	v4 =	vmul.f32 v4, v3;
	[tilespmem:s25+$0xFFFFFFC0] =	vst v5  }
0x11f: {  	v1 =	vld.idx.msk [tilespmem:v12+s16+$0x0], $0xffff;
	v3 =	vmul.f32 v6, v3;
	[tilespmem:s25+$0xFFFFFFD0] =	vst v7  }
0x120: {  	[tilespmem:s25+$0xFFFFFFE0] =	vst v4;
	v5 =	vmul.f32 v9, v2;
	v4 =	vld [tilespmem:s25+$0x50]  }
0x121: {  	s28 =	simm.s32 $0x4;
	[tilespmem:s25+$0xFFFFFFF0] =	vst v3;
	v6 =	vmul.f32 v10, v2;
	v3 =	vld [tilespmem:s25+$0x60]  }
0x122: {  	s30 =	simm.s32 $0x7;
	v7 =	vmov s28;
	[tilespmem:s25+$0x0] =	vst v5;
	v9 =	vmul.f32 v8, v2;
	v8 =	vld [tilespmem:s25+$0x80]  }
0x123: {  	s3 =	simm.s32 $0x5;
	v12 =	vand.u32 $0xFFFFFFFC, v7;
	v7 =	vld [tilespmem:s25+$0x90];
	v5 =	vmov s30;
	v10 =	vmul.f32 v11, v2;
	[tilespmem:s25+$0x10] =	vst v6  }
0x124: {  	s5 =	simm.s32 $0x8;
	s1 =	simm.s32 $0x19680;
	v11 =	vmul.f32 v13, v2;
	v6 =	vbroadcast v12, $0x0;
	v12 =	vmov s3;
	s3 =	simm.s32 $0x6;
	[tilespmem:s25+$0x20] =	vst v9;
	v9 =	vld [tilespmem:s25+$0xA0]  }
.LBB2_6:
0x125: {  	p0 =	slt.u32 s5, $0x5C;
	v12 =	vand.u32 $0xFFFFFFFD, v12;
	v13 =	vmov s3;
	[tilespmem:s25+$0x30] =	vst v10;
	v4 =	vmul.f32 v4, v2;
	v10 =	vld [tilespmem:s25+$0xB0]  }
0x126: {  	v12 =	vbroadcast v12, $0x0;
	v13 =	vand.u32 $0xFFFFFFFE, v13;
	[tilespmem:s25+$0x40] =	vst v11;
	v2 =	vmul.f32 v3, v2;
	v3 =	vld [tilespmem:s25+$0xC0]  }
0x127: {  	v11 =	vbroadcast v13, $0x0;
	[tilespmem:s25+$0x50] =	vst v4;
	v4 =	vmul.f32 v8, v1;
	v8 =	vld [tilespmem:s25+$0xD0]  }
0x128: {  	[tilespmem:s25+$0x60] =	vst v2;
	v2 =	vmul.f32 v7, v1;
	v7 =	vld [tilespmem:s25+$0xE0]  }
0x129: {  	[tilespmem:s25+$0x80] =	vst v4;
	v4 =	vmul.f32 v9, v1;
	v9 =	vld [tilespmem:s25+$0xF0]  }
0x12a: {  	v5 =	vld.idx.msk [tilespmem:v5+s16+$0x0], $0xffff;
	[tilespmem:s25+$0x90] =	vst v2;
	v2 =	vmul.f32 v10, v1  }
0x12b: {  	v6 =	vld.idx.msk [tilespmem:v6+s16+$0x0], $0xffff;
	[tilespmem:s25+$0xA0] =	vst v4;
	v3 =	vmul.f32 v3, v1  }
0x12c: {  	v4 =	vld.idx.msk [tilespmem:v12+s16+$0x0], $0xffff;
	[tilespmem:s25+$0xB0] =	vst v2;
	v8 =	vmul.f32 v8, v1  }
0x12d: {  	s25 =	sadd.s32 $0x200, s25;
	v2 =	vld.idx.msk [tilespmem:v11+s16+$0x0], $0xffff;
	[tilespmem:s1+$0xC0] =	vst v3;
	v3 =	vmul.f32 v7, v1  }
0x12e: {  	v7 =	vld [tilespmem:s25+$0x70];
	[tilespmem:s1+$0xD0] =	vst v8;
	v9 =	vmul.f32 v9, v1  }
0x12f: {  	v8 =	vld [tilespmem:s25+$0xFFFFFF00];
	[tilespmem:s1+$0xE0] =	vst v3  }
0x130: {  	v1 =	vmov v5;
	v3 =	vld [tilespmem:s25+$0xFFFFFF10];
	[tilespmem:s1+$0xF0] =	vst v9;
	s1 =	smov.u32 s25  }
0x131: {  	v5 =	vld [tilespmem:s25+$0xFFFFFF20]  }
0x132: {  	v9 =	vld [tilespmem:s25+$0xFFFFFF30]  }
0x133: {  	v10 =	vld [tilespmem:s25+$0xFFFFFF40];
	v7 =	vmul.f32 v7, v2  }
0x134: {  	v8 =	vmul.f32 v8, v6;
	v11 =	vld [tilespmem:s25+$0xFFFFFF50]  }
0x135: {  	v3 =	vmul.f32 v3, v6;
	v12 =	vld [tilespmem:s25+$0xFFFFFF60];
	[tilespmem:s25+$0x70] =	vst v7  }
0x136: {  	[tilespmem:s25+$0xFFFFFF00] =	vst v8;
	v5 =	vmul.f32 v5, v6;
	v7 =	vld [tilespmem:s25+$0xFFFFFF70]  }
0x137: {  	[tilespmem:s25+$0xFFFFFF10] =	vst v3;
	v3 =	vmul.f32 v9, v6;
	v8 =	vld [tilespmem:s25+$0xFFFFFF80]  }
0x138: {  	[tilespmem:s25+$0xFFFFFF20] =	vst v5;
	v5 =	vmul.f32 v10, v6;
	v9 =	vld [tilespmem:s25+$0xFFFFFF90]  }
0x139: {  	[tilespmem:s25+$0xFFFFFF30] =	vst v3;
	v3 =	vmul.f32 v11, v6;
	v10 =	vld [tilespmem:s25+$0xFFFFFFA0]  }
0x13a: {  	[tilespmem:s25+$0xFFFFFF40] =	vst v5;
	v5 =	vmul.f32 v12, v6;
	v11 =	vld [tilespmem:s25+$0xFFFFFFB0]  }
0x13b: {  	[tilespmem:s25+$0xFFFFFF50] =	vst v3;
	v3 =	vmul.f32 v7, v6;
	v6 =	vld [tilespmem:s25+$0xFFFFFFC0]  }
0x13c: {  	[tilespmem:s25+$0xFFFFFF60] =	vst v5;
	v5 =	vmul.f32 v8, v4;
	v7 =	vld [tilespmem:s25+$0xFFFFFFD0]  }
0x13d: {  	[tilespmem:s25+$0xFFFFFF70] =	vst v3;
	v3 =	vmul.f32 v9, v4;
	v8 =	vld [tilespmem:s25+$0xFFFFFFE0]  }
0x13e: {  	[tilespmem:s25+$0xFFFFFF80] =	vst v5;
	v5 =	vmul.f32 v10, v4;
	v9 =	vld [tilespmem:s25+$0xFFFFFFF0]  }
0x13f: {  	[tilespmem:s25+$0xFFFFFF90] =	vst v3;
	v3 =	vmul.f32 v11, v4;
	v10 =	vld [tilespmem:s25+$0x0]  }
0x140: {  	[tilespmem:s25+$0xFFFFFFA0] =	vst v5;
	v5 =	vmul.f32 v6, v4;
	v6 =	vld [tilespmem:s25+$0x10]  }
0x141: {  	[tilespmem:s25+$0xFFFFFFB0] =	vst v3;
	v3 =	vmul.f32 v7, v4;
	v7 =	vld [tilespmem:s25+$0x20]  }
0x142: {  	[tilespmem:s25+$0xFFFFFFC0] =	vst v5;
	v5 =	vmul.f32 v8, v4;
	v11 =	vld [tilespmem:s25+$0x30]  }
0x143: {  	[tilespmem:s25+$0xFFFFFFD0] =	vst v3;
	v3 =	vmul.f32 v9, v4;
	v9 =	vld [tilespmem:s25+$0x40]  }
.Ltmp2:
0x144: {  	[tilespmem:s25+$0xFFFFFFE0] =	vst v5;
	v5 =	vmul.f32 v10, v2;
	v4 =	vld [tilespmem:s25+$0x50];
	(pc) =	sbr.rel @p0 .LBB2_6-.Ltmp2, $4  }
0x145: {  	[tilespmem:s25+$0xFFFFFFF0] =	vst v3;
	v6 =	vmul.f32 v6, v2;
	v3 =	vld [tilespmem:s25+$0x60]  }
0x146: {  	s3 =	sadd.s32 $0x3, s5;
	v10 =	vmov s5;
	[tilespmem:s25+$0x0] =	vst v5;
	v13 =	vmul.f32 v7, v2;
	v8 =	vld [tilespmem:s25+$0x80]  }
0x147: {  	s10 =	sadd.s32 $0x1, s5;
	v12 =	vand.u32 $0xFFFFFFFC, v10;
	v5 =	vmov s3;
	[tilespmem:s25+$0x10] =	vst v6;
	v10 =	vmul.f32 v11, v2;
	v7 =	vld [tilespmem:s25+$0x90]  }
0x148: {  	s3 =	sadd.s32 $0x2, s5;
	s5 =	sadd.s32 $0x4, s5;
	v6 =	vbroadcast v12, $0x0;
	v12 =	vmov s10;
	[tilespmem:s25+$0x20] =	vst v13;
	v11 =	vmul.f32 v9, v2;
	v9 =	vld [tilespmem:s25+$0xA0]  }
0x149: {  	v13 =	vld [tilespmem:s25+$0xB0]  }
0x14a: {  	v15 =	vld [tilespmem:s25+$0xC0]  }
0x14b: {  	v16 =	vld [tilespmem:s25+$0xD0]  }
0x14c: {  	v17 =	vld [tilespmem:s25+$0xE0]  }
0x14d: {  	v29 =	vld [tilespmem:s25+$0xF0];
	[tilespmem:s25+$0x30] =	vst v10;
	v4 =	vmul.f32 v4, v2  }
0x14e: {  	v5 =	vld.idx.msk [tilespmem:v5+s16+$0x0], $0xffff;
	[tilespmem:s25+$0x40] =	vst v11;
	v2 =	vmul.f32 v3, v2  }
0x14f: {  	s5 =	sadd.s32 $0x200, s25;
	v3 =	vld.idx.msk [tilespmem:v6+s16+$0x0], $0xffff;
	v8 =	vmul.f32 v8, v1;
	[tilespmem:s25+$0x50] =	vst v4  }
0x150: {  	v14 =	vmov s3;
	v34 =	vld [tilespmem:s5+$0x70];
	v30 =	vmul.f32 v7, v1;
	[tilespmem:s25+$0x60] =	vst v2  }
0x151: {  	v14 =	vand.u32 $0xFFFFFFFE, v14;
	v35 =	vld [tilespmem:s5+$0xFFFFFF00];
	[tilespmem:s25+$0x80] =	vst v8;
	v2 =	vmul.f32 v9, v1  }
0x152: {  	v37 =	vld [tilespmem:s5+$0xFFFFFF10];
	v14 =	vbroadcast v14, $0x0;
	[tilespmem:s25+$0x90] =	vst v30;
	v33 =	vmul.f32 v13, v1  }
0x153: {  	v38 =	vld [tilespmem:s5+$0xFFFFFF20];
	[tilespmem:s25+$0xA0] =	vst v2;
	v2 =	vmul.f32 v15, v1  }
0x154: {  	v12 =	vand.u32 $0xFFFFFFFD, v12;
	v39 =	vld [tilespmem:s5+$0xFFFFFF30];
	v36 =	vmul.f32 v16, v1;
	[tilespmem:s25+$0xB0] =	vst v33  }
0x155: {  	v12 =	vbroadcast v12, $0x0;
	v41 =	vld [tilespmem:s5+$0xFFFFFF50];
	[tilespmem:s1+$0xC0] =	vst v2;
	v2 =	vmul.f32 v17, v1  }
0x156: {  	v43 =	vld [tilespmem:s5+$0xFFFFFF60];
	[tilespmem:s1+$0xD0] =	vst v36;
	v1 =	vmul.f32 v29, v1  }
0x157: {  	v42 =	vmul.f32 v37, v3;
	[tilespmem:s1+$0xE0] =	vst v2;
	v2 =	vld [tilespmem:s5+$0xFFFFFF40]  }
0x158: {  	v32 =	vld.idx.msk [tilespmem:v14+s16+$0x0], $0xffff;
	[tilespmem:s1+$0xF0] =	vst v1;
	v1 =	vmul.f32 v35, v3  }
0x159: {  	v44 =	vld [tilespmem:s5+$0xFFFFFF70];
	v4 =	vmul.f32 v39, v3;
	[tilespmem:s5+$0xFFFFFF10] =	vst v42  }
0x15a: {  	v45 =	vld [tilespmem:s5+$0xFFFFFF80];
	[tilespmem:s5+$0xFFFFFF00] =	vst v1;
	v1 =	vmul.f32 v38, v3  }
0x15b: {  	v46 =	vmul.f32 v41, v3;
	v31 =	vld.idx.msk [tilespmem:v12+s16+$0x0], $0xffff;
	[tilespmem:s5+$0xFFFFFF30] =	vst v4  }
0x15c: {  	[tilespmem:s5+$0xFFFFFF20] =	vst v1;
	v1 =	vmul.f32 v2, v3;
	v2 =	vld [tilespmem:s5+$0xFFFFFF90]  }
0x15d: {  	v47 =	vld [tilespmem:s5+$0xFFFFFFA0];
	[tilespmem:s5+$0xFFFFFF50] =	vst v46;
	v40 =	vmul.f32 v34, v32  }
0x15e: {  	v48 =	vld [tilespmem:s5+$0xFFFFFFB0];
	[tilespmem:s5+$0xFFFFFF40] =	vst v1;
	v1 =	vmul.f32 v43, v3  }
0x15f: {  	v49 =	vld [tilespmem:s5+$0xFFFFFFC0];
	[tilespmem:s5+$0x70] =	vst v40;
	v3 =	vmul.f32 v44, v3  }
0x160: {  	v50 =	vld [tilespmem:s5+$0xFFFFFFD0];
	[tilespmem:s5+$0xFFFFFF60] =	vst v1;
	v1 =	vmul.f32 v45, v31  }
0x161: {  	[tilespmem:s5+$0xFFFFFF70] =	vst v3;
	v3 =	vld [tilespmem:s5+$0xFFFFFFE0];
	v2 =	vmul.f32 v2, v31  }
0x162: {  	v51 =	vld [tilespmem:s5+$0xFFFFFFF0];
	[tilespmem:s5+$0xFFFFFF80] =	vst v1;
	v1 =	vmul.f32 v47, v31  }
0x163: {  	v52 =	vld [tilespmem:s5+$0x0];
	[tilespmem:s5+$0xFFFFFF90] =	vst v2;
	v2 =	vmul.f32 v48, v31  }
0x164: {  	v53 =	vld [tilespmem:s5+$0x10];
	[tilespmem:s5+$0xFFFFFFA0] =	vst v1;
	v1 =	vmul.f32 v49, v31  }
0x165: {  	v54 =	vld [tilespmem:s5+$0x20];
	[tilespmem:s5+$0xFFFFFFB0] =	vst v2;
	v2 =	vmul.f32 v50, v31  }
0x166: {  	[tilespmem:s5+$0xFFFFFFC0] =	vst v1;
	v1 =	vmul.f32 v3, v31;
	v3 =	vld [tilespmem:s5+$0x30]  }
0x167: {  	v55 =	vld [tilespmem:s5+$0x40];
	[tilespmem:s5+$0xFFFFFFD0] =	vst v2;
	v2 =	vmul.f32 v51, v31  }
0x168: {  	v56 =	vld [tilespmem:s5+$0x50];
	[tilespmem:s5+$0xFFFFFFE0] =	vst v1;
	v1 =	vmul.f32 v52, v32  }
0x169: {  	v57 =	vld [tilespmem:s5+$0x60];
	[tilespmem:s5+$0xFFFFFFF0] =	vst v2;
	v2 =	vmul.f32 v53, v32  }
0x16a: {  	v58 =	vld [tilespmem:s5+$0x80];
	[tilespmem:s5+$0x0] =	vst v1;
	v1 =	vmul.f32 v54, v32  }
0x16b: {  	[tilespmem:s5+$0x10] =	vst v2;
	v2 =	vmul.f32 v3, v32;
	v3 =	vld [tilespmem:s5+$0x90]  }
0x16c: {  	v59 =	vld [tilespmem:s5+$0xA0];
	[tilespmem:s5+$0x20] =	vst v1;
	v1 =	vmul.f32 v55, v32  }
0x16d: {  	v60 =	vld [tilespmem:s5+$0xB0];
	[tilespmem:s5+$0x30] =	vst v2;
	v2 =	vmul.f32 v56, v32  }
0x16e: {  	v61 =	vld [tilespmem:s5+$0xC0];
	[tilespmem:s5+$0x40] =	vst v1;
	v1 =	vmul.f32 v57, v32  }
0x16f: {  	v62 =	vld [tilespmem:s5+$0xD0];
	[tilespmem:s5+$0x50] =	vst v2;
	v2 =	vmul.f32 v58, v5  }
0x170: {  	[tilespmem:s5+$0x60] =	vst v1;
	v1 =	vmul.f32 v3, v5;
	v3 =	vld [tilespmem:s5+$0xE0]  }
0x171: {  	v63 =	vld [tilespmem:s5+$0xF0];
	[tilespmem:s5+$0x80] =	vst v2;
	v2 =	vmul.f32 v59, v5  }
0x172: {  	[tilespmem:s5+$0x90] =	vst v1;
	v1 =	vmul.f32 v60, v5  }
0x173: {  	[tilespmem:s5+$0xA0] =	vst v2;
	v2 =	vmul.f32 v61, v5  }
0x174: {  	[tilespmem:s5+$0xB0] =	vst v1;
	v1 =	vmul.f32 v62, v5  }
0x175: {  	[tilespmem:s5+$0xC0] =	vst v2;
	v2 =	vmul.f32 v3, v5  }
0x176: {  	[tilespmem:s5+$0xD0] =	vst v1;
	v1 =	vmul.f32 v63, v5  }
0x177: {  	[tilespmem:s5+$0xE0] =	vst v2  }
0x178: {  	s10 =	rddreg [dreg:$0x2];
	[tilespmem:s5+$0xF0] =	vst v1  }
0x179: {  	[spmem:s10] =	stream.indirect.scatter.add.f32 [tilespmem:s15], [sflag:$0x7], $0x80, s12, s0, $0xb8;
	[tilespmem:$0x1F680] =	vst v63  }
0x17a: {  	s11 =	rddreg [dreg:$0x1f]  }
0x17b: {  	s30 =	simm.s32 $0x0;
	s25 =	sld [smem:$0x7F8]  }
0x17c: {  	[tilespmem:s24], [sflag:$0x3] =	stream.linear.gather [hbm4b:s11+s30], $0x60, $0x38;
	[tilespmem:$0x1F680] =	vst v63  }
0x17d: {  	s28 =	simm.s32 $0x19380  }
0x17e: {  	[tilespmem:s28], [sflag:$0x5] =	stream.linear.gather [hbm4b:s25+s30], $0x60, $0x38;
	[tilespmem:$0x1F680] =	vst v63  }
.LBB2_8:
0x17f: {  	_ =	swait.ge [sflag:s21], $0x60  }
0x180: {  	[sflag:s21] =	ssyncset.done $0x0  }
0x181: {  	[sflag:s21] =	ssyncadd.s32 $0xFFFFFFA0  }
0x182: {  	_ =	swait.ge [sflag:s19], $0x3000  }
0x183: {  	[sflag:s19] =	ssyncset.done $0x0  }
0x184: {  	[sflag:s19] =	ssyncadd.s32 $0xFFFFD000  }
0x185: {  	_ =	swait.ge [sflag:s31], $0x60  }
0x186: {  	[sflag:s31] =	ssyncset.done $0x0  }
0x187: {  	[sflag:s31] =	ssyncadd.s32 $0xFFFFFFA0  }
0x188: {  	_ =	swait.ge [sflag:s2], $0x60  }
0x189: {  	[sflag:s2] =	ssyncset.done $0x0  }
0x18a: {  	[sflag:s2] =	ssyncadd.s32 $0xFFFFFFA0  }
0x18b: {  	[tilespmem:s15], [sflag:$0x1] =	stream.indirect.gather [hbm4b:s26+s0], $0x80, s24, s0, $0xb8;
	[tilespmem:$0x1F680] =	vst v63  }
0x18c: {  	_ =	swait.ge [sflag:s23], $0x3000  }
0x18d: {  	[sflag:s23] =	ssyncset.done $0x0  }
0x18e: {  	[sflag:s23] =	ssyncadd.s32 $0xFFFFD000  }
0x18f: {  	v1 =	vld [tilespmem:$0x19300]  }
0x190: {  	v2 =	vld [tilespmem:$0x19400]  }
0x191: {  	v3 =	vld [tilespmem:$0x19310]  }
0x192: {  	v4 =	vld [tilespmem:$0x19410]  }
0x193: {  	v5 =	vld [tilespmem:$0x19320]  }
0x194: {  	v6 =	vld [tilespmem:$0x19420]  }
0x195: {  	v7 =	vld [tilespmem:$0x19330]  }
0x196: {  	v8 =	vld [tilespmem:$0x19430]  }
0x197: {  	v1 =	vld.idx.msk [tilespmem:v1+s18+$0x0], $0xffff  }
0x198: {  	v9 =	vld.idx.msk [tilespmem:v2+s17+$0x0], $0xffff  }
0x199: {  	v3 =	vld.idx.msk [tilespmem:v3+s18+$0x0], $0xffff  }
0x19a: {  	v10 =	vld.idx.msk [tilespmem:v4+s17+$0x0], $0xffff  }
0x19b: {  	v5 =	vld.idx.msk [tilespmem:v5+s18+$0x0], $0xffff  }
0x19c: {  	v11 =	vld.idx.msk [tilespmem:v6+s17+$0x0], $0xffff  }
0x19d: {  	v7 =	vld.idx.msk [tilespmem:v7+s18+$0x0], $0xffff;
	v1 =	vadd.f32 v9, v1  }
0x19e: {  	v59 =	vld.idx.msk [tilespmem:v8+s17+$0x0], $0xffff  }
0x19f: {  	v3 =	vadd.f32 v10, v3;
	v60 =	vmul.f32 $2.000000030e-01, v1;
	_ =	sdelay $0x1  }
0x1a0: {  	v5 =	vadd.f32 v11, v5;
	v61 =	vmul.f32 $2.000000030e-01, v3;
	v1 =	vmax.f32 v1, v60  }
0x1a1: {  	v1 =	vmul.f32 $1.442695020e+00, v1  }
0x1a2: {  	v7 =	vadd.f32 v59, v7;
	v62 =	vmul.f32 $2.000000030e-01, v5;
	v3 =	vmax.f32 v3, v61  }
0x1a3: {  	(erf) = vpow2.f32 v1;
	v1 =	vmul.f32 $1.442695020e+00, v3  }
0x1a4: {  	v63 =	vmul.f32 $2.000000030e-01, v7;
	v3 =	vmax.f32 v5, v62  }
0x1a5: {  	(erf) = vpow2.f32 v1;
	v1 =	vmul.f32 $1.442695020e+00, v3  }
0x1a6: {  	v3 =	vmax.f32 v7, v63  }
0x1a7: {  	(erf) = vpow2.f32 v1;
	v1 =	vmul.f32 $1.442695020e+00, v3;
	_ =	sdelay $0x1  }
0x1a8: {  	(erf) = vpow2.f32 v1;
	_ =	sdelay $0x2  }
0x1a9: {  	[tilespmem:$0x19500] =	vst v2  }
0x1aa: {  	[tilespmem:$0x19510] =	vst v4  }
0x1ab: {  	[tilespmem:$0x19520] =	vst v6  }
0x1ac: {  	[tilespmem:$0x19530] =	vst v8;
	v1 =	vpop (erf)  }
0x1ad: {  	[tilespmem:$0x1F600] =	vst v1;
	v1 =	vpop (erf)  }
0x1ae: {  	[tilespmem:$0x1F610] =	vst v1;
	v1 =	vpop (erf)  }
0x1af: {  	[tilespmem:$0x1F620] =	vst v1;
	v1 =	vpop (erf)  }
0x1b0: {  	s1 =	simm.s32 $0x0;
	[tilespmem:$0x1F630] =	vst v1  }
.LBB2_9:
0x1b1: {  	s3 =	sshra.s32 s1, $0x2  }
0x1b2: {  	v1 =	vld [tilespmem:s3+$0x19340]  }
0x1b3: {  	v2 =	vld [tilespmem:s3+$0x19440];
	_ =	sdelay $0x6  }
0x1b4: {  	v1 =	vld.idx.msk [tilespmem:v1+s18+$0x0], $0xffff  }
0x1b5: {  	v3 =	vld.idx.msk [tilespmem:v2+s17+$0x0], $0xffff;
	_ =	sdelay $0x4  }
0x1b6: {  	v1 =	vadd.f32 v3, v1;
	_ =	sdelay $0x1  }
0x1b7: {  	v3 =	vmul.f32 $2.000000030e-01, v1;
	_ =	sdelay $0x1  }
0x1b8: {  	v1 =	vmax.f32 v1, v3  }
0x1b9: {  	v1 =	vmul.f32 $1.442695020e+00, v1;
	_ =	sdelay $0x1  }
0x1ba: {  	(erf) = vpow2.f32 v1;
	_ =	sdelay $0x4  }
0x1bb: {  	p0 =	sne.s32 s1, $0x40  }
.Ltmp3:
0x1bc: {  	_ = 	snop;
	(pc) =	sbr.rel @p0 .LBB2_9-.Ltmp3, $3  }
0x1bd: {  	_ =	sdelay $0x1  }
0x1be: {  	[tilespmem:s3+$0x19540] =	vst v2;
	v1 =	vpop (erf)  }
0x1bf: {  	s1 =	sadd.s32 $0x40, s1;
	[tilespmem:s3+$0x1F640] =	vst v1  }
0x1c0: {  	s1 =	simm.s32 $0x0  }
0x1c1: {  	s28 =	simm.s32 $0x2;
	v1 =	vmov s1  }
0x1c2: {  	v2 =	vmov s28;
	v1 =	vand.u32 $0xFFFFFFFC, v1  }
0x1c3: {  	s3 =	rddreg [dreg:$0x3];
	s25 =	simm.s32 $0x1C680;
	v2 =	vand.u32 $0xFFFFFFFE, v2;
	v1 =	vbroadcast v1, $0x0  }
0x1c4: {  	[spmem:s3] =	stream.indirect.scatter.add.f32 [tilespmem:s14], [sflag:$0xA], $0x1, s13, s0, $0xb8;
	v2 =	vbroadcast v2, $0x0;
	[tilespmem:$0x1F680] =	vst v63  }
0x1c5: {  	v4 =	vld [tilespmem:s25+$0x70]  }
0x1c6: {  	v5 =	vld [tilespmem:s25+$0xFFFFFF00]  }
0x1c7: {  	s5 =	simm.s32 $0x1;
	v6 =	vld [tilespmem:s25+$0xFFFFFF10]  }
0x1c8: {  	v3 =	vmov s5;
	v7 =	vld [tilespmem:s25+$0xFFFFFF20]  }
0x1c9: {  	v3 =	vand.u32 $0xFFFFFFFD, v3;
	v1 =	vld.idx.msk [tilespmem:v1+s14+$0x0], $0xffff  }
0x1ca: {  	v3 =	vbroadcast v3, $0x0;
	v2 =	vld.idx.msk [tilespmem:v2+s14+$0x0], $0xffff  }
0x1cb: {  	v8 =	vld [tilespmem:s25+$0xFFFFFF30]  }
0x1cc: {  	v9 =	vld [tilespmem:s25+$0xFFFFFF40]  }
0x1cd: {  	v10 =	vld [tilespmem:s25+$0xFFFFFF50]  }
0x1ce: {  	v11 =	vld [tilespmem:s25+$0xFFFFFF60];
	v5 =	vmul.f32 v5, v1  }
0x1cf: {  	v13 =	vld [tilespmem:s25+$0x40];
	v4 =	vmul.f32 v4, v2  }
0x1d0: {  	v3 =	vld.idx.msk [tilespmem:v3+s14+$0x0], $0xffff;
	[tilespmem:s25+$0xFFFFFF00] =	vst v5;
	v5 =	vmul.f32 v6, v1  }
0x1d1: {  	v6 =	vld [tilespmem:s25+$0xFFFFFF70];
	[tilespmem:s25+$0x70] =	vst v4;
	v4 =	vmul.f32 v7, v1  }
0x1d2: {  	v7 =	vld [tilespmem:s25+$0xFFFFFF80];
	[tilespmem:s25+$0xFFFFFF10] =	vst v5;
	v5 =	vmul.f32 v8, v1  }
0x1d3: {  	v8 =	vld [tilespmem:s25+$0xFFFFFF90];
	[tilespmem:s25+$0xFFFFFF20] =	vst v4;
	v4 =	vmul.f32 v9, v1  }
0x1d4: {  	v9 =	vld [tilespmem:s25+$0xFFFFFFA0];
	[tilespmem:s25+$0xFFFFFF30] =	vst v5;
	v5 =	vmul.f32 v10, v1  }
0x1d5: {  	v10 =	vld [tilespmem:s25+$0xFFFFFFB0];
	[tilespmem:s25+$0xFFFFFF40] =	vst v4;
	v4 =	vmul.f32 v11, v1  }
0x1d6: {  	v11 =	vld [tilespmem:s25+$0xFFFFFFC0];
	v6 =	vmul.f32 v6, v1;
	[tilespmem:s25+$0xFFFFFF50] =	vst v5  }
0x1d7: {  	v5 =	vmul.f32 v7, v3;
	v7 =	vld [tilespmem:s25+$0xFFFFFFD0];
	[tilespmem:s25+$0xFFFFFF60] =	vst v4  }
0x1d8: {  	s10 =	simm.s32 $0x3;
	v4 =	vld [tilespmem:s25+$0xFFFFFFE0];
	v8 =	vmul.f32 v8, v3;
	[tilespmem:s25+$0xFFFFFF70] =	vst v6  }
0x1d9: {  	v12 =	vmov s10;
	v6 =	vld [tilespmem:s25+$0xFFFFFFF0];
	[tilespmem:s25+$0xFFFFFF80] =	vst v5;
	v5 =	vmul.f32 v9, v3  }
0x1da: {  	v9 =	vld [tilespmem:s25+$0x0];
	[tilespmem:s25+$0xFFFFFF90] =	vst v8;
	v8 =	vmul.f32 v10, v3  }
0x1db: {  	v10 =	vld [tilespmem:s25+$0x10];
	[tilespmem:s25+$0xFFFFFFA0] =	vst v5;
	v5 =	vmul.f32 v11, v3  }
0x1dc: {  	[tilespmem:s25+$0xFFFFFFB0] =	vst v8;
	v7 =	vmul.f32 v7, v3;
	v8 =	vld [tilespmem:s25+$0x20]  }
0x1dd: {  	v11 =	vld [tilespmem:s25+$0x30];
	v4 =	vmul.f32 v4, v3;
	[tilespmem:s25+$0xFFFFFFC0] =	vst v5  }
0x1de: {  	v1 =	vld.idx.msk [tilespmem:v12+s14+$0x0], $0xffff;
	v3 =	vmul.f32 v6, v3;
	[tilespmem:s25+$0xFFFFFFD0] =	vst v7  }
0x1df: {  	[tilespmem:s25+$0xFFFFFFE0] =	vst v4;
	v5 =	vmul.f32 v9, v2;
	v4 =	vld [tilespmem:s25+$0x50]  }
0x1e0: {  	s11 =	simm.s32 $0x4;
	[tilespmem:s25+$0xFFFFFFF0] =	vst v3;
	v6 =	vmul.f32 v10, v2;
	v3 =	vld [tilespmem:s25+$0x60]  }
0x1e1: {  	s28 =	simm.s32 $0x7;
	v7 =	vmov s11;
	[tilespmem:s25+$0x0] =	vst v5;
	v9 =	vmul.f32 v8, v2;
	v8 =	vld [tilespmem:s25+$0x80]  }
0x1e2: {  	s3 =	simm.s32 $0x5;
	v12 =	vand.u32 $0xFFFFFFFC, v7;
	v7 =	vld [tilespmem:s25+$0x90];
	v5 =	vmov s28;
	v10 =	vmul.f32 v11, v2;
	[tilespmem:s25+$0x10] =	vst v6  }
0x1e3: {  	s5 =	simm.s32 $0x8;
	s1 =	simm.s32 $0x1C680;
	v11 =	vmul.f32 v13, v2;
	v6 =	vbroadcast v12, $0x0;
	v12 =	vmov s3;
	s3 =	simm.s32 $0x6;
	[tilespmem:s25+$0x20] =	vst v9;
	v9 =	vld [tilespmem:s25+$0xA0]  }
.LBB2_11:
0x1e4: {  	p0 =	slt.u32 s5, $0x5C;
	v12 =	vand.u32 $0xFFFFFFFD, v12;
	v13 =	vmov s3;
	[tilespmem:s25+$0x30] =	vst v10;
	v4 =	vmul.f32 v4, v2;
	v10 =	vld [tilespmem:s25+$0xB0]  }
0x1e5: {  	v12 =	vbroadcast v12, $0x0;
	v13 =	vand.u32 $0xFFFFFFFE, v13;
	[tilespmem:s25+$0x40] =	vst v11;
	v2 =	vmul.f32 v3, v2;
	v3 =	vld [tilespmem:s25+$0xC0]  }
0x1e6: {  	v11 =	vbroadcast v13, $0x0;
	[tilespmem:s25+$0x50] =	vst v4;
	v4 =	vmul.f32 v8, v1;
	v8 =	vld [tilespmem:s25+$0xD0]  }
0x1e7: {  	[tilespmem:s25+$0x60] =	vst v2;
	v2 =	vmul.f32 v7, v1;
	v7 =	vld [tilespmem:s25+$0xE0]  }
0x1e8: {  	[tilespmem:s25+$0x80] =	vst v4;
	v4 =	vmul.f32 v9, v1;
	v9 =	vld [tilespmem:s25+$0xF0]  }
0x1e9: {  	v5 =	vld.idx.msk [tilespmem:v5+s14+$0x0], $0xffff;
	[tilespmem:s25+$0x90] =	vst v2;
	v2 =	vmul.f32 v10, v1  }
0x1ea: {  	v6 =	vld.idx.msk [tilespmem:v6+s14+$0x0], $0xffff;
	[tilespmem:s25+$0xA0] =	vst v4;
	v3 =	vmul.f32 v3, v1  }
0x1eb: {  	v4 =	vld.idx.msk [tilespmem:v12+s14+$0x0], $0xffff;
	[tilespmem:s25+$0xB0] =	vst v2;
	v8 =	vmul.f32 v8, v1  }
0x1ec: {  	s25 =	sadd.s32 $0x200, s25;
	v2 =	vld.idx.msk [tilespmem:v11+s14+$0x0], $0xffff;
	[tilespmem:s1+$0xC0] =	vst v3;
	v3 =	vmul.f32 v7, v1  }
0x1ed: {  	v7 =	vld [tilespmem:s25+$0x70];
	[tilespmem:s1+$0xD0] =	vst v8;
	v9 =	vmul.f32 v9, v1  }
0x1ee: {  	v8 =	vld [tilespmem:s25+$0xFFFFFF00];
	[tilespmem:s1+$0xE0] =	vst v3  }
0x1ef: {  	v1 =	vmov v5;
	v3 =	vld [tilespmem:s25+$0xFFFFFF10];
	[tilespmem:s1+$0xF0] =	vst v9;
	s1 =	smov.u32 s25  }
0x1f0: {  	v5 =	vld [tilespmem:s25+$0xFFFFFF20]  }
0x1f1: {  	v9 =	vld [tilespmem:s25+$0xFFFFFF30]  }
0x1f2: {  	v10 =	vld [tilespmem:s25+$0xFFFFFF40];
	v7 =	vmul.f32 v7, v2  }
0x1f3: {  	v8 =	vmul.f32 v8, v6;
	v11 =	vld [tilespmem:s25+$0xFFFFFF50]  }
0x1f4: {  	v3 =	vmul.f32 v3, v6;
	v12 =	vld [tilespmem:s25+$0xFFFFFF60];
	[tilespmem:s25+$0x70] =	vst v7  }
0x1f5: {  	[tilespmem:s25+$0xFFFFFF00] =	vst v8;
	v5 =	vmul.f32 v5, v6;
	v7 =	vld [tilespmem:s25+$0xFFFFFF70]  }
0x1f6: {  	[tilespmem:s25+$0xFFFFFF10] =	vst v3;
	v3 =	vmul.f32 v9, v6;
	v8 =	vld [tilespmem:s25+$0xFFFFFF80]  }
0x1f7: {  	[tilespmem:s25+$0xFFFFFF20] =	vst v5;
	v5 =	vmul.f32 v10, v6;
	v9 =	vld [tilespmem:s25+$0xFFFFFF90]  }
0x1f8: {  	[tilespmem:s25+$0xFFFFFF30] =	vst v3;
	v3 =	vmul.f32 v11, v6;
	v10 =	vld [tilespmem:s25+$0xFFFFFFA0]  }
0x1f9: {  	[tilespmem:s25+$0xFFFFFF40] =	vst v5;
	v5 =	vmul.f32 v12, v6;
	v11 =	vld [tilespmem:s25+$0xFFFFFFB0]  }
0x1fa: {  	[tilespmem:s25+$0xFFFFFF50] =	vst v3;
	v3 =	vmul.f32 v7, v6;
	v6 =	vld [tilespmem:s25+$0xFFFFFFC0]  }
0x1fb: {  	[tilespmem:s25+$0xFFFFFF60] =	vst v5;
	v5 =	vmul.f32 v8, v4;
	v7 =	vld [tilespmem:s25+$0xFFFFFFD0]  }
0x1fc: {  	[tilespmem:s25+$0xFFFFFF70] =	vst v3;
	v3 =	vmul.f32 v9, v4;
	v8 =	vld [tilespmem:s25+$0xFFFFFFE0]  }
0x1fd: {  	[tilespmem:s25+$0xFFFFFF80] =	vst v5;
	v5 =	vmul.f32 v10, v4;
	v9 =	vld [tilespmem:s25+$0xFFFFFFF0]  }
0x1fe: {  	[tilespmem:s25+$0xFFFFFF90] =	vst v3;
	v3 =	vmul.f32 v11, v4;
	v10 =	vld [tilespmem:s25+$0x0]  }
0x1ff: {  	[tilespmem:s25+$0xFFFFFFA0] =	vst v5;
	v5 =	vmul.f32 v6, v4;
	v6 =	vld [tilespmem:s25+$0x10]  }
0x200: {  	[tilespmem:s25+$0xFFFFFFB0] =	vst v3;
	v3 =	vmul.f32 v7, v4;
	v7 =	vld [tilespmem:s25+$0x20]  }
0x201: {  	[tilespmem:s25+$0xFFFFFFC0] =	vst v5;
	v5 =	vmul.f32 v8, v4;
	v11 =	vld [tilespmem:s25+$0x30]  }
0x202: {  	[tilespmem:s25+$0xFFFFFFD0] =	vst v3;
	v3 =	vmul.f32 v9, v4;
	v9 =	vld [tilespmem:s25+$0x40]  }
.Ltmp4:
0x203: {  	[tilespmem:s25+$0xFFFFFFE0] =	vst v5;
	v5 =	vmul.f32 v10, v2;
	v4 =	vld [tilespmem:s25+$0x50];
	(pc) =	sbr.rel @p0 .LBB2_11-.Ltmp4, $4  }
0x204: {  	[tilespmem:s25+$0xFFFFFFF0] =	vst v3;
	v6 =	vmul.f32 v6, v2;
	v3 =	vld [tilespmem:s25+$0x60]  }
0x205: {  	s3 =	sadd.s32 $0x3, s5;
	v10 =	vmov s5;
	[tilespmem:s25+$0x0] =	vst v5;
	v13 =	vmul.f32 v7, v2;
	v8 =	vld [tilespmem:s25+$0x80]  }
0x206: {  	s10 =	sadd.s32 $0x1, s5;
	v12 =	vand.u32 $0xFFFFFFFC, v10;
	v5 =	vmov s3;
	[tilespmem:s25+$0x10] =	vst v6;
	v10 =	vmul.f32 v11, v2;
	v7 =	vld [tilespmem:s25+$0x90]  }
0x207: {  	s3 =	sadd.s32 $0x2, s5;
	s5 =	sadd.s32 $0x4, s5;
	v6 =	vbroadcast v12, $0x0;
	v12 =	vmov s10;
	[tilespmem:s25+$0x20] =	vst v13;
	v11 =	vmul.f32 v9, v2;
	v9 =	vld [tilespmem:s25+$0xA0]  }
0x208: {  	v13 =	vld [tilespmem:s25+$0xB0]  }
0x209: {  	v15 =	vld [tilespmem:s25+$0xC0]  }
0x20a: {  	v16 =	vld [tilespmem:s25+$0xD0]  }
0x20b: {  	v17 =	vld [tilespmem:s25+$0xE0]  }
0x20c: {  	v63 =	vld [tilespmem:s25+$0xF0];
	[tilespmem:s25+$0x30] =	vst v10;
	v4 =	vmul.f32 v4, v2  }
0x20d: {  	v5 =	vld.idx.msk [tilespmem:v5+s14+$0x0], $0xffff;
	[tilespmem:s25+$0x40] =	vst v11;
	v2 =	vmul.f32 v3, v2  }
0x20e: {  	s28 =	sadd.s32 $0x200, s25;
	v3 =	vld.idx.msk [tilespmem:v6+s14+$0x0], $0xffff;
	v8 =	vmul.f32 v8, v1;
	[tilespmem:s25+$0x50] =	vst v4  }
0x20f: {  	v14 =	vmov s3;
	v22 =	vld [tilespmem:s28+$0x70];
	v18 =	vmul.f32 v7, v1;
	[tilespmem:s25+$0x60] =	vst v2  }
0x210: {  	v14 =	vand.u32 $0xFFFFFFFE, v14;
	v23 =	vld [tilespmem:s28+$0xFFFFFF00];
	[tilespmem:s25+$0x80] =	vst v8;
	v2 =	vmul.f32 v9, v1  }
0x211: {  	v25 =	vld [tilespmem:s28+$0xFFFFFF10];
	v14 =	vbroadcast v14, $0x0;
	[tilespmem:s25+$0x90] =	vst v18;
	v21 =	vmul.f32 v13, v1  }
0x212: {  	v26 =	vld [tilespmem:s28+$0xFFFFFF20];
	[tilespmem:s25+$0xA0] =	vst v2;
	v2 =	vmul.f32 v15, v1  }
0x213: {  	v12 =	vand.u32 $0xFFFFFFFD, v12;
	v27 =	vld [tilespmem:s28+$0xFFFFFF30];
	v24 =	vmul.f32 v16, v1;
	[tilespmem:s25+$0xB0] =	vst v21  }
0x214: {  	v12 =	vbroadcast v12, $0x0;
	v29 =	vld [tilespmem:s28+$0xFFFFFF50];
	[tilespmem:s1+$0xC0] =	vst v2;
	v2 =	vmul.f32 v17, v1  }
0x215: {  	v31 =	vld [tilespmem:s28+$0xFFFFFF60];
	[tilespmem:s1+$0xD0] =	vst v24;
	v1 =	vmul.f32 v63, v1  }
0x216: {  	v30 =	vmul.f32 v25, v3;
	[tilespmem:s1+$0xE0] =	vst v2;
	v2 =	vld [tilespmem:s28+$0xFFFFFF40]  }
0x217: {  	v20 =	vld.idx.msk [tilespmem:v14+s14+$0x0], $0xffff;
	[tilespmem:s1+$0xF0] =	vst v1;
	v1 =	vmul.f32 v23, v3  }
0x218: {  	v32 =	vld [tilespmem:s28+$0xFFFFFF70];
	v4 =	vmul.f32 v27, v3;
	[tilespmem:s28+$0xFFFFFF10] =	vst v30  }
0x219: {  	v33 =	vld [tilespmem:s28+$0xFFFFFF80];
	[tilespmem:s28+$0xFFFFFF00] =	vst v1;
	v1 =	vmul.f32 v26, v3  }
0x21a: {  	v34 =	vmul.f32 v29, v3;
	v19 =	vld.idx.msk [tilespmem:v12+s14+$0x0], $0xffff;
	[tilespmem:s28+$0xFFFFFF30] =	vst v4  }
0x21b: {  	[tilespmem:s28+$0xFFFFFF20] =	vst v1;
	v1 =	vmul.f32 v2, v3;
	v2 =	vld [tilespmem:s28+$0xFFFFFF90]  }
0x21c: {  	v35 =	vld [tilespmem:s28+$0xFFFFFFA0];
	[tilespmem:s28+$0xFFFFFF50] =	vst v34;
	v28 =	vmul.f32 v22, v20  }
0x21d: {  	v36 =	vld [tilespmem:s28+$0xFFFFFFB0];
	[tilespmem:s28+$0xFFFFFF40] =	vst v1;
	v1 =	vmul.f32 v31, v3  }
0x21e: {  	v37 =	vld [tilespmem:s28+$0xFFFFFFC0];
	[tilespmem:s28+$0x70] =	vst v28;
	v3 =	vmul.f32 v32, v3  }
0x21f: {  	v38 =	vld [tilespmem:s28+$0xFFFFFFD0];
	[tilespmem:s28+$0xFFFFFF60] =	vst v1;
	v1 =	vmul.f32 v33, v19  }
0x220: {  	[tilespmem:s28+$0xFFFFFF70] =	vst v3;
	v3 =	vld [tilespmem:s28+$0xFFFFFFE0];
	v2 =	vmul.f32 v2, v19  }
0x221: {  	v39 =	vld [tilespmem:s28+$0xFFFFFFF0];
	[tilespmem:s28+$0xFFFFFF80] =	vst v1;
	v1 =	vmul.f32 v35, v19  }
0x222: {  	v40 =	vld [tilespmem:s28+$0x0];
	[tilespmem:s28+$0xFFFFFF90] =	vst v2;
	v2 =	vmul.f32 v36, v19  }
0x223: {  	v41 =	vld [tilespmem:s28+$0x10];
	[tilespmem:s28+$0xFFFFFFA0] =	vst v1;
	v1 =	vmul.f32 v37, v19  }
0x224: {  	v42 =	vld [tilespmem:s28+$0x20];
	[tilespmem:s28+$0xFFFFFFB0] =	vst v2;
	v2 =	vmul.f32 v38, v19  }
0x225: {  	[tilespmem:s28+$0xFFFFFFC0] =	vst v1;
	v1 =	vmul.f32 v3, v19;
	v3 =	vld [tilespmem:s28+$0x30]  }
0x226: {  	v43 =	vld [tilespmem:s28+$0x40];
	[tilespmem:s28+$0xFFFFFFD0] =	vst v2;
	v2 =	vmul.f32 v39, v19  }
0x227: {  	v44 =	vld [tilespmem:s28+$0x50];
	[tilespmem:s28+$0xFFFFFFE0] =	vst v1;
	v1 =	vmul.f32 v40, v20  }
0x228: {  	v45 =	vld [tilespmem:s28+$0x60];
	[tilespmem:s28+$0xFFFFFFF0] =	vst v2;
	v2 =	vmul.f32 v41, v20  }
0x229: {  	v46 =	vld [tilespmem:s28+$0x80];
	[tilespmem:s28+$0x0] =	vst v1;
	v1 =	vmul.f32 v42, v20  }
0x22a: {  	[tilespmem:s28+$0x10] =	vst v2;
	v2 =	vmul.f32 v3, v20;
	v3 =	vld [tilespmem:s28+$0x90]  }
0x22b: {  	v47 =	vld [tilespmem:s28+$0xA0];
	[tilespmem:s28+$0x20] =	vst v1;
	v1 =	vmul.f32 v43, v20  }
0x22c: {  	v48 =	vld [tilespmem:s28+$0xB0];
	[tilespmem:s28+$0x30] =	vst v2;
	v2 =	vmul.f32 v44, v20  }
0x22d: {  	v49 =	vld [tilespmem:s28+$0xC0];
	[tilespmem:s28+$0x40] =	vst v1;
	v1 =	vmul.f32 v45, v20  }
0x22e: {  	v50 =	vld [tilespmem:s28+$0xD0];
	[tilespmem:s28+$0x50] =	vst v2;
	v2 =	vmul.f32 v46, v5  }
0x22f: {  	[tilespmem:s28+$0x60] =	vst v1;
	v1 =	vmul.f32 v3, v5;
	v3 =	vld [tilespmem:s28+$0xE0]  }
0x230: {  	v51 =	vld [tilespmem:s28+$0xF0];
	[tilespmem:s28+$0x80] =	vst v2;
	v2 =	vmul.f32 v47, v5  }
0x231: {  	[tilespmem:s28+$0x90] =	vst v1;
	v1 =	vmul.f32 v48, v5  }
0x232: {  	[tilespmem:s28+$0xA0] =	vst v2;
	v2 =	vmul.f32 v49, v5  }
0x233: {  	[tilespmem:s28+$0xB0] =	vst v1;
	v1 =	vmul.f32 v50, v5  }
0x234: {  	[tilespmem:s28+$0xC0] =	vst v2;
	v2 =	vmul.f32 v3, v5  }
0x235: {  	[tilespmem:s28+$0xD0] =	vst v1;
	v1 =	vmul.f32 v51, v5  }
0x236: {  	[tilespmem:s28+$0xE0] =	vst v2  }
0x237: {  	[tilespmem:s28+$0xF0] =	vst v1  }
0x238: {  	s5 =	sld [smem:$0x7F9]  }
0x239: {  	s3 =	rddreg [dreg:$0x2];
	s25 =	smul.u32 $0xC0, s30  }
0x23a: {  	[spmem:s3] =	stream.indirect.scatter.add.f32 [tilespmem:s9], [sflag:$0x8], $0x80, s13, s0, $0xb8;
	[tilespmem:$0x1F680] =	vst v63  }
0x23b: {  	s1 =	sadd.s32 s25, s5  }
0x23c: {  	s11 =	rddreg [dreg:$0x1];
	s10 =	sshrl.u32 s1, $0x3  }
0x23d: {  	s1 =	simm.s32 $0x0;
	s5 =	sadd.s32 s11, s10  }
0x23e: {  	[tilespmem:s4], [sflag:$0x4] =	stream.linear.gather [hbm4b:s5+s1], $0x60, $0x38;
	[tilespmem:$0x1F680] =	vst v63  }
0x23f: {  	s28 =	simm.s32 $0x19400;
	s3 =	sadd.s32 s29, s10  }
0x240: {  	[tilespmem:s28], [sflag:$0x6] =	stream.linear.gather [hbm4b:s3+s1], $0x60, $0x38;
	[tilespmem:$0x1F680] =	vst v63  }
0x241: {  	_ =	swait.ge [sflag:s6], $0x60  }
0x242: {  	[sflag:s6] =	ssyncset.done $0x0  }
0x243: {  	[sflag:s6] =	ssyncadd.s32 $0xFFFFFFA0  }
0x244: {  	_ =	swait.ge [sflag:s20], $0x3000  }
0x245: {  	[sflag:s20] =	ssyncset.done $0x0  }
0x246: {  	[sflag:s20] =	ssyncadd.s32 $0xFFFFD000  }
0x247: {  	_ =	swait.ge [sflag:s7], $0x60  }
0x248: {  	[sflag:s7] =	ssyncset.done $0x0  }
0x249: {  	[sflag:s7] =	ssyncadd.s32 $0xFFFFFFA0  }
0x24a: {  	_ =	swait.ge [sflag:s8], $0x60  }
0x24b: {  	[sflag:s8] =	ssyncset.done $0x0  }
0x24c: {  	[sflag:s8] =	ssyncadd.s32 $0xFFFFFFA0  }
0x24d: {  	[tilespmem:s9], [sflag:$0x2] =	stream.indirect.gather [hbm4b:s26+s0], $0x80, s4, s0, $0xb8;
	[tilespmem:$0x1F680] =	vst v63  }
0x24e: {  	_ =	swait.ge [sflag:s22], $0x3000  }
0x24f: {  	[sflag:s22] =	ssyncset.done $0x0  }
0x250: {  	[sflag:s22] =	ssyncadd.s32 $0xFFFFD000  }
0x251: {  	v1 =	vld [tilespmem:$0x19280]  }
0x252: {  	v2 =	vld [tilespmem:$0x19380]  }
0x253: {  	v3 =	vld [tilespmem:$0x19290]  }
0x254: {  	v52 =	vld [tilespmem:$0x19390]  }
0x255: {  	v53 =	vld [tilespmem:$0x192A0]  }
0x256: {  	v54 =	vld [tilespmem:$0x193A0]  }
0x257: {  	v55 =	vld [tilespmem:$0x192B0]  }
0x258: {  	v56 =	vld [tilespmem:$0x193B0]  }
0x259: {  	v1 =	vld.idx.msk [tilespmem:v1+s18+$0x0], $0xffff  }
0x25a: {  	v57 =	vld.idx.msk [tilespmem:v2+s17+$0x0], $0xffff  }
0x25b: {  	v3 =	vld.idx.msk [tilespmem:v3+s18+$0x0], $0xffff  }
0x25c: {  	v58 =	vld.idx.msk [tilespmem:v52+s17+$0x0], $0xffff  }
0x25d: {  	v5 =	vld.idx.msk [tilespmem:v53+s18+$0x0], $0xffff  }
0x25e: {  	v59 =	vld.idx.msk [tilespmem:v54+s17+$0x0], $0xffff  }
0x25f: {  	v7 =	vld.idx.msk [tilespmem:v55+s18+$0x0], $0xffff;
	v1 =	vadd.f32 v57, v1  }
0x260: {  	v60 =	vld.idx.msk [tilespmem:v56+s17+$0x0], $0xffff  }
0x261: {  	v3 =	vadd.f32 v58, v3;
	v61 =	vmul.f32 $2.000000030e-01, v1;
	_ =	sdelay $0x1  }
0x262: {  	v5 =	vadd.f32 v59, v5;
	v10 =	vmul.f32 $2.000000030e-01, v3;
	v1 =	vmax.f32 v1, v61  }
0x263: {  	v1 =	vmul.f32 $1.442695020e+00, v1  }
0x264: {  	v7 =	vadd.f32 v60, v7;
	v62 =	vmul.f32 $2.000000030e-01, v5;
	v3 =	vmax.f32 v3, v10  }
0x265: {  	(erf) = vpow2.f32 v1;
	v1 =	vmul.f32 $1.442695020e+00, v3  }
0x266: {  	v63 =	vmul.f32 $2.000000030e-01, v7;
	v3 =	vmax.f32 v5, v62  }
0x267: {  	(erf) = vpow2.f32 v1;
	v1 =	vmul.f32 $1.442695020e+00, v3  }
0x268: {  	v3 =	vmax.f32 v7, v63  }
0x269: {  	(erf) = vpow2.f32 v1;
	v1 =	vmul.f32 $1.442695020e+00, v3;
	_ =	sdelay $0x1  }
0x26a: {  	(erf) = vpow2.f32 v1;
	_ =	sdelay $0x2  }
0x26b: {  	[tilespmem:$0x19480] =	vst v2  }
0x26c: {  	[tilespmem:$0x19490] =	vst v52  }
0x26d: {  	[tilespmem:$0x194A0] =	vst v54  }
0x26e: {  	[tilespmem:$0x194B0] =	vst v56;
	v1 =	vpop (erf)  }
0x26f: {  	[tilespmem:$0x1F580] =	vst v1;
	v1 =	vpop (erf)  }
0x270: {  	[tilespmem:$0x1F590] =	vst v1;
	v1 =	vpop (erf)  }
0x271: {  	[tilespmem:$0x1F5A0] =	vst v1;
	v1 =	vpop (erf)  }
0x272: {  	[tilespmem:$0x1F5B0] =	vst v1  }
.LBB2_13:
0x273: {  	s3 =	sshra.s32 s1, $0x2  }
0x274: {  	v1 =	vld [tilespmem:s3+$0x192C0]  }
0x275: {  	v2 =	vld [tilespmem:s3+$0x193C0];
	_ =	sdelay $0x6  }
0x276: {  	v1 =	vld.idx.msk [tilespmem:v1+s18+$0x0], $0xffff  }
0x277: {  	v3 =	vld.idx.msk [tilespmem:v2+s17+$0x0], $0xffff;
	_ =	sdelay $0x4  }
0x278: {  	v1 =	vadd.f32 v3, v1;
	_ =	sdelay $0x1  }
0x279: {  	v3 =	vmul.f32 $2.000000030e-01, v1;
	_ =	sdelay $0x1  }
0x27a: {  	v1 =	vmax.f32 v1, v3  }
0x27b: {  	v1 =	vmul.f32 $1.442695020e+00, v1;
	_ =	sdelay $0x1  }
0x27c: {  	(erf) = vpow2.f32 v1;
	_ =	sdelay $0x4  }
0x27d: {  	p0 =	sne.s32 s1, $0x40  }
.Ltmp5:
0x27e: {  	_ = 	snop;
	(pc) =	sbr.rel @p0 .LBB2_13-.Ltmp5, $3  }
0x27f: {  	_ =	sdelay $0x1  }
0x280: {  	[tilespmem:s3+$0x194C0] =	vst v2;
	v1 =	vpop (erf)  }
0x281: {  	s1 =	sadd.s32 $0x40, s1;
	[tilespmem:s3+$0x1F5C0] =	vst v1  }
0x282: {  	s1 =	simm.s32 $0x0  }
0x283: {  	s3 =	simm.s32 $0x2;
	v1 =	vmov s1  }
0x284: {  	s5 =	rddreg [dreg:$0x3];
	v2 =	vmov s3;
	v1 =	vand.u32 $0xFFFFFFFC, v1  }
0x285: {  	[spmem:s5] =	stream.indirect.scatter.add.f32 [tilespmem:s16], [sflag:$0x9], $0x1, s12, s0, $0xb8;
	v2 =	vand.u32 $0xFFFFFFFE, v2;
	v1 =	vbroadcast v1, $0x0;
	[tilespmem:$0x1F680] =	vst v63  }
0x286: {  	s1 =	simm.s32 $0x19680;
	v2 =	vbroadcast v2, $0x0  }
0x287: {  	v4 =	vld [tilespmem:s1+$0x70]  }
0x288: {  	v5 =	vld [tilespmem:s1+$0xFFFFFF00]  }
0x289: {  	s3 =	simm.s32 $0x1;
	v6 =	vld [tilespmem:s1+$0xFFFFFF10]  }
0x28a: {  	v3 =	vmov s3;
	v7 =	vld [tilespmem:s1+$0xFFFFFF20]  }
0x28b: {  	v3 =	vand.u32 $0xFFFFFFFD, v3;
	v1 =	vld.idx.msk [tilespmem:v1+s16+$0x0], $0xffff  }
0x28c: {  	v3 =	vbroadcast v3, $0x0;
	v2 =	vld.idx.msk [tilespmem:v2+s16+$0x0], $0xffff  }
0x28d: {  	v8 =	vld [tilespmem:s1+$0xFFFFFF30]  }
0x28e: {  	v9 =	vld [tilespmem:s1+$0xFFFFFF40]  }
0x28f: {  	v10 =	vld [tilespmem:s1+$0xFFFFFF50]  }
0x290: {  	v11 =	vld [tilespmem:s1+$0xFFFFFF60];
	v5 =	vmul.f32 v5, v1  }
0x291: {  	v13 =	vld [tilespmem:s1+$0x40];
	v4 =	vmul.f32 v4, v2  }
0x292: {  	v3 =	vld.idx.msk [tilespmem:v3+s16+$0x0], $0xffff;
	[tilespmem:s1+$0xFFFFFF00] =	vst v5;
	v5 =	vmul.f32 v6, v1  }
0x293: {  	v6 =	vld [tilespmem:s1+$0xFFFFFF70];
	[tilespmem:s1+$0x70] =	vst v4;
	v4 =	vmul.f32 v7, v1  }
0x294: {  	v7 =	vld [tilespmem:s1+$0xFFFFFF80];
	[tilespmem:s1+$0xFFFFFF10] =	vst v5;
	v5 =	vmul.f32 v8, v1  }
0x295: {  	v8 =	vld [tilespmem:s1+$0xFFFFFF90];
	[tilespmem:s1+$0xFFFFFF20] =	vst v4;
	v4 =	vmul.f32 v9, v1  }
0x296: {  	v9 =	vld [tilespmem:s1+$0xFFFFFFA0];
	[tilespmem:s1+$0xFFFFFF30] =	vst v5;
	v5 =	vmul.f32 v10, v1  }
0x297: {  	v10 =	vld [tilespmem:s1+$0xFFFFFFB0];
	[tilespmem:s1+$0xFFFFFF40] =	vst v4;
	v4 =	vmul.f32 v11, v1  }
0x298: {  	v11 =	vld [tilespmem:s1+$0xFFFFFFC0];
	v6 =	vmul.f32 v6, v1;
	[tilespmem:s1+$0xFFFFFF50] =	vst v5  }
0x299: {  	v5 =	vmul.f32 v7, v3;
	v7 =	vld [tilespmem:s1+$0xFFFFFFD0];
	[tilespmem:s1+$0xFFFFFF60] =	vst v4  }
0x29a: {  	s10 =	simm.s32 $0x3;
	v4 =	vld [tilespmem:s1+$0xFFFFFFE0];
	v8 =	vmul.f32 v8, v3;
	[tilespmem:s1+$0xFFFFFF70] =	vst v6  }
0x29b: {  	v12 =	vmov s10;
	v6 =	vld [tilespmem:s1+$0xFFFFFFF0];
	[tilespmem:s1+$0xFFFFFF80] =	vst v5;
	v5 =	vmul.f32 v9, v3  }
0x29c: {  	v9 =	vld [tilespmem:s1+$0x0];
	[tilespmem:s1+$0xFFFFFF90] =	vst v8;
	v8 =	vmul.f32 v10, v3  }
0x29d: {  	v10 =	vld [tilespmem:s1+$0x10];
	[tilespmem:s1+$0xFFFFFFA0] =	vst v5;
	v5 =	vmul.f32 v11, v3  }
0x29e: {  	[tilespmem:s1+$0xFFFFFFB0] =	vst v8;
	v7 =	vmul.f32 v7, v3;
	v8 =	vld [tilespmem:s1+$0x20]  }
0x29f: {  	v11 =	vld [tilespmem:s1+$0x30];
	v4 =	vmul.f32 v4, v3;
	[tilespmem:s1+$0xFFFFFFC0] =	vst v5  }
0x2a0: {  	v1 =	vld.idx.msk [tilespmem:v12+s16+$0x0], $0xffff;
	v3 =	vmul.f32 v6, v3;
	[tilespmem:s1+$0xFFFFFFD0] =	vst v7  }
0x2a1: {  	[tilespmem:s1+$0xFFFFFFE0] =	vst v4;
	v5 =	vmul.f32 v9, v2;
	v4 =	vld [tilespmem:s1+$0x50]  }
0x2a2: {  	s11 =	simm.s32 $0x4;
	[tilespmem:s1+$0xFFFFFFF0] =	vst v3;
	v6 =	vmul.f32 v10, v2;
	v3 =	vld [tilespmem:s1+$0x60]  }
0x2a3: {  	s28 =	simm.s32 $0x7;
	v7 =	vmov s11;
	[tilespmem:s1+$0x0] =	vst v5;
	v9 =	vmul.f32 v8, v2;
	v8 =	vld [tilespmem:s1+$0x80]  }
0x2a4: {  	s5 =	simm.s32 $0x5;
	v12 =	vand.u32 $0xFFFFFFFC, v7;
	v7 =	vld [tilespmem:s1+$0x90];
	v5 =	vmov s28;
	v10 =	vmul.f32 v11, v2;
	[tilespmem:s1+$0x10] =	vst v6  }
0x2a5: {  	s10 =	simm.s32 $0x6;
	s3 =	simm.s32 $0x8;
	v11 =	vmul.f32 v13, v2;
	v6 =	vbroadcast v12, $0x0;
	v12 =	vmov s5;
	s5 =	simm.s32 $0x19680;
	[tilespmem:s1+$0x20] =	vst v9;
	v9 =	vld [tilespmem:s1+$0xA0]  }
.LBB2_15:
0x2a6: {  	p0 =	slt.u32 s3, $0x5C;
	v12 =	vand.u32 $0xFFFFFFFD, v12;
	v13 =	vmov s10;
	[tilespmem:s1+$0x30] =	vst v10;
	v4 =	vmul.f32 v4, v2;
	v10 =	vld [tilespmem:s1+$0xB0]  }
0x2a7: {  	v12 =	vbroadcast v12, $0x0;
	v13 =	vand.u32 $0xFFFFFFFE, v13;
	[tilespmem:s1+$0x40] =	vst v11;
	v2 =	vmul.f32 v3, v2;
	v3 =	vld [tilespmem:s1+$0xC0]  }
0x2a8: {  	v11 =	vbroadcast v13, $0x0;
	[tilespmem:s1+$0x50] =	vst v4;
	v4 =	vmul.f32 v8, v1;
	v8 =	vld [tilespmem:s1+$0xD0]  }
0x2a9: {  	[tilespmem:s1+$0x60] =	vst v2;
	v2 =	vmul.f32 v7, v1;
	v7 =	vld [tilespmem:s1+$0xE0]  }
0x2aa: {  	[tilespmem:s1+$0x80] =	vst v4;
	v4 =	vmul.f32 v9, v1;
	v9 =	vld [tilespmem:s1+$0xF0]  }
0x2ab: {  	v5 =	vld.idx.msk [tilespmem:v5+s16+$0x0], $0xffff;
	[tilespmem:s1+$0x90] =	vst v2;
	v2 =	vmul.f32 v10, v1  }
0x2ac: {  	v6 =	vld.idx.msk [tilespmem:v6+s16+$0x0], $0xffff;
	[tilespmem:s1+$0xA0] =	vst v4;
	v3 =	vmul.f32 v3, v1  }
0x2ad: {  	v4 =	vld.idx.msk [tilespmem:v12+s16+$0x0], $0xffff;
	[tilespmem:s1+$0xB0] =	vst v2;
	v8 =	vmul.f32 v8, v1  }
0x2ae: {  	s1 =	sadd.s32 $0x200, s1;
	v2 =	vld.idx.msk [tilespmem:v11+s16+$0x0], $0xffff;
	[tilespmem:s5+$0xC0] =	vst v3;
	v3 =	vmul.f32 v7, v1  }
0x2af: {  	v7 =	vld [tilespmem:s1+$0x70];
	[tilespmem:s5+$0xD0] =	vst v8;
	v9 =	vmul.f32 v9, v1  }
0x2b0: {  	v8 =	vld [tilespmem:s1+$0xFFFFFF00];
	[tilespmem:s5+$0xE0] =	vst v3  }
0x2b1: {  	v1 =	vmov v5;
	v3 =	vld [tilespmem:s1+$0xFFFFFF10];
	[tilespmem:s5+$0xF0] =	vst v9;
	s5 =	smov.u32 s1  }
0x2b2: {  	v5 =	vld [tilespmem:s1+$0xFFFFFF20]  }
0x2b3: {  	v9 =	vld [tilespmem:s1+$0xFFFFFF30]  }
0x2b4: {  	v10 =	vld [tilespmem:s1+$0xFFFFFF40];
	v7 =	vmul.f32 v7, v2  }
0x2b5: {  	v8 =	vmul.f32 v8, v6;
	v11 =	vld [tilespmem:s1+$0xFFFFFF50]  }
0x2b6: {  	v3 =	vmul.f32 v3, v6;
	v12 =	vld [tilespmem:s1+$0xFFFFFF60];
	[tilespmem:s1+$0x70] =	vst v7  }
0x2b7: {  	[tilespmem:s1+$0xFFFFFF00] =	vst v8;
	v5 =	vmul.f32 v5, v6;
	v7 =	vld [tilespmem:s1+$0xFFFFFF70]  }
0x2b8: {  	[tilespmem:s1+$0xFFFFFF10] =	vst v3;
	v3 =	vmul.f32 v9, v6;
	v8 =	vld [tilespmem:s1+$0xFFFFFF80]  }
0x2b9: {  	[tilespmem:s1+$0xFFFFFF20] =	vst v5;
	v5 =	vmul.f32 v10, v6;
	v9 =	vld [tilespmem:s1+$0xFFFFFF90]  }
0x2ba: {  	[tilespmem:s1+$0xFFFFFF30] =	vst v3;
	v3 =	vmul.f32 v11, v6;
	v10 =	vld [tilespmem:s1+$0xFFFFFFA0]  }
0x2bb: {  	[tilespmem:s1+$0xFFFFFF40] =	vst v5;
	v5 =	vmul.f32 v12, v6;
	v11 =	vld [tilespmem:s1+$0xFFFFFFB0]  }
0x2bc: {  	[tilespmem:s1+$0xFFFFFF50] =	vst v3;
	v3 =	vmul.f32 v7, v6;
	v6 =	vld [tilespmem:s1+$0xFFFFFFC0]  }
0x2bd: {  	[tilespmem:s1+$0xFFFFFF60] =	vst v5;
	v5 =	vmul.f32 v8, v4;
	v7 =	vld [tilespmem:s1+$0xFFFFFFD0]  }
0x2be: {  	[tilespmem:s1+$0xFFFFFF70] =	vst v3;
	v3 =	vmul.f32 v9, v4;
	v8 =	vld [tilespmem:s1+$0xFFFFFFE0]  }
0x2bf: {  	[tilespmem:s1+$0xFFFFFF80] =	vst v5;
	v5 =	vmul.f32 v10, v4;
	v9 =	vld [tilespmem:s1+$0xFFFFFFF0]  }
0x2c0: {  	[tilespmem:s1+$0xFFFFFF90] =	vst v3;
	v3 =	vmul.f32 v11, v4;
	v10 =	vld [tilespmem:s1+$0x0]  }
0x2c1: {  	[tilespmem:s1+$0xFFFFFFA0] =	vst v5;
	v5 =	vmul.f32 v6, v4;
	v6 =	vld [tilespmem:s1+$0x10]  }
0x2c2: {  	[tilespmem:s1+$0xFFFFFFB0] =	vst v3;
	v3 =	vmul.f32 v7, v4;
	v7 =	vld [tilespmem:s1+$0x20]  }
0x2c3: {  	[tilespmem:s1+$0xFFFFFFC0] =	vst v5;
	v5 =	vmul.f32 v8, v4;
	v11 =	vld [tilespmem:s1+$0x30]  }
0x2c4: {  	[tilespmem:s1+$0xFFFFFFD0] =	vst v3;
	v3 =	vmul.f32 v9, v4;
	v9 =	vld [tilespmem:s1+$0x40]  }
.Ltmp6:
0x2c5: {  	[tilespmem:s1+$0xFFFFFFE0] =	vst v5;
	v5 =	vmul.f32 v10, v2;
	v4 =	vld [tilespmem:s1+$0x50];
	(pc) =	sbr.rel @p0 .LBB2_15-.Ltmp6, $4  }
0x2c6: {  	[tilespmem:s1+$0xFFFFFFF0] =	vst v3;
	v6 =	vmul.f32 v6, v2;
	v3 =	vld [tilespmem:s1+$0x60]  }
0x2c7: {  	s10 =	sadd.s32 $0x3, s3;
	v10 =	vmov s3;
	[tilespmem:s1+$0x0] =	vst v5;
	v13 =	vmul.f32 v7, v2;
	v8 =	vld [tilespmem:s1+$0x80]  }
0x2c8: {  	s11 =	sadd.s32 $0x1, s3;
	v12 =	vand.u32 $0xFFFFFFFC, v10;
	v5 =	vmov s10;
	[tilespmem:s1+$0x10] =	vst v6;
	v10 =	vmul.f32 v11, v2;
	v7 =	vld [tilespmem:s1+$0x90]  }
0x2c9: {  	s10 =	sadd.s32 $0x2, s3;
	s3 =	sadd.s32 $0x4, s3;
	v6 =	vbroadcast v12, $0x0;
	v12 =	vmov s11;
	[tilespmem:s1+$0x20] =	vst v13;
	v11 =	vmul.f32 v9, v2;
	v9 =	vld [tilespmem:s1+$0xA0]  }
0x2ca: {  	v13 =	vld [tilespmem:s1+$0xB0]  }
0x2cb: {  	v15 =	vld [tilespmem:s1+$0xC0]  }
0x2cc: {  	v16 =	vld [tilespmem:s1+$0xD0]  }
0x2cd: {  	v17 =	vld [tilespmem:s1+$0xE0]  }
0x2ce: {  	v29 =	vld [tilespmem:s1+$0xF0];
	[tilespmem:s1+$0x30] =	vst v10;
	v4 =	vmul.f32 v4, v2  }
0x2cf: {  	v5 =	vld.idx.msk [tilespmem:v5+s16+$0x0], $0xffff;
	[tilespmem:s1+$0x40] =	vst v11;
	v2 =	vmul.f32 v3, v2  }
0x2d0: {  	s3 =	sadd.s32 $0x200, s1;
	v3 =	vld.idx.msk [tilespmem:v6+s16+$0x0], $0xffff;
	v8 =	vmul.f32 v8, v1;
	[tilespmem:s1+$0x50] =	vst v4  }
0x2d1: {  	v14 =	vmov s10;
	v34 =	vld [tilespmem:s3+$0x70];
	v30 =	vmul.f32 v7, v1;
	[tilespmem:s1+$0x60] =	vst v2  }
0x2d2: {  	v14 =	vand.u32 $0xFFFFFFFE, v14;
	v35 =	vld [tilespmem:s3+$0xFFFFFF00];
	[tilespmem:s1+$0x80] =	vst v8;
	v2 =	vmul.f32 v9, v1  }
0x2d3: {  	v37 =	vld [tilespmem:s3+$0xFFFFFF10];
	v14 =	vbroadcast v14, $0x0;
	[tilespmem:s1+$0x90] =	vst v30;
	v33 =	vmul.f32 v13, v1  }
0x2d4: {  	v38 =	vld [tilespmem:s3+$0xFFFFFF20];
	[tilespmem:s1+$0xA0] =	vst v2;
	v2 =	vmul.f32 v15, v1  }
0x2d5: {  	v12 =	vand.u32 $0xFFFFFFFD, v12;
	v39 =	vld [tilespmem:s3+$0xFFFFFF30];
	v36 =	vmul.f32 v16, v1;
	[tilespmem:s1+$0xB0] =	vst v33  }
0x2d6: {  	v12 =	vbroadcast v12, $0x0;
	v41 =	vld [tilespmem:s3+$0xFFFFFF50];
	[tilespmem:s5+$0xC0] =	vst v2;
	v2 =	vmul.f32 v17, v1  }
0x2d7: {  	v43 =	vld [tilespmem:s3+$0xFFFFFF60];
	[tilespmem:s5+$0xD0] =	vst v36;
	v1 =	vmul.f32 v29, v1  }
0x2d8: {  	v42 =	vmul.f32 v37, v3;
	[tilespmem:s5+$0xE0] =	vst v2;
	v2 =	vld [tilespmem:s3+$0xFFFFFF40]  }
0x2d9: {  	v32 =	vld.idx.msk [tilespmem:v14+s16+$0x0], $0xffff;
	[tilespmem:s5+$0xF0] =	vst v1;
	v1 =	vmul.f32 v35, v3  }
0x2da: {  	v44 =	vld [tilespmem:s3+$0xFFFFFF70];
	v4 =	vmul.f32 v39, v3;
	[tilespmem:s3+$0xFFFFFF10] =	vst v42  }
0x2db: {  	v45 =	vld [tilespmem:s3+$0xFFFFFF80];
	[tilespmem:s3+$0xFFFFFF00] =	vst v1;
	v1 =	vmul.f32 v38, v3  }
0x2dc: {  	v46 =	vmul.f32 v41, v3;
	v31 =	vld.idx.msk [tilespmem:v12+s16+$0x0], $0xffff;
	[tilespmem:s3+$0xFFFFFF30] =	vst v4  }
0x2dd: {  	[tilespmem:s3+$0xFFFFFF20] =	vst v1;
	v1 =	vmul.f32 v2, v3;
	v2 =	vld [tilespmem:s3+$0xFFFFFF90]  }
0x2de: {  	v47 =	vld [tilespmem:s3+$0xFFFFFFA0];
	[tilespmem:s3+$0xFFFFFF50] =	vst v46;
	v40 =	vmul.f32 v34, v32  }
0x2df: {  	v48 =	vld [tilespmem:s3+$0xFFFFFFB0];
	[tilespmem:s3+$0xFFFFFF40] =	vst v1;
	v1 =	vmul.f32 v43, v3  }
0x2e0: {  	v49 =	vld [tilespmem:s3+$0xFFFFFFC0];
	[tilespmem:s3+$0x70] =	vst v40;
	v3 =	vmul.f32 v44, v3  }
0x2e1: {  	v50 =	vld [tilespmem:s3+$0xFFFFFFD0];
	[tilespmem:s3+$0xFFFFFF60] =	vst v1;
	v1 =	vmul.f32 v45, v31  }
0x2e2: {  	[tilespmem:s3+$0xFFFFFF70] =	vst v3;
	v3 =	vld [tilespmem:s3+$0xFFFFFFE0];
	v2 =	vmul.f32 v2, v31  }
0x2e3: {  	v51 =	vld [tilespmem:s3+$0xFFFFFFF0];
	[tilespmem:s3+$0xFFFFFF80] =	vst v1;
	v1 =	vmul.f32 v47, v31  }
0x2e4: {  	v52 =	vld [tilespmem:s3+$0x0];
	[tilespmem:s3+$0xFFFFFF90] =	vst v2;
	v2 =	vmul.f32 v48, v31  }
0x2e5: {  	v53 =	vld [tilespmem:s3+$0x10];
	[tilespmem:s3+$0xFFFFFFA0] =	vst v1;
	v1 =	vmul.f32 v49, v31  }
0x2e6: {  	v54 =	vld [tilespmem:s3+$0x20];
	[tilespmem:s3+$0xFFFFFFB0] =	vst v2;
	v2 =	vmul.f32 v50, v31  }
0x2e7: {  	[tilespmem:s3+$0xFFFFFFC0] =	vst v1;
	v1 =	vmul.f32 v3, v31;
	v3 =	vld [tilespmem:s3+$0x30]  }
0x2e8: {  	v55 =	vld [tilespmem:s3+$0x40];
	[tilespmem:s3+$0xFFFFFFD0] =	vst v2;
	v2 =	vmul.f32 v51, v31  }
0x2e9: {  	v56 =	vld [tilespmem:s3+$0x50];
	[tilespmem:s3+$0xFFFFFFE0] =	vst v1;
	v1 =	vmul.f32 v52, v32  }
0x2ea: {  	v57 =	vld [tilespmem:s3+$0x60];
	[tilespmem:s3+$0xFFFFFFF0] =	vst v2;
	v2 =	vmul.f32 v53, v32  }
0x2eb: {  	v58 =	vld [tilespmem:s3+$0x80];
	[tilespmem:s3+$0x0] =	vst v1;
	v1 =	vmul.f32 v54, v32  }
0x2ec: {  	[tilespmem:s3+$0x10] =	vst v2;
	v2 =	vmul.f32 v3, v32;
	v3 =	vld [tilespmem:s3+$0x90]  }
0x2ed: {  	v59 =	vld [tilespmem:s3+$0xA0];
	[tilespmem:s3+$0x20] =	vst v1;
	v1 =	vmul.f32 v55, v32  }
0x2ee: {  	v60 =	vld [tilespmem:s3+$0xB0];
	[tilespmem:s3+$0x30] =	vst v2;
	v2 =	vmul.f32 v56, v32  }
0x2ef: {  	v61 =	vld [tilespmem:s3+$0xC0];
	[tilespmem:s3+$0x40] =	vst v1;
	v1 =	vmul.f32 v57, v32  }
0x2f0: {  	v62 =	vld [tilespmem:s3+$0xD0];
	[tilespmem:s3+$0x50] =	vst v2;
	v2 =	vmul.f32 v58, v5  }
0x2f1: {  	[tilespmem:s3+$0x60] =	vst v1;
	v1 =	vmul.f32 v3, v5;
	v3 =	vld [tilespmem:s3+$0xE0]  }
0x2f2: {  	v63 =	vld [tilespmem:s3+$0xF0];
	[tilespmem:s3+$0x80] =	vst v2;
	v2 =	vmul.f32 v59, v5  }
0x2f3: {  	[tilespmem:s3+$0x90] =	vst v1;
	v1 =	vmul.f32 v60, v5  }
0x2f4: {  	[tilespmem:s3+$0xA0] =	vst v2;
	v2 =	vmul.f32 v61, v5  }
0x2f5: {  	[tilespmem:s3+$0xB0] =	vst v1;
	v1 =	vmul.f32 v62, v5  }
0x2f6: {  	[tilespmem:s3+$0xC0] =	vst v2;
	v2 =	vmul.f32 v3, v5  }
0x2f7: {  	[tilespmem:s3+$0xD0] =	vst v1;
	v1 =	vmul.f32 v63, v5  }
0x2f8: {  	[tilespmem:s3+$0xE0] =	vst v2  }
0x2f9: {  	[tilespmem:s3+$0xF0] =	vst v1  }
0x2fa: {  	s10 =	sld [smem:$0x7FA]  }
0x2fb: {  	s30 =	sadd.s32 $0x1, s30;
	s5 =	rddreg [dreg:$0x2]  }
0x2fc: {  	[spmem:s5] =	stream.indirect.scatter.add.f32 [tilespmem:s15], [sflag:$0x7], $0x80, s12, s0, $0xb8;
	[tilespmem:$0x1F680] =	vst v63  }
0x2fd: {  	p0 =	sne.s32 s30, $0x35;
	s1 =	sadd.s32 s25, s10  }
.Ltmp7:
0x2fe: {  	s11 =	rddreg [dreg:$0x1];
	s1 =	sshrl.u32 s1, $0x3;
	(pc) =	sbr.rel @p0 .LBB2_8-.Ltmp7, $4  }
0x2ff: {  	s25 =	simm.s32 $0x0;
	s3 =	sadd.s32 s11, s1  }
0x300: {  	[tilespmem:s24], [sflag:$0x3] =	stream.linear.gather [hbm4b:s3+s25], $0x60, $0x38;
	[tilespmem:$0x1F680] =	vst v63  }
0x301: {  	s28 =	simm.s32 $0x19380;
	s1 =	sadd.s32 s29, s1  }
0x302: {  	[tilespmem:s28], [sflag:$0x5] =	stream.linear.gather [hbm4b:s1+s25], $0x60, $0x38;
	[tilespmem:$0x1F680] =	vst v63  }
0x303: {  	_ =	swait.ge [sflag:s21], $0x60  }
0x304: {  	[sflag:s21] =	ssyncset.done $0x0  }
0x305: {  	[sflag:s21] =	ssyncadd.s32 $0xFFFFFFA0  }
0x306: {  	_ =	swait.ge [sflag:s19], $0x3000  }
0x307: {  	[sflag:s19] =	ssyncset.done $0x0  }
0x308: {  	[sflag:s19] =	ssyncadd.s32 $0xFFFFD000  }
0x309: {  	_ =	swait.ge [sflag:s23], $0x3000  }
0x30a: {  	[sflag:s23] =	ssyncset.done $0x0  }
0x30b: {  	[sflag:s23] =	ssyncadd.s32 $0xFFFFD000  }
0x30c: {  	v1 =	vld [tilespmem:$0x19300]  }
0x30d: {  	v2 =	vld [tilespmem:$0x19400]  }
0x30e: {  	v3 =	vld [tilespmem:$0x19310]  }
0x30f: {  	v4 =	vld [tilespmem:$0x19410]  }
0x310: {  	v5 =	vld [tilespmem:$0x19320]  }
0x311: {  	v6 =	vld [tilespmem:$0x19420]  }
0x312: {  	v7 =	vld [tilespmem:$0x19330]  }
0x313: {  	v8 =	vld [tilespmem:$0x19430]  }
0x314: {  	v1 =	vld.idx.msk [tilespmem:v1+s18+$0x0], $0xffff  }
0x315: {  	v9 =	vld.idx.msk [tilespmem:v2+s17+$0x0], $0xffff  }
0x316: {  	v3 =	vld.idx.msk [tilespmem:v3+s18+$0x0], $0xffff  }
0x317: {  	v10 =	vld.idx.msk [tilespmem:v4+s17+$0x0], $0xffff  }
0x318: {  	v5 =	vld.idx.msk [tilespmem:v5+s18+$0x0], $0xffff  }
0x319: {  	v11 =	vld.idx.msk [tilespmem:v6+s17+$0x0], $0xffff  }
0x31a: {  	v7 =	vld.idx.msk [tilespmem:v7+s18+$0x0], $0xffff;
	v1 =	vadd.f32 v9, v1  }
0x31b: {  	v59 =	vld.idx.msk [tilespmem:v8+s17+$0x0], $0xffff  }
0x31c: {  	v3 =	vadd.f32 v10, v3;
	v60 =	vmul.f32 $2.000000030e-01, v1;
	_ =	sdelay $0x1  }
0x31d: {  	v5 =	vadd.f32 v11, v5;
	v61 =	vmul.f32 $2.000000030e-01, v3;
	v1 =	vmax.f32 v1, v60  }
0x31e: {  	v1 =	vmul.f32 $1.442695020e+00, v1  }
0x31f: {  	v7 =	vadd.f32 v59, v7;
	v62 =	vmul.f32 $2.000000030e-01, v5;
	v3 =	vmax.f32 v3, v61  }
0x320: {  	(erf) = vpow2.f32 v1;
	v1 =	vmul.f32 $1.442695020e+00, v3  }
0x321: {  	v63 =	vmul.f32 $2.000000030e-01, v7;
	v3 =	vmax.f32 v5, v62  }
0x322: {  	(erf) = vpow2.f32 v1;
	v1 =	vmul.f32 $1.442695020e+00, v3  }
0x323: {  	v3 =	vmax.f32 v7, v63  }
0x324: {  	(erf) = vpow2.f32 v1;
	v1 =	vmul.f32 $1.442695020e+00, v3;
	_ =	sdelay $0x1  }
0x325: {  	(erf) = vpow2.f32 v1;
	_ =	sdelay $0x2  }
0x326: {  	[tilespmem:$0x19500] =	vst v2  }
0x327: {  	[tilespmem:$0x19510] =	vst v4  }
0x328: {  	[tilespmem:$0x19520] =	vst v6  }
0x329: {  	[tilespmem:$0x19530] =	vst v8;
	v1 =	vpop (erf)  }
0x32a: {  	[tilespmem:$0x1F600] =	vst v1;
	v1 =	vpop (erf)  }
0x32b: {  	[tilespmem:$0x1F610] =	vst v1;
	v1 =	vpop (erf)  }
0x32c: {  	[tilespmem:$0x1F620] =	vst v1;
	v1 =	vpop (erf)  }
0x32d: {  	s1 =	simm.s32 $0x0;
	s25 =	rddreg [dreg:$0x5];
	[tilespmem:$0x1F630] =	vst v1  }
.LBB2_18:
0x32e: {  	s3 =	sshra.s32 s1, $0x2  }
0x32f: {  	v1 =	vld [tilespmem:s3+$0x19340]  }
0x330: {  	v2 =	vld [tilespmem:s3+$0x19440];
	_ =	sdelay $0x6  }
0x331: {  	v1 =	vld.idx.msk [tilespmem:v1+s18+$0x0], $0xffff  }
0x332: {  	v3 =	vld.idx.msk [tilespmem:v2+s17+$0x0], $0xffff;
	_ =	sdelay $0x4  }
0x333: {  	v1 =	vadd.f32 v3, v1;
	_ =	sdelay $0x1  }
0x334: {  	v3 =	vmul.f32 $2.000000030e-01, v1;
	_ =	sdelay $0x1  }
0x335: {  	v1 =	vmax.f32 v1, v3  }
0x336: {  	v1 =	vmul.f32 $1.442695020e+00, v1;
	_ =	sdelay $0x1  }
0x337: {  	(erf) = vpow2.f32 v1;
	_ =	sdelay $0x4  }
0x338: {  	p0 =	sne.s32 s1, $0x40  }
.Ltmp8:
0x339: {  	_ = 	snop;
	(pc) =	sbr.rel @p0 .LBB2_18-.Ltmp8, $3  }
0x33a: {  	_ =	sdelay $0x1  }
0x33b: {  	[tilespmem:s3+$0x19540] =	vst v2;
	v1 =	vpop (erf)  }
0x33c: {  	s1 =	sadd.s32 $0x40, s1;
	[tilespmem:s3+$0x1F640] =	vst v1  }
0x33d: {  	s1 =	simm.s32 $0x0  }
0x33e: {  	s5 =	simm.s32 $0x2;
	v1 =	vmov s1  }
0x33f: {  	s10 =	rddreg [dreg:$0x3];
	v2 =	vmov s5;
	v1 =	vand.u32 $0xFFFFFFFC, v1  }
0x340: {  	[spmem:s10] =	stream.indirect.scatter.add.f32 [tilespmem:s14], [sflag:$0xA], $0x1, s13, s0, $0xb8;
	v2 =	vand.u32 $0xFFFFFFFE, v2;
	v1 =	vbroadcast v1, $0x0;
	[tilespmem:$0x1F680] =	vst v63  }
0x341: {  	s1 =	simm.s32 $0x1C680;
	v2 =	vbroadcast v2, $0x0  }
0x342: {  	v4 =	vld [tilespmem:s1+$0x70]  }
0x343: {  	v5 =	vld [tilespmem:s1+$0xFFFFFF00]  }
0x344: {  	s3 =	simm.s32 $0x1;
	v6 =	vld [tilespmem:s1+$0xFFFFFF10]  }
0x345: {  	v3 =	vmov s3;
	v7 =	vld [tilespmem:s1+$0xFFFFFF20]  }
0x346: {  	v3 =	vand.u32 $0xFFFFFFFD, v3;
	v1 =	vld.idx.msk [tilespmem:v1+s14+$0x0], $0xffff  }
0x347: {  	v3 =	vbroadcast v3, $0x0;
	v2 =	vld.idx.msk [tilespmem:v2+s14+$0x0], $0xffff  }
0x348: {  	v8 =	vld [tilespmem:s1+$0xFFFFFF30]  }
0x349: {  	v9 =	vld [tilespmem:s1+$0xFFFFFF40]  }
0x34a: {  	v10 =	vld [tilespmem:s1+$0xFFFFFF50]  }
0x34b: {  	v11 =	vld [tilespmem:s1+$0xFFFFFF60];
	v5 =	vmul.f32 v5, v1  }
0x34c: {  	v13 =	vld [tilespmem:s1+$0x40];
	v4 =	vmul.f32 v4, v2  }
0x34d: {  	v3 =	vld.idx.msk [tilespmem:v3+s14+$0x0], $0xffff;
	[tilespmem:s1+$0xFFFFFF00] =	vst v5;
	v5 =	vmul.f32 v6, v1  }
0x34e: {  	v6 =	vld [tilespmem:s1+$0xFFFFFF70];
	[tilespmem:s1+$0x70] =	vst v4;
	v4 =	vmul.f32 v7, v1  }
0x34f: {  	v7 =	vld [tilespmem:s1+$0xFFFFFF80];
	[tilespmem:s1+$0xFFFFFF10] =	vst v5;
	v5 =	vmul.f32 v8, v1  }
0x350: {  	v8 =	vld [tilespmem:s1+$0xFFFFFF90];
	[tilespmem:s1+$0xFFFFFF20] =	vst v4;
	v4 =	vmul.f32 v9, v1  }
0x351: {  	v9 =	vld [tilespmem:s1+$0xFFFFFFA0];
	[tilespmem:s1+$0xFFFFFF30] =	vst v5;
	v5 =	vmul.f32 v10, v1  }
0x352: {  	v10 =	vld [tilespmem:s1+$0xFFFFFFB0];
	[tilespmem:s1+$0xFFFFFF40] =	vst v4;
	v4 =	vmul.f32 v11, v1  }
0x353: {  	v11 =	vld [tilespmem:s1+$0xFFFFFFC0];
	v6 =	vmul.f32 v6, v1;
	[tilespmem:s1+$0xFFFFFF50] =	vst v5  }
0x354: {  	v5 =	vmul.f32 v7, v3;
	v7 =	vld [tilespmem:s1+$0xFFFFFFD0];
	[tilespmem:s1+$0xFFFFFF60] =	vst v4  }
0x355: {  	s11 =	simm.s32 $0x3;
	v4 =	vld [tilespmem:s1+$0xFFFFFFE0];
	v8 =	vmul.f32 v8, v3;
	[tilespmem:s1+$0xFFFFFF70] =	vst v6  }
0x356: {  	v12 =	vmov s11;
	v6 =	vld [tilespmem:s1+$0xFFFFFFF0];
	[tilespmem:s1+$0xFFFFFF80] =	vst v5;
	v5 =	vmul.f32 v9, v3  }
0x357: {  	v9 =	vld [tilespmem:s1+$0x0];
	[tilespmem:s1+$0xFFFFFF90] =	vst v8;
	v8 =	vmul.f32 v10, v3  }
0x358: {  	v10 =	vld [tilespmem:s1+$0x10];
	[tilespmem:s1+$0xFFFFFFA0] =	vst v5;
	v5 =	vmul.f32 v11, v3  }
0x359: {  	[tilespmem:s1+$0xFFFFFFB0] =	vst v8;
	v7 =	vmul.f32 v7, v3;
	v8 =	vld [tilespmem:s1+$0x20]  }
0x35a: {  	v11 =	vld [tilespmem:s1+$0x30];
	v4 =	vmul.f32 v4, v3;
	[tilespmem:s1+$0xFFFFFFC0] =	vst v5  }
0x35b: {  	v1 =	vld.idx.msk [tilespmem:v12+s14+$0x0], $0xffff;
	v3 =	vmul.f32 v6, v3;
	[tilespmem:s1+$0xFFFFFFD0] =	vst v7  }
0x35c: {  	[tilespmem:s1+$0xFFFFFFE0] =	vst v4;
	v5 =	vmul.f32 v9, v2;
	v4 =	vld [tilespmem:s1+$0x50]  }
0x35d: {  	s28 =	simm.s32 $0x4;
	[tilespmem:s1+$0xFFFFFFF0] =	vst v3;
	v6 =	vmul.f32 v10, v2;
	v3 =	vld [tilespmem:s1+$0x60]  }
0x35e: {  	s30 =	simm.s32 $0x7;
	v7 =	vmov s28;
	[tilespmem:s1+$0x0] =	vst v5;
	v9 =	vmul.f32 v8, v2;
	v8 =	vld [tilespmem:s1+$0x80]  }
0x35f: {  	s5 =	simm.s32 $0x5;
	v12 =	vand.u32 $0xFFFFFFFC, v7;
	v7 =	vld [tilespmem:s1+$0x90];
	v5 =	vmov s30;
	v10 =	vmul.f32 v11, v2;
	[tilespmem:s1+$0x10] =	vst v6  }
0x360: {  	s10 =	simm.s32 $0x6;
	s3 =	simm.s32 $0x8;
	v11 =	vmul.f32 v13, v2;
	v6 =	vbroadcast v12, $0x0;
	v12 =	vmov s5;
	s5 =	simm.s32 $0x1C680;
	[tilespmem:s1+$0x20] =	vst v9;
	v9 =	vld [tilespmem:s1+$0xA0]  }
.LBB2_20:
0x361: {  	p0 =	slt.u32 s3, $0x5C;
	v12 =	vand.u32 $0xFFFFFFFD, v12;
	v13 =	vmov s10;
	[tilespmem:s1+$0x30] =	vst v10;
	v4 =	vmul.f32 v4, v2;
	v10 =	vld [tilespmem:s1+$0xB0]  }
0x362: {  	v12 =	vbroadcast v12, $0x0;
	v13 =	vand.u32 $0xFFFFFFFE, v13;
	[tilespmem:s1+$0x40] =	vst v11;
	v2 =	vmul.f32 v3, v2;
	v3 =	vld [tilespmem:s1+$0xC0]  }
0x363: {  	v11 =	vbroadcast v13, $0x0;
	[tilespmem:s1+$0x50] =	vst v4;
	v4 =	vmul.f32 v8, v1;
	v8 =	vld [tilespmem:s1+$0xD0]  }
0x364: {  	[tilespmem:s1+$0x60] =	vst v2;
	v2 =	vmul.f32 v7, v1;
	v7 =	vld [tilespmem:s1+$0xE0]  }
0x365: {  	[tilespmem:s1+$0x80] =	vst v4;
	v4 =	vmul.f32 v9, v1;
	v9 =	vld [tilespmem:s1+$0xF0]  }
0x366: {  	v5 =	vld.idx.msk [tilespmem:v5+s14+$0x0], $0xffff;
	[tilespmem:s1+$0x90] =	vst v2;
	v2 =	vmul.f32 v10, v1  }
0x367: {  	v6 =	vld.idx.msk [tilespmem:v6+s14+$0x0], $0xffff;
	[tilespmem:s1+$0xA0] =	vst v4;
	v3 =	vmul.f32 v3, v1  }
0x368: {  	v4 =	vld.idx.msk [tilespmem:v12+s14+$0x0], $0xffff;
	[tilespmem:s1+$0xB0] =	vst v2;
	v8 =	vmul.f32 v8, v1  }
0x369: {  	s1 =	sadd.s32 $0x200, s1;
	v2 =	vld.idx.msk [tilespmem:v11+s14+$0x0], $0xffff;
	[tilespmem:s5+$0xC0] =	vst v3;
	v3 =	vmul.f32 v7, v1  }
0x36a: {  	v7 =	vld [tilespmem:s1+$0x70];
	[tilespmem:s5+$0xD0] =	vst v8;
	v9 =	vmul.f32 v9, v1  }
0x36b: {  	v8 =	vld [tilespmem:s1+$0xFFFFFF00];
	[tilespmem:s5+$0xE0] =	vst v3  }
0x36c: {  	v1 =	vmov v5;
	v3 =	vld [tilespmem:s1+$0xFFFFFF10];
	[tilespmem:s5+$0xF0] =	vst v9;
	s5 =	smov.u32 s1  }
0x36d: {  	v5 =	vld [tilespmem:s1+$0xFFFFFF20]  }
0x36e: {  	v9 =	vld [tilespmem:s1+$0xFFFFFF30]  }
0x36f: {  	v10 =	vld [tilespmem:s1+$0xFFFFFF40];
	v7 =	vmul.f32 v7, v2  }
0x370: {  	v8 =	vmul.f32 v8, v6;
	v11 =	vld [tilespmem:s1+$0xFFFFFF50]  }
0x371: {  	v3 =	vmul.f32 v3, v6;
	v12 =	vld [tilespmem:s1+$0xFFFFFF60];
	[tilespmem:s1+$0x70] =	vst v7  }
0x372: {  	[tilespmem:s1+$0xFFFFFF00] =	vst v8;
	v5 =	vmul.f32 v5, v6;
	v7 =	vld [tilespmem:s1+$0xFFFFFF70]  }
0x373: {  	[tilespmem:s1+$0xFFFFFF10] =	vst v3;
	v3 =	vmul.f32 v9, v6;
	v8 =	vld [tilespmem:s1+$0xFFFFFF80]  }
0x374: {  	[tilespmem:s1+$0xFFFFFF20] =	vst v5;
	v5 =	vmul.f32 v10, v6;
	v9 =	vld [tilespmem:s1+$0xFFFFFF90]  }
0x375: {  	[tilespmem:s1+$0xFFFFFF30] =	vst v3;
	v3 =	vmul.f32 v11, v6;
	v10 =	vld [tilespmem:s1+$0xFFFFFFA0]  }
0x376: {  	[tilespmem:s1+$0xFFFFFF40] =	vst v5;
	v5 =	vmul.f32 v12, v6;
	v11 =	vld [tilespmem:s1+$0xFFFFFFB0]  }
0x377: {  	[tilespmem:s1+$0xFFFFFF50] =	vst v3;
	v3 =	vmul.f32 v7, v6;
	v6 =	vld [tilespmem:s1+$0xFFFFFFC0]  }
0x378: {  	[tilespmem:s1+$0xFFFFFF60] =	vst v5;
	v5 =	vmul.f32 v8, v4;
	v7 =	vld [tilespmem:s1+$0xFFFFFFD0]  }
0x379: {  	[tilespmem:s1+$0xFFFFFF70] =	vst v3;
	v3 =	vmul.f32 v9, v4;
	v8 =	vld [tilespmem:s1+$0xFFFFFFE0]  }
0x37a: {  	[tilespmem:s1+$0xFFFFFF80] =	vst v5;
	v5 =	vmul.f32 v10, v4;
	v9 =	vld [tilespmem:s1+$0xFFFFFFF0]  }
0x37b: {  	[tilespmem:s1+$0xFFFFFF90] =	vst v3;
	v3 =	vmul.f32 v11, v4;
	v10 =	vld [tilespmem:s1+$0x0]  }
0x37c: {  	[tilespmem:s1+$0xFFFFFFA0] =	vst v5;
	v5 =	vmul.f32 v6, v4;
	v6 =	vld [tilespmem:s1+$0x10]  }
0x37d: {  	[tilespmem:s1+$0xFFFFFFB0] =	vst v3;
	v3 =	vmul.f32 v7, v4;
	v7 =	vld [tilespmem:s1+$0x20]  }
0x37e: {  	[tilespmem:s1+$0xFFFFFFC0] =	vst v5;
	v5 =	vmul.f32 v8, v4;
	v11 =	vld [tilespmem:s1+$0x30]  }
0x37f: {  	[tilespmem:s1+$0xFFFFFFD0] =	vst v3;
	v3 =	vmul.f32 v9, v4;
	v9 =	vld [tilespmem:s1+$0x40]  }
.Ltmp9:
0x380: {  	[tilespmem:s1+$0xFFFFFFE0] =	vst v5;
	v5 =	vmul.f32 v10, v2;
	v4 =	vld [tilespmem:s1+$0x50];
	(pc) =	sbr.rel @p0 .LBB2_20-.Ltmp9, $4  }
0x381: {  	[tilespmem:s1+$0xFFFFFFF0] =	vst v3;
	v6 =	vmul.f32 v6, v2;
	v3 =	vld [tilespmem:s1+$0x60]  }
0x382: {  	s10 =	sadd.s32 $0x3, s3;
	v10 =	vmov s3;
	[tilespmem:s1+$0x0] =	vst v5;
	v13 =	vmul.f32 v7, v2;
	v8 =	vld [tilespmem:s1+$0x80]  }
0x383: {  	s11 =	sadd.s32 $0x1, s3;
	v12 =	vand.u32 $0xFFFFFFFC, v10;
	v5 =	vmov s10;
	[tilespmem:s1+$0x10] =	vst v6;
	v10 =	vmul.f32 v11, v2;
	v7 =	vld [tilespmem:s1+$0x90]  }
0x384: {  	s10 =	sadd.s32 $0x2, s3;
	s3 =	sadd.s32 $0x4, s3;
	v6 =	vbroadcast v12, $0x0;
	v12 =	vmov s11;
	[tilespmem:s1+$0x20] =	vst v13;
	v11 =	vmul.f32 v9, v2;
	v9 =	vld [tilespmem:s1+$0xA0]  }
0x385: {  	v13 =	vld [tilespmem:s1+$0xB0]  }
0x386: {  	v15 =	vld [tilespmem:s1+$0xC0]  }
0x387: {  	v16 =	vld [tilespmem:s1+$0xD0]  }
0x388: {  	v17 =	vld [tilespmem:s1+$0xE0]  }
0x389: {  	v29 =	vld [tilespmem:s1+$0xF0];
	[tilespmem:s1+$0x30] =	vst v10;
	v4 =	vmul.f32 v4, v2  }
0x38a: {  	v5 =	vld.idx.msk [tilespmem:v5+s14+$0x0], $0xffff;
	[tilespmem:s1+$0x40] =	vst v11;
	v2 =	vmul.f32 v3, v2  }
0x38b: {  	s3 =	sadd.s32 $0x200, s1;
	v3 =	vld.idx.msk [tilespmem:v6+s14+$0x0], $0xffff;
	v8 =	vmul.f32 v8, v1;
	[tilespmem:s1+$0x50] =	vst v4  }
0x38c: {  	v14 =	vmov s10;
	v34 =	vld [tilespmem:s3+$0x70];
	v30 =	vmul.f32 v7, v1;
	[tilespmem:s1+$0x60] =	vst v2  }
0x38d: {  	v14 =	vand.u32 $0xFFFFFFFE, v14;
	v35 =	vld [tilespmem:s3+$0xFFFFFF00];
	[tilespmem:s1+$0x80] =	vst v8;
	v2 =	vmul.f32 v9, v1  }
0x38e: {  	v37 =	vld [tilespmem:s3+$0xFFFFFF10];
	v14 =	vbroadcast v14, $0x0;
	[tilespmem:s1+$0x90] =	vst v30;
	v33 =	vmul.f32 v13, v1  }
0x38f: {  	v38 =	vld [tilespmem:s3+$0xFFFFFF20];
	[tilespmem:s1+$0xA0] =	vst v2;
	v2 =	vmul.f32 v15, v1  }
0x390: {  	v12 =	vand.u32 $0xFFFFFFFD, v12;
	v39 =	vld [tilespmem:s3+$0xFFFFFF30];
	v36 =	vmul.f32 v16, v1;
	[tilespmem:s1+$0xB0] =	vst v33  }
0x391: {  	v12 =	vbroadcast v12, $0x0;
	v41 =	vld [tilespmem:s3+$0xFFFFFF50];
	[tilespmem:s5+$0xC0] =	vst v2;
	v2 =	vmul.f32 v17, v1  }
0x392: {  	v43 =	vld [tilespmem:s3+$0xFFFFFF60];
	[tilespmem:s5+$0xD0] =	vst v36;
	v1 =	vmul.f32 v29, v1  }
0x393: {  	v42 =	vmul.f32 v37, v3;
	[tilespmem:s5+$0xE0] =	vst v2;
	v2 =	vld [tilespmem:s3+$0xFFFFFF40]  }
0x394: {  	v32 =	vld.idx.msk [tilespmem:v14+s14+$0x0], $0xffff;
	[tilespmem:s5+$0xF0] =	vst v1;
	v1 =	vmul.f32 v35, v3  }
0x395: {  	v44 =	vld [tilespmem:s3+$0xFFFFFF70];
	v4 =	vmul.f32 v39, v3;
	[tilespmem:s3+$0xFFFFFF10] =	vst v42  }
0x396: {  	v45 =	vld [tilespmem:s3+$0xFFFFFF80];
	[tilespmem:s3+$0xFFFFFF00] =	vst v1;
	v1 =	vmul.f32 v38, v3  }
0x397: {  	v46 =	vmul.f32 v41, v3;
	v31 =	vld.idx.msk [tilespmem:v12+s14+$0x0], $0xffff;
	[tilespmem:s3+$0xFFFFFF30] =	vst v4  }
0x398: {  	[tilespmem:s3+$0xFFFFFF20] =	vst v1;
	v1 =	vmul.f32 v2, v3;
	v2 =	vld [tilespmem:s3+$0xFFFFFF90]  }
0x399: {  	v47 =	vld [tilespmem:s3+$0xFFFFFFA0];
	[tilespmem:s3+$0xFFFFFF50] =	vst v46;
	v40 =	vmul.f32 v34, v32  }
0x39a: {  	v48 =	vld [tilespmem:s3+$0xFFFFFFB0];
	[tilespmem:s3+$0xFFFFFF40] =	vst v1;
	v1 =	vmul.f32 v43, v3  }
0x39b: {  	v49 =	vld [tilespmem:s3+$0xFFFFFFC0];
	[tilespmem:s3+$0x70] =	vst v40;
	v3 =	vmul.f32 v44, v3  }
0x39c: {  	v50 =	vld [tilespmem:s3+$0xFFFFFFD0];
	[tilespmem:s3+$0xFFFFFF60] =	vst v1;
	v1 =	vmul.f32 v45, v31  }
0x39d: {  	[tilespmem:s3+$0xFFFFFF70] =	vst v3;
	v3 =	vld [tilespmem:s3+$0xFFFFFFE0];
	v2 =	vmul.f32 v2, v31  }
0x39e: {  	v51 =	vld [tilespmem:s3+$0xFFFFFFF0];
	[tilespmem:s3+$0xFFFFFF80] =	vst v1;
	v1 =	vmul.f32 v47, v31  }
0x39f: {  	v52 =	vld [tilespmem:s3+$0x0];
	[tilespmem:s3+$0xFFFFFF90] =	vst v2;
	v2 =	vmul.f32 v48, v31  }
0x3a0: {  	v53 =	vld [tilespmem:s3+$0x10];
	[tilespmem:s3+$0xFFFFFFA0] =	vst v1;
	v1 =	vmul.f32 v49, v31  }
0x3a1: {  	v54 =	vld [tilespmem:s3+$0x20];
	[tilespmem:s3+$0xFFFFFFB0] =	vst v2;
	v2 =	vmul.f32 v50, v31  }
0x3a2: {  	[tilespmem:s3+$0xFFFFFFC0] =	vst v1;
	v1 =	vmul.f32 v3, v31;
	v3 =	vld [tilespmem:s3+$0x30]  }
0x3a3: {  	v55 =	vld [tilespmem:s3+$0x40];
	[tilespmem:s3+$0xFFFFFFD0] =	vst v2;
	v2 =	vmul.f32 v51, v31  }
0x3a4: {  	v56 =	vld [tilespmem:s3+$0x50];
	[tilespmem:s3+$0xFFFFFFE0] =	vst v1;
	v1 =	vmul.f32 v52, v32  }
0x3a5: {  	v57 =	vld [tilespmem:s3+$0x60];
	[tilespmem:s3+$0xFFFFFFF0] =	vst v2;
	v2 =	vmul.f32 v53, v32  }
0x3a6: {  	v58 =	vld [tilespmem:s3+$0x80];
	[tilespmem:s3+$0x0] =	vst v1;
	v1 =	vmul.f32 v54, v32  }
0x3a7: {  	[tilespmem:s3+$0x10] =	vst v2;
	v2 =	vmul.f32 v3, v32;
	v3 =	vld [tilespmem:s3+$0x90]  }
0x3a8: {  	v59 =	vld [tilespmem:s3+$0xA0];
	[tilespmem:s3+$0x20] =	vst v1;
	v1 =	vmul.f32 v55, v32  }
0x3a9: {  	v60 =	vld [tilespmem:s3+$0xB0];
	[tilespmem:s3+$0x30] =	vst v2;
	v2 =	vmul.f32 v56, v32  }
0x3aa: {  	v61 =	vld [tilespmem:s3+$0xC0];
	[tilespmem:s3+$0x40] =	vst v1;
	v1 =	vmul.f32 v57, v32  }
0x3ab: {  	v62 =	vld [tilespmem:s3+$0xD0];
	[tilespmem:s3+$0x50] =	vst v2;
	v2 =	vmul.f32 v58, v5  }
0x3ac: {  	[tilespmem:s3+$0x60] =	vst v1;
	v1 =	vmul.f32 v3, v5;
	v3 =	vld [tilespmem:s3+$0xE0]  }
0x3ad: {  	v63 =	vld [tilespmem:s3+$0xF0];
	[tilespmem:s3+$0x80] =	vst v2;
	v2 =	vmul.f32 v59, v5  }
0x3ae: {  	[tilespmem:s3+$0x90] =	vst v1;
	v1 =	vmul.f32 v60, v5  }
0x3af: {  	[tilespmem:s3+$0xA0] =	vst v2;
	v2 =	vmul.f32 v61, v5  }
0x3b0: {  	[tilespmem:s3+$0xB0] =	vst v1;
	v1 =	vmul.f32 v62, v5  }
0x3b1: {  	[tilespmem:s3+$0xC0] =	vst v2;
	v2 =	vmul.f32 v3, v5  }
0x3b2: {  	[tilespmem:s3+$0xD0] =	vst v1;
	v1 =	vmul.f32 v63, v5  }
0x3b3: {  	[tilespmem:s3+$0xE0] =	vst v2  }
0x3b4: {  	[tilespmem:s3+$0xF0] =	vst v1;
	s3 =	rddreg [dreg:$0x2]  }
0x3b5: {  	[spmem:s3] =	stream.indirect.scatter.add.f32 [tilespmem:s9], [sflag:$0x8], $0x80, s13, s0, $0xb8;
	[tilespmem:$0x1F680] =	vst v63  }
0x3b6: {  	_ =	swait.ge [sflag:s6], $0x60  }
0x3b7: {  	[sflag:s6] =	ssyncset.done $0x0  }
0x3b8: {  	[sflag:s6] =	ssyncadd.s32 $0xFFFFFFA0  }
0x3b9: {  	_ =	swait.ge [sflag:s20], $0x3000  }
0x3ba: {  	[sflag:s20] =	ssyncset.done $0x0  }
0x3bb: {  	[sflag:s20] =	ssyncadd.s32 $0xFFFFD000  }
0x3bc: {  	_ =	swait.ge [sflag:s31], $0x60  }
0x3bd: {  	[sflag:s31] =	ssyncset.done $0x0  }
0x3be: {  	[sflag:s31] =	ssyncadd.s32 $0xFFFFFFA0  }
0x3bf: {  	_ =	swait.ge [sflag:s2], $0x60  }
0x3c0: {  	[sflag:s2] =	ssyncset.done $0x0  }
0x3c1: {  	[sflag:s2] =	ssyncadd.s32 $0xFFFFFFA0  }
0x3c2: {  	[bflag:$0x0] =	sbarrier.arrive $0xFFFF  }
0x3c3: {  	s5 =	stileid.u32;
	s11 =	sld [smem:$0x7FB]  }
0x3c4: {  	s1 =	sshll.u32 s5, $0x6  }
0x3c5: {  	s10 =	sshrl.u32 s25, $0x3;
	s1 =	sor.u32 $0x1C0B, s1  }
0x3c6: {  	[hbm:s11], [sflag:s1] =	dma.local [spmem:s10], $0x2800  }
0x3c7: {  	s11 =	simm.s32 $0xB  }
0x3c8: {  	_ =	swait.ge [sflag:s11], $0x2800  }
0x3c9: {  	s28 =	smov.u32 s25;
	s5 =	sld [smem:$0x7FC]  }
0x3ca: {  	s30 =	simm.s32 $0x20;
	[sflag:s11] =	ssyncset.done $0x0;
	s10 =	rddreg [dreg:$0x13]  }
0x3cb: {  	s25 =	simm.s32 $0x10;
	[sflag:s11] =	ssyncadd.s32 $0xFFFFD800;
	s3 =	sshrl.u32 s10, $0x3  }
0x3cc: {  	[hbm:s5@s30], [sflag:s1] =	dma.strided [spmem:s3@s25], $0x50, s22, $0x10   }
0x3cd: {  	_ =	swait.ge [sflag:s11], $0x50  }
0x3ce: {  	s25 =	sld [smem:$0x7F7]  }
0x3cf: {  	s30 =	sld [smem:$0x7FD];
	_ =	sdelay $0x1  }
0x3d0: {  	s3 =	sadd.s32 $0x1, s25  }
0x3d1: {  	p0 =	sne.s32 s3, s30  }
.Ltmp10:
0x3d2: {  	_ = 	snop;
	(pc) =	sbr.rel @p0 .LBB2_1-.Ltmp10, $3  }
0x3d3: {  	_ =	sdelay $0x1  }
0x3d4: {  	[sflag:s11] =	ssyncset.done $0x0  }
0x3d5: {  	[sflag:s11] =	ssyncadd.s32 $0xFFFFFFB0  }
0x3d6: {  	_ =	sfence.sel $0x180000  }
0x3d7: {  	[bflag:$0x0] =	sbarrier.arrive $0xFFFF  }
0x3d8: {  	_ =	strace $0x90000047  }
0x3d9: {  	s0 =	stileid.u32;
	[bflag:$0x2] =	sbarrier.arrive $0xFFFF  }
0x3da: {  	p0 =	sne.s32 s0, $0x0;
	s0 =	rddreg [dreg:$0x4]  }
0x3db: {  	s0 =	sadd.s32 @!p0 $0x100000, s0  }
0x3dc: {  	[sflag:s0] =	ssyncadd.tile.s32 @!p0 $0x1;
	_ =	shalt  }
.Lfunc_end2:
_tile_overlayer_lowered:
.L_overlay_start_2:
0x3dd: {  	(tag) =	ssettag $0x2  }
0x3de: {  	s0 =	rddreg [dreg:$0x0];
	s2 =	stileid.u32  }
0x3df: {  	s1 =	rddreg [dreg:$0x1];
	p0 =	sne.s32 s2, $0x0  }
0x3e0: {  	s3 =	rddreg [dreg:$0x2];
	[bflag:$0x3] =	sbarrier.arrive $0xFFFF;
	s2 =	simm.s32 @!p0 $0x1C0B  }
0x3e1: {  	[timem:s3], [sflag:s2] =	dma.local @!p0 [hbm:s0], s1  }
0x3e2: {  	s0 =	simm.s32 @!p0 $0xB  }
0x3e3: {  	_ =	swait.ge @!p0 [sflag:s0], s1  }
0x3e4: {  	s1 =	ssub.s32 @!p0 $0x0, s1;
	[sflag:s0] =	ssyncset.done @!p0 $0x0  }
0x3e5: {  	[sflag:s0] =	ssyncadd.s32 @!p0 s1  }
0x3e6: {  	[bflag:$0x3] =	sbarrier.arrive $0xFFFF  }
0x3e7: {  	_ =	shalt  }

</sc_bundles>
